<compile_context>
chip_gen: v7x
topology: tpu7x:2x2x1
jax: 0.10.2.dev20260603
libtpu: 0.0.44.dev20260713+nightly
codegen_flags: <defaults>
</compile_context>

<pallas_src>
import functools

import jax
import jax.numpy as jnp
from jax import lax
from jax.experimental import pallas as pl
from jax.experimental.pallas import tpu as pltpu
from jax.experimental.pallas import tpu_sc as plsc

N = 10000
E = 160000
HID = 256
H = 16
DH = HID // H

NC = 2
NS = 16
NW = NC * NS

ER = E // 128
NB = 2000
EB = 640

f32 = jnp.float32



def _qkv_body(x_ref, w_ref, b_ref, q_ref, k_ref, v_ref):
    y = jnp.dot(x_ref[...], w_ref[...], preferred_element_type=f32) + b_ref[...]
    q_ref[...] = y[:, 0:HID]
    k_ref[...] = y[:, HID:2 * HID]
    v_ref[...] = y[:, 2 * HID:3 * HID]


def _qkv(x, w_qkv, b_qkv):
    return pl.pallas_call(
        _qkv_body,
        grid=(N // NB,),
        in_specs=[
            pl.BlockSpec((NB, HID), lambda i: (i, 0)),
            pl.BlockSpec((HID, 3 * HID), lambda i: (0, 0)),
            pl.BlockSpec((1, 3 * HID), lambda i: (0, 0)),
        ],
        out_specs=[
            pl.BlockSpec((NB, HID), lambda i: (i, 0)),
            pl.BlockSpec((NB, HID), lambda i: (i, 0)),
            pl.BlockSpec((NB, HID), lambda i: (i, 0)),
        ],
        out_shape=[jax.ShapeDtypeStruct((N, HID), f32)] * 3,
    )(x, w_qkv, b_qkv)



_MESH = plsc.VectorSubcoreMesh(
    core_axis_name="c", subcore_axis_name="s", num_cores=NC, num_subcores=NS)

EHR = ER // 2
EH = E // 2
_ROWS_PER_W = EHR // NW + 1


def _make_gather(roff):

    @functools.partial(
        pl.kernel,
        out_type=[jax.ShapeDtypeStruct((EH, HID), f32)] * 3,
        mesh=_MESH,
        scratch_types=[
            pltpu.VMEM((128,), jnp.int32),
            pltpu.VMEM((128,), jnp.int32),
            pltpu.VMEM((128, HID), f32),
            pltpu.VMEM((128, HID), f32),
            pltpu.VMEM((128, HID), f32),
            pltpu.SemaphoreType.DMA,
            pltpu.SemaphoreType.DMA,
        ],
    )
    def _gather_sc(src_hbm, tgt_hbm, q_hbm, k_hbm, v_hbm,
                   qs_hbm, kt_hbm, vs_hbm,
                   src_v, tgt_v, qb, kb, vb, sem, wsem):
        wid = lax.axis_index("s") * NC + lax.axis_index("c")

        def _drain_wb():
            pltpu.make_async_copy(qb, qs_hbm.at[pl.ds(0, 128)], wsem).wait()
            pltpu.make_async_copy(kb, kt_hbm.at[pl.ds(0, 128)], wsem).wait()
            pltpu.make_async_copy(vb, vs_hbm.at[pl.ds(0, 128)], wsem).wait()

        def step(kk, _):
            r = wid + NW * kk

            @pl.when(r < EHR)
            def _():
                @pl.when(kk >= 1)
                def _():
                    _drain_wb()

                gbase = (roff + r) * 128
                pltpu.sync_copy(src_hbm.at[pl.ds(gbase, 128)], src_v)
                pltpu.sync_copy(tgt_hbm.at[pl.ds(gbase, 128)], tgt_v)
                d1 = pltpu.async_copy(q_hbm.at[src_v], qb, sem)
                d2 = pltpu.async_copy(k_hbm.at[tgt_v], kb, sem)
                d3 = pltpu.async_copy(v_hbm.at[src_v], vb, sem)
                base = r * 128
                d1.wait()
                pltpu.async_copy(qb, qs_hbm.at[pl.ds(base, 128)], wsem)
                d2.wait()
                pltpu.async_copy(kb, kt_hbm.at[pl.ds(base, 128)], wsem)
                d3.wait()
                pltpu.async_copy(vb, vs_hbm.at[pl.ds(base, 128)], wsem)

            return _

        lax.fori_loop(0, _ROWS_PER_W, step, None)
        _drain_wb()

    return _gather_sc


_gather_h0 = _make_gather(0)
_gather_h1 = _make_gather(EHR)



def _edge_body(ea_ref, qs_ref, kt_ref, vs_ref, we_ref, be_ref,
               wa_ref, ba_ref, bc_ref, w_ref, ex_ref):
    ea = ea_ref[...]
    e3 = jnp.dot(ea, we_ref[...], preferred_element_type=f32) + be_ref[...]
    ew = e3[:, 0:HID]
    eb = e3[:, HID:2 * HID]
    ev = e3[:, 2 * HID:3 * HID]
    t = (qs_ref[...] + kt_ref[...]) * ew
    score = jnp.sign(t) * jnp.sqrt(jnp.abs(t) + 1e-8) + eb
    score = jnp.maximum(score, 0.0)
    logits = jnp.dot(score, wa_ref[...], preferred_element_type=f32) + ba_ref[...]
    ex = jnp.exp(logits)
    exb = jnp.dot(ex, bc_ref[...], preferred_element_type=f32)
    w = (vs_ref[...] + ev) * exb
    w_ref[0] = w[:, 0:128]
    w_ref[1] = w[:, 128:256]
    ex_ref[...] = jnp.concatenate([ex, jnp.zeros((EB, 128 - H), f32)], axis=1)


def _edge_stage(half, ea, qs, kt, vs, w_e3, b_e3, w_a, b_a, bcast):
    off = half * (EH // EB)
    return pl.pallas_call(
        _edge_body,
        grid=(EH // EB,),
        in_specs=[
            pl.BlockSpec((EB, HID), lambda i: (i + off, 0)),
            pl.BlockSpec((EB, HID), lambda i: (i, 0)),
            pl.BlockSpec((EB, HID), lambda i: (i, 0)),
            pl.BlockSpec((EB, HID), lambda i: (i, 0)),
            pl.BlockSpec((HID, 3 * HID), lambda i: (0, 0)),
            pl.BlockSpec((1, 3 * HID), lambda i: (0, 0)),
            pl.BlockSpec((HID, H), lambda i: (0, 0)),
            pl.BlockSpec((1, H), lambda i: (0, 0)),
            pl.BlockSpec((H, HID), lambda i: (0, 0)),
        ],
        out_specs=[
            pl.BlockSpec((2, EB, 128), lambda i: (0, i, 0)),
            pl.BlockSpec((EB, 128), lambda i: (i, 0)),
        ],
        out_shape=[
            jax.ShapeDtypeStruct((2, EH, 128), f32),
            jax.ShapeDtypeStruct((EH, 128), f32),
        ],
    )(ea, qs, kt, vs, w_e3, b_e3, w_a, b_a, bcast)



_NPT = 624
_SCAT_STEPS = ER // NS + 1


_MSG_STEPS = EHR // NS + 1
_DEN_STEPS = EHR // NW + 1


def _make_scatter_msg(woff):

    @functools.partial(
        pl.kernel,
        out_type=jax.ShapeDtypeStruct((NC, N, 128), f32),
        mesh=_MESH,
        scratch_types=[
            pltpu.VMEM((128,), jnp.int32),
            pltpu.VMEM((128, 128), f32),
            pltpu.VMEM_SHARED((N, 128), f32),
        ],
    )
    def _scatter_msg_sc(tgt_hbm, w_hbm, msg_hbm, tgt_v, wb, acc_w):
        cid = lax.axis_index("c")
        sid = lax.axis_index("s")

        def zw(i, _):
            wb[i // 8, pl.ds((i % 8) * 16, 16)] = jnp.zeros((16,), f32)
            return _

        lax.fori_loop(0, 128 * 8, zw, None)

        nbase = sid * _NPT
        for m in range(4):
            pltpu.sync_copy(wb, acc_w.at[pl.ds(nbase + m * 128, 128)])
        pltpu.sync_copy(wb.at[pl.ds(0, 112)], acc_w.at[pl.ds(nbase + 512, 112)])

        @pl.when(sid == NS - 1)
        def _zero_tail():
            pltpu.sync_copy(wb.at[pl.ds(0, 16)], acc_w.at[pl.ds(9984, 16)])

        plsc.subcore_barrier()

        def step(kk, _):
            r = sid + NS * kk

            @pl.when(r < EHR)
            def _():
                pltpu.sync_copy(
                    tgt_hbm.at[pl.ds((woff + r) * 128, 128)], tgt_v)
                pltpu.sync_copy(w_hbm.at[cid, pl.ds(r * 128, 128)], wb)
                pltpu.sync_copy(wb, acc_w.at[tgt_v], add=True)

            return _

        lax.fori_loop(0, _MSG_STEPS, step, None)
        plsc.subcore_barrier()

        def _wb_chunk(off, cnt):
            pltpu.sync_copy(acc_w.at[pl.ds(off, cnt)], wb.at[pl.ds(0, cnt)])
            pltpu.sync_copy(wb.at[pl.ds(0, cnt)],
                            msg_hbm.at[cid, pl.ds(off, cnt)])

        for m in range(4):
            _wb_chunk(nbase + m * 128, 128)
        _wb_chunk(nbase + 512, 112)

        @pl.when(sid == NS - 1)
        def _write_tail():
            _wb_chunk(9984, 16)

    return _scatter_msg_sc


_scatter_msg_h0 = _make_scatter_msg(0)
_scatter_msg_h1 = _make_scatter_msg(EHR)


def _make_scatter_den(woff):

    @functools.partial(
        pl.kernel,
        out_type=jax.ShapeDtypeStruct((NC, N, 128), f32),
        mesh=_MESH,
        scratch_types=[
            pltpu.VMEM((128,), jnp.int32),
            pltpu.VMEM((128, 128), f32),
            pltpu.VMEM_SHARED((N, 128), f32),
        ],
    )
    def _scatter_den_sc(tgt_hbm, ex_hbm, den_hbm, tgt_v, wb, acc_x):
        cid = lax.axis_index("c")
        sid = lax.axis_index("s")
        wid = sid * NC + cid

        def zw(i, _):
            wb[i // 8, pl.ds((i % 8) * 16, 16)] = jnp.zeros((16,), f32)
            return _

        lax.fori_loop(0, 128 * 8, zw, None)

        nbase = sid * _NPT
        for m in range(4):
            pltpu.sync_copy(wb, acc_x.at[pl.ds(nbase + m * 128, 128)])
        pltpu.sync_copy(wb.at[pl.ds(0, 112)], acc_x.at[pl.ds(nbase + 512, 112)])

        @pl.when(sid == NS - 1)
        def _zero_tail():
            pltpu.sync_copy(wb.at[pl.ds(0, 16)], acc_x.at[pl.ds(9984, 16)])

        plsc.subcore_barrier()

        def step(kk, _):
            local = wid + NW * kk

            @pl.when(local < EHR)
            def _():
                pltpu.sync_copy(
                    tgt_hbm.at[pl.ds((woff + local) * 128, 128)], tgt_v)
                pltpu.sync_copy(ex_hbm.at[pl.ds(local * 128, 128)], wb)
                pltpu.sync_copy(wb, acc_x.at[tgt_v], add=True)

            return _

        lax.fori_loop(0, _DEN_STEPS, step, None)
        plsc.subcore_barrier()

        def _wb_chunk(off, cnt):
            pltpu.sync_copy(acc_x.at[pl.ds(off, cnt)], wb.at[pl.ds(0, cnt)])
            pltpu.sync_copy(wb.at[pl.ds(0, cnt)],
                            den_hbm.at[cid, pl.ds(off, cnt)])

        for m in range(4):
            _wb_chunk(nbase + m * 128, 128)
        _wb_chunk(nbase + 512, 112)

        @pl.when(sid == NS - 1)
        def _write_tail():
            _wb_chunk(9984, 16)

    return _scatter_den_sc


_scatter_den_h0 = _make_scatter_den(0)
_scatter_den_h1 = _make_scatter_den(EHR)



def _out_body(ma_ref, mb_ref, da_ref, db_ref, bc_ref, wo_ref, bo_ref, o_ref):
    m = jnp.concatenate([ma_ref[0] + mb_ref[0], ma_ref[1] + mb_ref[1]], axis=1)
    den = (da_ref[0, :, 0:H] + da_ref[1, :, 0:H]
           + db_ref[0, :, 0:H] + db_ref[1, :, 0:H])
    denb = jnp.dot(den, bc_ref[...], preferred_element_type=f32)
    m = m / (denb + 1e-16)
    o_ref[...] = jnp.dot(m, wo_ref[...], preferred_element_type=f32) + bo_ref[...]


def _out_stage(msg_a, msg_b, den_a, den_b, bcast, w_o, b_o):
    return pl.pallas_call(
        _out_body,
        grid=(N // NB,),
        in_specs=[
            pl.BlockSpec((2, NB, 128), lambda i: (0, i, 0)),
            pl.BlockSpec((2, NB, 128), lambda i: (0, i, 0)),
            pl.BlockSpec((2, NB, 128), lambda i: (0, i, 0)),
            pl.BlockSpec((2, NB, 128), lambda i: (0, i, 0)),
            pl.BlockSpec((H, HID), lambda i: (0, 0)),
            pl.BlockSpec((HID, HID), lambda i: (0, 0)),
            pl.BlockSpec((1, HID), lambda i: (0, 0)),
        ],
        out_specs=pl.BlockSpec((NB, HID), lambda i: (i, 0)),
        out_shape=jax.ShapeDtypeStruct((N, HID), f32),
    )(msg_a, msg_b, den_a, den_b, bcast, w_o, b_o)



def kernel(x, edge_index, edge_attr, W_Q, b_Q, W_K, b_K, W_V, b_V,
           W_Ew, b_Ew, W_Eb, b_Eb, W_Ev, b_Ev, W_O, b_O, W_A, b_A):
    src_flat = edge_index[0].astype(jnp.int32)
    tgt_flat = edge_index[1].astype(jnp.int32)

    w_qkv = jnp.concatenate([W_Q, W_K, W_V], axis=0).T
    b_qkv = jnp.concatenate([b_Q, b_K, b_V]).reshape(1, 3 * HID)
    w_e3 = jnp.concatenate([W_Ew, W_Eb, W_Ev], axis=0).T
    b_e3 = jnp.concatenate([b_Ew, b_Eb, b_Ev]).reshape(1, 3 * HID)
    w_a = W_A.T
    b_a = b_A.reshape(1, H)
    bcast = jnp.repeat(jnp.eye(H, dtype=f32), DH, axis=1)

    q, k, v = _qkv(x, w_qkv, b_qkv)
    qs0, kt0, vs0 = _gather_h0(src_flat, tgt_flat, q, k, v)
    qs1, kt1, vs1 = _gather_h1(src_flat, tgt_flat, q, k, v)
    w0, ex0 = _edge_stage(0, edge_attr, qs0, kt0, vs0,
                          w_e3, b_e3, w_a, b_a, bcast)
    w1, ex1 = _edge_stage(1, edge_attr, qs1, kt1, vs1,
                          w_e3, b_e3, w_a, b_a, bcast)
    msg_a = _scatter_msg_h0(tgt_flat, w0)
    den_a = _scatter_den_h0(tgt_flat, ex0)
    msg_b = _scatter_msg_h1(tgt_flat, w1)
    den_b = _scatter_den_h1(tgt_flat, ex1)
    out = _out_stage(msg_a, msg_b, den_a, den_b,
                     bcast, W_O.T, b_O.reshape(1, HID))
    return out

# --- scband reference (transcript-rebuilt; emitter-appended) ---
"""Pipeline reference for scband-hybrid-attention-33809982554630 (READ-ONLY COPY).

The authoritative reference and input builder live on the scoring server;
editing this copy changes nothing except your own understanding.
"""

import jax, jax.numpy as jnp
import numpy as np

N = 10000
E = 160000
HID = 256
H = 16
DH = HID // H


def _lin(x, W, b):
    return x @ W.T + b


def _signed_sqrt(x):
    return jnp.sign(x) * jnp.sqrt(jnp.abs(x) + 1e-08)


def _pyg_softmax(scores, seg, num_segments):
    smax = jax.ops.segment_max(scores, seg, num_segments=num_segments)
    smax = jnp.where(jnp.isfinite(smax), smax, 0.0)
    ex = jnp.exp(scores - smax[seg])
    ssum = jax.ops.segment_sum(ex, seg, num_segments=num_segments)
    return ex / (ssum[seg] + 1e-16)


def setup_inputs(seed: int = 0) -> dict:
    key = jax.random.key(seed)
    ks = jax.random.split(key, 24)
    s = 1.0 / np.sqrt(HID)
    inp = {}
    inp['x'] = jax.random.normal(ks[0], (N, HID), dtype=jnp.float32)
    inp['edge_index'] = jax.random.randint(ks[1], (2, E), 0, N)
    inp['edge_attr'] = jax.random.normal(ks[2], (E, HID), dtype=jnp.float32)
    names = ['Q', 'K', 'V', 'Ew', 'Eb', 'Ev', 'O']
    for i, nm in enumerate(names):
        inp['W_' + nm] = jax.random.uniform(ks[3 + 2 * i], (HID, HID), dtype=jnp.float32, minval=-s, maxval=s)
        inp['b_' + nm] = jax.random.uniform(ks[4 + 2 * i], (HID,), dtype=jnp.float32, minval=-s, maxval=s)
    inp['W_A'] = jax.random.uniform(ks[20], (H, HID), dtype=jnp.float32, minval=-s, maxval=s)
    inp['b_A'] = jax.random.uniform(ks[21], (H,), dtype=jnp.float32, minval=-s, maxval=s)
    return inp


def reference(x, edge_index, edge_attr, W_Q, b_Q, W_K, b_K, W_V, b_V, W_Ew, b_Ew, W_Eb, b_Eb, W_Ev, b_Ev, W_O, b_O, W_A, b_A):
    src = edge_index[0]
    tgt = edge_index[1]
    Q = _lin(x, W_Q, b_Q).reshape(N, H, DH)
    K = _lin(x, W_K, b_K).reshape(N, H, DH)
    V = _lin(x, W_V, b_V).reshape(N, H, DH)
    score = Q[src] + K[tgt]
    Ew = _lin(edge_attr, W_Ew, b_Ew).reshape(E, H, DH)
    Eb = _lin(edge_attr, W_Eb, b_Eb).reshape(E, H, DH)
    score = _signed_sqrt(score * Ew) + Eb
    score = jax.nn.relu(score)
    attn = _lin(score.reshape(E, HID), W_A, b_A)
    attn = _pyg_softmax(attn, tgt, N)
    msg = V[src] + _lin(edge_attr, W_Ev, b_Ev).reshape(E, H, DH)
    msg = msg * attn[:, :, None]
    out = jax.ops.segment_sum(msg, tgt, num_segments=N)
    out = out.reshape(N, HID)
    out = _lin(out, W_O, b_O)
    return out

if __name__ == "__main__":
    import jax
    _d = setup_inputs()
    print(jax.jit(kernel)(*tuple(_d.values())))

</pallas_src>

<mosaic_0001>
#map = affine_map<(d0, d1) -> (0)>
#map1 = affine_map<(d0, d1) -> (0, 0)>
module attributes {stable_mosaic.version = 14 : i64} {
  func.func @_gather_sc(%arg0: i32, %arg1: i32, %arg2: memref<160000xi32, #tpu.memory_space<hbm>>, %arg3: memref<160000xi32, #tpu.memory_space<hbm>>, %arg4: memref<10000x256xf32, #tpu.memory_space<hbm>>, %arg5: memref<10000x256xf32, #tpu.memory_space<hbm>>, %arg6: memref<10000x256xf32, #tpu.memory_space<hbm>>, %arg7: memref<80000x256xf32, #tpu.memory_space<hbm>>, %arg8: memref<80000x256xf32, #tpu.memory_space<hbm>>, %arg9: memref<80000x256xf32, #tpu.memory_space<hbm>>, %arg10: memref<128xi32, #tpu.memory_space<vmem>>, %arg11: memref<128xi32, #tpu.memory_space<vmem>>, %arg12: memref<128x256xf32, #tpu.memory_space<vmem>>, %arg13: memref<128x256xf32, #tpu.memory_space<vmem>>, %arg14: memref<128x256xf32, #tpu.memory_space<vmem>>, %arg15: memref<!tpu.dma_semaphore, #tpu.memory_space<semaphore_mem>>, %arg16: memref<!tpu.dma_semaphore, #tpu.memory_space<semaphore_mem>>) attributes {dimension_semantics = [#tpu.dimension_semantics<core_parallel>, #tpu.dimension_semantics<subcore_parallel>], iteration_bounds = array<i64: 2, 16>, scalar_prefetch = 0 : i64, scratch_operands = 7 : i64, tpu.core_type = #tpu.core_type<sc_vector_subcore>, window_params = [{transform_indices = #map}, {transform_indices = #map}, {transform_indices = #map1}, {transform_indices = #map1}, {transform_indices = #map1}, {transform_indices = #map1}, {transform_indices = #map1}, {transform_indices = #map1}]} {
    %mul3A = arith.constant 2 : i32
    %mul3A_0 = arith.muli %arg1, %mul3A : i32
    %add3A = arith.addi %mul3A_0, %arg0 : i32
    %scan3A = arith.constant 0 : i32
    %scan3A_1 = arith.constant 20 : i32
    %scan3A_2 = arith.addi %scan3A, %scan3A_1 : i32
    %scan3A_3 = arith.constant 1 : i32
    scf.for %scan3A_22 = %scan3A to %scan3A_2 step %scan3A_3  : i32 {
      %mul3A_23 = arith.constant 32 : i32
      %mul3A_24 = arith.muli %mul3A_23, %scan3A_22 : i32
      %add3A_25 = arith.addi %add3A, %mul3A_24 : i32
      %lt3A = arith.constant 625 : i32
      %lt3A_26 = arith.cmpi slt, %add3A_25, %lt3A : i32
      %convert_element_type3A = arith.extui %lt3A_26 : i1 to i32
      %cond3A = arith.constant 0 : i32
      %cond3A_27 = arith.cmpi ne, %convert_element_type3A, %cond3A : i32
      scf.if %cond3A_27 {
        %ge3A = arith.constant 1 : i32
        %ge3A_28 = arith.cmpi sge, %scan3A_22, %ge3A : i32
        %convert_element_type3A_29 = arith.extui %ge3A_28 : i1 to i32
        %cond3A_30 = arith.constant 0 : i32
        %cond3A_31 = arith.cmpi ne, %convert_element_type3A_29, %cond3A_30 : i32
        scf.if %cond3A_31 {
          %dma_wait3A_67 = arith.constant 0 : i32
          %dma_wait3A_68 = arith.constant 0 : i32
          %dma_wait3A_69 = tpu.memref_slice %arg7[%dma_wait3A_67, %dma_wait3A_68] : memref<80000x256xf32, #tpu.memory_space<hbm>> -> memref<128x256xf32, #tpu.memory_space<hbm>>
          %dma_wait3A_70 = arith.constant 0 : i32
          %dma_wait3A_71 = arith.constant 0 : i32
          %dma_wait3A_72 = tpu.memref_slice %arg7[%dma_wait3A_70, %dma_wait3A_71] : memref<80000x256xf32, #tpu.memory_space<hbm>> -> memref<128x256xf32, #tpu.memory_space<hbm>>
          tpu.wait_dma2 semaphore(%arg16 : memref<!tpu.dma_semaphore, #tpu.memory_space<semaphore_mem>>) src(%arg12 : memref<128x256xf32, #tpu.memory_space<vmem>>) dst(%dma_wait3A_72 : memref<128x256xf32, #tpu.memory_space<hbm>>)
          %dma_wait3A_73 = arith.constant 0 : i32
          %dma_wait3A_74 = arith.constant 0 : i32
          %dma_wait3A_75 = tpu.memref_slice %arg8[%dma_wait3A_73, %dma_wait3A_74] : memref<80000x256xf32, #tpu.memory_space<hbm>> -> memref<128x256xf32, #tpu.memory_space<hbm>>
          %dma_wait3A_76 = arith.constant 0 : i32
          %dma_wait3A_77 = arith.constant 0 : i32
          %dma_wait3A_78 = tpu.memref_slice %arg8[%dma_wait3A_76, %dma_wait3A_77] : memref<80000x256xf32, #tpu.memory_space<hbm>> -> memref<128x256xf32, #tpu.memory_space<hbm>>
          tpu.wait_dma2 semaphore(%arg16 : memref<!tpu.dma_semaphore, #tpu.memory_space<semaphore_mem>>) src(%arg13 : memref<128x256xf32, #tpu.memory_space<vmem>>) dst(%dma_wait3A_78 : memref<128x256xf32, #tpu.memory_space<hbm>>)
          %dma_wait3A_79 = arith.constant 0 : i32
          %dma_wait3A_80 = arith.constant 0 : i32
          %dma_wait3A_81 = tpu.memref_slice %arg9[%dma_wait3A_79, %dma_wait3A_80] : memref<80000x256xf32, #tpu.memory_space<hbm>> -> memref<128x256xf32, #tpu.memory_space<hbm>>
          %dma_wait3A_82 = arith.constant 0 : i32
          %dma_wait3A_83 = arith.constant 0 : i32
          %dma_wait3A_84 = tpu.memref_slice %arg9[%dma_wait3A_82, %dma_wait3A_83] : memref<80000x256xf32, #tpu.memory_space<hbm>> -> memref<128x256xf32, #tpu.memory_space<hbm>>
          tpu.wait_dma2 semaphore(%arg16 : memref<!tpu.dma_semaphore, #tpu.memory_space<semaphore_mem>>) src(%arg14 : memref<128x256xf32, #tpu.memory_space<vmem>>) dst(%dma_wait3A_84 : memref<128x256xf32, #tpu.memory_space<hbm>>)
        } else {
        }
        %add3A_32 = arith.constant 625 : i32
        %add3A_33 = arith.addi %add3A_32, %add3A_25 : i32
        %mul3A_34 = arith.constant 128 : i32
        %mul3A_35 = arith.muli %add3A_33, %mul3A_34 : i32
        "tpu.region"() ({
          %run_scoped3A = tpu.sem_alloc : memref<!tpu.dma_semaphore, #tpu.memory_space<semaphore_mem>>
          %dma_start3A_67 = tpu.memref_slice %arg2[%mul3A_35] : memref<160000xi32, #tpu.memory_space<hbm>> -> memref<128xi32, #tpu.memory_space<hbm>>
          %dma_start3A_68 = tpu.memref_slice %arg2[%mul3A_35] : memref<160000xi32, #tpu.memory_space<hbm>> -> memref<128xi32, #tpu.memory_space<hbm>>
          tpu.enqueue_dma source(%dma_start3A_68 : memref<128xi32, #tpu.memory_space<hbm>>) target(%arg10 : memref<128xi32, #tpu.memory_space<vmem>>) target_semaphore(%run_scoped3A : memref<!tpu.dma_semaphore, #tpu.memory_space<semaphore_mem>>)
          %dma_wait3A_69 = tpu.memref_slice %arg2[%mul3A_35] : memref<160000xi32, #tpu.memory_space<hbm>> -> memref<128xi32, #tpu.memory_space<hbm>>
          %dma_wait3A_70 = tpu.memref_slice %arg2[%mul3A_35] : memref<160000xi32, #tpu.memory_space<hbm>> -> memref<128xi32, #tpu.memory_space<hbm>>
          tpu.wait_dma2 semaphore(%run_scoped3A : memref<!tpu.dma_semaphore, #tpu.memory_space<semaphore_mem>>) src(%dma_wait3A_70 : memref<128xi32, #tpu.memory_space<hbm>>) dst(%arg10 : memref<128xi32, #tpu.memory_space<vmem>>)
          tpu.yield
        }) : () -> ()
        "tpu.region"() ({
          %run_scoped3A = tpu.sem_alloc : memref<!tpu.dma_semaphore, #tpu.memory_space<semaphore_mem>>
          %dma_start3A_67 = tpu.memref_slice %arg3[%mul3A_35] : memref<160000xi32, #tpu.memory_space<hbm>> -> memref<128xi32, #tpu.memory_space<hbm>>
          %dma_start3A_68 = tpu.memref_slice %arg3[%mul3A_35] : memref<160000xi32, #tpu.memory_space<hbm>> -> memref<128xi32, #tpu.memory_space<hbm>>
          tpu.enqueue_dma source(%dma_start3A_68 : memref<128xi32, #tpu.memory_space<hbm>>) target(%arg11 : memref<128xi32, #tpu.memory_space<vmem>>) target_semaphore(%run_scoped3A : memref<!tpu.dma_semaphore, #tpu.memory_space<semaphore_mem>>)
          %dma_wait3A_69 = tpu.memref_slice %arg3[%mul3A_35] : memref<160000xi32, #tpu.memory_space<hbm>> -> memref<128xi32, #tpu.memory_space<hbm>>
          %dma_wait3A_70 = tpu.memref_slice %arg3[%mul3A_35] : memref<160000xi32, #tpu.memory_space<hbm>> -> memref<128xi32, #tpu.memory_space<hbm>>
          tpu.wait_dma2 semaphore(%run_scoped3A : memref<!tpu.dma_semaphore, #tpu.memory_space<semaphore_mem>>) src(%dma_wait3A_70 : memref<128xi32, #tpu.memory_space<hbm>>) dst(%arg11 : memref<128xi32, #tpu.memory_space<vmem>>)
          tpu.yield
        }) : () -> ()
        %dma_start3A = arith.constant 0 : i32
        %dma_start3A_36 = arith.constant 0 : i32
        %dma_start3A_37 = tpu.memref_slice %arg4[%dma_start3A, %dma_start3A_36] : memref<10000x256xf32, #tpu.memory_space<hbm>> -> memref<10000x256xf32, #tpu.memory_space<hbm>>
        tpu.enqueue_indirect_dma source(%dma_start3A_37 : memref<10000x256xf32, #tpu.memory_space<hbm>>) target(%arg12 : memref<128x256xf32, #tpu.memory_space<vmem>>) offsets(%arg10 : memref<128xi32, #tpu.memory_space<vmem>>) semaphore(%arg15 : memref<!tpu.dma_semaphore, #tpu.memory_space<semaphore_mem>>)
        %dma_start3A_38 = arith.constant 0 : i32
        %dma_start3A_39 = arith.constant 0 : i32
        %dma_start3A_40 = tpu.memref_slice %arg5[%dma_start3A_38, %dma_start3A_39] : memref<10000x256xf32, #tpu.memory_space<hbm>> -> memref<10000x256xf32, #tpu.memory_space<hbm>>
        tpu.enqueue_indirect_dma source(%dma_start3A_40 : memref<10000x256xf32, #tpu.memory_space<hbm>>) target(%arg13 : memref<128x256xf32, #tpu.memory_space<vmem>>) offsets(%arg11 : memref<128xi32, #tpu.memory_space<vmem>>) semaphore(%arg15 : memref<!tpu.dma_semaphore, #tpu.memory_space<semaphore_mem>>)
        %dma_start3A_41 = arith.constant 0 : i32
        %dma_start3A_42 = arith.constant 0 : i32
        %dma_start3A_43 = tpu.memref_slice %arg6[%dma_start3A_41, %dma_start3A_42] : memref<10000x256xf32, #tpu.memory_space<hbm>> -> memref<10000x256xf32, #tpu.memory_space<hbm>>
        tpu.enqueue_indirect_dma source(%dma_start3A_43 : memref<10000x256xf32, #tpu.memory_space<hbm>>) target(%arg14 : memref<128x256xf32, #tpu.memory_space<vmem>>) offsets(%arg10 : memref<128xi32, #tpu.memory_space<vmem>>) semaphore(%arg15 : memref<!tpu.dma_semaphore, #tpu.memory_space<semaphore_mem>>)
        %mul3A_44 = arith.constant 128 : i32
        %mul3A_45 = arith.muli %add3A_25, %mul3A_44 : i32
        %dma_wait3A_46 = arith.constant 0 : i32
        %dma_wait3A_47 = arith.constant 0 : i32
        %dma_wait3A_48 = tpu.memref_slice %arg4[%dma_wait3A_46, %dma_wait3A_47] : memref<10000x256xf32, #tpu.memory_space<hbm>> -> memref<10000x256xf32, #tpu.memory_space<hbm>>
        tpu.wait_indirect_dma semaphore(%arg15 : memref<!tpu.dma_semaphore, #tpu.memory_space<semaphore_mem>>) src(%dma_wait3A_48 : memref<10000x256xf32, #tpu.memory_space<hbm>>) dst(%arg12 : memref<128x256xf32, #tpu.memory_space<vmem>>)
        %dma_start3A_49 = arith.constant 0 : i32
        %dma_start3A_50 = tpu.memref_slice %arg7[%mul3A_45, %dma_start3A_49] : memref<80000x256xf32, #tpu.memory_space<hbm>> -> memref<128x256xf32, #tpu.memory_space<hbm>>
        %dma_start3A_51 = arith.constant 0 : i32
        %dma_start3A_52 = tpu.memref_slice %arg7[%mul3A_45, %dma_start3A_51] : memref<80000x256xf32, #tpu.memory_space<hbm>> -> memref<128x256xf32, #tpu.memory_space<hbm>>
        tpu.enqueue_dma source(%arg12 : memref<128x256xf32, #tpu.memory_space<vmem>>) target(%dma_start3A_52 : memref<128x256xf32, #tpu.memory_space<hbm>>) target_semaphore(%arg16 : memref<!tpu.dma_semaphore, #tpu.memory_space<semaphore_mem>>)
        %dma_wait3A_53 = arith.constant 0 : i32
        %dma_wait3A_54 = arith.constant 0 : i32
        %dma_wait3A_55 = tpu.memref_slice %arg5[%dma_wait3A_53, %dma_wait3A_54] : memref<10000x256xf32, #tpu.memory_space<hbm>> -> memref<10000x256xf32, #tpu.memory_space<hbm>>
        tpu.wait_indirect_dma semaphore(%arg15 : memref<!tpu.dma_semaphore, #tpu.memory_space<semaphore_mem>>) src(%dma_wait3A_55 : memref<10000x256xf32, #tpu.memory_space<hbm>>) dst(%arg13 : memref<128x256xf32, #tpu.memory_space<vmem>>)
        %dma_start3A_56 = arith.constant 0 : i32
        %dma_start3A_57 = tpu.memref_slice %arg8[%mul3A_45, %dma_start3A_56] : memref<80000x256xf32, #tpu.memory_space<hbm>> -> memref<128x256xf32, #tpu.memory_space<hbm>>
        %dma_start3A_58 = arith.constant 0 : i32
        %dma_start3A_59 = tpu.memref_slice %arg8[%mul3A_45, %dma_start3A_58] : memref<80000x256xf32, #tpu.memory_space<hbm>> -> memref<128x256xf32, #tpu.memory_space<hbm>>
        tpu.enqueue_dma source(%arg13 : memref<128x256xf32, #tpu.memory_space<vmem>>) target(%dma_start3A_59 : memref<128x256xf32, #tpu.memory_space<hbm>>) target_semaphore(%arg16 : memref<!tpu.dma_semaphore, #tpu.memory_space<semaphore_mem>>)
        %dma_wait3A_60 = arith.constant 0 : i32
        %dma_wait3A_61 = arith.constant 0 : i32
        %dma_wait3A_62 = tpu.memref_slice %arg6[%dma_wait3A_60, %dma_wait3A_61] : memref<10000x256xf32, #tpu.memory_space<hbm>> -> memref<10000x256xf32, #tpu.memory_space<hbm>>
        tpu.wait_indirect_dma semaphore(%arg15 : memref<!tpu.dma_semaphore, #tpu.memory_space<semaphore_mem>>) src(%dma_wait3A_62 : memref<10000x256xf32, #tpu.memory_space<hbm>>) dst(%arg14 : memref<128x256xf32, #tpu.memory_space<vmem>>)
        %dma_start3A_63 = arith.constant 0 : i32
        %dma_start3A_64 = tpu.memref_slice %arg9[%mul3A_45, %dma_start3A_63] : memref<80000x256xf32, #tpu.memory_space<hbm>> -> memref<128x256xf32, #tpu.memory_space<hbm>>
        %dma_start3A_65 = arith.constant 0 : i32
        %dma_start3A_66 = tpu.memref_slice %arg9[%mul3A_45, %dma_start3A_65] : memref<80000x256xf32, #tpu.memory_space<hbm>> -> memref<128x256xf32, #tpu.memory_space<hbm>>
        tpu.enqueue_dma source(%arg14 : memref<128x256xf32, #tpu.memory_space<vmem>>) target(%dma_start3A_66 : memref<128x256xf32, #tpu.memory_space<hbm>>) target_semaphore(%arg16 : memref<!tpu.dma_semaphore, #tpu.memory_space<semaphore_mem>>)
      } else {
      }
    }
    %scan3A_4 = arith.constant 20 : i32
    %dma_wait3A = arith.constant 0 : i32
    %dma_wait3A_5 = arith.constant 0 : i32
    %dma_wait3A_6 = tpu.memref_slice %arg7[%dma_wait3A, %dma_wait3A_5] : memref<80000x256xf32, #tpu.memory_space<hbm>> -> memref<128x256xf32, #tpu.memory_space<hbm>>
    %dma_wait3A_7 = arith.constant 0 : i32
    %dma_wait3A_8 = arith.constant 0 : i32
    %dma_wait3A_9 = tpu.memref_slice %arg7[%dma_wait3A_7, %dma_wait3A_8] : memref<80000x256xf32, #tpu.memory_space<hbm>> -> memref<128x256xf32, #tpu.memory_space<hbm>>
    tpu.wait_dma2 semaphore(%arg16 : memref<!tpu.dma_semaphore, #tpu.memory_space<semaphore_mem>>) src(%arg12 : memref<128x256xf32, #tpu.memory_space<vmem>>) dst(%dma_wait3A_9 : memref<128x256xf32, #tpu.memory_space<hbm>>)
    %dma_wait3A_10 = arith.constant 0 : i32
    %dma_wait3A_11 = arith.constant 0 : i32
    %dma_wait3A_12 = tpu.memref_slice %arg8[%dma_wait3A_10, %dma_wait3A_11] : memref<80000x256xf32, #tpu.memory_space<hbm>> -> memref<128x256xf32, #tpu.memory_space<hbm>>
    %dma_wait3A_13 = arith.constant 0 : i32
    %dma_wait3A_14 = arith.constant 0 : i32
    %dma_wait3A_15 = tpu.memref_slice %arg8[%dma_wait3A_13, %dma_wait3A_14] : memref<80000x256xf32, #tpu.memory_space<hbm>> -> memref<128x256xf32, #tpu.memory_space<hbm>>
    tpu.wait_dma2 semaphore(%arg16 : memref<!tpu.dma_semaphore, #tpu.memory_space<semaphore_mem>>) src(%arg13 : memref<128x256xf32, #tpu.memory_space<vmem>>) dst(%dma_wait3A_15 : memref<128x256xf32, #tpu.memory_space<hbm>>)
    %dma_wait3A_16 = arith.constant 0 : i32
    %dma_wait3A_17 = arith.constant 0 : i32
    %dma_wait3A_18 = tpu.memref_slice %arg9[%dma_wait3A_16, %dma_wait3A_17] : memref<80000x256xf32, #tpu.memory_space<hbm>> -> memref<128x256xf32, #tpu.memory_space<hbm>>
    %dma_wait3A_19 = arith.constant 0 : i32
    %dma_wait3A_20 = arith.constant 0 : i32
    %dma_wait3A_21 = tpu.memref_slice %arg9[%dma_wait3A_19, %dma_wait3A_20] : memref<80000x256xf32, #tpu.memory_space<hbm>> -> memref<128x256xf32, #tpu.memory_space<hbm>>
    tpu.wait_dma2 semaphore(%arg16 : memref<!tpu.dma_semaphore, #tpu.memory_space<semaphore_mem>>) src(%arg14 : memref<128x256xf32, #tpu.memory_space<vmem>>) dst(%dma_wait3A_21 : memref<128x256xf32, #tpu.memory_space<hbm>>)
    return
  }
}

#map = affine_map<(d0, d1) -> (0)>
#map1 = affine_map<(d0, d1) -> (0, 0)>
module attributes {stable_mosaic.version = 14 : i64} {
  func.func @_gather_sc(%arg0: i32, %arg1: i32, %arg2: memref<160000xi32, #tpu.memory_space<hbm>>, %arg3: memref<160000xi32, #tpu.memory_space<hbm>>, %arg4: memref<10000x256xf32, #tpu.memory_space<hbm>>, %arg5: memref<10000x256xf32, #tpu.memory_space<hbm>>, %arg6: memref<10000x256xf32, #tpu.memory_space<hbm>>, %arg7: memref<80000x256xf32, #tpu.memory_space<hbm>>, %arg8: memref<80000x256xf32, #tpu.memory_space<hbm>>, %arg9: memref<80000x256xf32, #tpu.memory_space<hbm>>, %arg10: memref<128xi32, #tpu.memory_space<vmem>>, %arg11: memref<128xi32, #tpu.memory_space<vmem>>, %arg12: memref<128x256xf32, #tpu.memory_space<vmem>>, %arg13: memref<128x256xf32, #tpu.memory_space<vmem>>, %arg14: memref<128x256xf32, #tpu.memory_space<vmem>>, %arg15: memref<!tpu.dma_semaphore, #tpu.memory_space<semaphore_mem>>, %arg16: memref<!tpu.dma_semaphore, #tpu.memory_space<semaphore_mem>>) attributes {dimension_semantics = [#tpu.dimension_semantics<core_parallel>, #tpu.dimension_semantics<subcore_parallel>], iteration_bounds = array<i64: 2, 16>, scalar_prefetch = 0 : i64, scratch_operands = 7 : i64, tpu.core_type = #tpu.core_type<sc_vector_subcore>, window_params = [{transform_indices = #map}, {transform_indices = #map}, {transform_indices = #map1}, {transform_indices = #map1}, {transform_indices = #map1}, {transform_indices = #map1}, {transform_indices = #map1}, {transform_indices = #map1}]} {
    %mul3A = arith.constant 2 : i32
    %mul3A_0 = arith.muli %arg1, %mul3A : i32
    %add3A = arith.addi %mul3A_0, %arg0 : i32
    %scan3A = arith.constant 0 : i32
    %scan3A_1 = arith.constant 20 : i32
    %scan3A_2 = arith.addi %scan3A, %scan3A_1 : i32
    %scan3A_3 = arith.constant 1 : i32
    scf.for %scan3A_22 = %scan3A to %scan3A_2 step %scan3A_3  : i32 {
      %mul3A_23 = arith.constant 32 : i32
      %mul3A_24 = arith.muli %mul3A_23, %scan3A_22 : i32
      %add3A_25 = arith.addi %add3A, %mul3A_24 : i32
      %lt3A = arith.constant 625 : i32
      %lt3A_26 = arith.cmpi slt, %add3A_25, %lt3A : i32
      %convert_element_type3A = arith.extui %lt3A_26 : i1 to i32
      %cond3A = arith.constant 0 : i32
      %cond3A_27 = arith.cmpi ne, %convert_element_type3A, %cond3A : i32
      scf.if %cond3A_27 {
        %ge3A = arith.constant 1 : i32
        %ge3A_28 = arith.cmpi sge, %scan3A_22, %ge3A : i32
        %convert_element_type3A_29 = arith.extui %ge3A_28 : i1 to i32
        %cond3A_30 = arith.constant 0 : i32
        %cond3A_31 = arith.cmpi ne, %convert_element_type3A_29, %cond3A_30 : i32
        scf.if %cond3A_31 {
          %dma_wait3A_67 = arith.constant 0 : i32
          %dma_wait3A_68 = arith.constant 0 : i32
          %dma_wait3A_69 = tpu.memref_slice %arg7[%dma_wait3A_67, %dma_wait3A_68] : memref<80000x256xf32, #tpu.memory_space<hbm>> -> memref<128x256xf32, #tpu.memory_space<hbm>>
          %dma_wait3A_70 = arith.constant 0 : i32
          %dma_wait3A_71 = arith.constant 0 : i32
          %dma_wait3A_72 = tpu.memref_slice %arg7[%dma_wait3A_70, %dma_wait3A_71] : memref<80000x256xf32, #tpu.memory_space<hbm>> -> memref<128x256xf32, #tpu.memory_space<hbm>>
          tpu.wait_dma2 semaphore(%arg16 : memref<!tpu.dma_semaphore, #tpu.memory_space<semaphore_mem>>) src(%arg12 : memref<128x256xf32, #tpu.memory_space<vmem>>) dst(%dma_wait3A_72 : memref<128x256xf32, #tpu.memory_space<hbm>>)
          %dma_wait3A_73 = arith.constant 0 : i32
          %dma_wait3A_74 = arith.constant 0 : i32
          %dma_wait3A_75 = tpu.memref_slice %arg8[%dma_wait3A_73, %dma_wait3A_74] : memref<80000x256xf32, #tpu.memory_space<hbm>> -> memref<128x256xf32, #tpu.memory_space<hbm>>
          %dma_wait3A_76 = arith.constant 0 : i32
          %dma_wait3A_77 = arith.constant 0 : i32
          %dma_wait3A_78 = tpu.memref_slice %arg8[%dma_wait3A_76, %dma_wait3A_77] : memref<80000x256xf32, #tpu.memory_space<hbm>> -> memref<128x256xf32, #tpu.memory_space<hbm>>
          tpu.wait_dma2 semaphore(%arg16 : memref<!tpu.dma_semaphore, #tpu.memory_space<semaphore_mem>>) src(%arg13 : memref<128x256xf32, #tpu.memory_space<vmem>>) dst(%dma_wait3A_78 : memref<128x256xf32, #tpu.memory_space<hbm>>)
          %dma_wait3A_79 = arith.constant 0 : i32
          %dma_wait3A_80 = arith.constant 0 : i32
          %dma_wait3A_81 = tpu.memref_slice %arg9[%dma_wait3A_79, %dma_wait3A_80] : memref<80000x256xf32, #tpu.memory_space<hbm>> -> memref<128x256xf32, #tpu.memory_space<hbm>>
          %dma_wait3A_82 = arith.constant 0 : i32
          %dma_wait3A_83 = arith.constant 0 : i32
          %dma_wait3A_84 = tpu.memref_slice %arg9[%dma_wait3A_82, %dma_wait3A_83] : memref<80000x256xf32, #tpu.memory_space<hbm>> -> memref<128x256xf32, #tpu.memory_space<hbm>>
          tpu.wait_dma2 semaphore(%arg16 : memref<!tpu.dma_semaphore, #tpu.memory_space<semaphore_mem>>) src(%arg14 : memref<128x256xf32, #tpu.memory_space<vmem>>) dst(%dma_wait3A_84 : memref<128x256xf32, #tpu.memory_space<hbm>>)
        } else {
        }
        %add3A_32 = arith.constant 0 : i32
        %add3A_33 = arith.addi %add3A_32, %add3A_25 : i32
        %mul3A_34 = arith.constant 128 : i32
        %mul3A_35 = arith.muli %add3A_33, %mul3A_34 : i32
        "tpu.region"() ({
          %run_scoped3A = tpu.sem_alloc : memref<!tpu.dma_semaphore, #tpu.memory_space<semaphore_mem>>
          %dma_start3A_67 = tpu.memref_slice %arg2[%mul3A_35] : memref<160000xi32, #tpu.memory_space<hbm>> -> memref<128xi32, #tpu.memory_space<hbm>>
          %dma_start3A_68 = tpu.memref_slice %arg2[%mul3A_35] : memref<160000xi32, #tpu.memory_space<hbm>> -> memref<128xi32, #tpu.memory_space<hbm>>
          tpu.enqueue_dma source(%dma_start3A_68 : memref<128xi32, #tpu.memory_space<hbm>>) target(%arg10 : memref<128xi32, #tpu.memory_space<vmem>>) target_semaphore(%run_scoped3A : memref<!tpu.dma_semaphore, #tpu.memory_space<semaphore_mem>>)
          %dma_wait3A_69 = tpu.memref_slice %arg2[%mul3A_35] : memref<160000xi32, #tpu.memory_space<hbm>> -> memref<128xi32, #tpu.memory_space<hbm>>
          %dma_wait3A_70 = tpu.memref_slice %arg2[%mul3A_35] : memref<160000xi32, #tpu.memory_space<hbm>> -> memref<128xi32, #tpu.memory_space<hbm>>
          tpu.wait_dma2 semaphore(%run_scoped3A : memref<!tpu.dma_semaphore, #tpu.memory_space<semaphore_mem>>) src(%dma_wait3A_70 : memref<128xi32, #tpu.memory_space<hbm>>) dst(%arg10 : memref<128xi32, #tpu.memory_space<vmem>>)
          tpu.yield
        }) : () -> ()
        "tpu.region"() ({
          %run_scoped3A = tpu.sem_alloc : memref<!tpu.dma_semaphore, #tpu.memory_space<semaphore_mem>>
          %dma_start3A_67 = tpu.memref_slice %arg3[%mul3A_35] : memref<160000xi32, #tpu.memory_space<hbm>> -> memref<128xi32, #tpu.memory_space<hbm>>
          %dma_start3A_68 = tpu.memref_slice %arg3[%mul3A_35] : memref<160000xi32, #tpu.memory_space<hbm>> -> memref<128xi32, #tpu.memory_space<hbm>>
          tpu.enqueue_dma source(%dma_start3A_68 : memref<128xi32, #tpu.memory_space<hbm>>) target(%arg11 : memref<128xi32, #tpu.memory_space<vmem>>) target_semaphore(%run_scoped3A : memref<!tpu.dma_semaphore, #tpu.memory_space<semaphore_mem>>)
          %dma_wait3A_69 = tpu.memref_slice %arg3[%mul3A_35] : memref<160000xi32, #tpu.memory_space<hbm>> -> memref<128xi32, #tpu.memory_space<hbm>>
          %dma_wait3A_70 = tpu.memref_slice %arg3[%mul3A_35] : memref<160000xi32, #tpu.memory_space<hbm>> -> memref<128xi32, #tpu.memory_space<hbm>>
          tpu.wait_dma2 semaphore(%run_scoped3A : memref<!tpu.dma_semaphore, #tpu.memory_space<semaphore_mem>>) src(%dma_wait3A_70 : memref<128xi32, #tpu.memory_space<hbm>>) dst(%arg11 : memref<128xi32, #tpu.memory_space<vmem>>)
          tpu.yield
        }) : () -> ()
        %dma_start3A = arith.constant 0 : i32
        %dma_start3A_36 = arith.constant 0 : i32
        %dma_start3A_37 = tpu.memref_slice %arg4[%dma_start3A, %dma_start3A_36] : memref<10000x256xf32, #tpu.memory_space<hbm>> -> memref<10000x256xf32, #tpu.memory_space<hbm>>
        tpu.enqueue_indirect_dma source(%dma_start3A_37 : memref<10000x256xf32, #tpu.memory_space<hbm>>) target(%arg12 : memref<128x256xf32, #tpu.memory_space<vmem>>) offsets(%arg10 : memref<128xi32, #tpu.memory_space<vmem>>) semaphore(%arg15 : memref<!tpu.dma_semaphore, #tpu.memory_space<semaphore_mem>>)
        %dma_start3A_38 = arith.constant 0 : i32
        %dma_start3A_39 = arith.constant 0 : i32
        %dma_start3A_40 = tpu.memref_slice %arg5[%dma_start3A_38, %dma_start3A_39] : memref<10000x256xf32, #tpu.memory_space<hbm>> -> memref<10000x256xf32, #tpu.memory_space<hbm>>
        tpu.enqueue_indirect_dma source(%dma_start3A_40 : memref<10000x256xf32, #tpu.memory_space<hbm>>) target(%arg13 : memref<128x256xf32, #tpu.memory_space<vmem>>) offsets(%arg11 : memref<128xi32, #tpu.memory_space<vmem>>) semaphore(%arg15 : memref<!tpu.dma_semaphore, #tpu.memory_space<semaphore_mem>>)
        %dma_start3A_41 = arith.constant 0 : i32
        %dma_start3A_42 = arith.constant 0 : i32
        %dma_start3A_43 = tpu.memref_slice %arg6[%dma_start3A_41, %dma_start3A_42] : memref<10000x256xf32, #tpu.memory_space<hbm>> -> memref<10000x256xf32, #tpu.memory_space<hbm>>
        tpu.enqueue_indirect_dma source(%dma_start3A_43 : memref<10000x256xf32, #tpu.memory_space<hbm>>) target(%arg14 : memref<128x256xf32, #tpu.memory_space<vmem>>) offsets(%arg10 : memref<128xi32, #tpu.memory_space<vmem>>) semaphore(%arg15 : memref<!tpu.dma_semaphore, #tpu.memory_space<semaphore_mem>>)
        %mul3A_44 = arith.constant 128 : i32
        %mul3A_45 = arith.muli %add3A_25, %mul3A_44 : i32
        %dma_wait3A_46 = arith.constant 0 : i32
        %dma_wait3A_47 = arith.constant 0 : i32
        %dma_wait3A_48 = tpu.memref_slice %arg4[%dma_wait3A_46, %dma_wait3A_47] : memref<10000x256xf32, #tpu.memory_space<hbm>> -> memref<10000x256xf32, #tpu.memory_space<hbm>>
        tpu.wait_indirect_dma semaphore(%arg15 : memref<!tpu.dma_semaphore, #tpu.memory_space<semaphore_mem>>) src(%dma_wait3A_48 : memref<10000x256xf32, #tpu.memory_space<hbm>>) dst(%arg12 : memref<128x256xf32, #tpu.memory_space<vmem>>)
        %dma_start3A_49 = arith.constant 0 : i32
        %dma_start3A_50 = tpu.memref_slice %arg7[%mul3A_45, %dma_start3A_49] : memref<80000x256xf32, #tpu.memory_space<hbm>> -> memref<128x256xf32, #tpu.memory_space<hbm>>
        %dma_start3A_51 = arith.constant 0 : i32
        %dma_start3A_52 = tpu.memref_slice %arg7[%mul3A_45, %dma_start3A_51] : memref<80000x256xf32, #tpu.memory_space<hbm>> -> memref<128x256xf32, #tpu.memory_space<hbm>>
        tpu.enqueue_dma source(%arg12 : memref<128x256xf32, #tpu.memory_space<vmem>>) target(%dma_start3A_52 : memref<128x256xf32, #tpu.memory_space<hbm>>) target_semaphore(%arg16 : memref<!tpu.dma_semaphore, #tpu.memory_space<semaphore_mem>>)
        %dma_wait3A_53 = arith.constant 0 : i32
        %dma_wait3A_54 = arith.constant 0 : i32
        %dma_wait3A_55 = tpu.memref_slice %arg5[%dma_wait3A_53, %dma_wait3A_54] : memref<10000x256xf32, #tpu.memory_space<hbm>> -> memref<10000x256xf32, #tpu.memory_space<hbm>>
        tpu.wait_indirect_dma semaphore(%arg15 : memref<!tpu.dma_semaphore, #tpu.memory_space<semaphore_mem>>) src(%dma_wait3A_55 : memref<10000x256xf32, #tpu.memory_space<hbm>>) dst(%arg13 : memref<128x256xf32, #tpu.memory_space<vmem>>)
        %dma_start3A_56 = arith.constant 0 : i32
        %dma_start3A_57 = tpu.memref_slice %arg8[%mul3A_45, %dma_start3A_56] : memref<80000x256xf32, #tpu.memory_space<hbm>> -> memref<128x256xf32, #tpu.memory_space<hbm>>
        %dma_start3A_58 = arith.constant 0 : i32
        %dma_start3A_59 = tpu.memref_slice %arg8[%mul3A_45, %dma_start3A_58] : memref<80000x256xf32, #tpu.memory_space<hbm>> -> memref<128x256xf32, #tpu.memory_space<hbm>>
        tpu.enqueue_dma source(%arg13 : memref<128x256xf32, #tpu.memory_space<vmem>>) target(%dma_start3A_59 : memref<128x256xf32, #tpu.memory_space<hbm>>) target_semaphore(%arg16 : memref<!tpu.dma_semaphore, #tpu.memory_space<semaphore_mem>>)
        %dma_wait3A_60 = arith.constant 0 : i32
        %dma_wait3A_61 = arith.constant 0 : i32
        %dma_wait3A_62 = tpu.memref_slice %arg6[%dma_wait3A_60, %dma_wait3A_61] : memref<10000x256xf32, #tpu.memory_space<hbm>> -> memref<10000x256xf32, #tpu.memory_space<hbm>>
        tpu.wait_indirect_dma semaphore(%arg15 : memref<!tpu.dma_semaphore, #tpu.memory_space<semaphore_mem>>) src(%dma_wait3A_62 : memref<10000x256xf32, #tpu.memory_space<hbm>>) dst(%arg14 : memref<128x256xf32, #tpu.memory_space<vmem>>)
        %dma_start3A_63 = arith.constant 0 : i32
        %dma_start3A_64 = tpu.memref_slice %arg9[%mul3A_45, %dma_start3A_63] : memref<80000x256xf32, #tpu.memory_space<hbm>> -> memref<128x256xf32, #tpu.memory_space<hbm>>
        %dma_start3A_65 = arith.constant 0 : i32
        %dma_start3A_66 = tpu.memref_slice %arg9[%mul3A_45, %dma_start3A_65] : memref<80000x256xf32, #tpu.memory_space<hbm>> -> memref<128x256xf32, #tpu.memory_space<hbm>>
        tpu.enqueue_dma source(%arg14 : memref<128x256xf32, #tpu.memory_space<vmem>>) target(%dma_start3A_66 : memref<128x256xf32, #tpu.memory_space<hbm>>) target_semaphore(%arg16 : memref<!tpu.dma_semaphore, #tpu.memory_space<semaphore_mem>>)
      } else {
      }
    }
    %scan3A_4 = arith.constant 20 : i32
    %dma_wait3A = arith.constant 0 : i32
    %dma_wait3A_5 = arith.constant 0 : i32
    %dma_wait3A_6 = tpu.memref_slice %arg7[%dma_wait3A, %dma_wait3A_5] : memref<80000x256xf32, #tpu.memory_space<hbm>> -> memref<128x256xf32, #tpu.memory_space<hbm>>
    %dma_wait3A_7 = arith.constant 0 : i32
    %dma_wait3A_8 = arith.constant 0 : i32
    %dma_wait3A_9 = tpu.memref_slice %arg7[%dma_wait3A_7, %dma_wait3A_8] : memref<80000x256xf32, #tpu.memory_space<hbm>> -> memref<128x256xf32, #tpu.memory_space<hbm>>
    tpu.wait_dma2 semaphore(%arg16 : memref<!tpu.dma_semaphore, #tpu.memory_space<semaphore_mem>>) src(%arg12 : memref<128x256xf32, #tpu.memory_space<vmem>>) dst(%dma_wait3A_9 : memref<128x256xf32, #tpu.memory_space<hbm>>)
    %dma_wait3A_10 = arith.constant 0 : i32
    %dma_wait3A_11 = arith.constant 0 : i32
    %dma_wait3A_12 = tpu.memref_slice %arg8[%dma_wait3A_10, %dma_wait3A_11] : memref<80000x256xf32, #tpu.memory_space<hbm>> -> memref<128x256xf32, #tpu.memory_space<hbm>>
    %dma_wait3A_13 = arith.constant 0 : i32
    %dma_wait3A_14 = arith.constant 0 : i32
    %dma_wait3A_15 = tpu.memref_slice %arg8[%dma_wait3A_13, %dma_wait3A_14] : memref<80000x256xf32, #tpu.memory_space<hbm>> -> memref<128x256xf32, #tpu.memory_space<hbm>>
    tpu.wait_dma2 semaphore(%arg16 : memref<!tpu.dma_semaphore, #tpu.memory_space<semaphore_mem>>) src(%arg13 : memref<128x256xf32, #tpu.memory_space<vmem>>) dst(%dma_wait3A_15 : memref<128x256xf32, #tpu.memory_space<hbm>>)
    %dma_wait3A_16 = arith.constant 0 : i32
    %dma_wait3A_17 = arith.constant 0 : i32
    %dma_wait3A_18 = tpu.memref_slice %arg9[%dma_wait3A_16, %dma_wait3A_17] : memref<80000x256xf32, #tpu.memory_space<hbm>> -> memref<128x256xf32, #tpu.memory_space<hbm>>
    %dma_wait3A_19 = arith.constant 0 : i32
    %dma_wait3A_20 = arith.constant 0 : i32
    %dma_wait3A_21 = tpu.memref_slice %arg9[%dma_wait3A_19, %dma_wait3A_20] : memref<80000x256xf32, #tpu.memory_space<hbm>> -> memref<128x256xf32, #tpu.memory_space<hbm>>
    tpu.wait_dma2 semaphore(%arg16 : memref<!tpu.dma_semaphore, #tpu.memory_space<semaphore_mem>>) src(%arg14 : memref<128x256xf32, #tpu.memory_space<vmem>>) dst(%dma_wait3A_21 : memref<128x256xf32, #tpu.memory_space<hbm>>)
    return
  }
}

#map = affine_map<(d0, d1) -> (0)>
#map1 = affine_map<(d0, d1) -> (0, 0, 0)>
module attributes {stable_mosaic.version = 14 : i64} {
  func.func @_scatter_msg_sc(%arg0: i32, %arg1: i32, %arg2: memref<160000xi32, #tpu.memory_space<hbm>>, %arg3: memref<2x80000x128xf32, #tpu.memory_space<hbm>>, %arg4: memref<2x10000x128xf32, #tpu.memory_space<hbm>>, %arg5: memref<128xi32, #tpu.memory_space<vmem>>, %arg6: memref<128x128xf32, #tpu.memory_space<vmem>>, %arg7: memref<10000x128xf32, #tpu.memory_space<vmem_shared>>) attributes {dimension_semantics = [#tpu.dimension_semantics<core_parallel>, #tpu.dimension_semantics<subcore_parallel>], iteration_bounds = array<i64: 2, 16>, scalar_prefetch = 0 : i64, scratch_operands = 3 : i64, tpu.core_type = #tpu.core_type<sc_vector_subcore>, window_params = [{transform_indices = #map}, {transform_indices = #map1}, {transform_indices = #map1}]} {
    %scan3A = arith.constant 0 : i32
    %scan3A_0 = arith.constant 1024 : i32
    %scan3A_1 = arith.addi %scan3A, %scan3A_0 : i32
    %scan3A_2 = arith.constant 1 : i32
    scf.for %scan3A_37 = %scan3A to %scan3A_1 step %scan3A_2  : i32 {
      %broadcast_in_dim3A = arith.constant 0.000000e+00 : f32
      %broadcast_in_dim3A_38 = vector.broadcast %broadcast_in_dim3A : f32 to vector<16xf32>
      %jit3A = arith.constant 8 : i32
      %div3A = arith.divsi %scan3A_37, %jit3A : i32
      %sign3A = arith.constant 0 : i32
      %sign3A_39 = arith.cmpi sgt, %scan3A_37, %sign3A : i32
      %sign3A_40 = arith.extui %sign3A_39 : i1 to i32
      %sign3A_41 = arith.constant 0 : i32
      %sign3A_42 = arith.cmpi slt, %scan3A_37, %sign3A_41 : i32
      %sign3A_43 = arith.extui %sign3A_42 : i1 to i32
      %sign3A_44 = arith.subi %sign3A_40, %sign3A_43 : i32
      %sign3A_45 = arith.constant 0 : i32
      %sign3A_46 = arith.cmpi sgt, %jit3A, %sign3A_45 : i32
      %sign3A_47 = arith.extui %sign3A_46 : i1 to i32
      %sign3A_48 = arith.constant 0 : i32
      %sign3A_49 = arith.cmpi slt, %jit3A, %sign3A_48 : i32
      %sign3A_50 = arith.extui %sign3A_49 : i1 to i32
      %sign3A_51 = arith.subi %sign3A_47, %sign3A_50 : i32
      %ne3A = arith.cmpi ne, %sign3A_44, %sign3A_51 : i32
      %rem3A = arith.remsi %scan3A_37, %jit3A : i32
      %ne3A_52 = arith.constant 0 : i32
      %ne3A_53 = arith.cmpi ne, %rem3A, %ne3A_52 : i32
      %and3A = arith.andi %ne3A, %ne3A_53 : i1
      %sub3A = arith.constant 1 : i32
      %sub3A_54 = arith.subi %div3A, %sub3A : i32
      %select_n3A = arith.select %and3A, %sub3A_54, %div3A : i32
      %jit3A_55 = arith.constant 8 : i32
      %eq3A_56 = arith.constant 0 : i32
      %eq3A_57 = arith.cmpi eq, %jit3A_55, %eq3A_56 : i32
      %jit3A_58 = arith.constant 1 : i32
      %select_n3A_59 = arith.select %eq3A_57, %jit3A_58, %jit3A_55 : i32
      %rem3A_60 = arith.remsi %scan3A_37, %select_n3A_59 : i32
      %ne3A_61 = arith.constant 0 : i32
      %ne3A_62 = arith.cmpi ne, %rem3A_60, %ne3A_61 : i32
      %lt3A = arith.constant 0 : i32
      %lt3A_63 = arith.cmpi slt, %rem3A_60, %lt3A : i32
      %lt3A_64 = arith.constant 0 : i32
      %lt3A_65 = arith.cmpi slt, %select_n3A_59, %lt3A_64 : i32
      %ne3A_66 = arith.xori %lt3A_63, %lt3A_65 : i1
      %and3A_67 = arith.andi %ne3A_66, %ne3A_62 : i1
      %add3A_68 = arith.addi %rem3A_60, %select_n3A_59 : i32
      %select_n3A_69 = arith.select %and3A_67, %add3A_68, %rem3A_60 : i32
      %mul3A_70 = arith.constant 16 : i32
      %mul3A_71 = arith.muli %select_n3A_69, %mul3A_70 : i32
      %swap3A = arith.index_cast %select_n3A : i32 to index
      %swap3A_72 = arith.index_cast %mul3A_71 : i32 to index
      %swap3A_73 = tpu.vector_load %arg6[%swap3A, %swap3A_72] {strides = array<i32>} : memref<128x128xf32, #tpu.memory_space<vmem>>, vector<1x16xf32>,
      %swap3A_74 = vector.shape_cast %swap3A_73 : vector<1x16xf32> to vector<16xf32>
      %swap3A_75 = vector.shape_cast %broadcast_in_dim3A_38 : vector<16xf32> to vector<1x16xf32>
      tpu.vector_store %arg6[%swap3A, %swap3A_72], %swap3A_75 {strides = array<i32>} : memref<128x128xf32, #tpu.memory_space<vmem>>, vector<1x16xf32>,
    }
    %scan3A_3 = arith.constant 1024 : i32
    %mul3A = arith.constant 624 : i32
    %mul3A_4 = arith.muli %arg1, %mul3A : i32
    %add3A = arith.constant 0 : i32
    %add3A_5 = arith.addi %mul3A_4, %add3A : i32
    "tpu.region"() ({
      %run_scoped3A = tpu.sem_alloc : memref<!tpu.dma_semaphore, #tpu.memory_space<semaphore_mem>>
      %dma_start3A = arith.constant 0 : i32
      %dma_start3A_37 = tpu.memref_slice %arg7[%add3A_5, %dma_start3A] : memref<10000x128xf32, #tpu.memory_space<vmem_shared>> -> memref<128x128xf32, #tpu.memory_space<vmem_shared>>
      %dma_start3A_38 = arith.constant 0 : i32
      %dma_start3A_39 = tpu.memref_slice %arg7[%add3A_5, %dma_start3A_38] : memref<10000x128xf32, #tpu.memory_space<vmem_shared>> -> memref<128x128xf32, #tpu.memory_space<vmem_shared>>
      tpu.enqueue_dma source(%arg6 : memref<128x128xf32, #tpu.memory_space<vmem>>) target(%dma_start3A_39 : memref<128x128xf32, #tpu.memory_space<vmem_shared>>) target_semaphore(%run_scoped3A : memref<!tpu.dma_semaphore, #tpu.memory_space<semaphore_mem>>)
      %dma_wait3A = arith.constant 0 : i32
      %dma_wait3A_40 = tpu.memref_slice %arg7[%add3A_5, %dma_wait3A] : memref<10000x128xf32, #tpu.memory_space<vmem_shared>> -> memref<128x128xf32, #tpu.memory_space<vmem_shared>>
      %dma_wait3A_41 = arith.constant 0 : i32
      %dma_wait3A_42 = tpu.memref_slice %arg7[%add3A_5, %dma_wait3A_41] : memref<10000x128xf32, #tpu.memory_space<vmem_shared>> -> memref<128x128xf32, #tpu.memory_space<vmem_shared>>
      tpu.wait_dma2 semaphore(%run_scoped3A : memref<!tpu.dma_semaphore, #tpu.memory_space<semaphore_mem>>) src(%arg6 : memref<128x128xf32, #tpu.memory_space<vmem>>) dst(%dma_wait3A_42 : memref<128x128xf32, #tpu.memory_space<vmem_shared>>)
      tpu.yield
    }) : () -> ()
    %add3A_6 = arith.constant 128 : i32
    %add3A_7 = arith.addi %mul3A_4, %add3A_6 : i32
    "tpu.region"() ({
      %run_scoped3A = tpu.sem_alloc : memref<!tpu.dma_semaphore, #tpu.memory_space<semaphore_mem>>
      %dma_start3A = arith.constant 0 : i32
      %dma_start3A_37 = tpu.memref_slice %arg7[%add3A_7, %dma_start3A] : memref<10000x128xf32, #tpu.memory_space<vmem_shared>> -> memref<128x128xf32, #tpu.memory_space<vmem_shared>>
      %dma_start3A_38 = arith.constant 0 : i32
      %dma_start3A_39 = tpu.memref_slice %arg7[%add3A_7, %dma_start3A_38] : memref<10000x128xf32, #tpu.memory_space<vmem_shared>> -> memref<128x128xf32, #tpu.memory_space<vmem_shared>>
      tpu.enqueue_dma source(%arg6 : memref<128x128xf32, #tpu.memory_space<vmem>>) target(%dma_start3A_39 : memref<128x128xf32, #tpu.memory_space<vmem_shared>>) target_semaphore(%run_scoped3A : memref<!tpu.dma_semaphore, #tpu.memory_space<semaphore_mem>>)
      %dma_wait3A = arith.constant 0 : i32
      %dma_wait3A_40 = tpu.memref_slice %arg7[%add3A_7, %dma_wait3A] : memref<10000x128xf32, #tpu.memory_space<vmem_shared>> -> memref<128x128xf32, #tpu.memory_space<vmem_shared>>
      %dma_wait3A_41 = arith.constant 0 : i32
      %dma_wait3A_42 = tpu.memref_slice %arg7[%add3A_7, %dma_wait3A_41] : memref<10000x128xf32, #tpu.memory_space<vmem_shared>> -> memref<128x128xf32, #tpu.memory_space<vmem_shared>>
      tpu.wait_dma2 semaphore(%run_scoped3A : memref<!tpu.dma_semaphore, #tpu.memory_space<semaphore_mem>>) src(%arg6 : memref<128x128xf32, #tpu.memory_space<vmem>>) dst(%dma_wait3A_42 : memref<128x128xf32, #tpu.memory_space<vmem_shared>>)
      tpu.yield
    }) : () -> ()
    %add3A_8 = arith.constant 256 : i32
    %add3A_9 = arith.addi %mul3A_4, %add3A_8 : i32
    "tpu.region"() ({
      %run_scoped3A = tpu.sem_alloc : memref<!tpu.dma_semaphore, #tpu.memory_space<semaphore_mem>>
      %dma_start3A = arith.constant 0 : i32
      %dma_start3A_37 = tpu.memref_slice %arg7[%add3A_9, %dma_start3A] : memref<10000x128xf32, #tpu.memory_space<vmem_shared>> -> memref<128x128xf32, #tpu.memory_space<vmem_shared>>
      %dma_start3A_38 = arith.constant 0 : i32
      %dma_start3A_39 = tpu.memref_slice %arg7[%add3A_9, %dma_start3A_38] : memref<10000x128xf32, #tpu.memory_space<vmem_shared>> -> memref<128x128xf32, #tpu.memory_space<vmem_shared>>
      tpu.enqueue_dma source(%arg6 : memref<128x128xf32, #tpu.memory_space<vmem>>) target(%dma_start3A_39 : memref<128x128xf32, #tpu.memory_space<vmem_shared>>) target_semaphore(%run_scoped3A : memref<!tpu.dma_semaphore, #tpu.memory_space<semaphore_mem>>)
      %dma_wait3A = arith.constant 0 : i32
      %dma_wait3A_40 = tpu.memref_slice %arg7[%add3A_9, %dma_wait3A] : memref<10000x128xf32, #tpu.memory_space<vmem_shared>> -> memref<128x128xf32, #tpu.memory_space<vmem_shared>>
      %dma_wait3A_41 = arith.constant 0 : i32
      %dma_wait3A_42 = tpu.memref_slice %arg7[%add3A_9, %dma_wait3A_41] : memref<10000x128xf32, #tpu.memory_space<vmem_shared>> -> memref<128x128xf32, #tpu.memory_space<vmem_shared>>
      tpu.wait_dma2 semaphore(%run_scoped3A : memref<!tpu.dma_semaphore, #tpu.memory_space<semaphore_mem>>) src(%arg6 : memref<128x128xf32, #tpu.memory_space<vmem>>) dst(%dma_wait3A_42 : memref<128x128xf32, #tpu.memory_space<vmem_shared>>)
      tpu.yield
    }) : () -> ()
    %add3A_10 = arith.constant 384 : i32
    %add3A_11 = arith.addi %mul3A_4, %add3A_10 : i32
    "tpu.region"() ({
      %run_scoped3A = tpu.sem_alloc : memref<!tpu.dma_semaphore, #tpu.memory_space<semaphore_mem>>
      %dma_start3A = arith.constant 0 : i32
      %dma_start3A_37 = tpu.memref_slice %arg7[%add3A_11, %dma_start3A] : memref<10000x128xf32, #tpu.memory_space<vmem_shared>> -> memref<128x128xf32, #tpu.memory_space<vmem_shared>>
      %dma_start3A_38 = arith.constant 0 : i32
      %dma_start3A_39 = tpu.memref_slice %arg7[%add3A_11, %dma_start3A_38] : memref<10000x128xf32, #tpu.memory_space<vmem_shared>> -> memref<128x128xf32, #tpu.memory_space<vmem_shared>>
      tpu.enqueue_dma source(%arg6 : memref<128x128xf32, #tpu.memory_space<vmem>>) target(%dma_start3A_39 : memref<128x128xf32, #tpu.memory_space<vmem_shared>>) target_semaphore(%run_scoped3A : memref<!tpu.dma_semaphore, #tpu.memory_space<semaphore_mem>>)
      %dma_wait3A = arith.constant 0 : i32
      %dma_wait3A_40 = tpu.memref_slice %arg7[%add3A_11, %dma_wait3A] : memref<10000x128xf32, #tpu.memory_space<vmem_shared>> -> memref<128x128xf32, #tpu.memory_space<vmem_shared>>
      %dma_wait3A_41 = arith.constant 0 : i32
      %dma_wait3A_42 = tpu.memref_slice %arg7[%add3A_11, %dma_wait3A_41] : memref<10000x128xf32, #tpu.memory_space<vmem_shared>> -> memref<128x128xf32, #tpu.memory_space<vmem_shared>>
      tpu.wait_dma2 semaphore(%run_scoped3A : memref<!tpu.dma_semaphore, #tpu.memory_space<semaphore_mem>>) src(%arg6 : memref<128x128xf32, #tpu.memory_space<vmem>>) dst(%dma_wait3A_42 : memref<128x128xf32, #tpu.memory_space<vmem_shared>>)
      tpu.yield
    }) : () -> ()
    %add3A_12 = arith.constant 512 : i32
    %add3A_13 = arith.addi %mul3A_4, %add3A_12 : i32
    "tpu.region"() ({
      %run_scoped3A = tpu.sem_alloc : memref<!tpu.dma_semaphore, #tpu.memory_space<semaphore_mem>>
      %dma_start3A = arith.constant 0 : i32
      %dma_start3A_37 = arith.constant 0 : i32
      %dma_start3A_38 = tpu.memref_slice %arg6[%dma_start3A, %dma_start3A_37] : memref<128x128xf32, #tpu.memory_space<vmem>> -> memref<112x128xf32, #tpu.memory_space<vmem>>
      %dma_start3A_39 = arith.constant 0 : i32
      %dma_start3A_40 = tpu.memref_slice %arg7[%add3A_13, %dma_start3A_39] : memref<10000x128xf32, #tpu.memory_space<vmem_shared>> -> memref<112x128xf32, #tpu.memory_space<vmem_shared>>
      %dma_start3A_41 = arith.constant 0 : i32
      %dma_start3A_42 = tpu.memref_slice %arg7[%add3A_13, %dma_start3A_41] : memref<10000x128xf32, #tpu.memory_space<vmem_shared>> -> memref<112x128xf32, #tpu.memory_space<vmem_shared>>
      %dma_start3A_43 = arith.constant 0 : i32
      %dma_start3A_44 = arith.constant 0 : i32
      %dma_start3A_45 = tpu.memref_slice %arg6[%dma_start3A_43, %dma_start3A_44] : memref<128x128xf32, #tpu.memory_space<vmem>> -> memref<112x128xf32, #tpu.memory_space<vmem>>
      tpu.enqueue_dma source(%dma_start3A_45 : memref<112x128xf32, #tpu.memory_space<vmem>>) target(%dma_start3A_42 : memref<112x128xf32, #tpu.memory_space<vmem_shared>>) target_semaphore(%run_scoped3A : memref<!tpu.dma_semaphore, #tpu.memory_space<semaphore_mem>>)
      %dma_wait3A = arith.constant 0 : i32
      %dma_wait3A_46 = arith.constant 0 : i32
      %dma_wait3A_47 = tpu.memref_slice %arg6[%dma_wait3A, %dma_wait3A_46] : memref<128x128xf32, #tpu.memory_space<vmem>> -> memref<112x128xf32, #tpu.memory_space<vmem>>
      %dma_wait3A_48 = arith.constant 0 : i32
      %dma_wait3A_49 = tpu.memref_slice %arg7[%add3A_13, %dma_wait3A_48] : memref<10000x128xf32, #tpu.memory_space<vmem_shared>> -> memref<112x128xf32, #tpu.memory_space<vmem_shared>>
      %dma_wait3A_50 = arith.constant 0 : i32
      %dma_wait3A_51 = tpu.memref_slice %arg7[%add3A_13, %dma_wait3A_50] : memref<10000x128xf32, #tpu.memory_space<vmem_shared>> -> memref<112x128xf32, #tpu.memory_space<vmem_shared>>
      %dma_wait3A_52 = arith.constant 0 : i32
      %dma_wait3A_53 = arith.constant 0 : i32
      %dma_wait3A_54 = tpu.memref_slice %arg6[%dma_wait3A_52, %dma_wait3A_53] : memref<128x128xf32, #tpu.memory_space<vmem>> -> memref<112x128xf32, #tpu.memory_space<vmem>>
      tpu.wait_dma2 semaphore(%run_scoped3A : memref<!tpu.dma_semaphore, #tpu.memory_space<semaphore_mem>>) src(%dma_wait3A_54 : memref<112x128xf32, #tpu.memory_space<vmem>>) dst(%dma_wait3A_51 : memref<112x128xf32, #tpu.memory_space<vmem_shared>>)
      tpu.yield
    }) : () -> ()
    %eq3A = arith.constant 15 : i32
    %eq3A_14 = arith.cmpi eq, %arg1, %eq3A : i32
    %convert_element_type3A = arith.extui %eq3A_14 : i1 to i32
    %cond3A = arith.constant 0 : i32
    %cond3A_15 = arith.cmpi ne, %convert_element_type3A, %cond3A : i32
    scf.if %cond3A_15 {
      "tpu.region"() ({
        %run_scoped3A = tpu.sem_alloc : memref<!tpu.dma_semaphore, #tpu.memory_space<semaphore_mem>>
        %dma_start3A = arith.constant 0 : i32
        %dma_start3A_37 = arith.constant 0 : i32
        %dma_start3A_38 = tpu.memref_slice %arg6[%dma_start3A, %dma_start3A_37] : memref<128x128xf32, #tpu.memory_space<vmem>> -> memref<16x128xf32, #tpu.memory_space<vmem>>
        %dma_start3A_39 = arith.constant 9984 : i32
        %dma_start3A_40 = arith.constant 0 : i32
        %dma_start3A_41 = tpu.memref_slice %arg7[%dma_start3A_39, %dma_start3A_40] : memref<10000x128xf32, #tpu.memory_space<vmem_shared>> -> memref<16x128xf32, #tpu.memory_space<vmem_shared>>
        %dma_start3A_42 = arith.constant 9984 : i32
        %dma_start3A_43 = arith.constant 0 : i32
        %dma_start3A_44 = tpu.memref_slice %arg7[%dma_start3A_42, %dma_start3A_43] : memref<10000x128xf32, #tpu.memory_space<vmem_shared>> -> memref<16x128xf32, #tpu.memory_space<vmem_shared>>
        %dma_start3A_45 = arith.constant 0 : i32
        %dma_start3A_46 = arith.constant 0 : i32
        %dma_start3A_47 = tpu.memref_slice %arg6[%dma_start3A_45, %dma_start3A_46] : memref<128x128xf32, #tpu.memory_space<vmem>> -> memref<16x128xf32, #tpu.memory_space<vmem>>
        tpu.enqueue_dma source(%dma_start3A_47 : memref<16x128xf32, #tpu.memory_space<vmem>>) target(%dma_start3A_44 : memref<16x128xf32, #tpu.memory_space<vmem_shared>>) target_semaphore(%run_scoped3A : memref<!tpu.dma_semaphore, #tpu.memory_space<semaphore_mem>>)
        %dma_wait3A = arith.constant 0 : i32
        %dma_wait3A_48 = arith.constant 0 : i32
        %dma_wait3A_49 = tpu.memref_slice %arg6[%dma_wait3A, %dma_wait3A_48] : memref<128x128xf32, #tpu.memory_space<vmem>> -> memref<16x128xf32, #tpu.memory_space<vmem>>
        %dma_wait3A_50 = arith.constant 9984 : i32
        %dma_wait3A_51 = arith.constant 0 : i32
        %dma_wait3A_52 = tpu.memref_slice %arg7[%dma_wait3A_50, %dma_wait3A_51] : memref<10000x128xf32, #tpu.memory_space<vmem_shared>> -> memref<16x128xf32, #tpu.memory_space<vmem_shared>>
        %dma_wait3A_53 = arith.constant 9984 : i32
        %dma_wait3A_54 = arith.constant 0 : i32
        %dma_wait3A_55 = tpu.memref_slice %arg7[%dma_wait3A_53, %dma_wait3A_54] : memref<10000x128xf32, #tpu.memory_space<vmem_shared>> -> memref<16x128xf32, #tpu.memory_space<vmem_shared>>
        %dma_wait3A_56 = arith.constant 0 : i32
        %dma_wait3A_57 = arith.constant 0 : i32
        %dma_wait3A_58 = tpu.memref_slice %arg6[%dma_wait3A_56, %dma_wait3A_57] : memref<128x128xf32, #tpu.memory_space<vmem>> -> memref<16x128xf32, #tpu.memory_space<vmem>>
        tpu.wait_dma2 semaphore(%run_scoped3A : memref<!tpu.dma_semaphore, #tpu.memory_space<semaphore_mem>>) src(%dma_wait3A_58 : memref<16x128xf32, #tpu.memory_space<vmem>>) dst(%dma_wait3A_55 : memref<16x128xf32, #tpu.memory_space<vmem_shared>>)
        tpu.yield
      }) : () -> ()
    } else {
    }
    %barrier3A = arith.constant 0 : index
    tpu.barrier barrier_id(%barrier3A)
    %scan3A_16 = arith.constant 0 : i32
    %scan3A_17 = arith.constant 40 : i32
    %scan3A_18 = arith.addi %scan3A_16, %scan3A_17 : i32
    %scan3A_19 = arith.constant 1 : i32
    scf.for %scan3A_37 = %scan3A_16 to %scan3A_18 step %scan3A_19  : i32 {
      %mul3A_38 = arith.constant 16 : i32
      %mul3A_39 = arith.muli %mul3A_38, %scan3A_37 : i32
      %add3A_40 = arith.addi %arg1, %mul3A_39 : i32
      %lt3A = arith.constant 625 : i32
      %lt3A_41 = arith.cmpi slt, %add3A_40, %lt3A : i32
      %convert_element_type3A_42 = arith.extui %lt3A_41 : i1 to i32
      %cond3A_43 = arith.constant 0 : i32
      %cond3A_44 = arith.cmpi ne, %convert_element_type3A_42, %cond3A_43 : i32
      scf.if %cond3A_44 {
        %add3A_45 = arith.constant 625 : i32
        %add3A_46 = arith.addi %add3A_45, %add3A_40 : i32
        %mul3A_47 = arith.constant 128 : i32
        %mul3A_48 = arith.muli %add3A_46, %mul3A_47 : i32
        "tpu.region"() ({
          %run_scoped3A = tpu.sem_alloc : memref<!tpu.dma_semaphore, #tpu.memory_space<semaphore_mem>>
          %dma_start3A = tpu.memref_slice %arg2[%mul3A_48] : memref<160000xi32, #tpu.memory_space<hbm>> -> memref<128xi32, #tpu.memory_space<hbm>>
          %dma_start3A_51 = tpu.memref_slice %arg2[%mul3A_48] : memref<160000xi32, #tpu.memory_space<hbm>> -> memref<128xi32, #tpu.memory_space<hbm>>
          tpu.enqueue_dma source(%dma_start3A_51 : memref<128xi32, #tpu.memory_space<hbm>>) target(%arg5 : memref<128xi32, #tpu.memory_space<vmem>>) target_semaphore(%run_scoped3A : memref<!tpu.dma_semaphore, #tpu.memory_space<semaphore_mem>>)
          %dma_wait3A = tpu.memref_slice %arg2[%mul3A_48] : memref<160000xi32, #tpu.memory_space<hbm>> -> memref<128xi32, #tpu.memory_space<hbm>>
          %dma_wait3A_52 = tpu.memref_slice %arg2[%mul3A_48] : memref<160000xi32, #tpu.memory_space<hbm>> -> memref<128xi32, #tpu.memory_space<hbm>>
          tpu.wait_dma2 semaphore(%run_scoped3A : memref<!tpu.dma_semaphore, #tpu.memory_space<semaphore_mem>>) src(%dma_wait3A_52 : memref<128xi32, #tpu.memory_space<hbm>>) dst(%arg5 : memref<128xi32, #tpu.memory_space<vmem>>)
          tpu.yield
        }) : () -> ()
        %mul3A_49 = arith.constant 128 : i32
        %mul3A_50 = arith.muli %add3A_40, %mul3A_49 : i32
        "tpu.region"() ({
          %run_scoped3A = tpu.sem_alloc : memref<!tpu.dma_semaphore, #tpu.memory_space<semaphore_mem>>
          %dma_start3A = arith.constant 0 : i32
          %dma_start3A_51 = tpu.memref_slice %arg3[%arg0, %mul3A_50, %dma_start3A] : memref<2x80000x128xf32, #tpu.memory_space<hbm>> -> memref<1x128x128xf32, #tpu.memory_space<hbm>>
          %dma_start3A_52 = tpu.memref_squeeze %dma_start3A_51 : memref<1x128x128xf32, #tpu.memory_space<hbm>> -> memref<128x128xf32, #tpu.memory_space<hbm>>
          %dma_start3A_53 = arith.constant 0 : i32
          %dma_start3A_54 = tpu.memref_slice %arg3[%arg0, %mul3A_50, %dma_start3A_53] : memref<2x80000x128xf32, #tpu.memory_space<hbm>> -> memref<1x128x128xf32, #tpu.memory_space<hbm>>
          %dma_start3A_55 = tpu.memref_squeeze %dma_start3A_54 : memref<1x128x128xf32, #tpu.memory_space<hbm>> -> memref<128x128xf32, #tpu.memory_space<hbm>>
          tpu.enqueue_dma source(%dma_start3A_55 : memref<128x128xf32, #tpu.memory_space<hbm>>) target(%arg6 : memref<128x128xf32, #tpu.memory_space<vmem>>) target_semaphore(%run_scoped3A : memref<!tpu.dma_semaphore, #tpu.memory_space<semaphore_mem>>)
          %dma_wait3A = arith.constant 0 : i32
          %dma_wait3A_56 = tpu.memref_slice %arg3[%arg0, %mul3A_50, %dma_wait3A] : memref<2x80000x128xf32, #tpu.memory_space<hbm>> -> memref<1x128x128xf32, #tpu.memory_space<hbm>>
          %dma_wait3A_57 = tpu.memref_squeeze %dma_wait3A_56 : memref<1x128x128xf32, #tpu.memory_space<hbm>> -> memref<128x128xf32, #tpu.memory_space<hbm>>
          %dma_wait3A_58 = arith.constant 0 : i32
          %dma_wait3A_59 = tpu.memref_slice %arg3[%arg0, %mul3A_50, %dma_wait3A_58] : memref<2x80000x128xf32, #tpu.memory_space<hbm>> -> memref<1x128x128xf32, #tpu.memory_space<hbm>>
          %dma_wait3A_60 = tpu.memref_squeeze %dma_wait3A_59 : memref<1x128x128xf32, #tpu.memory_space<hbm>> -> memref<128x128xf32, #tpu.memory_space<hbm>>
          tpu.wait_dma2 semaphore(%run_scoped3A : memref<!tpu.dma_semaphore, #tpu.memory_space<semaphore_mem>>) src(%dma_wait3A_60 : memref<128x128xf32, #tpu.memory_space<hbm>>) dst(%arg6 : memref<128x128xf32, #tpu.memory_space<vmem>>)
          tpu.yield
        }) : () -> ()
        "tpu.region"() ({
          %run_scoped3A = tpu.sem_alloc : memref<!tpu.dma_semaphore, #tpu.memory_space<semaphore_mem>>
          %dma_start3A = arith.constant 0 : i32
          %dma_start3A_51 = arith.constant 0 : i32
          %dma_start3A_52 = tpu.memref_slice %arg7[%dma_start3A, %dma_start3A_51] : memref<10000x128xf32, #tpu.memory_space<vmem_shared>> -> memref<10000x128xf32, #tpu.memory_space<vmem_shared>>
          tpu.enqueue_indirect_dma source(%arg6 : memref<128x128xf32, #tpu.memory_space<vmem>>) target(%dma_start3A_52 : memref<10000x128xf32, #tpu.memory_space<vmem_shared>>) offsets(%arg5 : memref<128xi32, #tpu.memory_space<vmem>>) semaphore(%run_scoped3A : memref<!tpu.dma_semaphore, #tpu.memory_space<semaphore_mem>>) {add = true}
          %dma_wait3A = arith.constant 0 : i32
          %dma_wait3A_53 = arith.constant 0 : i32
          %dma_wait3A_54 = tpu.memref_slice %arg7[%dma_wait3A, %dma_wait3A_53] : memref<10000x128xf32, #tpu.memory_space<vmem_shared>> -> memref<10000x128xf32, #tpu.memory_space<vmem_shared>>
          tpu.wait_indirect_dma semaphore(%run_scoped3A : memref<!tpu.dma_semaphore, #tpu.memory_space<semaphore_mem>>) src(%arg6 : memref<128x128xf32, #tpu.memory_space<vmem>>) dst(%dma_wait3A_54 : memref<10000x128xf32, #tpu.memory_space<vmem_shared>>)
          tpu.yield
        }) : () -> ()
      } else {
      }
    }
    %scan3A_20 = arith.constant 40 : i32
    %barrier3A_21 = arith.constant 0 : index
    tpu.barrier barrier_id(%barrier3A_21)
    %add3A_22 = arith.constant 0 : i32
    %add3A_23 = arith.addi %mul3A_4, %add3A_22 : i32
    "tpu.region"() ({
      %run_scoped3A = tpu.sem_alloc : memref<!tpu.dma_semaphore, #tpu.memory_space<semaphore_mem>>
      %dma_start3A = arith.constant 0 : i32
      %dma_start3A_37 = arith.constant 0 : i32
      %dma_start3A_38 = tpu.memref_slice %arg6[%dma_start3A, %dma_start3A_37] : memref<128x128xf32, #tpu.memory_space<vmem>> -> memref<128x128xf32, #tpu.memory_space<vmem>>
      %dma_start3A_39 = arith.constant 0 : i32
      %dma_start3A_40 = tpu.memref_slice %arg7[%add3A_23, %dma_start3A_39] : memref<10000x128xf32, #tpu.memory_space<vmem_shared>> -> memref<128x128xf32, #tpu.memory_space<vmem_shared>>
      %dma_start3A_41 = arith.constant 0 : i32
      %dma_start3A_42 = arith.constant 0 : i32
      %dma_start3A_43 = tpu.memref_slice %arg6[%dma_start3A_41, %dma_start3A_42] : memref<128x128xf32, #tpu.memory_space<vmem>> -> memref<128x128xf32, #tpu.memory_space<vmem>>
      %dma_start3A_44 = arith.constant 0 : i32
      %dma_start3A_45 = tpu.memref_slice %arg7[%add3A_23, %dma_start3A_44] : memref<10000x128xf32, #tpu.memory_space<vmem_shared>> -> memref<128x128xf32, #tpu.memory_space<vmem_shared>>
      tpu.enqueue_dma source(%dma_start3A_45 : memref<128x128xf32, #tpu.memory_space<vmem_shared>>) target(%dma_start3A_43 : memref<128x128xf32, #tpu.memory_space<vmem>>) target_semaphore(%run_scoped3A : memref<!tpu.dma_semaphore, #tpu.memory_space<semaphore_mem>>)
      %dma_wait3A = arith.constant 0 : i32
      %dma_wait3A_46 = arith.constant 0 : i32
      %dma_wait3A_47 = tpu.memref_slice %arg6[%dma_wait3A, %dma_wait3A_46] : memref<128x128xf32, #tpu.memory_space<vmem>> -> memref<128x128xf32, #tpu.memory_space<vmem>>
      %dma_wait3A_48 = arith.constant 0 : i32
      %dma_wait3A_49 = tpu.memref_slice %arg7[%add3A_23, %dma_wait3A_48] : memref<10000x128xf32, #tpu.memory_space<vmem_shared>> -> memref<128x128xf32, #tpu.memory_space<vmem_shared>>
      %dma_wait3A_50 = arith.constant 0 : i32
      %dma_wait3A_51 = arith.constant 0 : i32
      %dma_wait3A_52 = tpu.memref_slice %arg6[%dma_wait3A_50, %dma_wait3A_51] : memref<128x128xf32, #tpu.memory_space<vmem>> -> memref<128x128xf32, #tpu.memory_space<vmem>>
      %dma_wait3A_53 = arith.constant 0 : i32
      %dma_wait3A_54 = tpu.memref_slice %arg7[%add3A_23, %dma_wait3A_53] : memref<10000x128xf32, #tpu.memory_space<vmem_shared>> -> memref<128x128xf32, #tpu.memory_space<vmem_shared>>
      tpu.wait_dma2 semaphore(%run_scoped3A : memref<!tpu.dma_semaphore, #tpu.memory_space<semaphore_mem>>) src(%dma_wait3A_54 : memref<128x128xf32, #tpu.memory_space<vmem_shared>>) dst(%dma_wait3A_52 : memref<128x128xf32, #tpu.memory_space<vmem>>)
      tpu.yield
    }) : () -> ()
    "tpu.region"() ({
      %run_scoped3A = tpu.sem_alloc : memref<!tpu.dma_semaphore, #tpu.memory_space<semaphore_mem>>
      %dma_start3A = arith.constant 0 : i32
      %dma_start3A_37 = arith.constant 0 : i32
      %dma_start3A_38 = tpu.memref_slice %arg6[%dma_start3A, %dma_start3A_37] : memref<128x128xf32, #tpu.memory_space<vmem>> -> memref<128x128xf32, #tpu.memory_space<vmem>>
      %dma_start3A_39 = arith.constant 0 : i32
      %dma_start3A_40 = tpu.memref_slice %arg4[%arg0, %add3A_23, %dma_start3A_39] : memref<2x10000x128xf32, #tpu.memory_space<hbm>> -> memref<1x128x128xf32, #tpu.memory_space<hbm>>
      %dma_start3A_41 = tpu.memref_squeeze %dma_start3A_40 : memref<1x128x128xf32, #tpu.memory_space<hbm>> -> memref<128x128xf32, #tpu.memory_space<hbm>>
      %dma_start3A_42 = arith.constant 0 : i32
      %dma_start3A_43 = tpu.memref_slice %arg4[%arg0, %add3A_23, %dma_start3A_42] : memref<2x10000x128xf32, #tpu.memory_space<hbm>> -> memref<1x128x128xf32, #tpu.memory_space<hbm>>
      %dma_start3A_44 = tpu.memref_squeeze %dma_start3A_43 : memref<1x128x128xf32, #tpu.memory_space<hbm>> -> memref<128x128xf32, #tpu.memory_space<hbm>>
      %dma_start3A_45 = arith.constant 0 : i32
      %dma_start3A_46 = arith.constant 0 : i32
      %dma_start3A_47 = tpu.memref_slice %arg6[%dma_start3A_45, %dma_start3A_46] : memref<128x128xf32, #tpu.memory_space<vmem>> -> memref<128x128xf32, #tpu.memory_space<vmem>>
      tpu.enqueue_dma source(%dma_start3A_47 : memref<128x128xf32, #tpu.memory_space<vmem>>) target(%dma_start3A_44 : memref<128x128xf32, #tpu.memory_space<hbm>>) target_semaphore(%run_scoped3A : memref<!tpu.dma_semaphore, #tpu.memory_space<semaphore_mem>>)
      %dma_wait3A = arith.constant 0 : i32
      %dma_wait3A_48 = arith.constant 0 : i32
      %dma_wait3A_49 = tpu.memref_slice %arg6[%dma_wait3A, %dma_wait3A_48] : memref<128x128xf32, #tpu.memory_space<vmem>> -> memref<128x128xf32, #tpu.memory_space<vmem>>
      %dma_wait3A_50 = arith.constant 0 : i32
      %dma_wait3A_51 = tpu.memref_slice %arg4[%arg0, %add3A_23, %dma_wait3A_50] : memref<2x10000x128xf32, #tpu.memory_space<hbm>> -> memref<1x128x128xf32, #tpu.memory_space<hbm>>
      %dma_wait3A_52 = tpu.memref_squeeze %dma_wait3A_51 : memref<1x128x128xf32, #tpu.memory_space<hbm>> -> memref<128x128xf32, #tpu.memory_space<hbm>>
      %dma_wait3A_53 = arith.constant 0 : i32
      %dma_wait3A_54 = tpu.memref_slice %arg4[%arg0, %add3A_23, %dma_wait3A_53] : memref<2x10000x128xf32, #tpu.memory_space<hbm>> -> memref<1x128x128xf32, #tpu.memory_space<hbm>>
      %dma_wait3A_55 = tpu.memref_squeeze %dma_wait3A_54 : memref<1x128x128xf32, #tpu.memory_space<hbm>> -> memref<128x128xf32, #tpu.memory_space<hbm>>
      %dma_wait3A_56 = arith.constant 0 : i32
      %dma_wait3A_57 = arith.constant 0 : i32
      %dma_wait3A_58 = tpu.memref_slice %arg6[%dma_wait3A_56, %dma_wait3A_57] : memref<128x128xf32, #tpu.memory_space<vmem>> -> memref<128x128xf32, #tpu.memory_space<vmem>>
      tpu.wait_dma2 semaphore(%run_scoped3A : memref<!tpu.dma_semaphore, #tpu.memory_space<semaphore_mem>>) src(%dma_wait3A_58 : memref<128x128xf32, #tpu.memory_space<vmem>>) dst(%dma_wait3A_55 : memref<128x128xf32, #tpu.memory_space<hbm>>)
      tpu.yield
    }) : () -> ()
    %add3A_24 = arith.constant 128 : i32
    %add3A_25 = arith.addi %mul3A_4, %add3A_24 : i32
    "tpu.region"() ({
      %run_scoped3A = tpu.sem_alloc : memref<!tpu.dma_semaphore, #tpu.memory_space<semaphore_mem>>
      %dma_start3A = arith.constant 0 : i32
      %dma_start3A_37 = arith.constant 0 : i32
      %dma_start3A_38 = tpu.memref_slice %arg6[%dma_start3A, %dma_start3A_37] : memref<128x128xf32, #tpu.memory_space<vmem>> -> memref<128x128xf32, #tpu.memory_space<vmem>>
      %dma_start3A_39 = arith.constant 0 : i32
      %dma_start3A_40 = tpu.memref_slice %arg7[%add3A_25, %dma_start3A_39] : memref<10000x128xf32, #tpu.memory_space<vmem_shared>> -> memref<128x128xf32, #tpu.memory_space<vmem_shared>>
      %dma_start3A_41 = arith.constant 0 : i32
      %dma_start3A_42 = arith.constant 0 : i32
      %dma_start3A_43 = tpu.memref_slice %arg6[%dma_start3A_41, %dma_start3A_42] : memref<128x128xf32, #tpu.memory_space<vmem>> -> memref<128x128xf32, #tpu.memory_space<vmem>>
      %dma_start3A_44 = arith.constant 0 : i32
      %dma_start3A_45 = tpu.memref_slice %arg7[%add3A_25, %dma_start3A_44] : memref<10000x128xf32, #tpu.memory_space<vmem_shared>> -> memref<128x128xf32, #tpu.memory_space<vmem_shared>>
      tpu.enqueue_dma source(%dma_start3A_45 : memref<128x128xf32, #tpu.memory_space<vmem_shared>>) target(%dma_start3A_43 : memref<128x128xf32, #tpu.memory_space<vmem>>) target_semaphore(%run_scoped3A : memref<!tpu.dma_semaphore, #tpu.memory_space<semaphore_mem>>)
      %dma_wait3A = arith.constant 0 : i32
      %dma_wait3A_46 = arith.constant 0 : i32
      %dma_wait3A_47 = tpu.memref_slice %arg6[%dma_wait3A, %dma_wait3A_46] : memref<128x128xf32, #tpu.memory_space<vmem>> -> memref<128x128xf32, #tpu.memory_space<vmem>>
      %dma_wait3A_48 = arith.constant 0 : i32
      %dma_wait3A_49 = tpu.memref_slice %arg7[%add3A_25, %dma_wait3A_48] : memref<10000x128xf32, #tpu.memory_space<vmem_shared>> -> memref<128x128xf32, #tpu.memory_space<vmem_shared>>
      %dma_wait3A_50 = arith.constant 0 : i32
      %dma_wait3A_51 = arith.constant 0 : i32
      %dma_wait3A_52 = tpu.memref_slice %arg6[%dma_wait3A_50, %dma_wait3A_51] : memref<128x128xf32, #tpu.memory_space<vmem>> -> memref<128x128xf32, #tpu.memory_space<vmem>>
      %dma_wait3A_53 = arith.constant 0 : i32
      %dma_wait3A_54 = tpu.memref_slice %arg7[%add3A_25, %dma_wait3A_53] : memref<10000x128xf32, #tpu.memory_space<vmem_shared>> -> memref<128x128xf32, #tpu.memory_space<vmem_shared>>
      tpu.wait_dma2 semaphore(%run_scoped3A : memref<!tpu.dma_semaphore, #tpu.memory_space<semaphore_mem>>) src(%dma_wait3A_54 : memref<128x128xf32, #tpu.memory_space<vmem_shared>>) dst(%dma_wait3A_52 : memref<128x128xf32, #tpu.memory_space<vmem>>)
      tpu.yield
    }) : () -> ()
    "tpu.region"() ({
      %run_scoped3A = tpu.sem_alloc : memref<!tpu.dma_semaphore, #tpu.memory_space<semaphore_mem>>
      %dma_start3A = arith.constant 0 : i32
      %dma_start3A_37 = arith.constant 0 : i32
      %dma_start3A_38 = tpu.memref_slice %arg6[%dma_start3A, %dma_start3A_37] : memref<128x128xf32, #tpu.memory_space<vmem>> -> memref<128x128xf32, #tpu.memory_space<vmem>>
      %dma_start3A_39 = arith.constant 0 : i32
      %dma_start3A_40 = tpu.memref_slice %arg4[%arg0, %add3A_25, %dma_start3A_39] : memref<2x10000x128xf32, #tpu.memory_space<hbm>> -> memref<1x128x128xf32, #tpu.memory_space<hbm>>
      %dma_start3A_41 = tpu.memref_squeeze %dma_start3A_40 : memref<1x128x128xf32, #tpu.memory_space<hbm>> -> memref<128x128xf32, #tpu.memory_space<hbm>>
      %dma_start3A_42 = arith.constant 0 : i32
      %dma_start3A_43 = tpu.memref_slice %arg4[%arg0, %add3A_25, %dma_start3A_42] : memref<2x10000x128xf32, #tpu.memory_space<hbm>> -> memref<1x128x128xf32, #tpu.memory_space<hbm>>
      %dma_start3A_44 = tpu.memref_squeeze %dma_start3A_43 : memref<1x128x128xf32, #tpu.memory_space<hbm>> -> memref<128x128xf32, #tpu.memory_space<hbm>>
      %dma_start3A_45 = arith.constant 0 : i32
      %dma_start3A_46 = arith.constant 0 : i32
      %dma_start3A_47 = tpu.memref_slice %arg6[%dma_start3A_45, %dma_start3A_46] : memref<128x128xf32, #tpu.memory_space<vmem>> -> memref<128x128xf32, #tpu.memory_space<vmem>>
      tpu.enqueue_dma source(%dma_start3A_47 : memref<128x128xf32, #tpu.memory_space<vmem>>) target(%dma_start3A_44 : memref<128x128xf32, #tpu.memory_space<hbm>>) target_semaphore(%run_scoped3A : memref<!tpu.dma_semaphore, #tpu.memory_space<semaphore_mem>>)
      %dma_wait3A = arith.constant 0 : i32
      %dma_wait3A_48 = arith.constant 0 : i32
      %dma_wait3A_49 = tpu.memref_slice %arg6[%dma_wait3A, %dma_wait3A_48] : memref<128x128xf32, #tpu.memory_space<vmem>> -> memref<128x128xf32, #tpu.memory_space<vmem>>
      %dma_wait3A_50 = arith.constant 0 : i32
      %dma_wait3A_51 = tpu.memref_slice %arg4[%arg0, %add3A_25, %dma_wait3A_50] : memref<2x10000x128xf32, #tpu.memory_space<hbm>> -> memref<1x128x128xf32, #tpu.memory_space<hbm>>
      %dma_wait3A_52 = tpu.memref_squeeze %dma_wait3A_51 : memref<1x128x128xf32, #tpu.memory_space<hbm>> -> memref<128x128xf32, #tpu.memory_space<hbm>>
      %dma_wait3A_53 = arith.constant 0 : i32
      %dma_wait3A_54 = tpu.memref_slice %arg4[%arg0, %add3A_25, %dma_wait3A_53] : memref<2x10000x128xf32, #tpu.memory_space<hbm>> -> memref<1x128x128xf32, #tpu.memory_space<hbm>>
      %dma_wait3A_55 = tpu.memref_squeeze %dma_wait3A_54 : memref<1x128x128xf32, #tpu.memory_space<hbm>> -> memref<128x128xf32, #tpu.memory_space<hbm>>
      %dma_wait3A_56 = arith.constant 0 : i32
      %dma_wait3A_57 = arith.constant 0 : i32
      %dma_wait3A_58 = tpu.memref_slice %arg6[%dma_wait3A_56, %dma_wait3A_57] : memref<128x128xf32, #tpu.memory_space<vmem>> -> memref<128x128xf32, #tpu.memory_space<vmem>>
      tpu.wait_dma2 semaphore(%run_scoped3A : memref<!tpu.dma_semaphore, #tpu.memory_space<semaphore_mem>>) src(%dma_wait3A_58 : memref<128x128xf32, #tpu.memory_space<vmem>>) dst(%dma_wait3A_55 : memref<128x128xf32, #tpu.memory_space<hbm>>)
      tpu.yield
    }) : () -> ()
    %add3A_26 = arith.constant 256 : i32
    %add3A_27 = arith.addi %mul3A_4, %add3A_26 : i32
    "tpu.region"() ({
      %run_scoped3A = tpu.sem_alloc : memref<!tpu.dma_semaphore, #tpu.memory_space<semaphore_mem>>
      %dma_start3A = arith.constant 0 : i32
      %dma_start3A_37 = arith.constant 0 : i32
      %dma_start3A_38 = tpu.memref_slice %arg6[%dma_start3A, %dma_start3A_37] : memref<128x128xf32, #tpu.memory_space<vmem>> -> memref<128x128xf32, #tpu.memory_space<vmem>>
      %dma_start3A_39 = arith.constant 0 : i32
      %dma_start3A_40 = tpu.memref_slice %arg7[%add3A_27, %dma_start3A_39] : memref<10000x128xf32, #tpu.memory_space<vmem_shared>> -> memref<128x128xf32, #tpu.memory_space<vmem_shared>>
      %dma_start3A_41 = arith.constant 0 : i32
      %dma_start3A_42 = arith.constant 0 : i32
      %dma_start3A_43 = tpu.memref_slice %arg6[%dma_start3A_41, %dma_start3A_42] : memref<128x128xf32, #tpu.memory_space<vmem>> -> memref<128x128xf32, #tpu.memory_space<vmem>>
      %dma_start3A_44 = arith.constant 0 : i32
      %dma_start3A_45 = tpu.memref_slice %arg7[%add3A_27, %dma_start3A_44] : memref<10000x128xf32, #tpu.memory_space<vmem_shared>> -> memref<128x128xf32, #tpu.memory_space<vmem_shared>>
      tpu.enqueue_dma source(%dma_start3A_45 : memref<128x128xf32, #tpu.memory_space<vmem_shared>>) target(%dma_start3A_43 : memref<128x128xf32, #tpu.memory_space<vmem>>) target_semaphore(%run_scoped3A : memref<!tpu.dma_semaphore, #tpu.memory_space<semaphore_mem>>)
      %dma_wait3A = arith.constant 0 : i32
      %dma_wait3A_46 = arith.constant 0 : i32
      %dma_wait3A_47 = tpu.memref_slice %arg6[%dma_wait3A, %dma_wait3A_46] : memref<128x128xf32, #tpu.memory_space<vmem>> -> memref<128x128xf32, #tpu.memory_space<vmem>>
      %dma_wait3A_48 = arith.constant 0 : i32
      %dma_wait3A_49 = tpu.memref_slice %arg7[%add3A_27, %dma_wait3A_48] : memref<10000x128xf32, #tpu.memory_space<vmem_shared>> -> memref<128x128xf32, #tpu.memory_space<vmem_shared>>
      %dma_wait3A_50 = arith.constant 0 : i32
      %dma_wait3A_51 = arith.constant 0 : i32
      %dma_wait3A_52 = tpu.memref_slice %arg6[%dma_wait3A_50, %dma_wait3A_51] : memref<128x128xf32, #tpu.memory_space<vmem>> -> memref<128x128xf32, #tpu.memory_space<vmem>>
      %dma_wait3A_53 = arith.constant 0 : i32
      %dma_wait3A_54 = tpu.memref_slice %arg7[%add3A_27, %dma_wait3A_53] : memref<10000x128xf32, #tpu.memory_space<vmem_shared>> -> memref<128x128xf32, #tpu.memory_space<vmem_shared>>
      tpu.wait_dma2 semaphore(%run_scoped3A : memref<!tpu.dma_semaphore, #tpu.memory_space<semaphore_mem>>) src(%dma_wait3A_54 : memref<128x128xf32, #tpu.memory_space<vmem_shared>>) dst(%dma_wait3A_52 : memref<128x128xf32, #tpu.memory_space<vmem>>)
      tpu.yield
    }) : () -> ()
    "tpu.region"() ({
      %run_scoped3A = tpu.sem_alloc : memref<!tpu.dma_semaphore, #tpu.memory_space<semaphore_mem>>
      %dma_start3A = arith.constant 0 : i32
      %dma_start3A_37 = arith.constant 0 : i32
      %dma_start3A_38 = tpu.memref_slice %arg6[%dma_start3A, %dma_start3A_37] : memref<128x128xf32, #tpu.memory_space<vmem>> -> memref<128x128xf32, #tpu.memory_space<vmem>>
      %dma_start3A_39 = arith.constant 0 : i32
      %dma_start3A_40 = tpu.memref_slice %arg4[%arg0, %add3A_27, %dma_start3A_39] : memref<2x10000x128xf32, #tpu.memory_space<hbm>> -> memref<1x128x128xf32, #tpu.memory_space<hbm>>
      %dma_start3A_41 = tpu.memref_squeeze %dma_start3A_40 : memref<1x128x128xf32, #tpu.memory_space<hbm>> -> memref<128x128xf32, #tpu.memory_space<hbm>>
      %dma_start3A_42 = arith.constant 0 : i32
      %dma_start3A_43 = tpu.memref_slice %arg4[%arg0, %add3A_27, %dma_start3A_42] : memref<2x10000x128xf32, #tpu.memory_space<hbm>> -> memref<1x128x128xf32, #tpu.memory_space<hbm>>
      %dma_start3A_44 = tpu.memref_squeeze %dma_start3A_43 : memref<1x128x128xf32, #tpu.memory_space<hbm>> -> memref<128x128xf32, #tpu.memory_space<hbm>>
      %dma_start3A_45 = arith.constant 0 : i32
      %dma_start3A_46 = arith.constant 0 : i32
      %dma_start3A_47 = tpu.memref_slice %arg6[%dma_start3A_45, %dma_start3A_46] : memref<128x128xf32, #tpu.memory_space<vmem>> -> memref<128x128xf32, #tpu.memory_space<vmem>>
      tpu.enqueue_dma source(%dma_start3A_47 : memref<128x128xf32, #tpu.memory_space<vmem>>) target(%dma_start3A_44 : memref<128x128xf32, #tpu.memory_space<hbm>>) target_semaphore(%run_scoped3A : memref<!tpu.dma_semaphore, #tpu.memory_space<semaphore_mem>>)
      %dma_wait3A = arith.constant 0 : i32
      %dma_wait3A_48 = arith.constant 0 : i32
      %dma_wait3A_49 = tpu.memref_slice %arg6[%dma_wait3A, %dma_wait3A_48] : memref<128x128xf32, #tpu.memory_space<vmem>> -> memref<128x128xf32, #tpu.memory_space<vmem>>
      %dma_wait3A_50 = arith.constant 0 : i32
      %dma_wait3A_51 = tpu.memref_slice %arg4[%arg0, %add3A_27, %dma_wait3A_50] : memref<2x10000x128xf32, #tpu.memory_space<hbm>> -> memref<1x128x128xf32, #tpu.memory_space<hbm>>
      %dma_wait3A_52 = tpu.memref_squeeze %dma_wait3A_51 : memref<1x128x128xf32, #tpu.memory_space<hbm>> -> memref<128x128xf32, #tpu.memory_space<hbm>>
      %dma_wait3A_53 = arith.constant 0 : i32
      %dma_wait3A_54 = tpu.memref_slice %arg4[%arg0, %add3A_27, %dma_wait3A_53] : memref<2x10000x128xf32, #tpu.memory_space<hbm>> -> memref<1x128x128xf32, #tpu.memory_space<hbm>>
      %dma_wait3A_55 = tpu.memref_squeeze %dma_wait3A_54 : memref<1x128x128xf32, #tpu.memory_space<hbm>> -> memref<128x128xf32, #tpu.memory_space<hbm>>
      %dma_wait3A_56 = arith.constant 0 : i32
      %dma_wait3A_57 = arith.constant 0 : i32
      %dma_wait3A_58 = tpu.memref_slice %arg6[%dma_wait3A_56, %dma_wait3A_57] : memref<128x128xf32, #tpu.memory_space<vmem>> -> memref<128x128xf32, #tpu.memory_space<vmem>>
      tpu.wait_dma2 semaphore(%run_scoped3A : memref<!tpu.dma_semaphore, #tpu.memory_space<semaphore_mem>>) src(%dma_wait3A_58 : memref<128x128xf32, #tpu.memory_space<vmem>>) dst(%dma_wait3A_55 : memref<128x128xf32, #tpu.memory_space<hbm>>)
      tpu.yield
    }) : () -> ()
    %add3A_28 = arith.constant 384 : i32
    %add3A_29 = arith.addi %mul3A_4, %add3A_28 : i32
    "tpu.region"() ({
      %run_scoped3A = tpu.sem_alloc : memref<!tpu.dma_semaphore, #tpu.memory_space<semaphore_mem>>
      %dma_start3A = arith.constant 0 : i32
      %dma_start3A_37 = arith.constant 0 : i32
      %dma_start3A_38 = tpu.memref_slice %arg6[%dma_start3A, %dma_start3A_37] : memref<128x128xf32, #tpu.memory_space<vmem>> -> memref<128x128xf32, #tpu.memory_space<vmem>>
      %dma_start3A_39 = arith.constant 0 : i32
      %dma_start3A_40 = tpu.memref_slice %arg7[%add3A_29, %dma_start3A_39] : memref<10000x128xf32, #tpu.memory_space<vmem_shared>> -> memref<128x128xf32, #tpu.memory_space<vmem_shared>>
      %dma_start3A_41 = arith.constant 0 : i32
      %dma_start3A_42 = arith.constant 0 : i32
      %dma_start3A_43 = tpu.memref_slice %arg6[%dma_start3A_41, %dma_start3A_42] : memref<128x128xf32, #tpu.memory_space<vmem>> -> memref<128x128xf32, #tpu.memory_space<vmem>>
      %dma_start3A_44 = arith.constant 0 : i32
      %dma_start3A_45 = tpu.memref_slice %arg7[%add3A_29, %dma_start3A_44] : memref<10000x128xf32, #tpu.memory_space<vmem_shared>> -> memref<128x128xf32, #tpu.memory_space<vmem_shared>>
      tpu.enqueue_dma source(%dma_start3A_45 : memref<128x128xf32, #tpu.memory_space<vmem_shared>>) target(%dma_start3A_43 : memref<128x128xf32, #tpu.memory_space<vmem>>) target_semaphore(%run_scoped3A : memref<!tpu.dma_semaphore, #tpu.memory_space<semaphore_mem>>)
      %dma_wait3A = arith.constant 0 : i32
      %dma_wait3A_46 = arith.constant 0 : i32
      %dma_wait3A_47 = tpu.memref_slice %arg6[%dma_wait3A, %dma_wait3A_46] : memref<128x128xf32, #tpu.memory_space<vmem>> -> memref<128x128xf32, #tpu.memory_space<vmem>>
      %dma_wait3A_48 = arith.constant 0 : i32
      %dma_wait3A_49 = tpu.memref_slice %arg7[%add3A_29, %dma_wait3A_48] : memref<10000x128xf32, #tpu.memory_space<vmem_shared>> -> memref<128x128xf32, #tpu.memory_space<vmem_shared>>
      %dma_wait3A_50 = arith.constant 0 : i32
      %dma_wait3A_51 = arith.constant 0 : i32
      %dma_wait3A_52 = tpu.memref_slice %arg6[%dma_wait3A_50, %dma_wait3A_51] : memref<128x128xf32, #tpu.memory_space<vmem>> -> memref<128x128xf32, #tpu.memory_space<vmem>>
      %dma_wait3A_53 = arith.constant 0 : i32
      %dma_wait3A_54 = tpu.memref_slice %arg7[%add3A_29, %dma_wait3A_53] : memref<10000x128xf32, #tpu.memory_space<vmem_shared>> -> memref<128x128xf32, #tpu.memory_space<vmem_shared>>
      tpu.wait_dma2 semaphore(%run_scoped3A : memref<!tpu.dma_semaphore, #tpu.memory_space<semaphore_mem>>) src(%dma_wait3A_54 : memref<128x128xf32, #tpu.memory_space<vmem_shared>>) dst(%dma_wait3A_52 : memref<128x128xf32, #tpu.memory_space<vmem>>)
      tpu.yield
    }) : () -> ()
    "tpu.region"() ({
      %run_scoped3A = tpu.sem_alloc : memref<!tpu.dma_semaphore, #tpu.memory_space<semaphore_mem>>
      %dma_start3A = arith.constant 0 : i32
      %dma_start3A_37 = arith.constant 0 : i32
      %dma_start3A_38 = tpu.memref_slice %arg6[%dma_start3A, %dma_start3A_37] : memref<128x128xf32, #tpu.memory_space<vmem>> -> memref<128x128xf32, #tpu.memory_space<vmem>>
      %dma_start3A_39 = arith.constant 0 : i32
      %dma_start3A_40 = tpu.memref_slice %arg4[%arg0, %add3A_29, %dma_start3A_39] : memref<2x10000x128xf32, #tpu.memory_space<hbm>> -> memref<1x128x128xf32, #tpu.memory_space<hbm>>
      %dma_start3A_41 = tpu.memref_squeeze %dma_start3A_40 : memref<1x128x128xf32, #tpu.memory_space<hbm>> -> memref<128x128xf32, #tpu.memory_space<hbm>>
      %dma_start3A_42 = arith.constant 0 : i32
      %dma_start3A_43 = tpu.memref_slice %arg4[%arg0, %add3A_29, %dma_start3A_42] : memref<2x10000x128xf32, #tpu.memory_space<hbm>> -> memref<1x128x128xf32, #tpu.memory_space<hbm>>
      %dma_start3A_44 = tpu.memref_squeeze %dma_start3A_43 : memref<1x128x128xf32, #tpu.memory_space<hbm>> -> memref<128x128xf32, #tpu.memory_space<hbm>>
      %dma_start3A_45 = arith.constant 0 : i32
      %dma_start3A_46 = arith.constant 0 : i32
      %dma_start3A_47 = tpu.memref_slice %arg6[%dma_start3A_45, %dma_start3A_46] : memref<128x128xf32, #tpu.memory_space<vmem>> -> memref<128x128xf32, #tpu.memory_space<vmem>>
      tpu.enqueue_dma source(%dma_start3A_47 : memref<128x128xf32, #tpu.memory_space<vmem>>) target(%dma_start3A_44 : memref<128x128xf32, #tpu.memory_space<hbm>>) target_semaphore(%run_scoped3A : memref<!tpu.dma_semaphore, #tpu.memory_space<semaphore_mem>>)
      %dma_wait3A = arith.constant 0 : i32
      %dma_wait3A_48 = arith.constant 0 : i32
      %dma_wait3A_49 = tpu.memref_slice %arg6[%dma_wait3A, %dma_wait3A_48] : memref<128x128xf32, #tpu.memory_space<vmem>> -> memref<128x128xf32, #tpu.memory_space<vmem>>
      %dma_wait3A_50 = arith.constant 0 : i32
      %dma_wait3A_51 = tpu.memref_slice %arg4[%arg0, %add3A_29, %dma_wait3A_50] : memref<2x10000x128xf32, #tpu.memory_space<hbm>> -> memref<1x128x128xf32, #tpu.memory_space<hbm>>
      %dma_wait3A_52 = tpu.memref_squeeze %dma_wait3A_51 : memref<1x128x128xf32, #tpu.memory_space<hbm>> -> memref<128x128xf32, #tpu.memory_space<hbm>>
      %dma_wait3A_53 = arith.constant 0 : i32
      %dma_wait3A_54 = tpu.memref_slice %arg4[%arg0, %add3A_29, %dma_wait3A_53] : memref<2x10000x128xf32, #tpu.memory_space<hbm>> -> memref<1x128x128xf32, #tpu.memory_space<hbm>>
      %dma_wait3A_55 = tpu.memref_squeeze %dma_wait3A_54 : memref<1x128x128xf32, #tpu.memory_space<hbm>> -> memref<128x128xf32, #tpu.memory_space<hbm>>
      %dma_wait3A_56 = arith.constant 0 : i32
      %dma_wait3A_57 = arith.constant 0 : i32
      %dma_wait3A_58 = tpu.memref_slice %arg6[%dma_wait3A_56, %dma_wait3A_57] : memref<128x128xf32, #tpu.memory_space<vmem>> -> memref<128x128xf32, #tpu.memory_space<vmem>>
      tpu.wait_dma2 semaphore(%run_scoped3A : memref<!tpu.dma_semaphore, #tpu.memory_space<semaphore_mem>>) src(%dma_wait3A_58 : memref<128x128xf32, #tpu.memory_space<vmem>>) dst(%dma_wait3A_55 : memref<128x128xf32, #tpu.memory_space<hbm>>)
      tpu.yield
    }) : () -> ()
    %add3A_30 = arith.constant 512 : i32
    %add3A_31 = arith.addi %mul3A_4, %add3A_30 : i32
    "tpu.region"() ({
      %run_scoped3A = tpu.sem_alloc : memref<!tpu.dma_semaphore, #tpu.memory_space<semaphore_mem>>
      %dma_start3A = arith.constant 0 : i32
      %dma_start3A_37 = arith.constant 0 : i32
      %dma_start3A_38 = tpu.memref_slice %arg6[%dma_start3A, %dma_start3A_37] : memref<128x128xf32, #tpu.memory_space<vmem>> -> memref<112x128xf32, #tpu.memory_space<vmem>>
      %dma_start3A_39 = arith.constant 0 : i32
      %dma_start3A_40 = tpu.memref_slice %arg7[%add3A_31, %dma_start3A_39] : memref<10000x128xf32, #tpu.memory_space<vmem_shared>> -> memref<112x128xf32, #tpu.memory_space<vmem_shared>>
      %dma_start3A_41 = arith.constant 0 : i32
      %dma_start3A_42 = arith.constant 0 : i32
      %dma_start3A_43 = tpu.memref_slice %arg6[%dma_start3A_41, %dma_start3A_42] : memref<128x128xf32, #tpu.memory_space<vmem>> -> memref<112x128xf32, #tpu.memory_space<vmem>>
      %dma_start3A_44 = arith.constant 0 : i32
      %dma_start3A_45 = tpu.memref_slice %arg7[%add3A_31, %dma_start3A_44] : memref<10000x128xf32, #tpu.memory_space<vmem_shared>> -> memref<112x128xf32, #tpu.memory_space<vmem_shared>>
      tpu.enqueue_dma source(%dma_start3A_45 : memref<112x128xf32, #tpu.memory_space<vmem_shared>>) target(%dma_start3A_43 : memref<112x128xf32, #tpu.memory_space<vmem>>) target_semaphore(%run_scoped3A : memref<!tpu.dma_semaphore, #tpu.memory_space<semaphore_mem>>)
      %dma_wait3A = arith.constant 0 : i32
      %dma_wait3A_46 = arith.constant 0 : i32
      %dma_wait3A_47 = tpu.memref_slice %arg6[%dma_wait3A, %dma_wait3A_46] : memref<128x128xf32, #tpu.memory_space<vmem>> -> memref<112x128xf32, #tpu.memory_space<vmem>>
      %dma_wait3A_48 = arith.constant 0 : i32
      %dma_wait3A_49 = tpu.memref_slice %arg7[%add3A_31, %dma_wait3A_48] : memref<10000x128xf32, #tpu.memory_space<vmem_shared>> -> memref<112x128xf32, #tpu.memory_space<vmem_shared>>
      %dma_wait3A_50 = arith.constant 0 : i32
      %dma_wait3A_51 = arith.constant 0 : i32
      %dma_wait3A_52 = tpu.memref_slice %arg6[%dma_wait3A_50, %dma_wait3A_51] : memref<128x128xf32, #tpu.memory_space<vmem>> -> memref<112x128xf32, #tpu.memory_space<vmem>>
      %dma_wait3A_53 = arith.constant 0 : i32
      %dma_wait3A_54 = tpu.memref_slice %arg7[%add3A_31, %dma_wait3A_53] : memref<10000x128xf32, #tpu.memory_space<vmem_shared>> -> memref<112x128xf32, #tpu.memory_space<vmem_shared>>
      tpu.wait_dma2 semaphore(%run_scoped3A : memref<!tpu.dma_semaphore, #tpu.memory_space<semaphore_mem>>) src(%dma_wait3A_54 : memref<112x128xf32, #tpu.memory_space<vmem_shared>>) dst(%dma_wait3A_52 : memref<112x128xf32, #tpu.memory_space<vmem>>)
      tpu.yield
    }) : () -> ()
    "tpu.region"() ({
      %run_scoped3A = tpu.sem_alloc : memref<!tpu.dma_semaphore, #tpu.memory_space<semaphore_mem>>
      %dma_start3A = arith.constant 0 : i32
      %dma_start3A_37 = arith.constant 0 : i32
      %dma_start3A_38 = tpu.memref_slice %arg6[%dma_start3A, %dma_start3A_37] : memref<128x128xf32, #tpu.memory_space<vmem>> -> memref<112x128xf32, #tpu.memory_space<vmem>>
      %dma_start3A_39 = arith.constant 0 : i32
      %dma_start3A_40 = tpu.memref_slice %arg4[%arg0, %add3A_31, %dma_start3A_39] : memref<2x10000x128xf32, #tpu.memory_space<hbm>> -> memref<1x112x128xf32, #tpu.memory_space<hbm>>
      %dma_start3A_41 = tpu.memref_squeeze %dma_start3A_40 : memref<1x112x128xf32, #tpu.memory_space<hbm>> -> memref<112x128xf32, #tpu.memory_space<hbm>>
      %dma_start3A_42 = arith.constant 0 : i32
      %dma_start3A_43 = tpu.memref_slice %arg4[%arg0, %add3A_31, %dma_start3A_42] : memref<2x10000x128xf32, #tpu.memory_space<hbm>> -> memref<1x112x128xf32, #tpu.memory_space<hbm>>
      %dma_start3A_44 = tpu.memref_squeeze %dma_start3A_43 : memref<1x112x128xf32, #tpu.memory_space<hbm>> -> memref<112x128xf32, #tpu.memory_space<hbm>>
      %dma_start3A_45 = arith.constant 0 : i32
      %dma_start3A_46 = arith.constant 0 : i32
      %dma_start3A_47 = tpu.memref_slice %arg6[%dma_start3A_45, %dma_start3A_46] : memref<128x128xf32, #tpu.memory_space<vmem>> -> memref<112x128xf32, #tpu.memory_space<vmem>>
      tpu.enqueue_dma source(%dma_start3A_47 : memref<112x128xf32, #tpu.memory_space<vmem>>) target(%dma_start3A_44 : memref<112x128xf32, #tpu.memory_space<hbm>>) target_semaphore(%run_scoped3A : memref<!tpu.dma_semaphore, #tpu.memory_space<semaphore_mem>>)
      %dma_wait3A = arith.constant 0 : i32
      %dma_wait3A_48 = arith.constant 0 : i32
      %dma_wait3A_49 = tpu.memref_slice %arg6[%dma_wait3A, %dma_wait3A_48] : memref<128x128xf32, #tpu.memory_space<vmem>> -> memref<112x128xf32, #tpu.memory_space<vmem>>
      %dma_wait3A_50 = arith.constant 0 : i32
      %dma_wait3A_51 = tpu.memref_slice %arg4[%arg0, %add3A_31, %dma_wait3A_50] : memref<2x10000x128xf32, #tpu.memory_space<hbm>> -> memref<1x112x128xf32, #tpu.memory_space<hbm>>
      %dma_wait3A_52 = tpu.memref_squeeze %dma_wait3A_51 : memref<1x112x128xf32, #tpu.memory_space<hbm>> -> memref<112x128xf32, #tpu.memory_space<hbm>>
      %dma_wait3A_53 = arith.constant 0 : i32
      %dma_wait3A_54 = tpu.memref_slice %arg4[%arg0, %add3A_31, %dma_wait3A_53] : memref<2x10000x128xf32, #tpu.memory_space<hbm>> -> memref<1x112x128xf32, #tpu.memory_space<hbm>>
      %dma_wait3A_55 = tpu.memref_squeeze %dma_wait3A_54 : memref<1x112x128xf32, #tpu.memory_space<hbm>> -> memref<112x128xf32, #tpu.memory_space<hbm>>
      %dma_wait3A_56 = arith.constant 0 : i32
      %dma_wait3A_57 = arith.constant 0 : i32
      %dma_wait3A_58 = tpu.memref_slice %arg6[%dma_wait3A_56, %dma_wait3A_57] : memref<128x128xf32, #tpu.memory_space<vmem>> -> memref<112x128xf32, #tpu.memory_space<vmem>>
      tpu.wait_dma2 semaphore(%run_scoped3A : memref<!tpu.dma_semaphore, #tpu.memory_space<semaphore_mem>>) src(%dma_wait3A_58 : memref<112x128xf32, #tpu.memory_space<vmem>>) dst(%dma_wait3A_55 : memref<112x128xf32, #tpu.memory_space<hbm>>)
      tpu.yield
    }) : () -> ()
    %eq3A_32 = arith.constant 15 : i32
    %eq3A_33 = arith.cmpi eq, %arg1, %eq3A_32 : i32
    %convert_element_type3A_34 = arith.extui %eq3A_33 : i1 to i32
    %cond3A_35 = arith.constant 0 : i32
    %cond3A_36 = arith.cmpi ne, %convert_element_type3A_34, %cond3A_35 : i32
    scf.if %cond3A_36 {
      "tpu.region"() ({
        %run_scoped3A = tpu.sem_alloc : memref<!tpu.dma_semaphore, #tpu.memory_space<semaphore_mem>>
        %dma_start3A = arith.constant 0 : i32
        %dma_start3A_37 = arith.constant 0 : i32
        %dma_start3A_38 = tpu.memref_slice %arg6[%dma_start3A, %dma_start3A_37] : memref<128x128xf32, #tpu.memory_space<vmem>> -> memref<16x128xf32, #tpu.memory_space<vmem>>
        %dma_start3A_39 = arith.constant 9984 : i32
        %dma_start3A_40 = arith.constant 0 : i32
        %dma_start3A_41 = tpu.memref_slice %arg7[%dma_start3A_39, %dma_start3A_40] : memref<10000x128xf32, #tpu.memory_space<vmem_shared>> -> memref<16x128xf32, #tpu.memory_space<vmem_shared>>
        %dma_start3A_42 = arith.constant 0 : i32
        %dma_start3A_43 = arith.constant 0 : i32
        %dma_start3A_44 = tpu.memref_slice %arg6[%dma_start3A_42, %dma_start3A_43] : memref<128x128xf32, #tpu.memory_space<vmem>> -> memref<16x128xf32, #tpu.memory_space<vmem>>
        %dma_start3A_45 = arith.constant 9984 : i32
        %dma_start3A_46 = arith.constant 0 : i32
        %dma_start3A_47 = tpu.memref_slice %arg7[%dma_start3A_45, %dma_start3A_46] : memref<10000x128xf32, #tpu.memory_space<vmem_shared>> -> memref<16x128xf32, #tpu.memory_space<vmem_shared>>
        tpu.enqueue_dma source(%dma_start3A_47 : memref<16x128xf32, #tpu.memory_space<vmem_shared>>) target(%dma_start3A_44 : memref<16x128xf32, #tpu.memory_space<vmem>>) target_semaphore(%run_scoped3A : memref<!tpu.dma_semaphore, #tpu.memory_space<semaphore_mem>>)
        %dma_wait3A = arith.constant 0 : i32
        %dma_wait3A_48 = arith.constant 0 : i32
        %dma_wait3A_49 = tpu.memref_slice %arg6[%dma_wait3A, %dma_wait3A_48] : memref<128x128xf32, #tpu.memory_space<vmem>> -> memref<16x128xf32, #tpu.memory_space<vmem>>
        %dma_wait3A_50 = arith.constant 9984 : i32
        %dma_wait3A_51 = arith.constant 0 : i32
        %dma_wait3A_52 = tpu.memref_slice %arg7[%dma_wait3A_50, %dma_wait3A_51] : memref<10000x128xf32, #tpu.memory_space<vmem_shared>> -> memref<16x128xf32, #tpu.memory_space<vmem_shared>>
        %dma_wait3A_53 = arith.constant 0 : i32
        %dma_wait3A_54 = arith.constant 0 : i32
        %dma_wait3A_55 = tpu.memref_slice %arg6[%dma_wait3A_53, %dma_wait3A_54] : memref<128x128xf32, #tpu.memory_space<vmem>> -> memref<16x128xf32, #tpu.memory_space<vmem>>
        %dma_wait3A_56 = arith.constant 9984 : i32
        %dma_wait3A_57 = arith.constant 0 : i32
        %dma_wait3A_58 = tpu.memref_slice %arg7[%dma_wait3A_56, %dma_wait3A_57] : memref<10000x128xf32, #tpu.memory_space<vmem_shared>> -> memref<16x128xf32, #tpu.memory_space<vmem_shared>>
        tpu.wait_dma2 semaphore(%run_scoped3A : memref<!tpu.dma_semaphore, #tpu.memory_space<semaphore_mem>>) src(%dma_wait3A_58 : memref<16x128xf32, #tpu.memory_space<vmem_shared>>) dst(%dma_wait3A_55 : memref<16x128xf32, #tpu.memory_space<vmem>>)
        tpu.yield
      }) : () -> ()
      "tpu.region"() ({
        %run_scoped3A = tpu.sem_alloc : memref<!tpu.dma_semaphore, #tpu.memory_space<semaphore_mem>>
        %dma_start3A = arith.constant 0 : i32
        %dma_start3A_37 = arith.constant 0 : i32
        %dma_start3A_38 = tpu.memref_slice %arg6[%dma_start3A, %dma_start3A_37] : memref<128x128xf32, #tpu.memory_space<vmem>> -> memref<16x128xf32, #tpu.memory_space<vmem>>
        %dma_start3A_39 = arith.constant 9984 : i32
        %dma_start3A_40 = arith.constant 0 : i32
        %dma_start3A_41 = tpu.memref_slice %arg4[%arg0, %dma_start3A_39, %dma_start3A_40] : memref<2x10000x128xf32, #tpu.memory_space<hbm>> -> memref<1x16x128xf32, #tpu.memory_space<hbm>>
        %dma_start3A_42 = tpu.memref_squeeze %dma_start3A_41 : memref<1x16x128xf32, #tpu.memory_space<hbm>> -> memref<16x128xf32, #tpu.memory_space<hbm>>
        %dma_start3A_43 = arith.constant 9984 : i32
        %dma_start3A_44 = arith.constant 0 : i32
        %dma_start3A_45 = tpu.memref_slice %arg4[%arg0, %dma_start3A_43, %dma_start3A_44] : memref<2x10000x128xf32, #tpu.memory_space<hbm>> -> memref<1x16x128xf32, #tpu.memory_space<hbm>>
        %dma_start3A_46 = tpu.memref_squeeze %dma_start3A_45 : memref<1x16x128xf32, #tpu.memory_space<hbm>> -> memref<16x128xf32, #tpu.memory_space<hbm>>
        %dma_start3A_47 = arith.constant 0 : i32
        %dma_start3A_48 = arith.constant 0 : i32
        %dma_start3A_49 = tpu.memref_slice %arg6[%dma_start3A_47, %dma_start3A_48] : memref<128x128xf32, #tpu.memory_space<vmem>> -> memref<16x128xf32, #tpu.memory_space<vmem>>
        tpu.enqueue_dma source(%dma_start3A_49 : memref<16x128xf32, #tpu.memory_space<vmem>>) target(%dma_start3A_46 : memref<16x128xf32, #tpu.memory_space<hbm>>) target_semaphore(%run_scoped3A : memref<!tpu.dma_semaphore, #tpu.memory_space<semaphore_mem>>)
        %dma_wait3A = arith.constant 0 : i32
        %dma_wait3A_50 = arith.constant 0 : i32
        %dma_wait3A_51 = tpu.memref_slice %arg6[%dma_wait3A, %dma_wait3A_50] : memref<128x128xf32, #tpu.memory_space<vmem>> -> memref<16x128xf32, #tpu.memory_space<vmem>>
        %dma_wait3A_52 = arith.constant 9984 : i32
        %dma_wait3A_53 = arith.constant 0 : i32
        %dma_wait3A_54 = tpu.memref_slice %arg4[%arg0, %dma_wait3A_52, %dma_wait3A_53] : memref<2x10000x128xf32, #tpu.memory_space<hbm>> -> memref<1x16x128xf32, #tpu.memory_space<hbm>>
        %dma_wait3A_55 = tpu.memref_squeeze %dma_wait3A_54 : memref<1x16x128xf32, #tpu.memory_space<hbm>> -> memref<16x128xf32, #tpu.memory_space<hbm>>
        %dma_wait3A_56 = arith.constant 9984 : i32
        %dma_wait3A_57 = arith.constant 0 : i32
        %dma_wait3A_58 = tpu.memref_slice %arg4[%arg0, %dma_wait3A_56, %dma_wait3A_57] : memref<2x10000x128xf32, #tpu.memory_space<hbm>> -> memref<1x16x128xf32, #tpu.memory_space<hbm>>
        %dma_wait3A_59 = tpu.memref_squeeze %dma_wait3A_58 : memref<1x16x128xf32, #tpu.memory_space<hbm>> -> memref<16x128xf32, #tpu.memory_space<hbm>>
        %dma_wait3A_60 = arith.constant 0 : i32
        %dma_wait3A_61 = arith.constant 0 : i32
        %dma_wait3A_62 = tpu.memref_slice %arg6[%dma_wait3A_60, %dma_wait3A_61] : memref<128x128xf32, #tpu.memory_space<vmem>> -> memref<16x128xf32, #tpu.memory_space<vmem>>
        tpu.wait_dma2 semaphore(%run_scoped3A : memref<!tpu.dma_semaphore, #tpu.memory_space<semaphore_mem>>) src(%dma_wait3A_62 : memref<16x128xf32, #tpu.memory_space<vmem>>) dst(%dma_wait3A_59 : memref<16x128xf32, #tpu.memory_space<hbm>>)
        tpu.yield
      }) : () -> ()
    } else {
    }
    return
  }
}

#map = affine_map<(d0, d1) -> (0)>
#map1 = affine_map<(d0, d1) -> (0, 0)>
#map2 = affine_map<(d0, d1) -> (0, 0, 0)>
module attributes {stable_mosaic.version = 14 : i64} {
  func.func @_scatter_den_sc(%arg0: i32, %arg1: i32, %arg2: memref<160000xi32, #tpu.memory_space<hbm>>, %arg3: memref<80000x128xf32, #tpu.memory_space<hbm>>, %arg4: memref<2x10000x128xf32, #tpu.memory_space<hbm>>, %arg5: memref<128xi32, #tpu.memory_space<vmem>>, %arg6: memref<128x128xf32, #tpu.memory_space<vmem>>, %arg7: memref<10000x128xf32, #tpu.memory_space<vmem_shared>>) attributes {dimension_semantics = [#tpu.dimension_semantics<core_parallel>, #tpu.dimension_semantics<subcore_parallel>], iteration_bounds = array<i64: 2, 16>, scalar_prefetch = 0 : i64, scratch_operands = 3 : i64, tpu.core_type = #tpu.core_type<sc_vector_subcore>, window_params = [{transform_indices = #map}, {transform_indices = #map1}, {transform_indices = #map2}]} {
    %mul3A = arith.constant 2 : i32
    %mul3A_0 = arith.muli %arg1, %mul3A : i32
    %add3A = arith.addi %mul3A_0, %arg0 : i32
    %scan3A = arith.constant 0 : i32
    %scan3A_1 = arith.constant 1024 : i32
    %scan3A_2 = arith.addi %scan3A, %scan3A_1 : i32
    %scan3A_3 = arith.constant 1 : i32
    scf.for %scan3A_40 = %scan3A to %scan3A_2 step %scan3A_3  : i32 {
      %broadcast_in_dim3A = arith.constant 0.000000e+00 : f32
      %broadcast_in_dim3A_41 = vector.broadcast %broadcast_in_dim3A : f32 to vector<16xf32>
      %jit3A = arith.constant 8 : i32
      %div3A = arith.divsi %scan3A_40, %jit3A : i32
      %sign3A = arith.constant 0 : i32
      %sign3A_42 = arith.cmpi sgt, %scan3A_40, %sign3A : i32
      %sign3A_43 = arith.extui %sign3A_42 : i1 to i32
      %sign3A_44 = arith.constant 0 : i32
      %sign3A_45 = arith.cmpi slt, %scan3A_40, %sign3A_44 : i32
      %sign3A_46 = arith.extui %sign3A_45 : i1 to i32
      %sign3A_47 = arith.subi %sign3A_43, %sign3A_46 : i32
      %sign3A_48 = arith.constant 0 : i32
      %sign3A_49 = arith.cmpi sgt, %jit3A, %sign3A_48 : i32
      %sign3A_50 = arith.extui %sign3A_49 : i1 to i32
      %sign3A_51 = arith.constant 0 : i32
      %sign3A_52 = arith.cmpi slt, %jit3A, %sign3A_51 : i32
      %sign3A_53 = arith.extui %sign3A_52 : i1 to i32
      %sign3A_54 = arith.subi %sign3A_50, %sign3A_53 : i32
      %ne3A = arith.cmpi ne, %sign3A_47, %sign3A_54 : i32
      %rem3A = arith.remsi %scan3A_40, %jit3A : i32
      %ne3A_55 = arith.constant 0 : i32
      %ne3A_56 = arith.cmpi ne, %rem3A, %ne3A_55 : i32
      %and3A = arith.andi %ne3A, %ne3A_56 : i1
      %sub3A = arith.constant 1 : i32
      %sub3A_57 = arith.subi %div3A, %sub3A : i32
      %select_n3A = arith.select %and3A, %sub3A_57, %div3A : i32
      %jit3A_58 = arith.constant 8 : i32
      %eq3A_59 = arith.constant 0 : i32
      %eq3A_60 = arith.cmpi eq, %jit3A_58, %eq3A_59 : i32
      %jit3A_61 = arith.constant 1 : i32
      %select_n3A_62 = arith.select %eq3A_60, %jit3A_61, %jit3A_58 : i32
      %rem3A_63 = arith.remsi %scan3A_40, %select_n3A_62 : i32
      %ne3A_64 = arith.constant 0 : i32
      %ne3A_65 = arith.cmpi ne, %rem3A_63, %ne3A_64 : i32
      %lt3A = arith.constant 0 : i32
      %lt3A_66 = arith.cmpi slt, %rem3A_63, %lt3A : i32
      %lt3A_67 = arith.constant 0 : i32
      %lt3A_68 = arith.cmpi slt, %select_n3A_62, %lt3A_67 : i32
      %ne3A_69 = arith.xori %lt3A_66, %lt3A_68 : i1
      %and3A_70 = arith.andi %ne3A_69, %ne3A_65 : i1
      %add3A_71 = arith.addi %rem3A_63, %select_n3A_62 : i32
      %select_n3A_72 = arith.select %and3A_70, %add3A_71, %rem3A_63 : i32
      %mul3A_73 = arith.constant 16 : i32
      %mul3A_74 = arith.muli %select_n3A_72, %mul3A_73 : i32
      %swap3A = arith.index_cast %select_n3A : i32 to index
      %swap3A_75 = arith.index_cast %mul3A_74 : i32 to index
      %swap3A_76 = tpu.vector_load %arg6[%swap3A, %swap3A_75] {strides = array<i32>} : memref<128x128xf32, #tpu.memory_space<vmem>>, vector<1x16xf32>,
      %swap3A_77 = vector.shape_cast %swap3A_76 : vector<1x16xf32> to vector<16xf32>
      %swap3A_78 = vector.shape_cast %broadcast_in_dim3A_41 : vector<16xf32> to vector<1x16xf32>
      tpu.vector_store %arg6[%swap3A, %swap3A_75], %swap3A_78 {strides = array<i32>} : memref<128x128xf32, #tpu.memory_space<vmem>>, vector<1x16xf32>,
    }
    %scan3A_4 = arith.constant 1024 : i32
    %mul3A_5 = arith.constant 624 : i32
    %mul3A_6 = arith.muli %arg1, %mul3A_5 : i32
    %add3A_7 = arith.constant 0 : i32
    %add3A_8 = arith.addi %mul3A_6, %add3A_7 : i32
    "tpu.region"() ({
      %run_scoped3A = tpu.sem_alloc : memref<!tpu.dma_semaphore, #tpu.memory_space<semaphore_mem>>
      %dma_start3A = arith.constant 0 : i32
      %dma_start3A_40 = tpu.memref_slice %arg7[%add3A_8, %dma_start3A] : memref<10000x128xf32, #tpu.memory_space<vmem_shared>> -> memref<128x128xf32, #tpu.memory_space<vmem_shared>>
      %dma_start3A_41 = arith.constant 0 : i32
      %dma_start3A_42 = tpu.memref_slice %arg7[%add3A_8, %dma_start3A_41] : memref<10000x128xf32, #tpu.memory_space<vmem_shared>> -> memref<128x128xf32, #tpu.memory_space<vmem_shared>>
      tpu.enqueue_dma source(%arg6 : memref<128x128xf32, #tpu.memory_space<vmem>>) target(%dma_start3A_42 : memref<128x128xf32, #tpu.memory_space<vmem_shared>>) target_semaphore(%run_scoped3A : memref<!tpu.dma_semaphore, #tpu.memory_space<semaphore_mem>>)
      %dma_wait3A = arith.constant 0 : i32
      %dma_wait3A_43 = tpu.memref_slice %arg7[%add3A_8, %dma_wait3A] : memref<10000x128xf32, #tpu.memory_space<vmem_shared>> -> memref<128x128xf32, #tpu.memory_space<vmem_shared>>
      %dma_wait3A_44 = arith.constant 0 : i32
      %dma_wait3A_45 = tpu.memref_slice %arg7[%add3A_8, %dma_wait3A_44] : memref<10000x128xf32, #tpu.memory_space<vmem_shared>> -> memref<128x128xf32, #tpu.memory_space<vmem_shared>>
      tpu.wait_dma2 semaphore(%run_scoped3A : memref<!tpu.dma_semaphore, #tpu.memory_space<semaphore_mem>>) src(%arg6 : memref<128x128xf32, #tpu.memory_space<vmem>>) dst(%dma_wait3A_45 : memref<128x128xf32, #tpu.memory_space<vmem_shared>>)
      tpu.yield
    }) : () -> ()
    %add3A_9 = arith.constant 128 : i32
    %add3A_10 = arith.addi %mul3A_6, %add3A_9 : i32
    "tpu.region"() ({
      %run_scoped3A = tpu.sem_alloc : memref<!tpu.dma_semaphore, #tpu.memory_space<semaphore_mem>>
      %dma_start3A = arith.constant 0 : i32
      %dma_start3A_40 = tpu.memref_slice %arg7[%add3A_10, %dma_start3A] : memref<10000x128xf32, #tpu.memory_space<vmem_shared>> -> memref<128x128xf32, #tpu.memory_space<vmem_shared>>
      %dma_start3A_41 = arith.constant 0 : i32
      %dma_start3A_42 = tpu.memref_slice %arg7[%add3A_10, %dma_start3A_41] : memref<10000x128xf32, #tpu.memory_space<vmem_shared>> -> memref<128x128xf32, #tpu.memory_space<vmem_shared>>
      tpu.enqueue_dma source(%arg6 : memref<128x128xf32, #tpu.memory_space<vmem>>) target(%dma_start3A_42 : memref<128x128xf32, #tpu.memory_space<vmem_shared>>) target_semaphore(%run_scoped3A : memref<!tpu.dma_semaphore, #tpu.memory_space<semaphore_mem>>)
      %dma_wait3A = arith.constant 0 : i32
      %dma_wait3A_43 = tpu.memref_slice %arg7[%add3A_10, %dma_wait3A] : memref<10000x128xf32, #tpu.memory_space<vmem_shared>> -> memref<128x128xf32, #tpu.memory_space<vmem_shared>>
      %dma_wait3A_44 = arith.constant 0 : i32
      %dma_wait3A_45 = tpu.memref_slice %arg7[%add3A_10, %dma_wait3A_44] : memref<10000x128xf32, #tpu.memory_space<vmem_shared>> -> memref<128x128xf32, #tpu.memory_space<vmem_shared>>
      tpu.wait_dma2 semaphore(%run_scoped3A : memref<!tpu.dma_semaphore, #tpu.memory_space<semaphore_mem>>) src(%arg6 : memref<128x128xf32, #tpu.memory_space<vmem>>) dst(%dma_wait3A_45 : memref<128x128xf32, #tpu.memory_space<vmem_shared>>)
      tpu.yield
    }) : () -> ()
    %add3A_11 = arith.constant 256 : i32
    %add3A_12 = arith.addi %mul3A_6, %add3A_11 : i32
    "tpu.region"() ({
      %run_scoped3A = tpu.sem_alloc : memref<!tpu.dma_semaphore, #tpu.memory_space<semaphore_mem>>
      %dma_start3A = arith.constant 0 : i32
      %dma_start3A_40 = tpu.memref_slice %arg7[%add3A_12, %dma_start3A] : memref<10000x128xf32, #tpu.memory_space<vmem_shared>> -> memref<128x128xf32, #tpu.memory_space<vmem_shared>>
      %dma_start3A_41 = arith.constant 0 : i32
      %dma_start3A_42 = tpu.memref_slice %arg7[%add3A_12, %dma_start3A_41] : memref<10000x128xf32, #tpu.memory_space<vmem_shared>> -> memref<128x128xf32, #tpu.memory_space<vmem_shared>>
      tpu.enqueue_dma source(%arg6 : memref<128x128xf32, #tpu.memory_space<vmem>>) target(%dma_start3A_42 : memref<128x128xf32, #tpu.memory_space<vmem_shared>>) target_semaphore(%run_scoped3A : memref<!tpu.dma_semaphore, #tpu.memory_space<semaphore_mem>>)
      %dma_wait3A = arith.constant 0 : i32
      %dma_wait3A_43 = tpu.memref_slice %arg7[%add3A_12, %dma_wait3A] : memref<10000x128xf32, #tpu.memory_space<vmem_shared>> -> memref<128x128xf32, #tpu.memory_space<vmem_shared>>
      %dma_wait3A_44 = arith.constant 0 : i32
      %dma_wait3A_45 = tpu.memref_slice %arg7[%add3A_12, %dma_wait3A_44] : memref<10000x128xf32, #tpu.memory_space<vmem_shared>> -> memref<128x128xf32, #tpu.memory_space<vmem_shared>>
      tpu.wait_dma2 semaphore(%run_scoped3A : memref<!tpu.dma_semaphore, #tpu.memory_space<semaphore_mem>>) src(%arg6 : memref<128x128xf32, #tpu.memory_space<vmem>>) dst(%dma_wait3A_45 : memref<128x128xf32, #tpu.memory_space<vmem_shared>>)
      tpu.yield
    }) : () -> ()
    %add3A_13 = arith.constant 384 : i32
    %add3A_14 = arith.addi %mul3A_6, %add3A_13 : i32
    "tpu.region"() ({
      %run_scoped3A = tpu.sem_alloc : memref<!tpu.dma_semaphore, #tpu.memory_space<semaphore_mem>>
      %dma_start3A = arith.constant 0 : i32
      %dma_start3A_40 = tpu.memref_slice %arg7[%add3A_14, %dma_start3A] : memref<10000x128xf32, #tpu.memory_space<vmem_shared>> -> memref<128x128xf32, #tpu.memory_space<vmem_shared>>
      %dma_start3A_41 = arith.constant 0 : i32
      %dma_start3A_42 = tpu.memref_slice %arg7[%add3A_14, %dma_start3A_41] : memref<10000x128xf32, #tpu.memory_space<vmem_shared>> -> memref<128x128xf32, #tpu.memory_space<vmem_shared>>
      tpu.enqueue_dma source(%arg6 : memref<128x128xf32, #tpu.memory_space<vmem>>) target(%dma_start3A_42 : memref<128x128xf32, #tpu.memory_space<vmem_shared>>) target_semaphore(%run_scoped3A : memref<!tpu.dma_semaphore, #tpu.memory_space<semaphore_mem>>)
      %dma_wait3A = arith.constant 0 : i32
      %dma_wait3A_43 = tpu.memref_slice %arg7[%add3A_14, %dma_wait3A] : memref<10000x128xf32, #tpu.memory_space<vmem_shared>> -> memref<128x128xf32, #tpu.memory_space<vmem_shared>>
      %dma_wait3A_44 = arith.constant 0 : i32
      %dma_wait3A_45 = tpu.memref_slice %arg7[%add3A_14, %dma_wait3A_44] : memref<10000x128xf32, #tpu.memory_space<vmem_shared>> -> memref<128x128xf32, #tpu.memory_space<vmem_shared>>
      tpu.wait_dma2 semaphore(%run_scoped3A : memref<!tpu.dma_semaphore, #tpu.memory_space<semaphore_mem>>) src(%arg6 : memref<128x128xf32, #tpu.memory_space<vmem>>) dst(%dma_wait3A_45 : memref<128x128xf32, #tpu.memory_space<vmem_shared>>)
      tpu.yield
    }) : () -> ()
    %add3A_15 = arith.constant 512 : i32
    %add3A_16 = arith.addi %mul3A_6, %add3A_15 : i32
    "tpu.region"() ({
      %run_scoped3A = tpu.sem_alloc : memref<!tpu.dma_semaphore, #tpu.memory_space<semaphore_mem>>
      %dma_start3A = arith.constant 0 : i32
      %dma_start3A_40 = arith.constant 0 : i32
      %dma_start3A_41 = tpu.memref_slice %arg6[%dma_start3A, %dma_start3A_40] : memref<128x128xf32, #tpu.memory_space<vmem>> -> memref<112x128xf32, #tpu.memory_space<vmem>>
      %dma_start3A_42 = arith.constant 0 : i32
      %dma_start3A_43 = tpu.memref_slice %arg7[%add3A_16, %dma_start3A_42] : memref<10000x128xf32, #tpu.memory_space<vmem_shared>> -> memref<112x128xf32, #tpu.memory_space<vmem_shared>>
      %dma_start3A_44 = arith.constant 0 : i32
      %dma_start3A_45 = tpu.memref_slice %arg7[%add3A_16, %dma_start3A_44] : memref<10000x128xf32, #tpu.memory_space<vmem_shared>> -> memref<112x128xf32, #tpu.memory_space<vmem_shared>>
      %dma_start3A_46 = arith.constant 0 : i32
      %dma_start3A_47 = arith.constant 0 : i32
      %dma_start3A_48 = tpu.memref_slice %arg6[%dma_start3A_46, %dma_start3A_47] : memref<128x128xf32, #tpu.memory_space<vmem>> -> memref<112x128xf32, #tpu.memory_space<vmem>>
      tpu.enqueue_dma source(%dma_start3A_48 : memref<112x128xf32, #tpu.memory_space<vmem>>) target(%dma_start3A_45 : memref<112x128xf32, #tpu.memory_space<vmem_shared>>) target_semaphore(%run_scoped3A : memref<!tpu.dma_semaphore, #tpu.memory_space<semaphore_mem>>)
      %dma_wait3A = arith.constant 0 : i32
      %dma_wait3A_49 = arith.constant 0 : i32
      %dma_wait3A_50 = tpu.memref_slice %arg6[%dma_wait3A, %dma_wait3A_49] : memref<128x128xf32, #tpu.memory_space<vmem>> -> memref<112x128xf32, #tpu.memory_space<vmem>>
      %dma_wait3A_51 = arith.constant 0 : i32
      %dma_wait3A_52 = tpu.memref_slice %arg7[%add3A_16, %dma_wait3A_51] : memref<10000x128xf32, #tpu.memory_space<vmem_shared>> -> memref<112x128xf32, #tpu.memory_space<vmem_shared>>
      %dma_wait3A_53 = arith.constant 0 : i32
      %dma_wait3A_54 = tpu.memref_slice %arg7[%add3A_16, %dma_wait3A_53] : memref<10000x128xf32, #tpu.memory_space<vmem_shared>> -> memref<112x128xf32, #tpu.memory_space<vmem_shared>>
      %dma_wait3A_55 = arith.constant 0 : i32
      %dma_wait3A_56 = arith.constant 0 : i32
      %dma_wait3A_57 = tpu.memref_slice %arg6[%dma_wait3A_55, %dma_wait3A_56] : memref<128x128xf32, #tpu.memory_space<vmem>> -> memref<112x128xf32, #tpu.memory_space<vmem>>
      tpu.wait_dma2 semaphore(%run_scoped3A : memref<!tpu.dma_semaphore, #tpu.memory_space<semaphore_mem>>) src(%dma_wait3A_57 : memref<112x128xf32, #tpu.memory_space<vmem>>) dst(%dma_wait3A_54 : memref<112x128xf32, #tpu.memory_space<vmem_shared>>)
      tpu.yield
    }) : () -> ()
    %eq3A = arith.constant 15 : i32
    %eq3A_17 = arith.cmpi eq, %arg1, %eq3A : i32
    %convert_element_type3A = arith.extui %eq3A_17 : i1 to i32
    %cond3A = arith.constant 0 : i32
    %cond3A_18 = arith.cmpi ne, %convert_element_type3A, %cond3A : i32
    scf.if %cond3A_18 {
      "tpu.region"() ({
        %run_scoped3A = tpu.sem_alloc : memref<!tpu.dma_semaphore, #tpu.memory_space<semaphore_mem>>
        %dma_start3A = arith.constant 0 : i32
        %dma_start3A_40 = arith.constant 0 : i32
        %dma_start3A_41 = tpu.memref_slice %arg6[%dma_start3A, %dma_start3A_40] : memref<128x128xf32, #tpu.memory_space<vmem>> -> memref<16x128xf32, #tpu.memory_space<vmem>>
        %dma_start3A_42 = arith.constant 9984 : i32
        %dma_start3A_43 = arith.constant 0 : i32
        %dma_start3A_44 = tpu.memref_slice %arg7[%dma_start3A_42, %dma_start3A_43] : memref<10000x128xf32, #tpu.memory_space<vmem_shared>> -> memref<16x128xf32, #tpu.memory_space<vmem_shared>>
        %dma_start3A_45 = arith.constant 9984 : i32
        %dma_start3A_46 = arith.constant 0 : i32
        %dma_start3A_47 = tpu.memref_slice %arg7[%dma_start3A_45, %dma_start3A_46] : memref<10000x128xf32, #tpu.memory_space<vmem_shared>> -> memref<16x128xf32, #tpu.memory_space<vmem_shared>>
        %dma_start3A_48 = arith.constant 0 : i32
        %dma_start3A_49 = arith.constant 0 : i32
        %dma_start3A_50 = tpu.memref_slice %arg6[%dma_start3A_48, %dma_start3A_49] : memref<128x128xf32, #tpu.memory_space<vmem>> -> memref<16x128xf32, #tpu.memory_space<vmem>>
        tpu.enqueue_dma source(%dma_start3A_50 : memref<16x128xf32, #tpu.memory_space<vmem>>) target(%dma_start3A_47 : memref<16x128xf32, #tpu.memory_space<vmem_shared>>) target_semaphore(%run_scoped3A : memref<!tpu.dma_semaphore, #tpu.memory_space<semaphore_mem>>)
        %dma_wait3A = arith.constant 0 : i32
        %dma_wait3A_51 = arith.constant 0 : i32
        %dma_wait3A_52 = tpu.memref_slice %arg6[%dma_wait3A, %dma_wait3A_51] : memref<128x128xf32, #tpu.memory_space<vmem>> -> memref<16x128xf32, #tpu.memory_space<vmem>>
        %dma_wait3A_53 = arith.constant 9984 : i32
        %dma_wait3A_54 = arith.constant 0 : i32
        %dma_wait3A_55 = tpu.memref_slice %arg7[%dma_wait3A_53, %dma_wait3A_54] : memref<10000x128xf32, #tpu.memory_space<vmem_shared>> -> memref<16x128xf32, #tpu.memory_space<vmem_shared>>
        %dma_wait3A_56 = arith.constant 9984 : i32
        %dma_wait3A_57 = arith.constant 0 : i32
        %dma_wait3A_58 = tpu.memref_slice %arg7[%dma_wait3A_56, %dma_wait3A_57] : memref<10000x128xf32, #tpu.memory_space<vmem_shared>> -> memref<16x128xf32, #tpu.memory_space<vmem_shared>>
        %dma_wait3A_59 = arith.constant 0 : i32
        %dma_wait3A_60 = arith.constant 0 : i32
        %dma_wait3A_61 = tpu.memref_slice %arg6[%dma_wait3A_59, %dma_wait3A_60] : memref<128x128xf32, #tpu.memory_space<vmem>> -> memref<16x128xf32, #tpu.memory_space<vmem>>
        tpu.wait_dma2 semaphore(%run_scoped3A : memref<!tpu.dma_semaphore, #tpu.memory_space<semaphore_mem>>) src(%dma_wait3A_61 : memref<16x128xf32, #tpu.memory_space<vmem>>) dst(%dma_wait3A_58 : memref<16x128xf32, #tpu.memory_space<vmem_shared>>)
        tpu.yield
      }) : () -> ()
    } else {
    }
    %barrier3A = arith.constant 0 : index
    tpu.barrier barrier_id(%barrier3A)
    %scan3A_19 = arith.constant 0 : i32
    %scan3A_20 = arith.constant 20 : i32
    %scan3A_21 = arith.addi %scan3A_19, %scan3A_20 : i32
    %scan3A_22 = arith.constant 1 : i32
    scf.for %scan3A_40 = %scan3A_19 to %scan3A_21 step %scan3A_22  : i32 {
      %mul3A_41 = arith.constant 32 : i32
      %mul3A_42 = arith.muli %mul3A_41, %scan3A_40 : i32
      %add3A_43 = arith.addi %add3A, %mul3A_42 : i32
      %lt3A = arith.constant 625 : i32
      %lt3A_44 = arith.cmpi slt, %add3A_43, %lt3A : i32
      %convert_element_type3A_45 = arith.extui %lt3A_44 : i1 to i32
      %cond3A_46 = arith.constant 0 : i32
      %cond3A_47 = arith.cmpi ne, %convert_element_type3A_45, %cond3A_46 : i32
      scf.if %cond3A_47 {
        %add3A_48 = arith.constant 625 : i32
        %add3A_49 = arith.addi %add3A_48, %add3A_43 : i32
        %mul3A_50 = arith.constant 128 : i32
        %mul3A_51 = arith.muli %add3A_49, %mul3A_50 : i32
        "tpu.region"() ({
          %run_scoped3A = tpu.sem_alloc : memref<!tpu.dma_semaphore, #tpu.memory_space<semaphore_mem>>
          %dma_start3A = tpu.memref_slice %arg2[%mul3A_51] : memref<160000xi32, #tpu.memory_space<hbm>> -> memref<128xi32, #tpu.memory_space<hbm>>
          %dma_start3A_54 = tpu.memref_slice %arg2[%mul3A_51] : memref<160000xi32, #tpu.memory_space<hbm>> -> memref<128xi32, #tpu.memory_space<hbm>>
          tpu.enqueue_dma source(%dma_start3A_54 : memref<128xi32, #tpu.memory_space<hbm>>) target(%arg5 : memref<128xi32, #tpu.memory_space<vmem>>) target_semaphore(%run_scoped3A : memref<!tpu.dma_semaphore, #tpu.memory_space<semaphore_mem>>)
          %dma_wait3A = tpu.memref_slice %arg2[%mul3A_51] : memref<160000xi32, #tpu.memory_space<hbm>> -> memref<128xi32, #tpu.memory_space<hbm>>
          %dma_wait3A_55 = tpu.memref_slice %arg2[%mul3A_51] : memref<160000xi32, #tpu.memory_space<hbm>> -> memref<128xi32, #tpu.memory_space<hbm>>
          tpu.wait_dma2 semaphore(%run_scoped3A : memref<!tpu.dma_semaphore, #tpu.memory_space<semaphore_mem>>) src(%dma_wait3A_55 : memref<128xi32, #tpu.memory_space<hbm>>) dst(%arg5 : memref<128xi32, #tpu.memory_space<vmem>>)
          tpu.yield
        }) : () -> ()
        %mul3A_52 = arith.constant 128 : i32
        %mul3A_53 = arith.muli %add3A_43, %mul3A_52 : i32
        "tpu.region"() ({
          %run_scoped3A = tpu.sem_alloc : memref<!tpu.dma_semaphore, #tpu.memory_space<semaphore_mem>>
          %dma_start3A = arith.constant 0 : i32
          %dma_start3A_54 = tpu.memref_slice %arg3[%mul3A_53, %dma_start3A] : memref<80000x128xf32, #tpu.memory_space<hbm>> -> memref<128x128xf32, #tpu.memory_space<hbm>>
          %dma_start3A_55 = arith.constant 0 : i32
          %dma_start3A_56 = tpu.memref_slice %arg3[%mul3A_53, %dma_start3A_55] : memref<80000x128xf32, #tpu.memory_space<hbm>> -> memref<128x128xf32, #tpu.memory_space<hbm>>
          tpu.enqueue_dma source(%dma_start3A_56 : memref<128x128xf32, #tpu.memory_space<hbm>>) target(%arg6 : memref<128x128xf32, #tpu.memory_space<vmem>>) target_semaphore(%run_scoped3A : memref<!tpu.dma_semaphore, #tpu.memory_space<semaphore_mem>>)
          %dma_wait3A = arith.constant 0 : i32
          %dma_wait3A_57 = tpu.memref_slice %arg3[%mul3A_53, %dma_wait3A] : memref<80000x128xf32, #tpu.memory_space<hbm>> -> memref<128x128xf32, #tpu.memory_space<hbm>>
          %dma_wait3A_58 = arith.constant 0 : i32
          %dma_wait3A_59 = tpu.memref_slice %arg3[%mul3A_53, %dma_wait3A_58] : memref<80000x128xf32, #tpu.memory_space<hbm>> -> memref<128x128xf32, #tpu.memory_space<hbm>>
          tpu.wait_dma2 semaphore(%run_scoped3A : memref<!tpu.dma_semaphore, #tpu.memory_space<semaphore_mem>>) src(%dma_wait3A_59 : memref<128x128xf32, #tpu.memory_space<hbm>>) dst(%arg6 : memref<128x128xf32, #tpu.memory_space<vmem>>)
          tpu.yield
        }) : () -> ()
        "tpu.region"() ({
          %run_scoped3A = tpu.sem_alloc : memref<!tpu.dma_semaphore, #tpu.memory_space<semaphore_mem>>
          %dma_start3A = arith.constant 0 : i32
          %dma_start3A_54 = arith.constant 0 : i32
          %dma_start3A_55 = tpu.memref_slice %arg7[%dma_start3A, %dma_start3A_54] : memref<10000x128xf32, #tpu.memory_space<vmem_shared>> -> memref<10000x128xf32, #tpu.memory_space<vmem_shared>>
          tpu.enqueue_indirect_dma source(%arg6 : memref<128x128xf32, #tpu.memory_space<vmem>>) target(%dma_start3A_55 : memref<10000x128xf32, #tpu.memory_space<vmem_shared>>) offsets(%arg5 : memref<128xi32, #tpu.memory_space<vmem>>) semaphore(%run_scoped3A : memref<!tpu.dma_semaphore, #tpu.memory_space<semaphore_mem>>) {add = true}
          %dma_wait3A = arith.constant 0 : i32
          %dma_wait3A_56 = arith.constant 0 : i32
          %dma_wait3A_57 = tpu.memref_slice %arg7[%dma_wait3A, %dma_wait3A_56] : memref<10000x128xf32, #tpu.memory_space<vmem_shared>> -> memref<10000x128xf32, #tpu.memory_space<vmem_shared>>
          tpu.wait_indirect_dma semaphore(%run_scoped3A : memref<!tpu.dma_semaphore, #tpu.memory_space<semaphore_mem>>) src(%arg6 : memref<128x128xf32, #tpu.memory_space<vmem>>) dst(%dma_wait3A_57 : memref<10000x128xf32, #tpu.memory_space<vmem_shared>>)
          tpu.yield
        }) : () -> ()
      } else {
      }
    }
    %scan3A_23 = arith.constant 20 : i32
    %barrier3A_24 = arith.constant 0 : index
    tpu.barrier barrier_id(%barrier3A_24)
    %add3A_25 = arith.constant 0 : i32
    %add3A_26 = arith.addi %mul3A_6, %add3A_25 : i32
    "tpu.region"() ({
      %run_scoped3A = tpu.sem_alloc : memref<!tpu.dma_semaphore, #tpu.memory_space<semaphore_mem>>
      %dma_start3A = arith.constant 0 : i32
      %dma_start3A_40 = arith.constant 0 : i32
      %dma_start3A_41 = tpu.memref_slice %arg6[%dma_start3A, %dma_start3A_40] : memref<128x128xf32, #tpu.memory_space<vmem>> -> memref<128x128xf32, #tpu.memory_space<vmem>>
      %dma_start3A_42 = arith.constant 0 : i32
      %dma_start3A_43 = tpu.memref_slice %arg7[%add3A_26, %dma_start3A_42] : memref<10000x128xf32, #tpu.memory_space<vmem_shared>> -> memref<128x128xf32, #tpu.memory_space<vmem_shared>>
      %dma_start3A_44 = arith.constant 0 : i32
      %dma_start3A_45 = arith.constant 0 : i32
      %dma_start3A_46 = tpu.memref_slice %arg6[%dma_start3A_44, %dma_start3A_45] : memref<128x128xf32, #tpu.memory_space<vmem>> -> memref<128x128xf32, #tpu.memory_space<vmem>>
      %dma_start3A_47 = arith.constant 0 : i32
      %dma_start3A_48 = tpu.memref_slice %arg7[%add3A_26, %dma_start3A_47] : memref<10000x128xf32, #tpu.memory_space<vmem_shared>> -> memref<128x128xf32, #tpu.memory_space<vmem_shared>>
      tpu.enqueue_dma source(%dma_start3A_48 : memref<128x128xf32, #tpu.memory_space<vmem_shared>>) target(%dma_start3A_46 : memref<128x128xf32, #tpu.memory_space<vmem>>) target_semaphore(%run_scoped3A : memref<!tpu.dma_semaphore, #tpu.memory_space<semaphore_mem>>)
      %dma_wait3A = arith.constant 0 : i32
      %dma_wait3A_49 = arith.constant 0 : i32
      %dma_wait3A_50 = tpu.memref_slice %arg6[%dma_wait3A, %dma_wait3A_49] : memref<128x128xf32, #tpu.memory_space<vmem>> -> memref<128x128xf32, #tpu.memory_space<vmem>>
      %dma_wait3A_51 = arith.constant 0 : i32
      %dma_wait3A_52 = tpu.memref_slice %arg7[%add3A_26, %dma_wait3A_51] : memref<10000x128xf32, #tpu.memory_space<vmem_shared>> -> memref<128x128xf32, #tpu.memory_space<vmem_shared>>
      %dma_wait3A_53 = arith.constant 0 : i32
      %dma_wait3A_54 = arith.constant 0 : i32
      %dma_wait3A_55 = tpu.memref_slice %arg6[%dma_wait3A_53, %dma_wait3A_54] : memref<128x128xf32, #tpu.memory_space<vmem>> -> memref<128x128xf32, #tpu.memory_space<vmem>>
      %dma_wait3A_56 = arith.constant 0 : i32
      %dma_wait3A_57 = tpu.memref_slice %arg7[%add3A_26, %dma_wait3A_56] : memref<10000x128xf32, #tpu.memory_space<vmem_shared>> -> memref<128x128xf32, #tpu.memory_space<vmem_shared>>
      tpu.wait_dma2 semaphore(%run_scoped3A : memref<!tpu.dma_semaphore, #tpu.memory_space<semaphore_mem>>) src(%dma_wait3A_57 : memref<128x128xf32, #tpu.memory_space<vmem_shared>>) dst(%dma_wait3A_55 : memref<128x128xf32, #tpu.memory_space<vmem>>)
      tpu.yield
    }) : () -> ()
    "tpu.region"() ({
      %run_scoped3A = tpu.sem_alloc : memref<!tpu.dma_semaphore, #tpu.memory_space<semaphore_mem>>
      %dma_start3A = arith.constant 0 : i32
      %dma_start3A_40 = arith.constant 0 : i32
      %dma_start3A_41 = tpu.memref_slice %arg6[%dma_start3A, %dma_start3A_40] : memref<128x128xf32, #tpu.memory_space<vmem>> -> memref<128x128xf32, #tpu.memory_space<vmem>>
      %dma_start3A_42 = arith.constant 0 : i32
      %dma_start3A_43 = tpu.memref_slice %arg4[%arg0, %add3A_26, %dma_start3A_42] : memref<2x10000x128xf32, #tpu.memory_space<hbm>> -> memref<1x128x128xf32, #tpu.memory_space<hbm>>
      %dma_start3A_44 = tpu.memref_squeeze %dma_start3A_43 : memref<1x128x128xf32, #tpu.memory_space<hbm>> -> memref<128x128xf32, #tpu.memory_space<hbm>>
      %dma_start3A_45 = arith.constant 0 : i32
      %dma_start3A_46 = tpu.memref_slice %arg4[%arg0, %add3A_26, %dma_start3A_45] : memref<2x10000x128xf32, #tpu.memory_space<hbm>> -> memref<1x128x128xf32, #tpu.memory_space<hbm>>
      %dma_start3A_47 = tpu.memref_squeeze %dma_start3A_46 : memref<1x128x128xf32, #tpu.memory_space<hbm>> -> memref<128x128xf32, #tpu.memory_space<hbm>>
      %dma_start3A_48 = arith.constant 0 : i32
      %dma_start3A_49 = arith.constant 0 : i32
      %dma_start3A_50 = tpu.memref_slice %arg6[%dma_start3A_48, %dma_start3A_49] : memref<128x128xf32, #tpu.memory_space<vmem>> -> memref<128x128xf32, #tpu.memory_space<vmem>>
      tpu.enqueue_dma source(%dma_start3A_50 : memref<128x128xf32, #tpu.memory_space<vmem>>) target(%dma_start3A_47 : memref<128x128xf32, #tpu.memory_space<hbm>>) target_semaphore(%run_scoped3A : memref<!tpu.dma_semaphore, #tpu.memory_space<semaphore_mem>>)
      %dma_wait3A = arith.constant 0 : i32
      %dma_wait3A_51 = arith.constant 0 : i32
      %dma_wait3A_52 = tpu.memref_slice %arg6[%dma_wait3A, %dma_wait3A_51] : memref<128x128xf32, #tpu.memory_space<vmem>> -> memref<128x128xf32, #tpu.memory_space<vmem>>
      %dma_wait3A_53 = arith.constant 0 : i32
      %dma_wait3A_54 = tpu.memref_slice %arg4[%arg0, %add3A_26, %dma_wait3A_53] : memref<2x10000x128xf32, #tpu.memory_space<hbm>> -> memref<1x128x128xf32, #tpu.memory_space<hbm>>
      %dma_wait3A_55 = tpu.memref_squeeze %dma_wait3A_54 : memref<1x128x128xf32, #tpu.memory_space<hbm>> -> memref<128x128xf32, #tpu.memory_space<hbm>>
      %dma_wait3A_56 = arith.constant 0 : i32
      %dma_wait3A_57 = tpu.memref_slice %arg4[%arg0, %add3A_26, %dma_wait3A_56] : memref<2x10000x128xf32, #tpu.memory_space<hbm>> -> memref<1x128x128xf32, #tpu.memory_space<hbm>>
      %dma_wait3A_58 = tpu.memref_squeeze %dma_wait3A_57 : memref<1x128x128xf32, #tpu.memory_space<hbm>> -> memref<128x128xf32, #tpu.memory_space<hbm>>
      %dma_wait3A_59 = arith.constant 0 : i32
      %dma_wait3A_60 = arith.constant 0 : i32
      %dma_wait3A_61 = tpu.memref_slice %arg6[%dma_wait3A_59, %dma_wait3A_60] : memref<128x128xf32, #tpu.memory_space<vmem>> -> memref<128x128xf32, #tpu.memory_space<vmem>>
      tpu.wait_dma2 semaphore(%run_scoped3A : memref<!tpu.dma_semaphore, #tpu.memory_space<semaphore_mem>>) src(%dma_wait3A_61 : memref<128x128xf32, #tpu.memory_space<vmem>>) dst(%dma_wait3A_58 : memref<128x128xf32, #tpu.memory_space<hbm>>)
      tpu.yield
    }) : () -> ()
    %add3A_27 = arith.constant 128 : i32
    %add3A_28 = arith.addi %mul3A_6, %add3A_27 : i32
    "tpu.region"() ({
      %run_scoped3A = tpu.sem_alloc : memref<!tpu.dma_semaphore, #tpu.memory_space<semaphore_mem>>
      %dma_start3A = arith.constant 0 : i32
      %dma_start3A_40 = arith.constant 0 : i32
      %dma_start3A_41 = tpu.memref_slice %arg6[%dma_start3A, %dma_start3A_40] : memref<128x128xf32, #tpu.memory_space<vmem>> -> memref<128x128xf32, #tpu.memory_space<vmem>>
      %dma_start3A_42 = arith.constant 0 : i32
      %dma_start3A_43 = tpu.memref_slice %arg7[%add3A_28, %dma_start3A_42] : memref<10000x128xf32, #tpu.memory_space<vmem_shared>> -> memref<128x128xf32, #tpu.memory_space<vmem_shared>>
      %dma_start3A_44 = arith.constant 0 : i32
      %dma_start3A_45 = arith.constant 0 : i32
      %dma_start3A_46 = tpu.memref_slice %arg6[%dma_start3A_44, %dma_start3A_45] : memref<128x128xf32, #tpu.memory_space<vmem>> -> memref<128x128xf32, #tpu.memory_space<vmem>>
      %dma_start3A_47 = arith.constant 0 : i32
      %dma_start3A_48 = tpu.memref_slice %arg7[%add3A_28, %dma_start3A_47] : memref<10000x128xf32, #tpu.memory_space<vmem_shared>> -> memref<128x128xf32, #tpu.memory_space<vmem_shared>>
      tpu.enqueue_dma source(%dma_start3A_48 : memref<128x128xf32, #tpu.memory_space<vmem_shared>>) target(%dma_start3A_46 : memref<128x128xf32, #tpu.memory_space<vmem>>) target_semaphore(%run_scoped3A : memref<!tpu.dma_semaphore, #tpu.memory_space<semaphore_mem>>)
      %dma_wait3A = arith.constant 0 : i32
      %dma_wait3A_49 = arith.constant 0 : i32
      %dma_wait3A_50 = tpu.memref_slice %arg6[%dma_wait3A, %dma_wait3A_49] : memref<128x128xf32, #tpu.memory_space<vmem>> -> memref<128x128xf32, #tpu.memory_space<vmem>>
      %dma_wait3A_51 = arith.constant 0 : i32
      %dma_wait3A_52 = tpu.memref_slice %arg7[%add3A_28, %dma_wait3A_51] : memref<10000x128xf32, #tpu.memory_space<vmem_shared>> -> memref<128x128xf32, #tpu.memory_space<vmem_shared>>
      %dma_wait3A_53 = arith.constant 0 : i32
      %dma_wait3A_54 = arith.constant 0 : i32
      %dma_wait3A_55 = tpu.memref_slice %arg6[%dma_wait3A_53, %dma_wait3A_54] : memref<128x128xf32, #tpu.memory_space<vmem>> -> memref<128x128xf32, #tpu.memory_space<vmem>>
      %dma_wait3A_56 = arith.constant 0 : i32
      %dma_wait3A_57 = tpu.memref_slice %arg7[%add3A_28, %dma_wait3A_56] : memref<10000x128xf32, #tpu.memory_space<vmem_shared>> -> memref<128x128xf32, #tpu.memory_space<vmem_shared>>
      tpu.wait_dma2 semaphore(%run_scoped3A : memref<!tpu.dma_semaphore, #tpu.memory_space<semaphore_mem>>) src(%dma_wait3A_57 : memref<128x128xf32, #tpu.memory_space<vmem_shared>>) dst(%dma_wait3A_55 : memref<128x128xf32, #tpu.memory_space<vmem>>)
      tpu.yield
    }) : () -> ()
    "tpu.region"() ({
      %run_scoped3A = tpu.sem_alloc : memref<!tpu.dma_semaphore, #tpu.memory_space<semaphore_mem>>
      %dma_start3A = arith.constant 0 : i32
      %dma_start3A_40 = arith.constant 0 : i32
      %dma_start3A_41 = tpu.memref_slice %arg6[%dma_start3A, %dma_start3A_40] : memref<128x128xf32, #tpu.memory_space<vmem>> -> memref<128x128xf32, #tpu.memory_space<vmem>>
      %dma_start3A_42 = arith.constant 0 : i32
      %dma_start3A_43 = tpu.memref_slice %arg4[%arg0, %add3A_28, %dma_start3A_42] : memref<2x10000x128xf32, #tpu.memory_space<hbm>> -> memref<1x128x128xf32, #tpu.memory_space<hbm>>
      %dma_start3A_44 = tpu.memref_squeeze %dma_start3A_43 : memref<1x128x128xf32, #tpu.memory_space<hbm>> -> memref<128x128xf32, #tpu.memory_space<hbm>>
      %dma_start3A_45 = arith.constant 0 : i32
      %dma_start3A_46 = tpu.memref_slice %arg4[%arg0, %add3A_28, %dma_start3A_45] : memref<2x10000x128xf32, #tpu.memory_space<hbm>> -> memref<1x128x128xf32, #tpu.memory_space<hbm>>
      %dma_start3A_47 = tpu.memref_squeeze %dma_start3A_46 : memref<1x128x128xf32, #tpu.memory_space<hbm>> -> memref<128x128xf32, #tpu.memory_space<hbm>>
      %dma_start3A_48 = arith.constant 0 : i32
      %dma_start3A_49 = arith.constant 0 : i32
      %dma_start3A_50 = tpu.memref_slice %arg6[%dma_start3A_48, %dma_start3A_49] : memref<128x128xf32, #tpu.memory_space<vmem>> -> memref<128x128xf32, #tpu.memory_space<vmem>>
      tpu.enqueue_dma source(%dma_start3A_50 : memref<128x128xf32, #tpu.memory_space<vmem>>) target(%dma_start3A_47 : memref<128x128xf32, #tpu.memory_space<hbm>>) target_semaphore(%run_scoped3A : memref<!tpu.dma_semaphore, #tpu.memory_space<semaphore_mem>>)
      %dma_wait3A = arith.constant 0 : i32
      %dma_wait3A_51 = arith.constant 0 : i32
      %dma_wait3A_52 = tpu.memref_slice %arg6[%dma_wait3A, %dma_wait3A_51] : memref<128x128xf32, #tpu.memory_space<vmem>> -> memref<128x128xf32, #tpu.memory_space<vmem>>
      %dma_wait3A_53 = arith.constant 0 : i32
      %dma_wait3A_54 = tpu.memref_slice %arg4[%arg0, %add3A_28, %dma_wait3A_53] : memref<2x10000x128xf32, #tpu.memory_space<hbm>> -> memref<1x128x128xf32, #tpu.memory_space<hbm>>
      %dma_wait3A_55 = tpu.memref_squeeze %dma_wait3A_54 : memref<1x128x128xf32, #tpu.memory_space<hbm>> -> memref<128x128xf32, #tpu.memory_space<hbm>>
      %dma_wait3A_56 = arith.constant 0 : i32
      %dma_wait3A_57 = tpu.memref_slice %arg4[%arg0, %add3A_28, %dma_wait3A_56] : memref<2x10000x128xf32, #tpu.memory_space<hbm>> -> memref<1x128x128xf32, #tpu.memory_space<hbm>>
      %dma_wait3A_58 = tpu.memref_squeeze %dma_wait3A_57 : memref<1x128x128xf32, #tpu.memory_space<hbm>> -> memref<128x128xf32, #tpu.memory_space<hbm>>
      %dma_wait3A_59 = arith.constant 0 : i32
      %dma_wait3A_60 = arith.constant 0 : i32
      %dma_wait3A_61 = tpu.memref_slice %arg6[%dma_wait3A_59, %dma_wait3A_60] : memref<128x128xf32, #tpu.memory_space<vmem>> -> memref<128x128xf32, #tpu.memory_space<vmem>>
      tpu.wait_dma2 semaphore(%run_scoped3A : memref<!tpu.dma_semaphore, #tpu.memory_space<semaphore_mem>>) src(%dma_wait3A_61 : memref<128x128xf32, #tpu.memory_space<vmem>>) dst(%dma_wait3A_58 : memref<128x128xf32, #tpu.memory_space<hbm>>)
      tpu.yield
    }) : () -> ()
    %add3A_29 = arith.constant 256 : i32
    %add3A_30 = arith.addi %mul3A_6, %add3A_29 : i32
    "tpu.region"() ({
      %run_scoped3A = tpu.sem_alloc : memref<!tpu.dma_semaphore, #tpu.memory_space<semaphore_mem>>
      %dma_start3A = arith.constant 0 : i32
      %dma_start3A_40 = arith.constant 0 : i32
      %dma_start3A_41 = tpu.memref_slice %arg6[%dma_start3A, %dma_start3A_40] : memref<128x128xf32, #tpu.memory_space<vmem>> -> memref<128x128xf32, #tpu.memory_space<vmem>>
      %dma_start3A_42 = arith.constant 0 : i32
      %dma_start3A_43 = tpu.memref_slice %arg7[%add3A_30, %dma_start3A_42] : memref<10000x128xf32, #tpu.memory_space<vmem_shared>> -> memref<128x128xf32, #tpu.memory_space<vmem_shared>>
      %dma_start3A_44 = arith.constant 0 : i32
      %dma_start3A_45 = arith.constant 0 : i32
      %dma_start3A_46 = tpu.memref_slice %arg6[%dma_start3A_44, %dma_start3A_45] : memref<128x128xf32, #tpu.memory_space<vmem>> -> memref<128x128xf32, #tpu.memory_space<vmem>>
      %dma_start3A_47 = arith.constant 0 : i32
      %dma_start3A_48 = tpu.memref_slice %arg7[%add3A_30, %dma_start3A_47] : memref<10000x128xf32, #tpu.memory_space<vmem_shared>> -> memref<128x128xf32, #tpu.memory_space<vmem_shared>>
      tpu.enqueue_dma source(%dma_start3A_48 : memref<128x128xf32, #tpu.memory_space<vmem_shared>>) target(%dma_start3A_46 : memref<128x128xf32, #tpu.memory_space<vmem>>) target_semaphore(%run_scoped3A : memref<!tpu.dma_semaphore, #tpu.memory_space<semaphore_mem>>)
      %dma_wait3A = arith.constant 0 : i32
      %dma_wait3A_49 = arith.constant 0 : i32
      %dma_wait3A_50 = tpu.memref_slice %arg6[%dma_wait3A, %dma_wait3A_49] : memref<128x128xf32, #tpu.memory_space<vmem>> -> memref<128x128xf32, #tpu.memory_space<vmem>>
      %dma_wait3A_51 = arith.constant 0 : i32
      %dma_wait3A_52 = tpu.memref_slice %arg7[%add3A_30, %dma_wait3A_51] : memref<10000x128xf32, #tpu.memory_space<vmem_shared>> -> memref<128x128xf32, #tpu.memory_space<vmem_shared>>
      %dma_wait3A_53 = arith.constant 0 : i32
      %dma_wait3A_54 = arith.constant 0 : i32
      %dma_wait3A_55 = tpu.memref_slice %arg6[%dma_wait3A_53, %dma_wait3A_54] : memref<128x128xf32, #tpu.memory_space<vmem>> -> memref<128x128xf32, #tpu.memory_space<vmem>>
      %dma_wait3A_56 = arith.constant 0 : i32
      %dma_wait3A_57 = tpu.memref_slice %arg7[%add3A_30, %dma_wait3A_56] : memref<10000x128xf32, #tpu.memory_space<vmem_shared>> -> memref<128x128xf32, #tpu.memory_space<vmem_shared>>
      tpu.wait_dma2 semaphore(%run_scoped3A : memref<!tpu.dma_semaphore, #tpu.memory_space<semaphore_mem>>) src(%dma_wait3A_57 : memref<128x128xf32, #tpu.memory_space<vmem_shared>>) dst(%dma_wait3A_55 : memref<128x128xf32, #tpu.memory_space<vmem>>)
      tpu.yield
    }) : () -> ()
    "tpu.region"() ({
      %run_scoped3A = tpu.sem_alloc : memref<!tpu.dma_semaphore, #tpu.memory_space<semaphore_mem>>
      %dma_start3A = arith.constant 0 : i32
      %dma_start3A_40 = arith.constant 0 : i32
      %dma_start3A_41 = tpu.memref_slice %arg6[%dma_start3A, %dma_start3A_40] : memref<128x128xf32, #tpu.memory_space<vmem>> -> memref<128x128xf32, #tpu.memory_space<vmem>>
      %dma_start3A_42 = arith.constant 0 : i32
      %dma_start3A_43 = tpu.memref_slice %arg4[%arg0, %add3A_30, %dma_start3A_42] : memref<2x10000x128xf32, #tpu.memory_space<hbm>> -> memref<1x128x128xf32, #tpu.memory_space<hbm>>
      %dma_start3A_44 = tpu.memref_squeeze %dma_start3A_43 : memref<1x128x128xf32, #tpu.memory_space<hbm>> -> memref<128x128xf32, #tpu.memory_space<hbm>>
      %dma_start3A_45 = arith.constant 0 : i32
      %dma_start3A_46 = tpu.memref_slice %arg4[%arg0, %add3A_30, %dma_start3A_45] : memref<2x10000x128xf32, #tpu.memory_space<hbm>> -> memref<1x128x128xf32, #tpu.memory_space<hbm>>
      %dma_start3A_47 = tpu.memref_squeeze %dma_start3A_46 : memref<1x128x128xf32, #tpu.memory_space<hbm>> -> memref<128x128xf32, #tpu.memory_space<hbm>>
      %dma_start3A_48 = arith.constant 0 : i32
      %dma_start3A_49 = arith.constant 0 : i32
      %dma_start3A_50 = tpu.memref_slice %arg6[%dma_start3A_48, %dma_start3A_49] : memref<128x128xf32, #tpu.memory_space<vmem>> -> memref<128x128xf32, #tpu.memory_space<vmem>>
      tpu.enqueue_dma source(%dma_start3A_50 : memref<128x128xf32, #tpu.memory_space<vmem>>) target(%dma_start3A_47 : memref<128x128xf32, #tpu.memory_space<hbm>>) target_semaphore(%run_scoped3A : memref<!tpu.dma_semaphore, #tpu.memory_space<semaphore_mem>>)
      %dma_wait3A = arith.constant 0 : i32
      %dma_wait3A_51 = arith.constant 0 : i32
      %dma_wait3A_52 = tpu.memref_slice %arg6[%dma_wait3A, %dma_wait3A_51] : memref<128x128xf32, #tpu.memory_space<vmem>> -> memref<128x128xf32, #tpu.memory_space<vmem>>
      %dma_wait3A_53 = arith.constant 0 : i32
      %dma_wait3A_54 = tpu.memref_slice %arg4[%arg0, %add3A_30, %dma_wait3A_53] : memref<2x10000x128xf32, #tpu.memory_space<hbm>> -> memref<1x128x128xf32, #tpu.memory_space<hbm>>
      %dma_wait3A_55 = tpu.memref_squeeze %dma_wait3A_54 : memref<1x128x128xf32, #tpu.memory_space<hbm>> -> memref<128x128xf32, #tpu.memory_space<hbm>>
      %dma_wait3A_56 = arith.constant 0 : i32
      %dma_wait3A_57 = tpu.memref_slice %arg4[%arg0, %add3A_30, %dma_wait3A_56] : memref<2x10000x128xf32, #tpu.memory_space<hbm>> -> memref<1x128x128xf32, #tpu.memory_space<hbm>>
      %dma_wait3A_58 = tpu.memref_squeeze %dma_wait3A_57 : memref<1x128x128xf32, #tpu.memory_space<hbm>> -> memref<128x128xf32, #tpu.memory_space<hbm>>
      %dma_wait3A_59 = arith.constant 0 : i32
      %dma_wait3A_60 = arith.constant 0 : i32
      %dma_wait3A_61 = tpu.memref_slice %arg6[%dma_wait3A_59, %dma_wait3A_60] : memref<128x128xf32, #tpu.memory_space<vmem>> -> memref<128x128xf32, #tpu.memory_space<vmem>>
      tpu.wait_dma2 semaphore(%run_scoped3A : memref<!tpu.dma_semaphore, #tpu.memory_space<semaphore_mem>>) src(%dma_wait3A_61 : memref<128x128xf32, #tpu.memory_space<vmem>>) dst(%dma_wait3A_58 : memref<128x128xf32, #tpu.memory_space<hbm>>)
      tpu.yield
    }) : () -> ()
    %add3A_31 = arith.constant 384 : i32
    %add3A_32 = arith.addi %mul3A_6, %add3A_31 : i32
    "tpu.region"() ({
      %run_scoped3A = tpu.sem_alloc : memref<!tpu.dma_semaphore, #tpu.memory_space<semaphore_mem>>
      %dma_start3A = arith.constant 0 : i32
      %dma_start3A_40 = arith.constant 0 : i32
      %dma_start3A_41 = tpu.memref_slice %arg6[%dma_start3A, %dma_start3A_40] : memref<128x128xf32, #tpu.memory_space<vmem>> -> memref<128x128xf32, #tpu.memory_space<vmem>>
      %dma_start3A_42 = arith.constant 0 : i32
      %dma_start3A_43 = tpu.memref_slice %arg7[%add3A_32, %dma_start3A_42] : memref<10000x128xf32, #tpu.memory_space<vmem_shared>> -> memref<128x128xf32, #tpu.memory_space<vmem_shared>>
      %dma_start3A_44 = arith.constant 0 : i32
      %dma_start3A_45 = arith.constant 0 : i32
      %dma_start3A_46 = tpu.memref_slice %arg6[%dma_start3A_44, %dma_start3A_45] : memref<128x128xf32, #tpu.memory_space<vmem>> -> memref<128x128xf32, #tpu.memory_space<vmem>>
      %dma_start3A_47 = arith.constant 0 : i32
      %dma_start3A_48 = tpu.memref_slice %arg7[%add3A_32, %dma_start3A_47] : memref<10000x128xf32, #tpu.memory_space<vmem_shared>> -> memref<128x128xf32, #tpu.memory_space<vmem_shared>>
      tpu.enqueue_dma source(%dma_start3A_48 : memref<128x128xf32, #tpu.memory_space<vmem_shared>>) target(%dma_start3A_46 : memref<128x128xf32, #tpu.memory_space<vmem>>) target_semaphore(%run_scoped3A : memref<!tpu.dma_semaphore, #tpu.memory_space<semaphore_mem>>)
      %dma_wait3A = arith.constant 0 : i32
      %dma_wait3A_49 = arith.constant 0 : i32
      %dma_wait3A_50 = tpu.memref_slice %arg6[%dma_wait3A, %dma_wait3A_49] : memref<128x128xf32, #tpu.memory_space<vmem>> -> memref<128x128xf32, #tpu.memory_space<vmem>>
      %dma_wait3A_51 = arith.constant 0 : i32
      %dma_wait3A_52 = tpu.memref_slice %arg7[%add3A_32, %dma_wait3A_51] : memref<10000x128xf32, #tpu.memory_space<vmem_shared>> -> memref<128x128xf32, #tpu.memory_space<vmem_shared>>
      %dma_wait3A_53 = arith.constant 0 : i32
      %dma_wait3A_54 = arith.constant 0 : i32
      %dma_wait3A_55 = tpu.memref_slice %arg6[%dma_wait3A_53, %dma_wait3A_54] : memref<128x128xf32, #tpu.memory_space<vmem>> -> memref<128x128xf32, #tpu.memory_space<vmem>>
      %dma_wait3A_56 = arith.constant 0 : i32
      %dma_wait3A_57 = tpu.memref_slice %arg7[%add3A_32, %dma_wait3A_56] : memref<10000x128xf32, #tpu.memory_space<vmem_shared>> -> memref<128x128xf32, #tpu.memory_space<vmem_shared>>
      tpu.wait_dma2 semaphore(%run_scoped3A : memref<!tpu.dma_semaphore, #tpu.memory_space<semaphore_mem>>) src(%dma_wait3A_57 : memref<128x128xf32, #tpu.memory_space<vmem_shared>>) dst(%dma_wait3A_55 : memref<128x128xf32, #tpu.memory_space<vmem>>)
      tpu.yield
    }) : () -> ()
    "tpu.region"() ({
      %run_scoped3A = tpu.sem_alloc : memref<!tpu.dma_semaphore, #tpu.memory_space<semaphore_mem>>
      %dma_start3A = arith.constant 0 : i32
      %dma_start3A_40 = arith.constant 0 : i32
      %dma_start3A_41 = tpu.memref_slice %arg6[%dma_start3A, %dma_start3A_40] : memref<128x128xf32, #tpu.memory_space<vmem>> -> memref<128x128xf32, #tpu.memory_space<vmem>>
      %dma_start3A_42 = arith.constant 0 : i32
      %dma_start3A_43 = tpu.memref_slice %arg4[%arg0, %add3A_32, %dma_start3A_42] : memref<2x10000x128xf32, #tpu.memory_space<hbm>> -> memref<1x128x128xf32, #tpu.memory_space<hbm>>
      %dma_start3A_44 = tpu.memref_squeeze %dma_start3A_43 : memref<1x128x128xf32, #tpu.memory_space<hbm>> -> memref<128x128xf32, #tpu.memory_space<hbm>>
      %dma_start3A_45 = arith.constant 0 : i32
      %dma_start3A_46 = tpu.memref_slice %arg4[%arg0, %add3A_32, %dma_start3A_45] : memref<2x10000x128xf32, #tpu.memory_space<hbm>> -> memref<1x128x128xf32, #tpu.memory_space<hbm>>
      %dma_start3A_47 = tpu.memref_squeeze %dma_start3A_46 : memref<1x128x128xf32, #tpu.memory_space<hbm>> -> memref<128x128xf32, #tpu.memory_space<hbm>>
      %dma_start3A_48 = arith.constant 0 : i32
      %dma_start3A_49 = arith.constant 0 : i32
      %dma_start3A_50 = tpu.memref_slice %arg6[%dma_start3A_48, %dma_start3A_49] : memref<128x128xf32, #tpu.memory_space<vmem>> -> memref<128x128xf32, #tpu.memory_space<vmem>>
      tpu.enqueue_dma source(%dma_start3A_50 : memref<128x128xf32, #tpu.memory_space<vmem>>) target(%dma_start3A_47 : memref<128x128xf32, #tpu.memory_space<hbm>>) target_semaphore(%run_scoped3A : memref<!tpu.dma_semaphore, #tpu.memory_space<semaphore_mem>>)
      %dma_wait3A = arith.constant 0 : i32
      %dma_wait3A_51 = arith.constant 0 : i32
      %dma_wait3A_52 = tpu.memref_slice %arg6[%dma_wait3A, %dma_wait3A_51] : memref<128x128xf32, #tpu.memory_space<vmem>> -> memref<128x128xf32, #tpu.memory_space<vmem>>
      %dma_wait3A_53 = arith.constant 0 : i32
      %dma_wait3A_54 = tpu.memref_slice %arg4[%arg0, %add3A_32, %dma_wait3A_53] : memref<2x10000x128xf32, #tpu.memory_space<hbm>> -> memref<1x128x128xf32, #tpu.memory_space<hbm>>
      %dma_wait3A_55 = tpu.memref_squeeze %dma_wait3A_54 : memref<1x128x128xf32, #tpu.memory_space<hbm>> -> memref<128x128xf32, #tpu.memory_space<hbm>>
      %dma_wait3A_56 = arith.constant 0 : i32
      %dma_wait3A_57 = tpu.memref_slice %arg4[%arg0, %add3A_32, %dma_wait3A_56] : memref<2x10000x128xf32, #tpu.memory_space<hbm>> -> memref<1x128x128xf32, #tpu.memory_space<hbm>>
      %dma_wait3A_58 = tpu.memref_squeeze %dma_wait3A_57 : memref<1x128x128xf32, #tpu.memory_space<hbm>> -> memref<128x128xf32, #tpu.memory_space<hbm>>
      %dma_wait3A_59 = arith.constant 0 : i32
      %dma_wait3A_60 = arith.constant 0 : i32
      %dma_wait3A_61 = tpu.memref_slice %arg6[%dma_wait3A_59, %dma_wait3A_60] : memref<128x128xf32, #tpu.memory_space<vmem>> -> memref<128x128xf32, #tpu.memory_space<vmem>>
      tpu.wait_dma2 semaphore(%run_scoped3A : memref<!tpu.dma_semaphore, #tpu.memory_space<semaphore_mem>>) src(%dma_wait3A_61 : memref<128x128xf32, #tpu.memory_space<vmem>>) dst(%dma_wait3A_58 : memref<128x128xf32, #tpu.memory_space<hbm>>)
      tpu.yield
    }) : () -> ()
    %add3A_33 = arith.constant 512 : i32
    %add3A_34 = arith.addi %mul3A_6, %add3A_33 : i32
    "tpu.region"() ({
      %run_scoped3A = tpu.sem_alloc : memref<!tpu.dma_semaphore, #tpu.memory_space<semaphore_mem>>
      %dma_start3A = arith.constant 0 : i32
      %dma_start3A_40 = arith.constant 0 : i32
      %dma_start3A_41 = tpu.memref_slice %arg6[%dma_start3A, %dma_start3A_40] : memref<128x128xf32, #tpu.memory_space<vmem>> -> memref<112x128xf32, #tpu.memory_space<vmem>>
      %dma_start3A_42 = arith.constant 0 : i32
      %dma_start3A_43 = tpu.memref_slice %arg7[%add3A_34, %dma_start3A_42] : memref<10000x128xf32, #tpu.memory_space<vmem_shared>> -> memref<112x128xf32, #tpu.memory_space<vmem_shared>>
      %dma_start3A_44 = arith.constant 0 : i32
      %dma_start3A_45 = arith.constant 0 : i32
      %dma_start3A_46 = tpu.memref_slice %arg6[%dma_start3A_44, %dma_start3A_45] : memref<128x128xf32, #tpu.memory_space<vmem>> -> memref<112x128xf32, #tpu.memory_space<vmem>>
      %dma_start3A_47 = arith.constant 0 : i32
      %dma_start3A_48 = tpu.memref_slice %arg7[%add3A_34, %dma_start3A_47] : memref<10000x128xf32, #tpu.memory_space<vmem_shared>> -> memref<112x128xf32, #tpu.memory_space<vmem_shared>>
      tpu.enqueue_dma source(%dma_start3A_48 : memref<112x128xf32, #tpu.memory_space<vmem_shared>>) target(%dma_start3A_46 : memref<112x128xf32, #tpu.memory_space<vmem>>) target_semaphore(%run_scoped3A : memref<!tpu.dma_semaphore, #tpu.memory_space<semaphore_mem>>)
      %dma_wait3A = arith.constant 0 : i32
      %dma_wait3A_49 = arith.constant 0 : i32
      %dma_wait3A_50 = tpu.memref_slice %arg6[%dma_wait3A, %dma_wait3A_49] : memref<128x128xf32, #tpu.memory_space<vmem>> -> memref<112x128xf32, #tpu.memory_space<vmem>>
      %dma_wait3A_51 = arith.constant 0 : i32
      %dma_wait3A_52 = tpu.memref_slice %arg7[%add3A_34, %dma_wait3A_51] : memref<10000x128xf32, #tpu.memory_space<vmem_shared>> -> memref<112x128xf32, #tpu.memory_space<vmem_shared>>
      %dma_wait3A_53 = arith.constant 0 : i32
      %dma_wait3A_54 = arith.constant 0 : i32
      %dma_wait3A_55 = tpu.memref_slice %arg6[%dma_wait3A_53, %dma_wait3A_54] : memref<128x128xf32, #tpu.memory_space<vmem>> -> memref<112x128xf32, #tpu.memory_space<vmem>>
      %dma_wait3A_56 = arith.constant 0 : i32
      %dma_wait3A_57 = tpu.memref_slice %arg7[%add3A_34, %dma_wait3A_56] : memref<10000x128xf32, #tpu.memory_space<vmem_shared>> -> memref<112x128xf32, #tpu.memory_space<vmem_shared>>
      tpu.wait_dma2 semaphore(%run_scoped3A : memref<!tpu.dma_semaphore, #tpu.memory_space<semaphore_mem>>) src(%dma_wait3A_57 : memref<112x128xf32, #tpu.memory_space<vmem_shared>>) dst(%dma_wait3A_55 : memref<112x128xf32, #tpu.memory_space<vmem>>)
      tpu.yield
    }) : () -> ()
    "tpu.region"() ({
      %run_scoped3A = tpu.sem_alloc : memref<!tpu.dma_semaphore, #tpu.memory_space<semaphore_mem>>
      %dma_start3A = arith.constant 0 : i32
      %dma_start3A_40 = arith.constant 0 : i32
      %dma_start3A_41 = tpu.memref_slice %arg6[%dma_start3A, %dma_start3A_40] : memref<128x128xf32, #tpu.memory_space<vmem>> -> memref<112x128xf32, #tpu.memory_space<vmem>>
      %dma_start3A_42 = arith.constant 0 : i32
      %dma_start3A_43 = tpu.memref_slice %arg4[%arg0, %add3A_34, %dma_start3A_42] : memref<2x10000x128xf32, #tpu.memory_space<hbm>> -> memref<1x112x128xf32, #tpu.memory_space<hbm>>
      %dma_start3A_44 = tpu.memref_squeeze %dma_start3A_43 : memref<1x112x128xf32, #tpu.memory_space<hbm>> -> memref<112x128xf32, #tpu.memory_space<hbm>>
      %dma_start3A_45 = arith.constant 0 : i32
      %dma_start3A_46 = tpu.memref_slice %arg4[%arg0, %add3A_34, %dma_start3A_45] : memref<2x10000x128xf32, #tpu.memory_space<hbm>> -> memref<1x112x128xf32, #tpu.memory_space<hbm>>
      %dma_start3A_47 = tpu.memref_squeeze %dma_start3A_46 : memref<1x112x128xf32, #tpu.memory_space<hbm>> -> memref<112x128xf32, #tpu.memory_space<hbm>>
      %dma_start3A_48 = arith.constant 0 : i32
      %dma_start3A_49 = arith.constant 0 : i32
      %dma_start3A_50 = tpu.memref_slice %arg6[%dma_start3A_48, %dma_start3A_49] : memref<128x128xf32, #tpu.memory_space<vmem>> -> memref<112x128xf32, #tpu.memory_space<vmem>>
      tpu.enqueue_dma source(%dma_start3A_50 : memref<112x128xf32, #tpu.memory_space<vmem>>) target(%dma_start3A_47 : memref<112x128xf32, #tpu.memory_space<hbm>>) target_semaphore(%run_scoped3A : memref<!tpu.dma_semaphore, #tpu.memory_space<semaphore_mem>>)
      %dma_wait3A = arith.constant 0 : i32
      %dma_wait3A_51 = arith.constant 0 : i32
      %dma_wait3A_52 = tpu.memref_slice %arg6[%dma_wait3A, %dma_wait3A_51] : memref<128x128xf32, #tpu.memory_space<vmem>> -> memref<112x128xf32, #tpu.memory_space<vmem>>
      %dma_wait3A_53 = arith.constant 0 : i32
      %dma_wait3A_54 = tpu.memref_slice %arg4[%arg0, %add3A_34, %dma_wait3A_53] : memref<2x10000x128xf32, #tpu.memory_space<hbm>> -> memref<1x112x128xf32, #tpu.memory_space<hbm>>
      %dma_wait3A_55 = tpu.memref_squeeze %dma_wait3A_54 : memref<1x112x128xf32, #tpu.memory_space<hbm>> -> memref<112x128xf32, #tpu.memory_space<hbm>>
      %dma_wait3A_56 = arith.constant 0 : i32
      %dma_wait3A_57 = tpu.memref_slice %arg4[%arg0, %add3A_34, %dma_wait3A_56] : memref<2x10000x128xf32, #tpu.memory_space<hbm>> -> memref<1x112x128xf32, #tpu.memory_space<hbm>>
      %dma_wait3A_58 = tpu.memref_squeeze %dma_wait3A_57 : memref<1x112x128xf32, #tpu.memory_space<hbm>> -> memref<112x128xf32, #tpu.memory_space<hbm>>
      %dma_wait3A_59 = arith.constant 0 : i32
      %dma_wait3A_60 = arith.constant 0 : i32
      %dma_wait3A_61 = tpu.memref_slice %arg6[%dma_wait3A_59, %dma_wait3A_60] : memref<128x128xf32, #tpu.memory_space<vmem>> -> memref<112x128xf32, #tpu.memory_space<vmem>>
      tpu.wait_dma2 semaphore(%run_scoped3A : memref<!tpu.dma_semaphore, #tpu.memory_space<semaphore_mem>>) src(%dma_wait3A_61 : memref<112x128xf32, #tpu.memory_space<vmem>>) dst(%dma_wait3A_58 : memref<112x128xf32, #tpu.memory_space<hbm>>)
      tpu.yield
    }) : () -> ()
    %eq3A_35 = arith.constant 15 : i32
    %eq3A_36 = arith.cmpi eq, %arg1, %eq3A_35 : i32
    %convert_element_type3A_37 = arith.extui %eq3A_36 : i1 to i32
    %cond3A_38 = arith.constant 0 : i32
    %cond3A_39 = arith.cmpi ne, %convert_element_type3A_37, %cond3A_38 : i32
    scf.if %cond3A_39 {
      "tpu.region"() ({
        %run_scoped3A = tpu.sem_alloc : memref<!tpu.dma_semaphore, #tpu.memory_space<semaphore_mem>>
        %dma_start3A = arith.constant 0 : i32
        %dma_start3A_40 = arith.constant 0 : i32
        %dma_start3A_41 = tpu.memref_slice %arg6[%dma_start3A, %dma_start3A_40] : memref<128x128xf32, #tpu.memory_space<vmem>> -> memref<16x128xf32, #tpu.memory_space<vmem>>
        %dma_start3A_42 = arith.constant 9984 : i32
        %dma_start3A_43 = arith.constant 0 : i32
        %dma_start3A_44 = tpu.memref_slice %arg7[%dma_start3A_42, %dma_start3A_43] : memref<10000x128xf32, #tpu.memory_space<vmem_shared>> -> memref<16x128xf32, #tpu.memory_space<vmem_shared>>
        %dma_start3A_45 = arith.constant 0 : i32
        %dma_start3A_46 = arith.constant 0 : i32
        %dma_start3A_47 = tpu.memref_slice %arg6[%dma_start3A_45, %dma_start3A_46] : memref<128x128xf32, #tpu.memory_space<vmem>> -> memref<16x128xf32, #tpu.memory_space<vmem>>
        %dma_start3A_48 = arith.constant 9984 : i32
        %dma_start3A_49 = arith.constant 0 : i32
        %dma_start3A_50 = tpu.memref_slice %arg7[%dma_start3A_48, %dma_start3A_49] : memref<10000x128xf32, #tpu.memory_space<vmem_shared>> -> memref<16x128xf32, #tpu.memory_space<vmem_shared>>
        tpu.enqueue_dma source(%dma_start3A_50 : memref<16x128xf32, #tpu.memory_space<vmem_shared>>) target(%dma_start3A_47 : memref<16x128xf32, #tpu.memory_space<vmem>>) target_semaphore(%run_scoped3A : memref<!tpu.dma_semaphore, #tpu.memory_space<semaphore_mem>>)
        %dma_wait3A = arith.constant 0 : i32
        %dma_wait3A_51 = arith.constant 0 : i32
        %dma_wait3A_52 = tpu.memref_slice %arg6[%dma_wait3A, %dma_wait3A_51] : memref<128x128xf32, #tpu.memory_space<vmem>> -> memref<16x128xf32, #tpu.memory_space<vmem>>
        %dma_wait3A_53 = arith.constant 9984 : i32
        %dma_wait3A_54 = arith.constant 0 : i32
        %dma_wait3A_55 = tpu.memref_slice %arg7[%dma_wait3A_53, %dma_wait3A_54] : memref<10000x128xf32, #tpu.memory_space<vmem_shared>> -> memref<16x128xf32, #tpu.memory_space<vmem_shared>>
        %dma_wait3A_56 = arith.constant 0 : i32
        %dma_wait3A_57 = arith.constant 0 : i32
        %dma_wait3A_58 = tpu.memref_slice %arg6[%dma_wait3A_56, %dma_wait3A_57] : memref<128x128xf32, #tpu.memory_space<vmem>> -> memref<16x128xf32, #tpu.memory_space<vmem>>
        %dma_wait3A_59 = arith.constant 9984 : i32
        %dma_wait3A_60 = arith.constant 0 : i32
        %dma_wait3A_61 = tpu.memref_slice %arg7[%dma_wait3A_59, %dma_wait3A_60] : memref<10000x128xf32, #tpu.memory_space<vmem_shared>> -> memref<16x128xf32, #tpu.memory_space<vmem_shared>>
        tpu.wait_dma2 semaphore(%run_scoped3A : memref<!tpu.dma_semaphore, #tpu.memory_space<semaphore_mem>>) src(%dma_wait3A_61 : memref<16x128xf32, #tpu.memory_space<vmem_shared>>) dst(%dma_wait3A_58 : memref<16x128xf32, #tpu.memory_space<vmem>>)
        tpu.yield
      }) : () -> ()
      "tpu.region"() ({
        %run_scoped3A = tpu.sem_alloc : memref<!tpu.dma_semaphore, #tpu.memory_space<semaphore_mem>>
        %dma_start3A = arith.constant 0 : i32
        %dma_start3A_40 = arith.constant 0 : i32
        %dma_start3A_41 = tpu.memref_slice %arg6[%dma_start3A, %dma_start3A_40] : memref<128x128xf32, #tpu.memory_space<vmem>> -> memref<16x128xf32, #tpu.memory_space<vmem>>
        %dma_start3A_42 = arith.constant 9984 : i32
        %dma_start3A_43 = arith.constant 0 : i32
        %dma_start3A_44 = tpu.memref_slice %arg4[%arg0, %dma_start3A_42, %dma_start3A_43] : memref<2x10000x128xf32, #tpu.memory_space<hbm>> -> memref<1x16x128xf32, #tpu.memory_space<hbm>>
        %dma_start3A_45 = tpu.memref_squeeze %dma_start3A_44 : memref<1x16x128xf32, #tpu.memory_space<hbm>> -> memref<16x128xf32, #tpu.memory_space<hbm>>
        %dma_start3A_46 = arith.constant 9984 : i32
        %dma_start3A_47 = arith.constant 0 : i32
        %dma_start3A_48 = tpu.memref_slice %arg4[%arg0, %dma_start3A_46, %dma_start3A_47] : memref<2x10000x128xf32, #tpu.memory_space<hbm>> -> memref<1x16x128xf32, #tpu.memory_space<hbm>>
        %dma_start3A_49 = tpu.memref_squeeze %dma_start3A_48 : memref<1x16x128xf32, #tpu.memory_space<hbm>> -> memref<16x128xf32, #tpu.memory_space<hbm>>
        %dma_start3A_50 = arith.constant 0 : i32
        %dma_start3A_51 = arith.constant 0 : i32
        %dma_start3A_52 = tpu.memref_slice %arg6[%dma_start3A_50, %dma_start3A_51] : memref<128x128xf32, #tpu.memory_space<vmem>> -> memref<16x128xf32, #tpu.memory_space<vmem>>
        tpu.enqueue_dma source(%dma_start3A_52 : memref<16x128xf32, #tpu.memory_space<vmem>>) target(%dma_start3A_49 : memref<16x128xf32, #tpu.memory_space<hbm>>) target_semaphore(%run_scoped3A : memref<!tpu.dma_semaphore, #tpu.memory_space<semaphore_mem>>)
        %dma_wait3A = arith.constant 0 : i32
        %dma_wait3A_53 = arith.constant 0 : i32
        %dma_wait3A_54 = tpu.memref_slice %arg6[%dma_wait3A, %dma_wait3A_53] : memref<128x128xf32, #tpu.memory_space<vmem>> -> memref<16x128xf32, #tpu.memory_space<vmem>>
        %dma_wait3A_55 = arith.constant 9984 : i32
        %dma_wait3A_56 = arith.constant 0 : i32
        %dma_wait3A_57 = tpu.memref_slice %arg4[%arg0, %dma_wait3A_55, %dma_wait3A_56] : memref<2x10000x128xf32, #tpu.memory_space<hbm>> -> memref<1x16x128xf32, #tpu.memory_space<hbm>>
        %dma_wait3A_58 = tpu.memref_squeeze %dma_wait3A_57 : memref<1x16x128xf32, #tpu.memory_space<hbm>> -> memref<16x128xf32, #tpu.memory_space<hbm>>
        %dma_wait3A_59 = arith.constant 9984 : i32
        %dma_wait3A_60 = arith.constant 0 : i32
        %dma_wait3A_61 = tpu.memref_slice %arg4[%arg0, %dma_wait3A_59, %dma_wait3A_60] : memref<2x10000x128xf32, #tpu.memory_space<hbm>> -> memref<1x16x128xf32, #tpu.memory_space<hbm>>
        %dma_wait3A_62 = tpu.memref_squeeze %dma_wait3A_61 : memref<1x16x128xf32, #tpu.memory_space<hbm>> -> memref<16x128xf32, #tpu.memory_space<hbm>>
        %dma_wait3A_63 = arith.constant 0 : i32
        %dma_wait3A_64 = arith.constant 0 : i32
        %dma_wait3A_65 = tpu.memref_slice %arg6[%dma_wait3A_63, %dma_wait3A_64] : memref<128x128xf32, #tpu.memory_space<vmem>> -> memref<16x128xf32, #tpu.memory_space<vmem>>
        tpu.wait_dma2 semaphore(%run_scoped3A : memref<!tpu.dma_semaphore, #tpu.memory_space<semaphore_mem>>) src(%dma_wait3A_65 : memref<16x128xf32, #tpu.memory_space<vmem>>) dst(%dma_wait3A_62 : memref<16x128xf32, #tpu.memory_space<hbm>>)
        tpu.yield
      }) : () -> ()
    } else {
    }
    return
  }
}

#map = affine_map<(d0, d1) -> (0)>
#map1 = affine_map<(d0, d1) -> (0, 0, 0)>
module attributes {stable_mosaic.version = 14 : i64} {
  func.func @_scatter_msg_sc(%arg0: i32, %arg1: i32, %arg2: memref<160000xi32, #tpu.memory_space<hbm>>, %arg3: memref<2x80000x128xf32, #tpu.memory_space<hbm>>, %arg4: memref<2x10000x128xf32, #tpu.memory_space<hbm>>, %arg5: memref<128xi32, #tpu.memory_space<vmem>>, %arg6: memref<128x128xf32, #tpu.memory_space<vmem>>, %arg7: memref<10000x128xf32, #tpu.memory_space<vmem_shared>>) attributes {dimension_semantics = [#tpu.dimension_semantics<core_parallel>, #tpu.dimension_semantics<subcore_parallel>], iteration_bounds = array<i64: 2, 16>, scalar_prefetch = 0 : i64, scratch_operands = 3 : i64, tpu.core_type = #tpu.core_type<sc_vector_subcore>, window_params = [{transform_indices = #map}, {transform_indices = #map1}, {transform_indices = #map1}]} {
    %scan3A = arith.constant 0 : i32
    %scan3A_0 = arith.constant 1024 : i32
    %scan3A_1 = arith.addi %scan3A, %scan3A_0 : i32
    %scan3A_2 = arith.constant 1 : i32
    scf.for %scan3A_37 = %scan3A to %scan3A_1 step %scan3A_2  : i32 {
      %broadcast_in_dim3A = arith.constant 0.000000e+00 : f32
      %broadcast_in_dim3A_38 = vector.broadcast %broadcast_in_dim3A : f32 to vector<16xf32>
      %jit3A = arith.constant 8 : i32
      %div3A = arith.divsi %scan3A_37, %jit3A : i32
      %sign3A = arith.constant 0 : i32
      %sign3A_39 = arith.cmpi sgt, %scan3A_37, %sign3A : i32
      %sign3A_40 = arith.extui %sign3A_39 : i1 to i32
      %sign3A_41 = arith.constant 0 : i32
      %sign3A_42 = arith.cmpi slt, %scan3A_37, %sign3A_41 : i32
      %sign3A_43 = arith.extui %sign3A_42 : i1 to i32
      %sign3A_44 = arith.subi %sign3A_40, %sign3A_43 : i32
      %sign3A_45 = arith.constant 0 : i32
      %sign3A_46 = arith.cmpi sgt, %jit3A, %sign3A_45 : i32
      %sign3A_47 = arith.extui %sign3A_46 : i1 to i32
      %sign3A_48 = arith.constant 0 : i32
      %sign3A_49 = arith.cmpi slt, %jit3A, %sign3A_48 : i32
      %sign3A_50 = arith.extui %sign3A_49 : i1 to i32
      %sign3A_51 = arith.subi %sign3A_47, %sign3A_50 : i32
      %ne3A = arith.cmpi ne, %sign3A_44, %sign3A_51 : i32
      %rem3A = arith.remsi %scan3A_37, %jit3A : i32
      %ne3A_52 = arith.constant 0 : i32
      %ne3A_53 = arith.cmpi ne, %rem3A, %ne3A_52 : i32
      %and3A = arith.andi %ne3A, %ne3A_53 : i1
      %sub3A = arith.constant 1 : i32
      %sub3A_54 = arith.subi %div3A, %sub3A : i32
      %select_n3A = arith.select %and3A, %sub3A_54, %div3A : i32
      %jit3A_55 = arith.constant 8 : i32
      %eq3A_56 = arith.constant 0 : i32
      %eq3A_57 = arith.cmpi eq, %jit3A_55, %eq3A_56 : i32
      %jit3A_58 = arith.constant 1 : i32
      %select_n3A_59 = arith.select %eq3A_57, %jit3A_58, %jit3A_55 : i32
      %rem3A_60 = arith.remsi %scan3A_37, %select_n3A_59 : i32
      %ne3A_61 = arith.constant 0 : i32
      %ne3A_62 = arith.cmpi ne, %rem3A_60, %ne3A_61 : i32
      %lt3A = arith.constant 0 : i32
      %lt3A_63 = arith.cmpi slt, %rem3A_60, %lt3A : i32
      %lt3A_64 = arith.constant 0 : i32
      %lt3A_65 = arith.cmpi slt, %select_n3A_59, %lt3A_64 : i32
      %ne3A_66 = arith.xori %lt3A_63, %lt3A_65 : i1
      %and3A_67 = arith.andi %ne3A_66, %ne3A_62 : i1
      %add3A_68 = arith.addi %rem3A_60, %select_n3A_59 : i32
      %select_n3A_69 = arith.select %and3A_67, %add3A_68, %rem3A_60 : i32
      %mul3A_70 = arith.constant 16 : i32
      %mul3A_71 = arith.muli %select_n3A_69, %mul3A_70 : i32
      %swap3A = arith.index_cast %select_n3A : i32 to index
      %swap3A_72 = arith.index_cast %mul3A_71 : i32 to index
      %swap3A_73 = tpu.vector_load %arg6[%swap3A, %swap3A_72] {strides = array<i32>} : memref<128x128xf32, #tpu.memory_space<vmem>>, vector<1x16xf32>,
      %swap3A_74 = vector.shape_cast %swap3A_73 : vector<1x16xf32> to vector<16xf32>
      %swap3A_75 = vector.shape_cast %broadcast_in_dim3A_38 : vector<16xf32> to vector<1x16xf32>
      tpu.vector_store %arg6[%swap3A, %swap3A_72], %swap3A_75 {strides = array<i32>} : memref<128x128xf32, #tpu.memory_space<vmem>>, vector<1x16xf32>,
    }
    %scan3A_3 = arith.constant 1024 : i32
    %mul3A = arith.constant 624 : i32
    %mul3A_4 = arith.muli %arg1, %mul3A : i32
    %add3A = arith.constant 0 : i32
    %add3A_5 = arith.addi %mul3A_4, %add3A : i32
    "tpu.region"() ({
      %run_scoped3A = tpu.sem_alloc : memref<!tpu.dma_semaphore, #tpu.memory_space<semaphore_mem>>
      %dma_start3A = arith.constant 0 : i32
      %dma_start3A_37 = tpu.memref_slice %arg7[%add3A_5, %dma_start3A] : memref<10000x128xf32, #tpu.memory_space<vmem_shared>> -> memref<128x128xf32, #tpu.memory_space<vmem_shared>>
      %dma_start3A_38 = arith.constant 0 : i32
      %dma_start3A_39 = tpu.memref_slice %arg7[%add3A_5, %dma_start3A_38] : memref<10000x128xf32, #tpu.memory_space<vmem_shared>> -> memref<128x128xf32, #tpu.memory_space<vmem_shared>>
      tpu.enqueue_dma source(%arg6 : memref<128x128xf32, #tpu.memory_space<vmem>>) target(%dma_start3A_39 : memref<128x128xf32, #tpu.memory_space<vmem_shared>>) target_semaphore(%run_scoped3A : memref<!tpu.dma_semaphore, #tpu.memory_space<semaphore_mem>>)
      %dma_wait3A = arith.constant 0 : i32
      %dma_wait3A_40 = tpu.memref_slice %arg7[%add3A_5, %dma_wait3A] : memref<10000x128xf32, #tpu.memory_space<vmem_shared>> -> memref<128x128xf32, #tpu.memory_space<vmem_shared>>
      %dma_wait3A_41 = arith.constant 0 : i32
      %dma_wait3A_42 = tpu.memref_slice %arg7[%add3A_5, %dma_wait3A_41] : memref<10000x128xf32, #tpu.memory_space<vmem_shared>> -> memref<128x128xf32, #tpu.memory_space<vmem_shared>>
      tpu.wait_dma2 semaphore(%run_scoped3A : memref<!tpu.dma_semaphore, #tpu.memory_space<semaphore_mem>>) src(%arg6 : memref<128x128xf32, #tpu.memory_space<vmem>>) dst(%dma_wait3A_42 : memref<128x128xf32, #tpu.memory_space<vmem_shared>>)
      tpu.yield
    }) : () -> ()
    %add3A_6 = arith.constant 128 : i32
    %add3A_7 = arith.addi %mul3A_4, %add3A_6 : i32
    "tpu.region"() ({
      %run_scoped3A = tpu.sem_alloc : memref<!tpu.dma_semaphore, #tpu.memory_space<semaphore_mem>>
      %dma_start3A = arith.constant 0 : i32
      %dma_start3A_37 = tpu.memref_slice %arg7[%add3A_7, %dma_start3A] : memref<10000x128xf32, #tpu.memory_space<vmem_shared>> -> memref<128x128xf32, #tpu.memory_space<vmem_shared>>
      %dma_start3A_38 = arith.constant 0 : i32
      %dma_start3A_39 = tpu.memref_slice %arg7[%add3A_7, %dma_start3A_38] : memref<10000x128xf32, #tpu.memory_space<vmem_shared>> -> memref<128x128xf32, #tpu.memory_space<vmem_shared>>
      tpu.enqueue_dma source(%arg6 : memref<128x128xf32, #tpu.memory_space<vmem>>) target(%dma_start3A_39 : memref<128x128xf32, #tpu.memory_space<vmem_shared>>) target_semaphore(%run_scoped3A : memref<!tpu.dma_semaphore, #tpu.memory_space<semaphore_mem>>)
      %dma_wait3A = arith.constant 0 : i32
      %dma_wait3A_40 = tpu.memref_slice %arg7[%add3A_7, %dma_wait3A] : memref<10000x128xf32, #tpu.memory_space<vmem_shared>> -> memref<128x128xf32, #tpu.memory_space<vmem_shared>>
      %dma_wait3A_41 = arith.constant 0 : i32
      %dma_wait3A_42 = tpu.memref_slice %arg7[%add3A_7, %dma_wait3A_41] : memref<10000x128xf32, #tpu.memory_space<vmem_shared>> -> memref<128x128xf32, #tpu.memory_space<vmem_shared>>
      tpu.wait_dma2 semaphore(%run_scoped3A : memref<!tpu.dma_semaphore, #tpu.memory_space<semaphore_mem>>) src(%arg6 : memref<128x128xf32, #tpu.memory_space<vmem>>) dst(%dma_wait3A_42 : memref<128x128xf32, #tpu.memory_space<vmem_shared>>)
      tpu.yield
    }) : () -> ()
    %add3A_8 = arith.constant 256 : i32
    %add3A_9 = arith.addi %mul3A_4, %add3A_8 : i32
    "tpu.region"() ({
      %run_scoped3A = tpu.sem_alloc : memref<!tpu.dma_semaphore, #tpu.memory_space<semaphore_mem>>
      %dma_start3A = arith.constant 0 : i32
      %dma_start3A_37 = tpu.memref_slice %arg7[%add3A_9, %dma_start3A] : memref<10000x128xf32, #tpu.memory_space<vmem_shared>> -> memref<128x128xf32, #tpu.memory_space<vmem_shared>>
      %dma_start3A_38 = arith.constant 0 : i32
      %dma_start3A_39 = tpu.memref_slice %arg7[%add3A_9, %dma_start3A_38] : memref<10000x128xf32, #tpu.memory_space<vmem_shared>> -> memref<128x128xf32, #tpu.memory_space<vmem_shared>>
      tpu.enqueue_dma source(%arg6 : memref<128x128xf32, #tpu.memory_space<vmem>>) target(%dma_start3A_39 : memref<128x128xf32, #tpu.memory_space<vmem_shared>>) target_semaphore(%run_scoped3A : memref<!tpu.dma_semaphore, #tpu.memory_space<semaphore_mem>>)
      %dma_wait3A = arith.constant 0 : i32
      %dma_wait3A_40 = tpu.memref_slice %arg7[%add3A_9, %dma_wait3A] : memref<10000x128xf32, #tpu.memory_space<vmem_shared>> -> memref<128x128xf32, #tpu.memory_space<vmem_shared>>
      %dma_wait3A_41 = arith.constant 0 : i32
      %dma_wait3A_42 = tpu.memref_slice %arg7[%add3A_9, %dma_wait3A_41] : memref<10000x128xf32, #tpu.memory_space<vmem_shared>> -> memref<128x128xf32, #tpu.memory_space<vmem_shared>>
      tpu.wait_dma2 semaphore(%run_scoped3A : memref<!tpu.dma_semaphore, #tpu.memory_space<semaphore_mem>>) src(%arg6 : memref<128x128xf32, #tpu.memory_space<vmem>>) dst(%dma_wait3A_42 : memref<128x128xf32, #tpu.memory_space<vmem_shared>>)
      tpu.yield
    }) : () -> ()
    %add3A_10 = arith.constant 384 : i32
    %add3A_11 = arith.addi %mul3A_4, %add3A_10 : i32
    "tpu.region"() ({
      %run_scoped3A = tpu.sem_alloc : memref<!tpu.dma_semaphore, #tpu.memory_space<semaphore_mem>>
      %dma_start3A = arith.constant 0 : i32
      %dma_start3A_37 = tpu.memref_slice %arg7[%add3A_11, %dma_start3A] : memref<10000x128xf32, #tpu.memory_space<vmem_shared>> -> memref<128x128xf32, #tpu.memory_space<vmem_shared>>
      %dma_start3A_38 = arith.constant 0 : i32
      %dma_start3A_39 = tpu.memref_slice %arg7[%add3A_11, %dma_start3A_38] : memref<10000x128xf32, #tpu.memory_space<vmem_shared>> -> memref<128x128xf32, #tpu.memory_space<vmem_shared>>
      tpu.enqueue_dma source(%arg6 : memref<128x128xf32, #tpu.memory_space<vmem>>) target(%dma_start3A_39 : memref<128x128xf32, #tpu.memory_space<vmem_shared>>) target_semaphore(%run_scoped3A : memref<!tpu.dma_semaphore, #tpu.memory_space<semaphore_mem>>)
      %dma_wait3A = arith.constant 0 : i32
      %dma_wait3A_40 = tpu.memref_slice %arg7[%add3A_11, %dma_wait3A] : memref<10000x128xf32, #tpu.memory_space<vmem_shared>> -> memref<128x128xf32, #tpu.memory_space<vmem_shared>>
      %dma_wait3A_41 = arith.constant 0 : i32
      %dma_wait3A_42 = tpu.memref_slice %arg7[%add3A_11, %dma_wait3A_41] : memref<10000x128xf32, #tpu.memory_space<vmem_shared>> -> memref<128x128xf32, #tpu.memory_space<vmem_shared>>
      tpu.wait_dma2 semaphore(%run_scoped3A : memref<!tpu.dma_semaphore, #tpu.memory_space<semaphore_mem>>) src(%arg6 : memref<128x128xf32, #tpu.memory_space<vmem>>) dst(%dma_wait3A_42 : memref<128x128xf32, #tpu.memory_space<vmem_shared>>)
      tpu.yield
    }) : () -> ()
    %add3A_12 = arith.constant 512 : i32
    %add3A_13 = arith.addi %mul3A_4, %add3A_12 : i32
    "tpu.region"() ({
      %run_scoped3A = tpu.sem_alloc : memref<!tpu.dma_semaphore, #tpu.memory_space<semaphore_mem>>
      %dma_start3A = arith.constant 0 : i32
      %dma_start3A_37 = arith.constant 0 : i32
      %dma_start3A_38 = tpu.memref_slice %arg6[%dma_start3A, %dma_start3A_37] : memref<128x128xf32, #tpu.memory_space<vmem>> -> memref<112x128xf32, #tpu.memory_space<vmem>>
      %dma_start3A_39 = arith.constant 0 : i32
      %dma_start3A_40 = tpu.memref_slice %arg7[%add3A_13, %dma_start3A_39] : memref<10000x128xf32, #tpu.memory_space<vmem_shared>> -> memref<112x128xf32, #tpu.memory_space<vmem_shared>>
      %dma_start3A_41 = arith.constant 0 : i32
      %dma_start3A_42 = tpu.memref_slice %arg7[%add3A_13, %dma_start3A_41] : memref<10000x128xf32, #tpu.memory_space<vmem_shared>> -> memref<112x128xf32, #tpu.memory_space<vmem_shared>>
      %dma_start3A_43 = arith.constant 0 : i32
      %dma_start3A_44 = arith.constant 0 : i32
      %dma_start3A_45 = tpu.memref_slice %arg6[%dma_start3A_43, %dma_start3A_44] : memref<128x128xf32, #tpu.memory_space<vmem>> -> memref<112x128xf32, #tpu.memory_space<vmem>>
      tpu.enqueue_dma source(%dma_start3A_45 : memref<112x128xf32, #tpu.memory_space<vmem>>) target(%dma_start3A_42 : memref<112x128xf32, #tpu.memory_space<vmem_shared>>) target_semaphore(%run_scoped3A : memref<!tpu.dma_semaphore, #tpu.memory_space<semaphore_mem>>)
      %dma_wait3A = arith.constant 0 : i32
      %dma_wait3A_46 = arith.constant 0 : i32
      %dma_wait3A_47 = tpu.memref_slice %arg6[%dma_wait3A, %dma_wait3A_46] : memref<128x128xf32, #tpu.memory_space<vmem>> -> memref<112x128xf32, #tpu.memory_space<vmem>>
      %dma_wait3A_48 = arith.constant 0 : i32
      %dma_wait3A_49 = tpu.memref_slice %arg7[%add3A_13, %dma_wait3A_48] : memref<10000x128xf32, #tpu.memory_space<vmem_shared>> -> memref<112x128xf32, #tpu.memory_space<vmem_shared>>
      %dma_wait3A_50 = arith.constant 0 : i32
      %dma_wait3A_51 = tpu.memref_slice %arg7[%add3A_13, %dma_wait3A_50] : memref<10000x128xf32, #tpu.memory_space<vmem_shared>> -> memref<112x128xf32, #tpu.memory_space<vmem_shared>>
      %dma_wait3A_52 = arith.constant 0 : i32
      %dma_wait3A_53 = arith.constant 0 : i32
      %dma_wait3A_54 = tpu.memref_slice %arg6[%dma_wait3A_52, %dma_wait3A_53] : memref<128x128xf32, #tpu.memory_space<vmem>> -> memref<112x128xf32, #tpu.memory_space<vmem>>
      tpu.wait_dma2 semaphore(%run_scoped3A : memref<!tpu.dma_semaphore, #tpu.memory_space<semaphore_mem>>) src(%dma_wait3A_54 : memref<112x128xf32, #tpu.memory_space<vmem>>) dst(%dma_wait3A_51 : memref<112x128xf32, #tpu.memory_space<vmem_shared>>)
      tpu.yield
    }) : () -> ()
    %eq3A = arith.constant 15 : i32
    %eq3A_14 = arith.cmpi eq, %arg1, %eq3A : i32
    %convert_element_type3A = arith.extui %eq3A_14 : i1 to i32
    %cond3A = arith.constant 0 : i32
    %cond3A_15 = arith.cmpi ne, %convert_element_type3A, %cond3A : i32
    scf.if %cond3A_15 {
      "tpu.region"() ({
        %run_scoped3A = tpu.sem_alloc : memref<!tpu.dma_semaphore, #tpu.memory_space<semaphore_mem>>
        %dma_start3A = arith.constant 0 : i32
        %dma_start3A_37 = arith.constant 0 : i32
        %dma_start3A_38 = tpu.memref_slice %arg6[%dma_start3A, %dma_start3A_37] : memref<128x128xf32, #tpu.memory_space<vmem>> -> memref<16x128xf32, #tpu.memory_space<vmem>>
        %dma_start3A_39 = arith.constant 9984 : i32
        %dma_start3A_40 = arith.constant 0 : i32
        %dma_start3A_41 = tpu.memref_slice %arg7[%dma_start3A_39, %dma_start3A_40] : memref<10000x128xf32, #tpu.memory_space<vmem_shared>> -> memref<16x128xf32, #tpu.memory_space<vmem_shared>>
        %dma_start3A_42 = arith.constant 9984 : i32
        %dma_start3A_43 = arith.constant 0 : i32
        %dma_start3A_44 = tpu.memref_slice %arg7[%dma_start3A_42, %dma_start3A_43] : memref<10000x128xf32, #tpu.memory_space<vmem_shared>> -> memref<16x128xf32, #tpu.memory_space<vmem_shared>>
        %dma_start3A_45 = arith.constant 0 : i32
        %dma_start3A_46 = arith.constant 0 : i32
        %dma_start3A_47 = tpu.memref_slice %arg6[%dma_start3A_45, %dma_start3A_46] : memref<128x128xf32, #tpu.memory_space<vmem>> -> memref<16x128xf32, #tpu.memory_space<vmem>>
        tpu.enqueue_dma source(%dma_start3A_47 : memref<16x128xf32, #tpu.memory_space<vmem>>) target(%dma_start3A_44 : memref<16x128xf32, #tpu.memory_space<vmem_shared>>) target_semaphore(%run_scoped3A : memref<!tpu.dma_semaphore, #tpu.memory_space<semaphore_mem>>)
        %dma_wait3A = arith.constant 0 : i32
        %dma_wait3A_48 = arith.constant 0 : i32
        %dma_wait3A_49 = tpu.memref_slice %arg6[%dma_wait3A, %dma_wait3A_48] : memref<128x128xf32, #tpu.memory_space<vmem>> -> memref<16x128xf32, #tpu.memory_space<vmem>>
        %dma_wait3A_50 = arith.constant 9984 : i32
        %dma_wait3A_51 = arith.constant 0 : i32
        %dma_wait3A_52 = tpu.memref_slice %arg7[%dma_wait3A_50, %dma_wait3A_51] : memref<10000x128xf32, #tpu.memory_space<vmem_shared>> -> memref<16x128xf32, #tpu.memory_space<vmem_shared>>
        %dma_wait3A_53 = arith.constant 9984 : i32
        %dma_wait3A_54 = arith.constant 0 : i32
        %dma_wait3A_55 = tpu.memref_slice %arg7[%dma_wait3A_53, %dma_wait3A_54] : memref<10000x128xf32, #tpu.memory_space<vmem_shared>> -> memref<16x128xf32, #tpu.memory_space<vmem_shared>>
        %dma_wait3A_56 = arith.constant 0 : i32
        %dma_wait3A_57 = arith.constant 0 : i32
        %dma_wait3A_58 = tpu.memref_slice %arg6[%dma_wait3A_56, %dma_wait3A_57] : memref<128x128xf32, #tpu.memory_space<vmem>> -> memref<16x128xf32, #tpu.memory_space<vmem>>
        tpu.wait_dma2 semaphore(%run_scoped3A : memref<!tpu.dma_semaphore, #tpu.memory_space<semaphore_mem>>) src(%dma_wait3A_58 : memref<16x128xf32, #tpu.memory_space<vmem>>) dst(%dma_wait3A_55 : memref<16x128xf32, #tpu.memory_space<vmem_shared>>)
        tpu.yield
      }) : () -> ()
    } else {
    }
    %barrier3A = arith.constant 0 : index
    tpu.barrier barrier_id(%barrier3A)
    %scan3A_16 = arith.constant 0 : i32
    %scan3A_17 = arith.constant 40 : i32
    %scan3A_18 = arith.addi %scan3A_16, %scan3A_17 : i32
    %scan3A_19 = arith.constant 1 : i32
    scf.for %scan3A_37 = %scan3A_16 to %scan3A_18 step %scan3A_19  : i32 {
      %mul3A_38 = arith.constant 16 : i32
      %mul3A_39 = arith.muli %mul3A_38, %scan3A_37 : i32
      %add3A_40 = arith.addi %arg1, %mul3A_39 : i32
      %lt3A = arith.constant 625 : i32
      %lt3A_41 = arith.cmpi slt, %add3A_40, %lt3A : i32
      %convert_element_type3A_42 = arith.extui %lt3A_41 : i1 to i32
      %cond3A_43 = arith.constant 0 : i32
      %cond3A_44 = arith.cmpi ne, %convert_element_type3A_42, %cond3A_43 : i32
      scf.if %cond3A_44 {
        %add3A_45 = arith.constant 0 : i32
        %add3A_46 = arith.addi %add3A_45, %add3A_40 : i32
        %mul3A_47 = arith.constant 128 : i32
        %mul3A_48 = arith.muli %add3A_46, %mul3A_47 : i32
        "tpu.region"() ({
          %run_scoped3A = tpu.sem_alloc : memref<!tpu.dma_semaphore, #tpu.memory_space<semaphore_mem>>
          %dma_start3A = tpu.memref_slice %arg2[%mul3A_48] : memref<160000xi32, #tpu.memory_space<hbm>> -> memref<128xi32, #tpu.memory_space<hbm>>
          %dma_start3A_51 = tpu.memref_slice %arg2[%mul3A_48] : memref<160000xi32, #tpu.memory_space<hbm>> -> memref<128xi32, #tpu.memory_space<hbm>>
          tpu.enqueue_dma source(%dma_start3A_51 : memref<128xi32, #tpu.memory_space<hbm>>) target(%arg5 : memref<128xi32, #tpu.memory_space<vmem>>) target_semaphore(%run_scoped3A : memref<!tpu.dma_semaphore, #tpu.memory_space<semaphore_mem>>)
          %dma_wait3A = tpu.memref_slice %arg2[%mul3A_48] : memref<160000xi32, #tpu.memory_space<hbm>> -> memref<128xi32, #tpu.memory_space<hbm>>
          %dma_wait3A_52 = tpu.memref_slice %arg2[%mul3A_48] : memref<160000xi32, #tpu.memory_space<hbm>> -> memref<128xi32, #tpu.memory_space<hbm>>
          tpu.wait_dma2 semaphore(%run_scoped3A : memref<!tpu.dma_semaphore, #tpu.memory_space<semaphore_mem>>) src(%dma_wait3A_52 : memref<128xi32, #tpu.memory_space<hbm>>) dst(%arg5 : memref<128xi32, #tpu.memory_space<vmem>>)
          tpu.yield
        }) : () -> ()
        %mul3A_49 = arith.constant 128 : i32
        %mul3A_50 = arith.muli %add3A_40, %mul3A_49 : i32
        "tpu.region"() ({
          %run_scoped3A = tpu.sem_alloc : memref<!tpu.dma_semaphore, #tpu.memory_space<semaphore_mem>>
          %dma_start3A = arith.constant 0 : i32
          %dma_start3A_51 = tpu.memref_slice %arg3[%arg0, %mul3A_50, %dma_start3A] : memref<2x80000x128xf32, #tpu.memory_space<hbm>> -> memref<1x128x128xf32, #tpu.memory_space<hbm>>
          %dma_start3A_52 = tpu.memref_squeeze %dma_start3A_51 : memref<1x128x128xf32, #tpu.memory_space<hbm>> -> memref<128x128xf32, #tpu.memory_space<hbm>>
          %dma_start3A_53 = arith.constant 0 : i32
          %dma_start3A_54 = tpu.memref_slice %arg3[%arg0, %mul3A_50, %dma_start3A_53] : memref<2x80000x128xf32, #tpu.memory_space<hbm>> -> memref<1x128x128xf32, #tpu.memory_space<hbm>>
          %dma_start3A_55 = tpu.memref_squeeze %dma_start3A_54 : memref<1x128x128xf32, #tpu.memory_space<hbm>> -> memref<128x128xf32, #tpu.memory_space<hbm>>
          tpu.enqueue_dma source(%dma_start3A_55 : memref<128x128xf32, #tpu.memory_space<hbm>>) target(%arg6 : memref<128x128xf32, #tpu.memory_space<vmem>>) target_semaphore(%run_scoped3A : memref<!tpu.dma_semaphore, #tpu.memory_space<semaphore_mem>>)
          %dma_wait3A = arith.constant 0 : i32
          %dma_wait3A_56 = tpu.memref_slice %arg3[%arg0, %mul3A_50, %dma_wait3A] : memref<2x80000x128xf32, #tpu.memory_space<hbm>> -> memref<1x128x128xf32, #tpu.memory_space<hbm>>
          %dma_wait3A_57 = tpu.memref_squeeze %dma_wait3A_56 : memref<1x128x128xf32, #tpu.memory_space<hbm>> -> memref<128x128xf32, #tpu.memory_space<hbm>>
          %dma_wait3A_58 = arith.constant 0 : i32
          %dma_wait3A_59 = tpu.memref_slice %arg3[%arg0, %mul3A_50, %dma_wait3A_58] : memref<2x80000x128xf32, #tpu.memory_space<hbm>> -> memref<1x128x128xf32, #tpu.memory_space<hbm>>
          %dma_wait3A_60 = tpu.memref_squeeze %dma_wait3A_59 : memref<1x128x128xf32, #tpu.memory_space<hbm>> -> memref<128x128xf32, #tpu.memory_space<hbm>>
          tpu.wait_dma2 semaphore(%run_scoped3A : memref<!tpu.dma_semaphore, #tpu.memory_space<semaphore_mem>>) src(%dma_wait3A_60 : memref<128x128xf32, #tpu.memory_space<hbm>>) dst(%arg6 : memref<128x128xf32, #tpu.memory_space<vmem>>)
          tpu.yield
        }) : () -> ()
        "tpu.region"() ({
          %run_scoped3A = tpu.sem_alloc : memref<!tpu.dma_semaphore, #tpu.memory_space<semaphore_mem>>
          %dma_start3A = arith.constant 0 : i32
          %dma_start3A_51 = arith.constant 0 : i32
          %dma_start3A_52 = tpu.memref_slice %arg7[%dma_start3A, %dma_start3A_51] : memref<10000x128xf32, #tpu.memory_space<vmem_shared>> -> memref<10000x128xf32, #tpu.memory_space<vmem_shared>>
          tpu.enqueue_indirect_dma source(%arg6 : memref<128x128xf32, #tpu.memory_space<vmem>>) target(%dma_start3A_52 : memref<10000x128xf32, #tpu.memory_space<vmem_shared>>) offsets(%arg5 : memref<128xi32, #tpu.memory_space<vmem>>) semaphore(%run_scoped3A : memref<!tpu.dma_semaphore, #tpu.memory_space<semaphore_mem>>) {add = true}
          %dma_wait3A = arith.constant 0 : i32
          %dma_wait3A_53 = arith.constant 0 : i32
          %dma_wait3A_54 = tpu.memref_slice %arg7[%dma_wait3A, %dma_wait3A_53] : memref<10000x128xf32, #tpu.memory_space<vmem_shared>> -> memref<10000x128xf32, #tpu.memory_space<vmem_shared>>
          tpu.wait_indirect_dma semaphore(%run_scoped3A : memref<!tpu.dma_semaphore, #tpu.memory_space<semaphore_mem>>) src(%arg6 : memref<128x128xf32, #tpu.memory_space<vmem>>) dst(%dma_wait3A_54 : memref<10000x128xf32, #tpu.memory_space<vmem_shared>>)
          tpu.yield
        }) : () -> ()
      } else {
      }
    }
    %scan3A_20 = arith.constant 40 : i32
    %barrier3A_21 = arith.constant 0 : index
    tpu.barrier barrier_id(%barrier3A_21)
    %add3A_22 = arith.constant 0 : i32
    %add3A_23 = arith.addi %mul3A_4, %add3A_22 : i32
    "tpu.region"() ({
      %run_scoped3A = tpu.sem_alloc : memref<!tpu.dma_semaphore, #tpu.memory_space<semaphore_mem>>
      %dma_start3A = arith.constant 0 : i32
      %dma_start3A_37 = arith.constant 0 : i32
      %dma_start3A_38 = tpu.memref_slice %arg6[%dma_start3A, %dma_start3A_37] : memref<128x128xf32, #tpu.memory_space<vmem>> -> memref<128x128xf32, #tpu.memory_space<vmem>>
      %dma_start3A_39 = arith.constant 0 : i32
      %dma_start3A_40 = tpu.memref_slice %arg7[%add3A_23, %dma_start3A_39] : memref<10000x128xf32, #tpu.memory_space<vmem_shared>> -> memref<128x128xf32, #tpu.memory_space<vmem_shared>>
      %dma_start3A_41 = arith.constant 0 : i32
      %dma_start3A_42 = arith.constant 0 : i32
      %dma_start3A_43 = tpu.memref_slice %arg6[%dma_start3A_41, %dma_start3A_42] : memref<128x128xf32, #tpu.memory_space<vmem>> -> memref<128x128xf32, #tpu.memory_space<vmem>>
      %dma_start3A_44 = arith.constant 0 : i32
      %dma_start3A_45 = tpu.memref_slice %arg7[%add3A_23, %dma_start3A_44] : memref<10000x128xf32, #tpu.memory_space<vmem_shared>> -> memref<128x128xf32, #tpu.memory_space<vmem_shared>>
      tpu.enqueue_dma source(%dma_start3A_45 : memref<128x128xf32, #tpu.memory_space<vmem_shared>>) target(%dma_start3A_43 : memref<128x128xf32, #tpu.memory_space<vmem>>) target_semaphore(%run_scoped3A : memref<!tpu.dma_semaphore, #tpu.memory_space<semaphore_mem>>)
      %dma_wait3A = arith.constant 0 : i32
      %dma_wait3A_46 = arith.constant 0 : i32
      %dma_wait3A_47 = tpu.memref_slice %arg6[%dma_wait3A, %dma_wait3A_46] : memref<128x128xf32, #tpu.memory_space<vmem>> -> memref<128x128xf32, #tpu.memory_space<vmem>>
      %dma_wait3A_48 = arith.constant 0 : i32
      %dma_wait3A_49 = tpu.memref_slice %arg7[%add3A_23, %dma_wait3A_48] : memref<10000x128xf32, #tpu.memory_space<vmem_shared>> -> memref<128x128xf32, #tpu.memory_space<vmem_shared>>
      %dma_wait3A_50 = arith.constant 0 : i32
      %dma_wait3A_51 = arith.constant 0 : i32
      %dma_wait3A_52 = tpu.memref_slice %arg6[%dma_wait3A_50, %dma_wait3A_51] : memref<128x128xf32, #tpu.memory_space<vmem>> -> memref<128x128xf32, #tpu.memory_space<vmem>>
      %dma_wait3A_53 = arith.constant 0 : i32
      %dma_wait3A_54 = tpu.memref_slice %arg7[%add3A_23, %dma_wait3A_53] : memref<10000x128xf32, #tpu.memory_space<vmem_shared>> -> memref<128x128xf32, #tpu.memory_space<vmem_shared>>
      tpu.wait_dma2 semaphore(%run_scoped3A : memref<!tpu.dma_semaphore, #tpu.memory_space<semaphore_mem>>) src(%dma_wait3A_54 : memref<128x128xf32, #tpu.memory_space<vmem_shared>>) dst(%dma_wait3A_52 : memref<128x128xf32, #tpu.memory_space<vmem>>)
      tpu.yield
    }) : () -> ()
    "tpu.region"() ({
      %run_scoped3A = tpu.sem_alloc : memref<!tpu.dma_semaphore, #tpu.memory_space<semaphore_mem>>
      %dma_start3A = arith.constant 0 : i32
      %dma_start3A_37 = arith.constant 0 : i32
      %dma_start3A_38 = tpu.memref_slice %arg6[%dma_start3A, %dma_start3A_37] : memref<128x128xf32, #tpu.memory_space<vmem>> -> memref<128x128xf32, #tpu.memory_space<vmem>>
      %dma_start3A_39 = arith.constant 0 : i32
      %dma_start3A_40 = tpu.memref_slice %arg4[%arg0, %add3A_23, %dma_start3A_39] : memref<2x10000x128xf32, #tpu.memory_space<hbm>> -> memref<1x128x128xf32, #tpu.memory_space<hbm>>
      %dma_start3A_41 = tpu.memref_squeeze %dma_start3A_40 : memref<1x128x128xf32, #tpu.memory_space<hbm>> -> memref<128x128xf32, #tpu.memory_space<hbm>>
      %dma_start3A_42 = arith.constant 0 : i32
      %dma_start3A_43 = tpu.memref_slice %arg4[%arg0, %add3A_23, %dma_start3A_42] : memref<2x10000x128xf32, #tpu.memory_space<hbm>> -> memref<1x128x128xf32, #tpu.memory_space<hbm>>
      %dma_start3A_44 = tpu.memref_squeeze %dma_start3A_43 : memref<1x128x128xf32, #tpu.memory_space<hbm>> -> memref<128x128xf32, #tpu.memory_space<hbm>>
      %dma_start3A_45 = arith.constant 0 : i32
      %dma_start3A_46 = arith.constant 0 : i32
      %dma_start3A_47 = tpu.memref_slice %arg6[%dma_start3A_45, %dma_start3A_46] : memref<128x128xf32, #tpu.memory_space<vmem>> -> memref<128x128xf32, #tpu.memory_space<vmem>>
      tpu.enqueue_dma source(%dma_start3A_47 : memref<128x128xf32, #tpu.memory_space<vmem>>) target(%dma_start3A_44 : memref<128x128xf32, #tpu.memory_space<hbm>>) target_semaphore(%run_scoped3A : memref<!tpu.dma_semaphore, #tpu.memory_space<semaphore_mem>>)
      %dma_wait3A = arith.constant 0 : i32
      %dma_wait3A_48 = arith.constant 0 : i32
      %dma_wait3A_49 = tpu.memref_slice %arg6[%dma_wait3A, %dma_wait3A_48] : memref<128x128xf32, #tpu.memory_space<vmem>> -> memref<128x128xf32, #tpu.memory_space<vmem>>
      %dma_wait3A_50 = arith.constant 0 : i32
      %dma_wait3A_51 = tpu.memref_slice %arg4[%arg0, %add3A_23, %dma_wait3A_50] : memref<2x10000x128xf32, #tpu.memory_space<hbm>> -> memref<1x128x128xf32, #tpu.memory_space<hbm>>
      %dma_wait3A_52 = tpu.memref_squeeze %dma_wait3A_51 : memref<1x128x128xf32, #tpu.memory_space<hbm>> -> memref<128x128xf32, #tpu.memory_space<hbm>>
      %dma_wait3A_53 = arith.constant 0 : i32
      %dma_wait3A_54 = tpu.memref_slice %arg4[%arg0, %add3A_23, %dma_wait3A_53] : memref<2x10000x128xf32, #tpu.memory_space<hbm>> -> memref<1x128x128xf32, #tpu.memory_space<hbm>>
      %dma_wait3A_55 = tpu.memref_squeeze %dma_wait3A_54 : memref<1x128x128xf32, #tpu.memory_space<hbm>> -> memref<128x128xf32, #tpu.memory_space<hbm>>
      %dma_wait3A_56 = arith.constant 0 : i32
      %dma_wait3A_57 = arith.constant 0 : i32
      %dma_wait3A_58 = tpu.memref_slice %arg6[%dma_wait3A_56, %dma_wait3A_57] : memref<128x128xf32, #tpu.memory_space<vmem>> -> memref<128x128xf32, #tpu.memory_space<vmem>>
      tpu.wait_dma2 semaphore(%run_scoped3A : memref<!tpu.dma_semaphore, #tpu.memory_space<semaphore_mem>>) src(%dma_wait3A_58 : memref<128x128xf32, #tpu.memory_space<vmem>>) dst(%dma_wait3A_55 : memref<128x128xf32, #tpu.memory_space<hbm>>)
      tpu.yield
    }) : () -> ()
    %add3A_24 = arith.constant 128 : i32
    %add3A_25 = arith.addi %mul3A_4, %add3A_24 : i32
    "tpu.region"() ({
      %run_scoped3A = tpu.sem_alloc : memref<!tpu.dma_semaphore, #tpu.memory_space<semaphore_mem>>
      %dma_start3A = arith.constant 0 : i32
      %dma_start3A_37 = arith.constant 0 : i32
      %dma_start3A_38 = tpu.memref_slice %arg6[%dma_start3A, %dma_start3A_37] : memref<128x128xf32, #tpu.memory_space<vmem>> -> memref<128x128xf32, #tpu.memory_space<vmem>>
      %dma_start3A_39 = arith.constant 0 : i32
      %dma_start3A_40 = tpu.memref_slice %arg7[%add3A_25, %dma_start3A_39] : memref<10000x128xf32, #tpu.memory_space<vmem_shared>> -> memref<128x128xf32, #tpu.memory_space<vmem_shared>>
      %dma_start3A_41 = arith.constant 0 : i32
      %dma_start3A_42 = arith.constant 0 : i32
      %dma_start3A_43 = tpu.memref_slice %arg6[%dma_start3A_41, %dma_start3A_42] : memref<128x128xf32, #tpu.memory_space<vmem>> -> memref<128x128xf32, #tpu.memory_space<vmem>>
      %dma_start3A_44 = arith.constant 0 : i32
      %dma_start3A_45 = tpu.memref_slice %arg7[%add3A_25, %dma_start3A_44] : memref<10000x128xf32, #tpu.memory_space<vmem_shared>> -> memref<128x128xf32, #tpu.memory_space<vmem_shared>>
      tpu.enqueue_dma source(%dma_start3A_45 : memref<128x128xf32, #tpu.memory_space<vmem_shared>>) target(%dma_start3A_43 : memref<128x128xf32, #tpu.memory_space<vmem>>) target_semaphore(%run_scoped3A : memref<!tpu.dma_semaphore, #tpu.memory_space<semaphore_mem>>)
      %dma_wait3A = arith.constant 0 : i32
      %dma_wait3A_46 = arith.constant 0 : i32
      %dma_wait3A_47 = tpu.memref_slice %arg6[%dma_wait3A, %dma_wait3A_46] : memref<128x128xf32, #tpu.memory_space<vmem>> -> memref<128x128xf32, #tpu.memory_space<vmem>>
      %dma_wait3A_48 = arith.constant 0 : i32
      %dma_wait3A_49 = tpu.memref_slice %arg7[%add3A_25, %dma_wait3A_48] : memref<10000x128xf32, #tpu.memory_space<vmem_shared>> -> memref<128x128xf32, #tpu.memory_space<vmem_shared>>
      %dma_wait3A_50 = arith.constant 0 : i32
      %dma_wait3A_51 = arith.constant 0 : i32
      %dma_wait3A_52 = tpu.memref_slice %arg6[%dma_wait3A_50, %dma_wait3A_51] : memref<128x128xf32, #tpu.memory_space<vmem>> -> memref<128x128xf32, #tpu.memory_space<vmem>>
      %dma_wait3A_53 = arith.constant 0 : i32
      %dma_wait3A_54 = tpu.memref_slice %arg7[%add3A_25, %dma_wait3A_53] : memref<10000x128xf32, #tpu.memory_space<vmem_shared>> -> memref<128x128xf32, #tpu.memory_space<vmem_shared>>
      tpu.wait_dma2 semaphore(%run_scoped3A : memref<!tpu.dma_semaphore, #tpu.memory_space<semaphore_mem>>) src(%dma_wait3A_54 : memref<128x128xf32, #tpu.memory_space<vmem_shared>>) dst(%dma_wait3A_52 : memref<128x128xf32, #tpu.memory_space<vmem>>)
      tpu.yield
    }) : () -> ()
    "tpu.region"() ({
      %run_scoped3A = tpu.sem_alloc : memref<!tpu.dma_semaphore, #tpu.memory_space<semaphore_mem>>
      %dma_start3A = arith.constant 0 : i32
      %dma_start3A_37 = arith.constant 0 : i32
      %dma_start3A_38 = tpu.memref_slice %arg6[%dma_start3A, %dma_start3A_37] : memref<128x128xf32, #tpu.memory_space<vmem>> -> memref<128x128xf32, #tpu.memory_space<vmem>>
      %dma_start3A_39 = arith.constant 0 : i32
      %dma_start3A_40 = tpu.memref_slice %arg4[%arg0, %add3A_25, %dma_start3A_39] : memref<2x10000x128xf32, #tpu.memory_space<hbm>> -> memref<1x128x128xf32, #tpu.memory_space<hbm>>
      %dma_start3A_41 = tpu.memref_squeeze %dma_start3A_40 : memref<1x128x128xf32, #tpu.memory_space<hbm>> -> memref<128x128xf32, #tpu.memory_space<hbm>>
      %dma_start3A_42 = arith.constant 0 : i32
      %dma_start3A_43 = tpu.memref_slice %arg4[%arg0, %add3A_25, %dma_start3A_42] : memref<2x10000x128xf32, #tpu.memory_space<hbm>> -> memref<1x128x128xf32, #tpu.memory_space<hbm>>
      %dma_start3A_44 = tpu.memref_squeeze %dma_start3A_43 : memref<1x128x128xf32, #tpu.memory_space<hbm>> -> memref<128x128xf32, #tpu.memory_space<hbm>>
      %dma_start3A_45 = arith.constant 0 : i32
      %dma_start3A_46 = arith.constant 0 : i32
      %dma_start3A_47 = tpu.memref_slice %arg6[%dma_start3A_45, %dma_start3A_46] : memref<128x128xf32, #tpu.memory_space<vmem>> -> memref<128x128xf32, #tpu.memory_space<vmem>>
      tpu.enqueue_dma source(%dma_start3A_47 : memref<128x128xf32, #tpu.memory_space<vmem>>) target(%dma_start3A_44 : memref<128x128xf32, #tpu.memory_space<hbm>>) target_semaphore(%run_scoped3A : memref<!tpu.dma_semaphore, #tpu.memory_space<semaphore_mem>>)
      %dma_wait3A = arith.constant 0 : i32
      %dma_wait3A_48 = arith.constant 0 : i32
      %dma_wait3A_49 = tpu.memref_slice %arg6[%dma_wait3A, %dma_wait3A_48] : memref<128x128xf32, #tpu.memory_space<vmem>> -> memref<128x128xf32, #tpu.memory_space<vmem>>
      %dma_wait3A_50 = arith.constant 0 : i32
      %dma_wait3A_51 = tpu.memref_slice %arg4[%arg0, %add3A_25, %dma_wait3A_50] : memref<2x10000x128xf32, #tpu.memory_space<hbm>> -> memref<1x128x128xf32, #tpu.memory_space<hbm>>
      %dma_wait3A_52 = tpu.memref_squeeze %dma_wait3A_51 : memref<1x128x128xf32, #tpu.memory_space<hbm>> -> memref<128x128xf32, #tpu.memory_space<hbm>>
      %dma_wait3A_53 = arith.constant 0 : i32
      %dma_wait3A_54 = tpu.memref_slice %arg4[%arg0, %add3A_25, %dma_wait3A_53] : memref<2x10000x128xf32, #tpu.memory_space<hbm>> -> memref<1x128x128xf32, #tpu.memory_space<hbm>>
      %dma_wait3A_55 = tpu.memref_squeeze %dma_wait3A_54 : memref<1x128x128xf32, #tpu.memory_space<hbm>> -> memref<128x128xf32, #tpu.memory_space<hbm>>
      %dma_wait3A_56 = arith.constant 0 : i32
      %dma_wait3A_57 = arith.constant 0 : i32
      %dma_wait3A_58 = tpu.memref_slice %arg6[%dma_wait3A_56, %dma_wait3A_57] : memref<128x128xf32, #tpu.memory_space<vmem>> -> memref<128x128xf32, #tpu.memory_space<vmem>>
      tpu.wait_dma2 semaphore(%run_scoped3A : memref<!tpu.dma_semaphore, #tpu.memory_space<semaphore_mem>>) src(%dma_wait3A_58 : memref<128x128xf32, #tpu.memory_space<vmem>>) dst(%dma_wait3A_55 : memref<128x128xf32, #tpu.memory_space<hbm>>)
      tpu.yield
    }) : () -> ()
    %add3A_26 = arith.constant 256 : i32
    %add3A_27 = arith.addi %mul3A_4, %add3A_26 : i32
    "tpu.region"() ({
      %run_scoped3A = tpu.sem_alloc : memref<!tpu.dma_semaphore, #tpu.memory_space<semaphore_mem>>
      %dma_start3A = arith.constant 0 : i32
      %dma_start3A_37 = arith.constant 0 : i32
      %dma_start3A_38 = tpu.memref_slice %arg6[%dma_start3A, %dma_start3A_37] : memref<128x128xf32, #tpu.memory_space<vmem>> -> memref<128x128xf32, #tpu.memory_space<vmem>>
      %dma_start3A_39 = arith.constant 0 : i32
      %dma_start3A_40 = tpu.memref_slice %arg7[%add3A_27, %dma_start3A_39] : memref<10000x128xf32, #tpu.memory_space<vmem_shared>> -> memref<128x128xf32, #tpu.memory_space<vmem_shared>>
      %dma_start3A_41 = arith.constant 0 : i32
      %dma_start3A_42 = arith.constant 0 : i32
      %dma_start3A_43 = tpu.memref_slice %arg6[%dma_start3A_41, %dma_start3A_42] : memref<128x128xf32, #tpu.memory_space<vmem>> -> memref<128x128xf32, #tpu.memory_space<vmem>>
      %dma_start3A_44 = arith.constant 0 : i32
      %dma_start3A_45 = tpu.memref_slice %arg7[%add3A_27, %dma_start3A_44] : memref<10000x128xf32, #tpu.memory_space<vmem_shared>> -> memref<128x128xf32, #tpu.memory_space<vmem_shared>>
      tpu.enqueue_dma source(%dma_start3A_45 : memref<128x128xf32, #tpu.memory_space<vmem_shared>>) target(%dma_start3A_43 : memref<128x128xf32, #tpu.memory_space<vmem>>) target_semaphore(%run_scoped3A : memref<!tpu.dma_semaphore, #tpu.memory_space<semaphore_mem>>)
      %dma_wait3A = arith.constant 0 : i32
      %dma_wait3A_46 = arith.constant 0 : i32
      %dma_wait3A_47 = tpu.memref_slice %arg6[%dma_wait3A, %dma_wait3A_46] : memref<128x128xf32, #tpu.memory_space<vmem>> -> memref<128x128xf32, #tpu.memory_space<vmem>>
      %dma_wait3A_48 = arith.constant 0 : i32
      %dma_wait3A_49 = tpu.memref_slice %arg7[%add3A_27, %dma_wait3A_48] : memref<10000x128xf32, #tpu.memory_space<vmem_shared>> -> memref<128x128xf32, #tpu.memory_space<vmem_shared>>
      %dma_wait3A_50 = arith.constant 0 : i32
      %dma_wait3A_51 = arith.constant 0 : i32
      %dma_wait3A_52 = tpu.memref_slice %arg6[%dma_wait3A_50, %dma_wait3A_51] : memref<128x128xf32, #tpu.memory_space<vmem>> -> memref<128x128xf32, #tpu.memory_space<vmem>>
      %dma_wait3A_53 = arith.constant 0 : i32
      %dma_wait3A_54 = tpu.memref_slice %arg7[%add3A_27, %dma_wait3A_53] : memref<10000x128xf32, #tpu.memory_space<vmem_shared>> -> memref<128x128xf32, #tpu.memory_space<vmem_shared>>
      tpu.wait_dma2 semaphore(%run_scoped3A : memref<!tpu.dma_semaphore, #tpu.memory_space<semaphore_mem>>) src(%dma_wait3A_54 : memref<128x128xf32, #tpu.memory_space<vmem_shared>>) dst(%dma_wait3A_52 : memref<128x128xf32, #tpu.memory_space<vmem>>)
      tpu.yield
    }) : () -> ()
    "tpu.region"() ({
      %run_scoped3A = tpu.sem_alloc : memref<!tpu.dma_semaphore, #tpu.memory_space<semaphore_mem>>
      %dma_start3A = arith.constant 0 : i32
      %dma_start3A_37 = arith.constant 0 : i32
      %dma_start3A_38 = tpu.memref_slice %arg6[%dma_start3A, %dma_start3A_37] : memref<128x128xf32, #tpu.memory_space<vmem>> -> memref<128x128xf32, #tpu.memory_space<vmem>>
      %dma_start3A_39 = arith.constant 0 : i32
      %dma_start3A_40 = tpu.memref_slice %arg4[%arg0, %add3A_27, %dma_start3A_39] : memref<2x10000x128xf32, #tpu.memory_space<hbm>> -> memref<1x128x128xf32, #tpu.memory_space<hbm>>
      %dma_start3A_41 = tpu.memref_squeeze %dma_start3A_40 : memref<1x128x128xf32, #tpu.memory_space<hbm>> -> memref<128x128xf32, #tpu.memory_space<hbm>>
      %dma_start3A_42 = arith.constant 0 : i32
      %dma_start3A_43 = tpu.memref_slice %arg4[%arg0, %add3A_27, %dma_start3A_42] : memref<2x10000x128xf32, #tpu.memory_space<hbm>> -> memref<1x128x128xf32, #tpu.memory_space<hbm>>
      %dma_start3A_44 = tpu.memref_squeeze %dma_start3A_43 : memref<1x128x128xf32, #tpu.memory_space<hbm>> -> memref<128x128xf32, #tpu.memory_space<hbm>>
      %dma_start3A_45 = arith.constant 0 : i32
      %dma_start3A_46 = arith.constant 0 : i32
      %dma_start3A_47 = tpu.memref_slice %arg6[%dma_start3A_45, %dma_start3A_46] : memref<128x128xf32, #tpu.memory_space<vmem>> -> memref<128x128xf32, #tpu.memory_space<vmem>>
      tpu.enqueue_dma source(%dma_start3A_47 : memref<128x128xf32, #tpu.memory_space<vmem>>) target(%dma_start3A_44 : memref<128x128xf32, #tpu.memory_space<hbm>>) target_semaphore(%run_scoped3A : memref<!tpu.dma_semaphore, #tpu.memory_space<semaphore_mem>>)
      %dma_wait3A = arith.constant 0 : i32
      %dma_wait3A_48 = arith.constant 0 : i32
      %dma_wait3A_49 = tpu.memref_slice %arg6[%dma_wait3A, %dma_wait3A_48] : memref<128x128xf32, #tpu.memory_space<vmem>> -> memref<128x128xf32, #tpu.memory_space<vmem>>
      %dma_wait3A_50 = arith.constant 0 : i32
      %dma_wait3A_51 = tpu.memref_slice %arg4[%arg0, %add3A_27, %dma_wait3A_50] : memref<2x10000x128xf32, #tpu.memory_space<hbm>> -> memref<1x128x128xf32, #tpu.memory_space<hbm>>
      %dma_wait3A_52 = tpu.memref_squeeze %dma_wait3A_51 : memref<1x128x128xf32, #tpu.memory_space<hbm>> -> memref<128x128xf32, #tpu.memory_space<hbm>>
      %dma_wait3A_53 = arith.constant 0 : i32
      %dma_wait3A_54 = tpu.memref_slice %arg4[%arg0, %add3A_27, %dma_wait3A_53] : memref<2x10000x128xf32, #tpu.memory_space<hbm>> -> memref<1x128x128xf32, #tpu.memory_space<hbm>>
      %dma_wait3A_55 = tpu.memref_squeeze %dma_wait3A_54 : memref<1x128x128xf32, #tpu.memory_space<hbm>> -> memref<128x128xf32, #tpu.memory_space<hbm>>
      %dma_wait3A_56 = arith.constant 0 : i32
      %dma_wait3A_57 = arith.constant 0 : i32
      %dma_wait3A_58 = tpu.memref_slice %arg6[%dma_wait3A_56, %dma_wait3A_57] : memref<128x128xf32, #tpu.memory_space<vmem>> -> memref<128x128xf32, #tpu.memory_space<vmem>>
      tpu.wait_dma2 semaphore(%run_scoped3A : memref<!tpu.dma_semaphore, #tpu.memory_space<semaphore_mem>>) src(%dma_wait3A_58 : memref<128x128xf32, #tpu.memory_space<vmem>>) dst(%dma_wait3A_55 : memref<128x128xf32, #tpu.memory_space<hbm>>)
      tpu.yield
    }) : () -> ()
    %add3A_28 = arith.constant 384 : i32
    %add3A_29 = arith.addi %mul3A_4, %add3A_28 : i32
    "tpu.region"() ({
      %run_scoped3A = tpu.sem_alloc : memref<!tpu.dma_semaphore, #tpu.memory_space<semaphore_mem>>
      %dma_start3A = arith.constant 0 : i32
      %dma_start3A_37 = arith.constant 0 : i32
      %dma_start3A_38 = tpu.memref_slice %arg6[%dma_start3A, %dma_start3A_37] : memref<128x128xf32, #tpu.memory_space<vmem>> -> memref<128x128xf32, #tpu.memory_space<vmem>>
      %dma_start3A_39 = arith.constant 0 : i32
      %dma_start3A_40 = tpu.memref_slice %arg7[%add3A_29, %dma_start3A_39] : memref<10000x128xf32, #tpu.memory_space<vmem_shared>> -> memref<128x128xf32, #tpu.memory_space<vmem_shared>>
      %dma_start3A_41 = arith.constant 0 : i32
      %dma_start3A_42 = arith.constant 0 : i32
      %dma_start3A_43 = tpu.memref_slice %arg6[%dma_start3A_41, %dma_start3A_42] : memref<128x128xf32, #tpu.memory_space<vmem>> -> memref<128x128xf32, #tpu.memory_space<vmem>>
      %dma_start3A_44 = arith.constant 0 : i32
      %dma_start3A_45 = tpu.memref_slice %arg7[%add3A_29, %dma_start3A_44] : memref<10000x128xf32, #tpu.memory_space<vmem_shared>> -> memref<128x128xf32, #tpu.memory_space<vmem_shared>>
      tpu.enqueue_dma source(%dma_start3A_45 : memref<128x128xf32, #tpu.memory_space<vmem_shared>>) target(%dma_start3A_43 : memref<128x128xf32, #tpu.memory_space<vmem>>) target_semaphore(%run_scoped3A : memref<!tpu.dma_semaphore, #tpu.memory_space<semaphore_mem>>)
      %dma_wait3A = arith.constant 0 : i32
      %dma_wait3A_46 = arith.constant 0 : i32
      %dma_wait3A_47 = tpu.memref_slice %arg6[%dma_wait3A, %dma_wait3A_46] : memref<128x128xf32, #tpu.memory_space<vmem>> -> memref<128x128xf32, #tpu.memory_space<vmem>>
      %dma_wait3A_48 = arith.constant 0 : i32
      %dma_wait3A_49 = tpu.memref_slice %arg7[%add3A_29, %dma_wait3A_48] : memref<10000x128xf32, #tpu.memory_space<vmem_shared>> -> memref<128x128xf32, #tpu.memory_space<vmem_shared>>
      %dma_wait3A_50 = arith.constant 0 : i32
      %dma_wait3A_51 = arith.constant 0 : i32
      %dma_wait3A_52 = tpu.memref_slice %arg6[%dma_wait3A_50, %dma_wait3A_51] : memref<128x128xf32, #tpu.memory_space<vmem>> -> memref<128x128xf32, #tpu.memory_space<vmem>>
      %dma_wait3A_53 = arith.constant 0 : i32
      %dma_wait3A_54 = tpu.memref_slice %arg7[%add3A_29, %dma_wait3A_53] : memref<10000x128xf32, #tpu.memory_space<vmem_shared>> -> memref<128x128xf32, #tpu.memory_space<vmem_shared>>
      tpu.wait_dma2 semaphore(%run_scoped3A : memref<!tpu.dma_semaphore, #tpu.memory_space<semaphore_mem>>) src(%dma_wait3A_54 : memref<128x128xf32, #tpu.memory_space<vmem_shared>>) dst(%dma_wait3A_52 : memref<128x128xf32, #tpu.memory_space<vmem>>)
      tpu.yield
    }) : () -> ()
    "tpu.region"() ({
      %run_scoped3A = tpu.sem_alloc : memref<!tpu.dma_semaphore, #tpu.memory_space<semaphore_mem>>
      %dma_start3A = arith.constant 0 : i32
      %dma_start3A_37 = arith.constant 0 : i32
      %dma_start3A_38 = tpu.memref_slice %arg6[%dma_start3A, %dma_start3A_37] : memref<128x128xf32, #tpu.memory_space<vmem>> -> memref<128x128xf32, #tpu.memory_space<vmem>>
      %dma_start3A_39 = arith.constant 0 : i32
      %dma_start3A_40 = tpu.memref_slice %arg4[%arg0, %add3A_29, %dma_start3A_39] : memref<2x10000x128xf32, #tpu.memory_space<hbm>> -> memref<1x128x128xf32, #tpu.memory_space<hbm>>
      %dma_start3A_41 = tpu.memref_squeeze %dma_start3A_40 : memref<1x128x128xf32, #tpu.memory_space<hbm>> -> memref<128x128xf32, #tpu.memory_space<hbm>>
      %dma_start3A_42 = arith.constant 0 : i32
      %dma_start3A_43 = tpu.memref_slice %arg4[%arg0, %add3A_29, %dma_start3A_42] : memref<2x10000x128xf32, #tpu.memory_space<hbm>> -> memref<1x128x128xf32, #tpu.memory_space<hbm>>
      %dma_start3A_44 = tpu.memref_squeeze %dma_start3A_43 : memref<1x128x128xf32, #tpu.memory_space<hbm>> -> memref<128x128xf32, #tpu.memory_space<hbm>>
      %dma_start3A_45 = arith.constant 0 : i32
      %dma_start3A_46 = arith.constant 0 : i32
      %dma_start3A_47 = tpu.memref_slice %arg6[%dma_start3A_45, %dma_start3A_46] : memref<128x128xf32, #tpu.memory_space<vmem>> -> memref<128x128xf32, #tpu.memory_space<vmem>>
      tpu.enqueue_dma source(%dma_start3A_47 : memref<128x128xf32, #tpu.memory_space<vmem>>) target(%dma_start3A_44 : memref<128x128xf32, #tpu.memory_space<hbm>>) target_semaphore(%run_scoped3A : memref<!tpu.dma_semaphore, #tpu.memory_space<semaphore_mem>>)
      %dma_wait3A = arith.constant 0 : i32
      %dma_wait3A_48 = arith.constant 0 : i32
      %dma_wait3A_49 = tpu.memref_slice %arg6[%dma_wait3A, %dma_wait3A_48] : memref<128x128xf32, #tpu.memory_space<vmem>> -> memref<128x128xf32, #tpu.memory_space<vmem>>
      %dma_wait3A_50 = arith.constant 0 : i32
      %dma_wait3A_51 = tpu.memref_slice %arg4[%arg0, %add3A_29, %dma_wait3A_50] : memref<2x10000x128xf32, #tpu.memory_space<hbm>> -> memref<1x128x128xf32, #tpu.memory_space<hbm>>
      %dma_wait3A_52 = tpu.memref_squeeze %dma_wait3A_51 : memref<1x128x128xf32, #tpu.memory_space<hbm>> -> memref<128x128xf32, #tpu.memory_space<hbm>>
      %dma_wait3A_53 = arith.constant 0 : i32
      %dma_wait3A_54 = tpu.memref_slice %arg4[%arg0, %add3A_29, %dma_wait3A_53] : memref<2x10000x128xf32, #tpu.memory_space<hbm>> -> memref<1x128x128xf32, #tpu.memory_space<hbm>>
      %dma_wait3A_55 = tpu.memref_squeeze %dma_wait3A_54 : memref<1x128x128xf32, #tpu.memory_space<hbm>> -> memref<128x128xf32, #tpu.memory_space<hbm>>
      %dma_wait3A_56 = arith.constant 0 : i32
      %dma_wait3A_57 = arith.constant 0 : i32
      %dma_wait3A_58 = tpu.memref_slice %arg6[%dma_wait3A_56, %dma_wait3A_57] : memref<128x128xf32, #tpu.memory_space<vmem>> -> memref<128x128xf32, #tpu.memory_space<vmem>>
      tpu.wait_dma2 semaphore(%run_scoped3A : memref<!tpu.dma_semaphore, #tpu.memory_space<semaphore_mem>>) src(%dma_wait3A_58 : memref<128x128xf32, #tpu.memory_space<vmem>>) dst(%dma_wait3A_55 : memref<128x128xf32, #tpu.memory_space<hbm>>)
      tpu.yield
    }) : () -> ()
    %add3A_30 = arith.constant 512 : i32
    %add3A_31 = arith.addi %mul3A_4, %add3A_30 : i32
    "tpu.region"() ({
      %run_scoped3A = tpu.sem_alloc : memref<!tpu.dma_semaphore, #tpu.memory_space<semaphore_mem>>
      %dma_start3A = arith.constant 0 : i32
      %dma_start3A_37 = arith.constant 0 : i32
      %dma_start3A_38 = tpu.memref_slice %arg6[%dma_start3A, %dma_start3A_37] : memref<128x128xf32, #tpu.memory_space<vmem>> -> memref<112x128xf32, #tpu.memory_space<vmem>>
      %dma_start3A_39 = arith.constant 0 : i32
      %dma_start3A_40 = tpu.memref_slice %arg7[%add3A_31, %dma_start3A_39] : memref<10000x128xf32, #tpu.memory_space<vmem_shared>> -> memref<112x128xf32, #tpu.memory_space<vmem_shared>>
      %dma_start3A_41 = arith.constant 0 : i32
      %dma_start3A_42 = arith.constant 0 : i32
      %dma_start3A_43 = tpu.memref_slice %arg6[%dma_start3A_41, %dma_start3A_42] : memref<128x128xf32, #tpu.memory_space<vmem>> -> memref<112x128xf32, #tpu.memory_space<vmem>>
      %dma_start3A_44 = arith.constant 0 : i32
      %dma_start3A_45 = tpu.memref_slice %arg7[%add3A_31, %dma_start3A_44] : memref<10000x128xf32, #tpu.memory_space<vmem_shared>> -> memref<112x128xf32, #tpu.memory_space<vmem_shared>>
      tpu.enqueue_dma source(%dma_start3A_45 : memref<112x128xf32, #tpu.memory_space<vmem_shared>>) target(%dma_start3A_43 : memref<112x128xf32, #tpu.memory_space<vmem>>) target_semaphore(%run_scoped3A : memref<!tpu.dma_semaphore, #tpu.memory_space<semaphore_mem>>)
      %dma_wait3A = arith.constant 0 : i32
      %dma_wait3A_46 = arith.constant 0 : i32
      %dma_wait3A_47 = tpu.memref_slice %arg6[%dma_wait3A, %dma_wait3A_46] : memref<128x128xf32, #tpu.memory_space<vmem>> -> memref<112x128xf32, #tpu.memory_space<vmem>>
      %dma_wait3A_48 = arith.constant 0 : i32
      %dma_wait3A_49 = tpu.memref_slice %arg7[%add3A_31, %dma_wait3A_48] : memref<10000x128xf32, #tpu.memory_space<vmem_shared>> -> memref<112x128xf32, #tpu.memory_space<vmem_shared>>
      %dma_wait3A_50 = arith.constant 0 : i32
      %dma_wait3A_51 = arith.constant 0 : i32
      %dma_wait3A_52 = tpu.memref_slice %arg6[%dma_wait3A_50, %dma_wait3A_51] : memref<128x128xf32, #tpu.memory_space<vmem>> -> memref<112x128xf32, #tpu.memory_space<vmem>>
      %dma_wait3A_53 = arith.constant 0 : i32
      %dma_wait3A_54 = tpu.memref_slice %arg7[%add3A_31, %dma_wait3A_53] : memref<10000x128xf32, #tpu.memory_space<vmem_shared>> -> memref<112x128xf32, #tpu.memory_space<vmem_shared>>
      tpu.wait_dma2 semaphore(%run_scoped3A : memref<!tpu.dma_semaphore, #tpu.memory_space<semaphore_mem>>) src(%dma_wait3A_54 : memref<112x128xf32, #tpu.memory_space<vmem_shared>>) dst(%dma_wait3A_52 : memref<112x128xf32, #tpu.memory_space<vmem>>)
      tpu.yield
    }) : () -> ()
    "tpu.region"() ({
      %run_scoped3A = tpu.sem_alloc : memref<!tpu.dma_semaphore, #tpu.memory_space<semaphore_mem>>
      %dma_start3A = arith.constant 0 : i32
      %dma_start3A_37 = arith.constant 0 : i32
      %dma_start3A_38 = tpu.memref_slice %arg6[%dma_start3A, %dma_start3A_37] : memref<128x128xf32, #tpu.memory_space<vmem>> -> memref<112x128xf32, #tpu.memory_space<vmem>>
      %dma_start3A_39 = arith.constant 0 : i32
      %dma_start3A_40 = tpu.memref_slice %arg4[%arg0, %add3A_31, %dma_start3A_39] : memref<2x10000x128xf32, #tpu.memory_space<hbm>> -> memref<1x112x128xf32, #tpu.memory_space<hbm>>
      %dma_start3A_41 = tpu.memref_squeeze %dma_start3A_40 : memref<1x112x128xf32, #tpu.memory_space<hbm>> -> memref<112x128xf32, #tpu.memory_space<hbm>>
      %dma_start3A_42 = arith.constant 0 : i32
      %dma_start3A_43 = tpu.memref_slice %arg4[%arg0, %add3A_31, %dma_start3A_42] : memref<2x10000x128xf32, #tpu.memory_space<hbm>> -> memref<1x112x128xf32, #tpu.memory_space<hbm>>
      %dma_start3A_44 = tpu.memref_squeeze %dma_start3A_43 : memref<1x112x128xf32, #tpu.memory_space<hbm>> -> memref<112x128xf32, #tpu.memory_space<hbm>>
      %dma_start3A_45 = arith.constant 0 : i32
      %dma_start3A_46 = arith.constant 0 : i32
      %dma_start3A_47 = tpu.memref_slice %arg6[%dma_start3A_45, %dma_start3A_46] : memref<128x128xf32, #tpu.memory_space<vmem>> -> memref<112x128xf32, #tpu.memory_space<vmem>>
      tpu.enqueue_dma source(%dma_start3A_47 : memref<112x128xf32, #tpu.memory_space<vmem>>) target(%dma_start3A_44 : memref<112x128xf32, #tpu.memory_space<hbm>>) target_semaphore(%run_scoped3A : memref<!tpu.dma_semaphore, #tpu.memory_space<semaphore_mem>>)
      %dma_wait3A = arith.constant 0 : i32
      %dma_wait3A_48 = arith.constant 0 : i32
      %dma_wait3A_49 = tpu.memref_slice %arg6[%dma_wait3A, %dma_wait3A_48] : memref<128x128xf32, #tpu.memory_space<vmem>> -> memref<112x128xf32, #tpu.memory_space<vmem>>
      %dma_wait3A_50 = arith.constant 0 : i32
      %dma_wait3A_51 = tpu.memref_slice %arg4[%arg0, %add3A_31, %dma_wait3A_50] : memref<2x10000x128xf32, #tpu.memory_space<hbm>> -> memref<1x112x128xf32, #tpu.memory_space<hbm>>
      %dma_wait3A_52 = tpu.memref_squeeze %dma_wait3A_51 : memref<1x112x128xf32, #tpu.memory_space<hbm>> -> memref<112x128xf32, #tpu.memory_space<hbm>>
      %dma_wait3A_53 = arith.constant 0 : i32
      %dma_wait3A_54 = tpu.memref_slice %arg4[%arg0, %add3A_31, %dma_wait3A_53] : memref<2x10000x128xf32, #tpu.memory_space<hbm>> -> memref<1x112x128xf32, #tpu.memory_space<hbm>>
      %dma_wait3A_55 = tpu.memref_squeeze %dma_wait3A_54 : memref<1x112x128xf32, #tpu.memory_space<hbm>> -> memref<112x128xf32, #tpu.memory_space<hbm>>
      %dma_wait3A_56 = arith.constant 0 : i32
      %dma_wait3A_57 = arith.constant 0 : i32
      %dma_wait3A_58 = tpu.memref_slice %arg6[%dma_wait3A_56, %dma_wait3A_57] : memref<128x128xf32, #tpu.memory_space<vmem>> -> memref<112x128xf32, #tpu.memory_space<vmem>>
      tpu.wait_dma2 semaphore(%run_scoped3A : memref<!tpu.dma_semaphore, #tpu.memory_space<semaphore_mem>>) src(%dma_wait3A_58 : memref<112x128xf32, #tpu.memory_space<vmem>>) dst(%dma_wait3A_55 : memref<112x128xf32, #tpu.memory_space<hbm>>)
      tpu.yield
    }) : () -> ()
    %eq3A_32 = arith.constant 15 : i32
    %eq3A_33 = arith.cmpi eq, %arg1, %eq3A_32 : i32
    %convert_element_type3A_34 = arith.extui %eq3A_33 : i1 to i32
    %cond3A_35 = arith.constant 0 : i32
    %cond3A_36 = arith.cmpi ne, %convert_element_type3A_34, %cond3A_35 : i32
    scf.if %cond3A_36 {
      "tpu.region"() ({
        %run_scoped3A = tpu.sem_alloc : memref<!tpu.dma_semaphore, #tpu.memory_space<semaphore_mem>>
        %dma_start3A = arith.constant 0 : i32
        %dma_start3A_37 = arith.constant 0 : i32
        %dma_start3A_38 = tpu.memref_slice %arg6[%dma_start3A, %dma_start3A_37] : memref<128x128xf32, #tpu.memory_space<vmem>> -> memref<16x128xf32, #tpu.memory_space<vmem>>
        %dma_start3A_39 = arith.constant 9984 : i32
        %dma_start3A_40 = arith.constant 0 : i32
        %dma_start3A_41 = tpu.memref_slice %arg7[%dma_start3A_39, %dma_start3A_40] : memref<10000x128xf32, #tpu.memory_space<vmem_shared>> -> memref<16x128xf32, #tpu.memory_space<vmem_shared>>
        %dma_start3A_42 = arith.constant 0 : i32
        %dma_start3A_43 = arith.constant 0 : i32
        %dma_start3A_44 = tpu.memref_slice %arg6[%dma_start3A_42, %dma_start3A_43] : memref<128x128xf32, #tpu.memory_space<vmem>> -> memref<16x128xf32, #tpu.memory_space<vmem>>
        %dma_start3A_45 = arith.constant 9984 : i32
        %dma_start3A_46 = arith.constant 0 : i32
        %dma_start3A_47 = tpu.memref_slice %arg7[%dma_start3A_45, %dma_start3A_46] : memref<10000x128xf32, #tpu.memory_space<vmem_shared>> -> memref<16x128xf32, #tpu.memory_space<vmem_shared>>
        tpu.enqueue_dma source(%dma_start3A_47 : memref<16x128xf32, #tpu.memory_space<vmem_shared>>) target(%dma_start3A_44 : memref<16x128xf32, #tpu.memory_space<vmem>>) target_semaphore(%run_scoped3A : memref<!tpu.dma_semaphore, #tpu.memory_space<semaphore_mem>>)
        %dma_wait3A = arith.constant 0 : i32
        %dma_wait3A_48 = arith.constant 0 : i32
        %dma_wait3A_49 = tpu.memref_slice %arg6[%dma_wait3A, %dma_wait3A_48] : memref<128x128xf32, #tpu.memory_space<vmem>> -> memref<16x128xf32, #tpu.memory_space<vmem>>
        %dma_wait3A_50 = arith.constant 9984 : i32
        %dma_wait3A_51 = arith.constant 0 : i32
        %dma_wait3A_52 = tpu.memref_slice %arg7[%dma_wait3A_50, %dma_wait3A_51] : memref<10000x128xf32, #tpu.memory_space<vmem_shared>> -> memref<16x128xf32, #tpu.memory_space<vmem_shared>>
        %dma_wait3A_53 = arith.constant 0 : i32
        %dma_wait3A_54 = arith.constant 0 : i32
        %dma_wait3A_55 = tpu.memref_slice %arg6[%dma_wait3A_53, %dma_wait3A_54] : memref<128x128xf32, #tpu.memory_space<vmem>> -> memref<16x128xf32, #tpu.memory_space<vmem>>
        %dma_wait3A_56 = arith.constant 9984 : i32
        %dma_wait3A_57 = arith.constant 0 : i32
        %dma_wait3A_58 = tpu.memref_slice %arg7[%dma_wait3A_56, %dma_wait3A_57] : memref<10000x128xf32, #tpu.memory_space<vmem_shared>> -> memref<16x128xf32, #tpu.memory_space<vmem_shared>>
        tpu.wait_dma2 semaphore(%run_scoped3A : memref<!tpu.dma_semaphore, #tpu.memory_space<semaphore_mem>>) src(%dma_wait3A_58 : memref<16x128xf32, #tpu.memory_space<vmem_shared>>) dst(%dma_wait3A_55 : memref<16x128xf32, #tpu.memory_space<vmem>>)
        tpu.yield
      }) : () -> ()
      "tpu.region"() ({
        %run_scoped3A = tpu.sem_alloc : memref<!tpu.dma_semaphore, #tpu.memory_space<semaphore_mem>>
        %dma_start3A = arith.constant 0 : i32
        %dma_start3A_37 = arith.constant 0 : i32
        %dma_start3A_38 = tpu.memref_slice %arg6[%dma_start3A, %dma_start3A_37] : memref<128x128xf32, #tpu.memory_space<vmem>> -> memref<16x128xf32, #tpu.memory_space<vmem>>
        %dma_start3A_39 = arith.constant 9984 : i32
        %dma_start3A_40 = arith.constant 0 : i32
        %dma_start3A_41 = tpu.memref_slice %arg4[%arg0, %dma_start3A_39, %dma_start3A_40] : memref<2x10000x128xf32, #tpu.memory_space<hbm>> -> memref<1x16x128xf32, #tpu.memory_space<hbm>>
        %dma_start3A_42 = tpu.memref_squeeze %dma_start3A_41 : memref<1x16x128xf32, #tpu.memory_space<hbm>> -> memref<16x128xf32, #tpu.memory_space<hbm>>
        %dma_start3A_43 = arith.constant 9984 : i32
        %dma_start3A_44 = arith.constant 0 : i32
        %dma_start3A_45 = tpu.memref_slice %arg4[%arg0, %dma_start3A_43, %dma_start3A_44] : memref<2x10000x128xf32, #tpu.memory_space<hbm>> -> memref<1x16x128xf32, #tpu.memory_space<hbm>>
        %dma_start3A_46 = tpu.memref_squeeze %dma_start3A_45 : memref<1x16x128xf32, #tpu.memory_space<hbm>> -> memref<16x128xf32, #tpu.memory_space<hbm>>
        %dma_start3A_47 = arith.constant 0 : i32
        %dma_start3A_48 = arith.constant 0 : i32
        %dma_start3A_49 = tpu.memref_slice %arg6[%dma_start3A_47, %dma_start3A_48] : memref<128x128xf32, #tpu.memory_space<vmem>> -> memref<16x128xf32, #tpu.memory_space<vmem>>
        tpu.enqueue_dma source(%dma_start3A_49 : memref<16x128xf32, #tpu.memory_space<vmem>>) target(%dma_start3A_46 : memref<16x128xf32, #tpu.memory_space<hbm>>) target_semaphore(%run_scoped3A : memref<!tpu.dma_semaphore, #tpu.memory_space<semaphore_mem>>)
        %dma_wait3A = arith.constant 0 : i32
        %dma_wait3A_50 = arith.constant 0 : i32
        %dma_wait3A_51 = tpu.memref_slice %arg6[%dma_wait3A, %dma_wait3A_50] : memref<128x128xf32, #tpu.memory_space<vmem>> -> memref<16x128xf32, #tpu.memory_space<vmem>>
        %dma_wait3A_52 = arith.constant 9984 : i32
        %dma_wait3A_53 = arith.constant 0 : i32
        %dma_wait3A_54 = tpu.memref_slice %arg4[%arg0, %dma_wait3A_52, %dma_wait3A_53] : memref<2x10000x128xf32, #tpu.memory_space<hbm>> -> memref<1x16x128xf32, #tpu.memory_space<hbm>>
        %dma_wait3A_55 = tpu.memref_squeeze %dma_wait3A_54 : memref<1x16x128xf32, #tpu.memory_space<hbm>> -> memref<16x128xf32, #tpu.memory_space<hbm>>
        %dma_wait3A_56 = arith.constant 9984 : i32
        %dma_wait3A_57 = arith.constant 0 : i32
        %dma_wait3A_58 = tpu.memref_slice %arg4[%arg0, %dma_wait3A_56, %dma_wait3A_57] : memref<2x10000x128xf32, #tpu.memory_space<hbm>> -> memref<1x16x128xf32, #tpu.memory_space<hbm>>
        %dma_wait3A_59 = tpu.memref_squeeze %dma_wait3A_58 : memref<1x16x128xf32, #tpu.memory_space<hbm>> -> memref<16x128xf32, #tpu.memory_space<hbm>>
        %dma_wait3A_60 = arith.constant 0 : i32
        %dma_wait3A_61 = arith.constant 0 : i32
        %dma_wait3A_62 = tpu.memref_slice %arg6[%dma_wait3A_60, %dma_wait3A_61] : memref<128x128xf32, #tpu.memory_space<vmem>> -> memref<16x128xf32, #tpu.memory_space<vmem>>
        tpu.wait_dma2 semaphore(%run_scoped3A : memref<!tpu.dma_semaphore, #tpu.memory_space<semaphore_mem>>) src(%dma_wait3A_62 : memref<16x128xf32, #tpu.memory_space<vmem>>) dst(%dma_wait3A_59 : memref<16x128xf32, #tpu.memory_space<hbm>>)
        tpu.yield
      }) : () -> ()
    } else {
    }
    return
  }
}

#map = affine_map<(d0, d1) -> (0)>
#map1 = affine_map<(d0, d1) -> (0, 0)>
#map2 = affine_map<(d0, d1) -> (0, 0, 0)>
module attributes {stable_mosaic.version = 14 : i64} {
  func.func @_scatter_den_sc(%arg0: i32, %arg1: i32, %arg2: memref<160000xi32, #tpu.memory_space<hbm>>, %arg3: memref<80000x128xf32, #tpu.memory_space<hbm>>, %arg4: memref<2x10000x128xf32, #tpu.memory_space<hbm>>, %arg5: memref<128xi32, #tpu.memory_space<vmem>>, %arg6: memref<128x128xf32, #tpu.memory_space<vmem>>, %arg7: memref<10000x128xf32, #tpu.memory_space<vmem_shared>>) attributes {dimension_semantics = [#tpu.dimension_semantics<core_parallel>, #tpu.dimension_semantics<subcore_parallel>], iteration_bounds = array<i64: 2, 16>, scalar_prefetch = 0 : i64, scratch_operands = 3 : i64, tpu.core_type = #tpu.core_type<sc_vector_subcore>, window_params = [{transform_indices = #map}, {transform_indices = #map1}, {transform_indices = #map2}]} {
    %mul3A = arith.constant 2 : i32
    %mul3A_0 = arith.muli %arg1, %mul3A : i32
    %add3A = arith.addi %mul3A_0, %arg0 : i32
    %scan3A = arith.constant 0 : i32
    %scan3A_1 = arith.constant 1024 : i32
    %scan3A_2 = arith.addi %scan3A, %scan3A_1 : i32
    %scan3A_3 = arith.constant 1 : i32
    scf.for %scan3A_40 = %scan3A to %scan3A_2 step %scan3A_3  : i32 {
      %broadcast_in_dim3A = arith.constant 0.000000e+00 : f32
      %broadcast_in_dim3A_41 = vector.broadcast %broadcast_in_dim3A : f32 to vector<16xf32>
      %jit3A = arith.constant 8 : i32
      %div3A = arith.divsi %scan3A_40, %jit3A : i32
      %sign3A = arith.constant 0 : i32
      %sign3A_42 = arith.cmpi sgt, %scan3A_40, %sign3A : i32
      %sign3A_43 = arith.extui %sign3A_42 : i1 to i32
      %sign3A_44 = arith.constant 0 : i32
      %sign3A_45 = arith.cmpi slt, %scan3A_40, %sign3A_44 : i32
      %sign3A_46 = arith.extui %sign3A_45 : i1 to i32
      %sign3A_47 = arith.subi %sign3A_43, %sign3A_46 : i32
      %sign3A_48 = arith.constant 0 : i32
      %sign3A_49 = arith.cmpi sgt, %jit3A, %sign3A_48 : i32
      %sign3A_50 = arith.extui %sign3A_49 : i1 to i32
      %sign3A_51 = arith.constant 0 : i32
      %sign3A_52 = arith.cmpi slt, %jit3A, %sign3A_51 : i32
      %sign3A_53 = arith.extui %sign3A_52 : i1 to i32
      %sign3A_54 = arith.subi %sign3A_50, %sign3A_53 : i32
      %ne3A = arith.cmpi ne, %sign3A_47, %sign3A_54 : i32
      %rem3A = arith.remsi %scan3A_40, %jit3A : i32
      %ne3A_55 = arith.constant 0 : i32
      %ne3A_56 = arith.cmpi ne, %rem3A, %ne3A_55 : i32
      %and3A = arith.andi %ne3A, %ne3A_56 : i1
      %sub3A = arith.constant 1 : i32
      %sub3A_57 = arith.subi %div3A, %sub3A : i32
      %select_n3A = arith.select %and3A, %sub3A_57, %div3A : i32
      %jit3A_58 = arith.constant 8 : i32
      %eq3A_59 = arith.constant 0 : i32
      %eq3A_60 = arith.cmpi eq, %jit3A_58, %eq3A_59 : i32
      %jit3A_61 = arith.constant 1 : i32
      %select_n3A_62 = arith.select %eq3A_60, %jit3A_61, %jit3A_58 : i32
      %rem3A_63 = arith.remsi %scan3A_40, %select_n3A_62 : i32
      %ne3A_64 = arith.constant 0 : i32
      %ne3A_65 = arith.cmpi ne, %rem3A_63, %ne3A_64 : i32
      %lt3A = arith.constant 0 : i32
      %lt3A_66 = arith.cmpi slt, %rem3A_63, %lt3A : i32
      %lt3A_67 = arith.constant 0 : i32
      %lt3A_68 = arith.cmpi slt, %select_n3A_62, %lt3A_67 : i32
      %ne3A_69 = arith.xori %lt3A_66, %lt3A_68 : i1
      %and3A_70 = arith.andi %ne3A_69, %ne3A_65 : i1
      %add3A_71 = arith.addi %rem3A_63, %select_n3A_62 : i32
      %select_n3A_72 = arith.select %and3A_70, %add3A_71, %rem3A_63 : i32
      %mul3A_73 = arith.constant 16 : i32
      %mul3A_74 = arith.muli %select_n3A_72, %mul3A_73 : i32
      %swap3A = arith.index_cast %select_n3A : i32 to index
      %swap3A_75 = arith.index_cast %mul3A_74 : i32 to index
      %swap3A_76 = tpu.vector_load %arg6[%swap3A, %swap3A_75] {strides = array<i32>} : memref<128x128xf32, #tpu.memory_space<vmem>>, vector<1x16xf32>,
      %swap3A_77 = vector.shape_cast %swap3A_76 : vector<1x16xf32> to vector<16xf32>
      %swap3A_78 = vector.shape_cast %broadcast_in_dim3A_41 : vector<16xf32> to vector<1x16xf32>
      tpu.vector_store %arg6[%swap3A, %swap3A_75], %swap3A_78 {strides = array<i32>} : memref<128x128xf32, #tpu.memory_space<vmem>>, vector<1x16xf32>,
    }
    %scan3A_4 = arith.constant 1024 : i32
    %mul3A_5 = arith.constant 624 : i32
    %mul3A_6 = arith.muli %arg1, %mul3A_5 : i32
    %add3A_7 = arith.constant 0 : i32
    %add3A_8 = arith.addi %mul3A_6, %add3A_7 : i32
    "tpu.region"() ({
      %run_scoped3A = tpu.sem_alloc : memref<!tpu.dma_semaphore, #tpu.memory_space<semaphore_mem>>
      %dma_start3A = arith.constant 0 : i32
      %dma_start3A_40 = tpu.memref_slice %arg7[%add3A_8, %dma_start3A] : memref<10000x128xf32, #tpu.memory_space<vmem_shared>> -> memref<128x128xf32, #tpu.memory_space<vmem_shared>>
      %dma_start3A_41 = arith.constant 0 : i32
      %dma_start3A_42 = tpu.memref_slice %arg7[%add3A_8, %dma_start3A_41] : memref<10000x128xf32, #tpu.memory_space<vmem_shared>> -> memref<128x128xf32, #tpu.memory_space<vmem_shared>>
      tpu.enqueue_dma source(%arg6 : memref<128x128xf32, #tpu.memory_space<vmem>>) target(%dma_start3A_42 : memref<128x128xf32, #tpu.memory_space<vmem_shared>>) target_semaphore(%run_scoped3A : memref<!tpu.dma_semaphore, #tpu.memory_space<semaphore_mem>>)
      %dma_wait3A = arith.constant 0 : i32
      %dma_wait3A_43 = tpu.memref_slice %arg7[%add3A_8, %dma_wait3A] : memref<10000x128xf32, #tpu.memory_space<vmem_shared>> -> memref<128x128xf32, #tpu.memory_space<vmem_shared>>
      %dma_wait3A_44 = arith.constant 0 : i32
      %dma_wait3A_45 = tpu.memref_slice %arg7[%add3A_8, %dma_wait3A_44] : memref<10000x128xf32, #tpu.memory_space<vmem_shared>> -> memref<128x128xf32, #tpu.memory_space<vmem_shared>>
      tpu.wait_dma2 semaphore(%run_scoped3A : memref<!tpu.dma_semaphore, #tpu.memory_space<semaphore_mem>>) src(%arg6 : memref<128x128xf32, #tpu.memory_space<vmem>>) dst(%dma_wait3A_45 : memref<128x128xf32, #tpu.memory_space<vmem_shared>>)
      tpu.yield
    }) : () -> ()
    %add3A_9 = arith.constant 128 : i32
    %add3A_10 = arith.addi %mul3A_6, %add3A_9 : i32
    "tpu.region"() ({
      %run_scoped3A = tpu.sem_alloc : memref<!tpu.dma_semaphore, #tpu.memory_space<semaphore_mem>>
      %dma_start3A = arith.constant 0 : i32
      %dma_start3A_40 = tpu.memref_slice %arg7[%add3A_10, %dma_start3A] : memref<10000x128xf32, #tpu.memory_space<vmem_shared>> -> memref<128x128xf32, #tpu.memory_space<vmem_shared>>
      %dma_start3A_41 = arith.constant 0 : i32
      %dma_start3A_42 = tpu.memref_slice %arg7[%add3A_10, %dma_start3A_41] : memref<10000x128xf32, #tpu.memory_space<vmem_shared>> -> memref<128x128xf32, #tpu.memory_space<vmem_shared>>
      tpu.enqueue_dma source(%arg6 : memref<128x128xf32, #tpu.memory_space<vmem>>) target(%dma_start3A_42 : memref<128x128xf32, #tpu.memory_space<vmem_shared>>) target_semaphore(%run_scoped3A : memref<!tpu.dma_semaphore, #tpu.memory_space<semaphore_mem>>)
      %dma_wait3A = arith.constant 0 : i32
      %dma_wait3A_43 = tpu.memref_slice %arg7[%add3A_10, %dma_wait3A] : memref<10000x128xf32, #tpu.memory_space<vmem_shared>> -> memref<128x128xf32, #tpu.memory_space<vmem_shared>>
      %dma_wait3A_44 = arith.constant 0 : i32
      %dma_wait3A_45 = tpu.memref_slice %arg7[%add3A_10, %dma_wait3A_44] : memref<10000x128xf32, #tpu.memory_space<vmem_shared>> -> memref<128x128xf32, #tpu.memory_space<vmem_shared>>
      tpu.wait_dma2 semaphore(%run_scoped3A : memref<!tpu.dma_semaphore, #tpu.memory_space<semaphore_mem>>) src(%arg6 : memref<128x128xf32, #tpu.memory_space<vmem>>) dst(%dma_wait3A_45 : memref<128x128xf32, #tpu.memory_space<vmem_shared>>)
      tpu.yield
    }) : () -> ()
    %add3A_11 = arith.constant 256 : i32
    %add3A_12 = arith.addi %mul3A_6, %add3A_11 : i32
    "tpu.region"() ({
      %run_scoped3A = tpu.sem_alloc : memref<!tpu.dma_semaphore, #tpu.memory_space<semaphore_mem>>
      %dma_start3A = arith.constant 0 : i32
      %dma_start3A_40 = tpu.memref_slice %arg7[%add3A_12, %dma_start3A] : memref<10000x128xf32, #tpu.memory_space<vmem_shared>> -> memref<128x128xf32, #tpu.memory_space<vmem_shared>>
      %dma_start3A_41 = arith.constant 0 : i32
      %dma_start3A_42 = tpu.memref_slice %arg7[%add3A_12, %dma_start3A_41] : memref<10000x128xf32, #tpu.memory_space<vmem_shared>> -> memref<128x128xf32, #tpu.memory_space<vmem_shared>>
      tpu.enqueue_dma source(%arg6 : memref<128x128xf32, #tpu.memory_space<vmem>>) target(%dma_start3A_42 : memref<128x128xf32, #tpu.memory_space<vmem_shared>>) target_semaphore(%run_scoped3A : memref<!tpu.dma_semaphore, #tpu.memory_space<semaphore_mem>>)
      %dma_wait3A = arith.constant 0 : i32
      %dma_wait3A_43 = tpu.memref_slice %arg7[%add3A_12, %dma_wait3A] : memref<10000x128xf32, #tpu.memory_space<vmem_shared>> -> memref<128x128xf32, #tpu.memory_space<vmem_shared>>
      %dma_wait3A_44 = arith.constant 0 : i32
      %dma_wait3A_45 = tpu.memref_slice %arg7[%add3A_12, %dma_wait3A_44] : memref<10000x128xf32, #tpu.memory_space<vmem_shared>> -> memref<128x128xf32, #tpu.memory_space<vmem_shared>>
      tpu.wait_dma2 semaphore(%run_scoped3A : memref<!tpu.dma_semaphore, #tpu.memory_space<semaphore_mem>>) src(%arg6 : memref<128x128xf32, #tpu.memory_space<vmem>>) dst(%dma_wait3A_45 : memref<128x128xf32, #tpu.memory_space<vmem_shared>>)
      tpu.yield
    }) : () -> ()
    %add3A_13 = arith.constant 384 : i32
    %add3A_14 = arith.addi %mul3A_6, %add3A_13 : i32
    "tpu.region"() ({
      %run_scoped3A = tpu.sem_alloc : memref<!tpu.dma_semaphore, #tpu.memory_space<semaphore_mem>>
      %dma_start3A = arith.constant 0 : i32
      %dma_start3A_40 = tpu.memref_slice %arg7[%add3A_14, %dma_start3A] : memref<10000x128xf32, #tpu.memory_space<vmem_shared>> -> memref<128x128xf32, #tpu.memory_space<vmem_shared>>
      %dma_start3A_41 = arith.constant 0 : i32
      %dma_start3A_42 = tpu.memref_slice %arg7[%add3A_14, %dma_start3A_41] : memref<10000x128xf32, #tpu.memory_space<vmem_shared>> -> memref<128x128xf32, #tpu.memory_space<vmem_shared>>
      tpu.enqueue_dma source(%arg6 : memref<128x128xf32, #tpu.memory_space<vmem>>) target(%dma_start3A_42 : memref<128x128xf32, #tpu.memory_space<vmem_shared>>) target_semaphore(%run_scoped3A : memref<!tpu.dma_semaphore, #tpu.memory_space<semaphore_mem>>)
      %dma_wait3A = arith.constant 0 : i32
      %dma_wait3A_43 = tpu.memref_slice %arg7[%add3A_14, %dma_wait3A] : memref<10000x128xf32, #tpu.memory_space<vmem_shared>> -> memref<128x128xf32, #tpu.memory_space<vmem_shared>>
      %dma_wait3A_44 = arith.constant 0 : i32
      %dma_wait3A_45 = tpu.memref_slice %arg7[%add3A_14, %dma_wait3A_44] : memref<10000x128xf32, #tpu.memory_space<vmem_shared>> -> memref<128x128xf32, #tpu.memory_space<vmem_shared>>
      tpu.wait_dma2 semaphore(%run_scoped3A : memref<!tpu.dma_semaphore, #tpu.memory_space<semaphore_mem>>) src(%arg6 : memref<128x128xf32, #tpu.memory_space<vmem>>) dst(%dma_wait3A_45 : memref<128x128xf32, #tpu.memory_space<vmem_shared>>)
      tpu.yield
    }) : () -> ()
    %add3A_15 = arith.constant 512 : i32
    %add3A_16 = arith.addi %mul3A_6, %add3A_15 : i32
    "tpu.region"() ({
      %run_scoped3A = tpu.sem_alloc : memref<!tpu.dma_semaphore, #tpu.memory_space<semaphore_mem>>
      %dma_start3A = arith.constant 0 : i32
      %dma_start3A_40 = arith.constant 0 : i32
      %dma_start3A_41 = tpu.memref_slice %arg6[%dma_start3A, %dma_start3A_40] : memref<128x128xf32, #tpu.memory_space<vmem>> -> memref<112x128xf32, #tpu.memory_space<vmem>>
      %dma_start3A_42 = arith.constant 0 : i32
      %dma_start3A_43 = tpu.memref_slice %arg7[%add3A_16, %dma_start3A_42] : memref<10000x128xf32, #tpu.memory_space<vmem_shared>> -> memref<112x128xf32, #tpu.memory_space<vmem_shared>>
      %dma_start3A_44 = arith.constant 0 : i32
      %dma_start3A_45 = tpu.memref_slice %arg7[%add3A_16, %dma_start3A_44] : memref<10000x128xf32, #tpu.memory_space<vmem_shared>> -> memref<112x128xf32, #tpu.memory_space<vmem_shared>>
      %dma_start3A_46 = arith.constant 0 : i32
      %dma_start3A_47 = arith.constant 0 : i32
      %dma_start3A_48 = tpu.memref_slice %arg6[%dma_start3A_46, %dma_start3A_47] : memref<128x128xf32, #tpu.memory_space<vmem>> -> memref<112x128xf32, #tpu.memory_space<vmem>>
      tpu.enqueue_dma source(%dma_start3A_48 : memref<112x128xf32, #tpu.memory_space<vmem>>) target(%dma_start3A_45 : memref<112x128xf32, #tpu.memory_space<vmem_shared>>) target_semaphore(%run_scoped3A : memref<!tpu.dma_semaphore, #tpu.memory_space<semaphore_mem>>)
      %dma_wait3A = arith.constant 0 : i32
      %dma_wait3A_49 = arith.constant 0 : i32
      %dma_wait3A_50 = tpu.memref_slice %arg6[%dma_wait3A, %dma_wait3A_49] : memref<128x128xf32, #tpu.memory_space<vmem>> -> memref<112x128xf32, #tpu.memory_space<vmem>>
      %dma_wait3A_51 = arith.constant 0 : i32
      %dma_wait3A_52 = tpu.memref_slice %arg7[%add3A_16, %dma_wait3A_51] : memref<10000x128xf32, #tpu.memory_space<vmem_shared>> -> memref<112x128xf32, #tpu.memory_space<vmem_shared>>
      %dma_wait3A_53 = arith.constant 0 : i32
      %dma_wait3A_54 = tpu.memref_slice %arg7[%add3A_16, %dma_wait3A_53] : memref<10000x128xf32, #tpu.memory_space<vmem_shared>> -> memref<112x128xf32, #tpu.memory_space<vmem_shared>>
      %dma_wait3A_55 = arith.constant 0 : i32
      %dma_wait3A_56 = arith.constant 0 : i32
      %dma_wait3A_57 = tpu.memref_slice %arg6[%dma_wait3A_55, %dma_wait3A_56] : memref<128x128xf32, #tpu.memory_space<vmem>> -> memref<112x128xf32, #tpu.memory_space<vmem>>
      tpu.wait_dma2 semaphore(%run_scoped3A : memref<!tpu.dma_semaphore, #tpu.memory_space<semaphore_mem>>) src(%dma_wait3A_57 : memref<112x128xf32, #tpu.memory_space<vmem>>) dst(%dma_wait3A_54 : memref<112x128xf32, #tpu.memory_space<vmem_shared>>)
      tpu.yield
    }) : () -> ()
    %eq3A = arith.constant 15 : i32
    %eq3A_17 = arith.cmpi eq, %arg1, %eq3A : i32
    %convert_element_type3A = arith.extui %eq3A_17 : i1 to i32
    %cond3A = arith.constant 0 : i32
    %cond3A_18 = arith.cmpi ne, %convert_element_type3A, %cond3A : i32
    scf.if %cond3A_18 {
      "tpu.region"() ({
        %run_scoped3A = tpu.sem_alloc : memref<!tpu.dma_semaphore, #tpu.memory_space<semaphore_mem>>
        %dma_start3A = arith.constant 0 : i32
        %dma_start3A_40 = arith.constant 0 : i32
        %dma_start3A_41 = tpu.memref_slice %arg6[%dma_start3A, %dma_start3A_40] : memref<128x128xf32, #tpu.memory_space<vmem>> -> memref<16x128xf32, #tpu.memory_space<vmem>>
        %dma_start3A_42 = arith.constant 9984 : i32
        %dma_start3A_43 = arith.constant 0 : i32
        %dma_start3A_44 = tpu.memref_slice %arg7[%dma_start3A_42, %dma_start3A_43] : memref<10000x128xf32, #tpu.memory_space<vmem_shared>> -> memref<16x128xf32, #tpu.memory_space<vmem_shared>>
        %dma_start3A_45 = arith.constant 9984 : i32
        %dma_start3A_46 = arith.constant 0 : i32
        %dma_start3A_47 = tpu.memref_slice %arg7[%dma_start3A_45, %dma_start3A_46] : memref<10000x128xf32, #tpu.memory_space<vmem_shared>> -> memref<16x128xf32, #tpu.memory_space<vmem_shared>>
        %dma_start3A_48 = arith.constant 0 : i32
        %dma_start3A_49 = arith.constant 0 : i32
        %dma_start3A_50 = tpu.memref_slice %arg6[%dma_start3A_48, %dma_start3A_49] : memref<128x128xf32, #tpu.memory_space<vmem>> -> memref<16x128xf32, #tpu.memory_space<vmem>>
        tpu.enqueue_dma source(%dma_start3A_50 : memref<16x128xf32, #tpu.memory_space<vmem>>) target(%dma_start3A_47 : memref<16x128xf32, #tpu.memory_space<vmem_shared>>) target_semaphore(%run_scoped3A : memref<!tpu.dma_semaphore, #tpu.memory_space<semaphore_mem>>)
        %dma_wait3A = arith.constant 0 : i32
        %dma_wait3A_51 = arith.constant 0 : i32
        %dma_wait3A_52 = tpu.memref_slice %arg6[%dma_wait3A, %dma_wait3A_51] : memref<128x128xf32, #tpu.memory_space<vmem>> -> memref<16x128xf32, #tpu.memory_space<vmem>>
        %dma_wait3A_53 = arith.constant 9984 : i32
        %dma_wait3A_54 = arith.constant 0 : i32
        %dma_wait3A_55 = tpu.memref_slice %arg7[%dma_wait3A_53, %dma_wait3A_54] : memref<10000x128xf32, #tpu.memory_space<vmem_shared>> -> memref<16x128xf32, #tpu.memory_space<vmem_shared>>
        %dma_wait3A_56 = arith.constant 9984 : i32
        %dma_wait3A_57 = arith.constant 0 : i32
        %dma_wait3A_58 = tpu.memref_slice %arg7[%dma_wait3A_56, %dma_wait3A_57] : memref<10000x128xf32, #tpu.memory_space<vmem_shared>> -> memref<16x128xf32, #tpu.memory_space<vmem_shared>>
        %dma_wait3A_59 = arith.constant 0 : i32
        %dma_wait3A_60 = arith.constant 0 : i32
        %dma_wait3A_61 = tpu.memref_slice %arg6[%dma_wait3A_59, %dma_wait3A_60] : memref<128x128xf32, #tpu.memory_space<vmem>> -> memref<16x128xf32, #tpu.memory_space<vmem>>
        tpu.wait_dma2 semaphore(%run_scoped3A : memref<!tpu.dma_semaphore, #tpu.memory_space<semaphore_mem>>) src(%dma_wait3A_61 : memref<16x128xf32, #tpu.memory_space<vmem>>) dst(%dma_wait3A_58 : memref<16x128xf32, #tpu.memory_space<vmem_shared>>)
        tpu.yield
      }) : () -> ()
    } else {
    }
    %barrier3A = arith.constant 0 : index
    tpu.barrier barrier_id(%barrier3A)
    %scan3A_19 = arith.constant 0 : i32
    %scan3A_20 = arith.constant 20 : i32
    %scan3A_21 = arith.addi %scan3A_19, %scan3A_20 : i32
    %scan3A_22 = arith.constant 1 : i32
    scf.for %scan3A_40 = %scan3A_19 to %scan3A_21 step %scan3A_22  : i32 {
      %mul3A_41 = arith.constant 32 : i32
      %mul3A_42 = arith.muli %mul3A_41, %scan3A_40 : i32
      %add3A_43 = arith.addi %add3A, %mul3A_42 : i32
      %lt3A = arith.constant 625 : i32
      %lt3A_44 = arith.cmpi slt, %add3A_43, %lt3A : i32
      %convert_element_type3A_45 = arith.extui %lt3A_44 : i1 to i32
      %cond3A_46 = arith.constant 0 : i32
      %cond3A_47 = arith.cmpi ne, %convert_element_type3A_45, %cond3A_46 : i32
      scf.if %cond3A_47 {
        %add3A_48 = arith.constant 0 : i32
        %add3A_49 = arith.addi %add3A_48, %add3A_43 : i32
        %mul3A_50 = arith.constant 128 : i32
        %mul3A_51 = arith.muli %add3A_49, %mul3A_50 : i32
        "tpu.region"() ({
          %run_scoped3A = tpu.sem_alloc : memref<!tpu.dma_semaphore, #tpu.memory_space<semaphore_mem>>
          %dma_start3A = tpu.memref_slice %arg2[%mul3A_51] : memref<160000xi32, #tpu.memory_space<hbm>> -> memref<128xi32, #tpu.memory_space<hbm>>
          %dma_start3A_54 = tpu.memref_slice %arg2[%mul3A_51] : memref<160000xi32, #tpu.memory_space<hbm>> -> memref<128xi32, #tpu.memory_space<hbm>>
          tpu.enqueue_dma source(%dma_start3A_54 : memref<128xi32, #tpu.memory_space<hbm>>) target(%arg5 : memref<128xi32, #tpu.memory_space<vmem>>) target_semaphore(%run_scoped3A : memref<!tpu.dma_semaphore, #tpu.memory_space<semaphore_mem>>)
          %dma_wait3A = tpu.memref_slice %arg2[%mul3A_51] : memref<160000xi32, #tpu.memory_space<hbm>> -> memref<128xi32, #tpu.memory_space<hbm>>
          %dma_wait3A_55 = tpu.memref_slice %arg2[%mul3A_51] : memref<160000xi32, #tpu.memory_space<hbm>> -> memref<128xi32, #tpu.memory_space<hbm>>
          tpu.wait_dma2 semaphore(%run_scoped3A : memref<!tpu.dma_semaphore, #tpu.memory_space<semaphore_mem>>) src(%dma_wait3A_55 : memref<128xi32, #tpu.memory_space<hbm>>) dst(%arg5 : memref<128xi32, #tpu.memory_space<vmem>>)
          tpu.yield
        }) : () -> ()
        %mul3A_52 = arith.constant 128 : i32
        %mul3A_53 = arith.muli %add3A_43, %mul3A_52 : i32
        "tpu.region"() ({
          %run_scoped3A = tpu.sem_alloc : memref<!tpu.dma_semaphore, #tpu.memory_space<semaphore_mem>>
          %dma_start3A = arith.constant 0 : i32
          %dma_start3A_54 = tpu.memref_slice %arg3[%mul3A_53, %dma_start3A] : memref<80000x128xf32, #tpu.memory_space<hbm>> -> memref<128x128xf32, #tpu.memory_space<hbm>>
          %dma_start3A_55 = arith.constant 0 : i32
          %dma_start3A_56 = tpu.memref_slice %arg3[%mul3A_53, %dma_start3A_55] : memref<80000x128xf32, #tpu.memory_space<hbm>> -> memref<128x128xf32, #tpu.memory_space<hbm>>
          tpu.enqueue_dma source(%dma_start3A_56 : memref<128x128xf32, #tpu.memory_space<hbm>>) target(%arg6 : memref<128x128xf32, #tpu.memory_space<vmem>>) target_semaphore(%run_scoped3A : memref<!tpu.dma_semaphore, #tpu.memory_space<semaphore_mem>>)
          %dma_wait3A = arith.constant 0 : i32
          %dma_wait3A_57 = tpu.memref_slice %arg3[%mul3A_53, %dma_wait3A] : memref<80000x128xf32, #tpu.memory_space<hbm>> -> memref<128x128xf32, #tpu.memory_space<hbm>>
          %dma_wait3A_58 = arith.constant 0 : i32
          %dma_wait3A_59 = tpu.memref_slice %arg3[%mul3A_53, %dma_wait3A_58] : memref<80000x128xf32, #tpu.memory_space<hbm>> -> memref<128x128xf32, #tpu.memory_space<hbm>>
          tpu.wait_dma2 semaphore(%run_scoped3A : memref<!tpu.dma_semaphore, #tpu.memory_space<semaphore_mem>>) src(%dma_wait3A_59 : memref<128x128xf32, #tpu.memory_space<hbm>>) dst(%arg6 : memref<128x128xf32, #tpu.memory_space<vmem>>)
          tpu.yield
        }) : () -> ()
        "tpu.region"() ({
          %run_scoped3A = tpu.sem_alloc : memref<!tpu.dma_semaphore, #tpu.memory_space<semaphore_mem>>
          %dma_start3A = arith.constant 0 : i32
          %dma_start3A_54 = arith.constant 0 : i32
          %dma_start3A_55 = tpu.memref_slice %arg7[%dma_start3A, %dma_start3A_54] : memref<10000x128xf32, #tpu.memory_space<vmem_shared>> -> memref<10000x128xf32, #tpu.memory_space<vmem_shared>>
          tpu.enqueue_indirect_dma source(%arg6 : memref<128x128xf32, #tpu.memory_space<vmem>>) target(%dma_start3A_55 : memref<10000x128xf32, #tpu.memory_space<vmem_shared>>) offsets(%arg5 : memref<128xi32, #tpu.memory_space<vmem>>) semaphore(%run_scoped3A : memref<!tpu.dma_semaphore, #tpu.memory_space<semaphore_mem>>) {add = true}
          %dma_wait3A = arith.constant 0 : i32
          %dma_wait3A_56 = arith.constant 0 : i32
          %dma_wait3A_57 = tpu.memref_slice %arg7[%dma_wait3A, %dma_wait3A_56] : memref<10000x128xf32, #tpu.memory_space<vmem_shared>> -> memref<10000x128xf32, #tpu.memory_space<vmem_shared>>
          tpu.wait_indirect_dma semaphore(%run_scoped3A : memref<!tpu.dma_semaphore, #tpu.memory_space<semaphore_mem>>) src(%arg6 : memref<128x128xf32, #tpu.memory_space<vmem>>) dst(%dma_wait3A_57 : memref<10000x128xf32, #tpu.memory_space<vmem_shared>>)
          tpu.yield
        }) : () -> ()
      } else {
      }
    }
    %scan3A_23 = arith.constant 20 : i32
    %barrier3A_24 = arith.constant 0 : index
    tpu.barrier barrier_id(%barrier3A_24)
    %add3A_25 = arith.constant 0 : i32
    %add3A_26 = arith.addi %mul3A_6, %add3A_25 : i32
    "tpu.region"() ({
      %run_scoped3A = tpu.sem_alloc : memref<!tpu.dma_semaphore, #tpu.memory_space<semaphore_mem>>
      %dma_start3A = arith.constant 0 : i32
      %dma_start3A_40 = arith.constant 0 : i32
      %dma_start3A_41 = tpu.memref_slice %arg6[%dma_start3A, %dma_start3A_40] : memref<128x128xf32, #tpu.memory_space<vmem>> -> memref<128x128xf32, #tpu.memory_space<vmem>>
      %dma_start3A_42 = arith.constant 0 : i32
      %dma_start3A_43 = tpu.memref_slice %arg7[%add3A_26, %dma_start3A_42] : memref<10000x128xf32, #tpu.memory_space<vmem_shared>> -> memref<128x128xf32, #tpu.memory_space<vmem_shared>>
      %dma_start3A_44 = arith.constant 0 : i32
      %dma_start3A_45 = arith.constant 0 : i32
      %dma_start3A_46 = tpu.memref_slice %arg6[%dma_start3A_44, %dma_start3A_45] : memref<128x128xf32, #tpu.memory_space<vmem>> -> memref<128x128xf32, #tpu.memory_space<vmem>>
      %dma_start3A_47 = arith.constant 0 : i32
      %dma_start3A_48 = tpu.memref_slice %arg7[%add3A_26, %dma_start3A_47] : memref<10000x128xf32, #tpu.memory_space<vmem_shared>> -> memref<128x128xf32, #tpu.memory_space<vmem_shared>>
      tpu.enqueue_dma source(%dma_start3A_48 : memref<128x128xf32, #tpu.memory_space<vmem_shared>>) target(%dma_start3A_46 : memref<128x128xf32, #tpu.memory_space<vmem>>) target_semaphore(%run_scoped3A : memref<!tpu.dma_semaphore, #tpu.memory_space<semaphore_mem>>)
      %dma_wait3A = arith.constant 0 : i32
      %dma_wait3A_49 = arith.constant 0 : i32
      %dma_wait3A_50 = tpu.memref_slice %arg6[%dma_wait3A, %dma_wait3A_49] : memref<128x128xf32, #tpu.memory_space<vmem>> -> memref<128x128xf32, #tpu.memory_space<vmem>>
      %dma_wait3A_51 = arith.constant 0 : i32
      %dma_wait3A_52 = tpu.memref_slice %arg7[%add3A_26, %dma_wait3A_51] : memref<10000x128xf32, #tpu.memory_space<vmem_shared>> -> memref<128x128xf32, #tpu.memory_space<vmem_shared>>
      %dma_wait3A_53 = arith.constant 0 : i32
      %dma_wait3A_54 = arith.constant 0 : i32
      %dma_wait3A_55 = tpu.memref_slice %arg6[%dma_wait3A_53, %dma_wait3A_54] : memref<128x128xf32, #tpu.memory_space<vmem>> -> memref<128x128xf32, #tpu.memory_space<vmem>>
      %dma_wait3A_56 = arith.constant 0 : i32
      %dma_wait3A_57 = tpu.memref_slice %arg7[%add3A_26, %dma_wait3A_56] : memref<10000x128xf32, #tpu.memory_space<vmem_shared>> -> memref<128x128xf32, #tpu.memory_space<vmem_shared>>
      tpu.wait_dma2 semaphore(%run_scoped3A : memref<!tpu.dma_semaphore, #tpu.memory_space<semaphore_mem>>) src(%dma_wait3A_57 : memref<128x128xf32, #tpu.memory_space<vmem_shared>>) dst(%dma_wait3A_55 : memref<128x128xf32, #tpu.memory_space<vmem>>)
      tpu.yield
    }) : () -> ()
    "tpu.region"() ({
      %run_scoped3A = tpu.sem_alloc : memref<!tpu.dma_semaphore, #tpu.memory_space<semaphore_mem>>
      %dma_start3A = arith.constant 0 : i32
      %dma_start3A_40 = arith.constant 0 : i32
      %dma_start3A_41 = tpu.memref_slice %arg6[%dma_start3A, %dma_start3A_40] : memref<128x128xf32, #tpu.memory_space<vmem>> -> memref<128x128xf32, #tpu.memory_space<vmem>>
      %dma_start3A_42 = arith.constant 0 : i32
      %dma_start3A_43 = tpu.memref_slice %arg4[%arg0, %add3A_26, %dma_start3A_42] : memref<2x10000x128xf32, #tpu.memory_space<hbm>> -> memref<1x128x128xf32, #tpu.memory_space<hbm>>
      %dma_start3A_44 = tpu.memref_squeeze %dma_start3A_43 : memref<1x128x128xf32, #tpu.memory_space<hbm>> -> memref<128x128xf32, #tpu.memory_space<hbm>>
      %dma_start3A_45 = arith.constant 0 : i32
      %dma_start3A_46 = tpu.memref_slice %arg4[%arg0, %add3A_26, %dma_start3A_45] : memref<2x10000x128xf32, #tpu.memory_space<hbm>> -> memref<1x128x128xf32, #tpu.memory_space<hbm>>
      %dma_start3A_47 = tpu.memref_squeeze %dma_start3A_46 : memref<1x128x128xf32, #tpu.memory_space<hbm>> -> memref<128x128xf32, #tpu.memory_space<hbm>>
      %dma_start3A_48 = arith.constant 0 : i32
      %dma_start3A_49 = arith.constant 0 : i32
      %dma_start3A_50 = tpu.memref_slice %arg6[%dma_start3A_48, %dma_start3A_49] : memref<128x128xf32, #tpu.memory_space<vmem>> -> memref<128x128xf32, #tpu.memory_space<vmem>>
      tpu.enqueue_dma source(%dma_start3A_50 : memref<128x128xf32, #tpu.memory_space<vmem>>) target(%dma_start3A_47 : memref<128x128xf32, #tpu.memory_space<hbm>>) target_semaphore(%run_scoped3A : memref<!tpu.dma_semaphore, #tpu.memory_space<semaphore_mem>>)
      %dma_wait3A = arith.constant 0 : i32
      %dma_wait3A_51 = arith.constant 0 : i32
      %dma_wait3A_52 = tpu.memref_slice %arg6[%dma_wait3A, %dma_wait3A_51] : memref<128x128xf32, #tpu.memory_space<vmem>> -> memref<128x128xf32, #tpu.memory_space<vmem>>
      %dma_wait3A_53 = arith.constant 0 : i32
      %dma_wait3A_54 = tpu.memref_slice %arg4[%arg0, %add3A_26, %dma_wait3A_53] : memref<2x10000x128xf32, #tpu.memory_space<hbm>> -> memref<1x128x128xf32, #tpu.memory_space<hbm>>
      %dma_wait3A_55 = tpu.memref_squeeze %dma_wait3A_54 : memref<1x128x128xf32, #tpu.memory_space<hbm>> -> memref<128x128xf32, #tpu.memory_space<hbm>>
      %dma_wait3A_56 = arith.constant 0 : i32
      %dma_wait3A_57 = tpu.memref_slice %arg4[%arg0, %add3A_26, %dma_wait3A_56] : memref<2x10000x128xf32, #tpu.memory_space<hbm>> -> memref<1x128x128xf32, #tpu.memory_space<hbm>>
      %dma_wait3A_58 = tpu.memref_squeeze %dma_wait3A_57 : memref<1x128x128xf32, #tpu.memory_space<hbm>> -> memref<128x128xf32, #tpu.memory_space<hbm>>
      %dma_wait3A_59 = arith.constant 0 : i32
      %dma_wait3A_60 = arith.constant 0 : i32
      %dma_wait3A_61 = tpu.memref_slice %arg6[%dma_wait3A_59, %dma_wait3A_60] : memref<128x128xf32, #tpu.memory_space<vmem>> -> memref<128x128xf32, #tpu.memory_space<vmem>>
      tpu.wait_dma2 semaphore(%run_scoped3A : memref<!tpu.dma_semaphore, #tpu.memory_space<semaphore_mem>>) src(%dma_wait3A_61 : memref<128x128xf32, #tpu.memory_space<vmem>>) dst(%dma_wait3A_58 : memref<128x128xf32, #tpu.memory_space<hbm>>)
      tpu.yield
    }) : () -> ()
    %add3A_27 = arith.constant 128 : i32
    %add3A_28 = arith.addi %mul3A_6, %add3A_27 : i32
    "tpu.region"() ({
      %run_scoped3A = tpu.sem_alloc : memref<!tpu.dma_semaphore, #tpu.memory_space<semaphore_mem>>
      %dma_start3A = arith.constant 0 : i32
      %dma_start3A_40 = arith.constant 0 : i32
      %dma_start3A_41 = tpu.memref_slice %arg6[%dma_start3A, %dma_start3A_40] : memref<128x128xf32, #tpu.memory_space<vmem>> -> memref<128x128xf32, #tpu.memory_space<vmem>>
      %dma_start3A_42 = arith.constant 0 : i32
      %dma_start3A_43 = tpu.memref_slice %arg7[%add3A_28, %dma_start3A_42] : memref<10000x128xf32, #tpu.memory_space<vmem_shared>> -> memref<128x128xf32, #tpu.memory_space<vmem_shared>>
      %dma_start3A_44 = arith.constant 0 : i32
      %dma_start3A_45 = arith.constant 0 : i32
      %dma_start3A_46 = tpu.memref_slice %arg6[%dma_start3A_44, %dma_start3A_45] : memref<128x128xf32, #tpu.memory_space<vmem>> -> memref<128x128xf32, #tpu.memory_space<vmem>>
      %dma_start3A_47 = arith.constant 0 : i32
      %dma_start3A_48 = tpu.memref_slice %arg7[%add3A_28, %dma_start3A_47] : memref<10000x128xf32, #tpu.memory_space<vmem_shared>> -> memref<128x128xf32, #tpu.memory_space<vmem_shared>>
      tpu.enqueue_dma source(%dma_start3A_48 : memref<128x128xf32, #tpu.memory_space<vmem_shared>>) target(%dma_start3A_46 : memref<128x128xf32, #tpu.memory_space<vmem>>) target_semaphore(%run_scoped3A : memref<!tpu.dma_semaphore, #tpu.memory_space<semaphore_mem>>)
      %dma_wait3A = arith.constant 0 : i32
      %dma_wait3A_49 = arith.constant 0 : i32
      %dma_wait3A_50 = tpu.memref_slice %arg6[%dma_wait3A, %dma_wait3A_49] : memref<128x128xf32, #tpu.memory_space<vmem>> -> memref<128x128xf32, #tpu.memory_space<vmem>>
      %dma_wait3A_51 = arith.constant 0 : i32
      %dma_wait3A_52 = tpu.memref_slice %arg7[%add3A_28, %dma_wait3A_51] : memref<10000x128xf32, #tpu.memory_space<vmem_shared>> -> memref<128x128xf32, #tpu.memory_space<vmem_shared>>
      %dma_wait3A_53 = arith.constant 0 : i32
      %dma_wait3A_54 = arith.constant 0 : i32
      %dma_wait3A_55 = tpu.memref_slice %arg6[%dma_wait3A_53, %dma_wait3A_54] : memref<128x128xf32, #tpu.memory_space<vmem>> -> memref<128x128xf32, #tpu.memory_space<vmem>>
      %dma_wait3A_56 = arith.constant 0 : i32
      %dma_wait3A_57 = tpu.memref_slice %arg7[%add3A_28, %dma_wait3A_56] : memref<10000x128xf32, #tpu.memory_space<vmem_shared>> -> memref<128x128xf32, #tpu.memory_space<vmem_shared>>
      tpu.wait_dma2 semaphore(%run_scoped3A : memref<!tpu.dma_semaphore, #tpu.memory_space<semaphore_mem>>) src(%dma_wait3A_57 : memref<128x128xf32, #tpu.memory_space<vmem_shared>>) dst(%dma_wait3A_55 : memref<128x128xf32, #tpu.memory_space<vmem>>)
      tpu.yield
    }) : () -> ()
    "tpu.region"() ({
      %run_scoped3A = tpu.sem_alloc : memref<!tpu.dma_semaphore, #tpu.memory_space<semaphore_mem>>
      %dma_start3A = arith.constant 0 : i32
      %dma_start3A_40 = arith.constant 0 : i32
      %dma_start3A_41 = tpu.memref_slice %arg6[%dma_start3A, %dma_start3A_40] : memref<128x128xf32, #tpu.memory_space<vmem>> -> memref<128x128xf32, #tpu.memory_space<vmem>>
      %dma_start3A_42 = arith.constant 0 : i32
      %dma_start3A_43 = tpu.memref_slice %arg4[%arg0, %add3A_28, %dma_start3A_42] : memref<2x10000x128xf32, #tpu.memory_space<hbm>> -> memref<1x128x128xf32, #tpu.memory_space<hbm>>
      %dma_start3A_44 = tpu.memref_squeeze %dma_start3A_43 : memref<1x128x128xf32, #tpu.memory_space<hbm>> -> memref<128x128xf32, #tpu.memory_space<hbm>>
      %dma_start3A_45 = arith.constant 0 : i32
      %dma_start3A_46 = tpu.memref_slice %arg4[%arg0, %add3A_28, %dma_start3A_45] : memref<2x10000x128xf32, #tpu.memory_space<hbm>> -> memref<1x128x128xf32, #tpu.memory_space<hbm>>
      %dma_start3A_47 = tpu.memref_squeeze %dma_start3A_46 : memref<1x128x128xf32, #tpu.memory_space<hbm>> -> memref<128x128xf32, #tpu.memory_space<hbm>>
      %dma_start3A_48 = arith.constant 0 : i32
      %dma_start3A_49 = arith.constant 0 : i32
      %dma_start3A_50 = tpu.memref_slice %arg6[%dma_start3A_48, %dma_start3A_49] : memref<128x128xf32, #tpu.memory_space<vmem>> -> memref<128x128xf32, #tpu.memory_space<vmem>>
      tpu.enqueue_dma source(%dma_start3A_50 : memref<128x128xf32, #tpu.memory_space<vmem>>) target(%dma_start3A_47 : memref<128x128xf32, #tpu.memory_space<hbm>>) target_semaphore(%run_scoped3A : memref<!tpu.dma_semaphore, #tpu.memory_space<semaphore_mem>>)
      %dma_wait3A = arith.constant 0 : i32
      %dma_wait3A_51 = arith.constant 0 : i32
      %dma_wait3A_52 = tpu.memref_slice %arg6[%dma_wait3A, %dma_wait3A_51] : memref<128x128xf32, #tpu.memory_space<vmem>> -> memref<128x128xf32, #tpu.memory_space<vmem>>
      %dma_wait3A_53 = arith.constant 0 : i32
      %dma_wait3A_54 = tpu.memref_slice %arg4[%arg0, %add3A_28, %dma_wait3A_53] : memref<2x10000x128xf32, #tpu.memory_space<hbm>> -> memref<1x128x128xf32, #tpu.memory_space<hbm>>
      %dma_wait3A_55 = tpu.memref_squeeze %dma_wait3A_54 : memref<1x128x128xf32, #tpu.memory_space<hbm>> -> memref<128x128xf32, #tpu.memory_space<hbm>>
      %dma_wait3A_56 = arith.constant 0 : i32
      %dma_wait3A_57 = tpu.memref_slice %arg4[%arg0, %add3A_28, %dma_wait3A_56] : memref<2x10000x128xf32, #tpu.memory_space<hbm>> -> memref<1x128x128xf32, #tpu.memory_space<hbm>>
      %dma_wait3A_58 = tpu.memref_squeeze %dma_wait3A_57 : memref<1x128x128xf32, #tpu.memory_space<hbm>> -> memref<128x128xf32, #tpu.memory_space<hbm>>
      %dma_wait3A_59 = arith.constant 0 : i32
      %dma_wait3A_60 = arith.constant 0 : i32
      %dma_wait3A_61 = tpu.memref_slice %arg6[%dma_wait3A_59, %dma_wait3A_60] : memref<128x128xf32, #tpu.memory_space<vmem>> -> memref<128x128xf32, #tpu.memory_space<vmem>>
      tpu.wait_dma2 semaphore(%run_scoped3A : memref<!tpu.dma_semaphore, #tpu.memory_space<semaphore_mem>>) src(%dma_wait3A_61 : memref<128x128xf32, #tpu.memory_space<vmem>>) dst(%dma_wait3A_58 : memref<128x128xf32, #tpu.memory_space<hbm>>)
      tpu.yield
    }) : () -> ()
    %add3A_29 = arith.constant 256 : i32
    %add3A_30 = arith.addi %mul3A_6, %add3A_29 : i32
    "tpu.region"() ({
      %run_scoped3A = tpu.sem_alloc : memref<!tpu.dma_semaphore, #tpu.memory_space<semaphore_mem>>
      %dma_start3A = arith.constant 0 : i32
      %dma_start3A_40 = arith.constant 0 : i32
      %dma_start3A_41 = tpu.memref_slice %arg6[%dma_start3A, %dma_start3A_40] : memref<128x128xf32, #tpu.memory_space<vmem>> -> memref<128x128xf32, #tpu.memory_space<vmem>>
      %dma_start3A_42 = arith.constant 0 : i32
      %dma_start3A_43 = tpu.memref_slice %arg7[%add3A_30, %dma_start3A_42] : memref<10000x128xf32, #tpu.memory_space<vmem_shared>> -> memref<128x128xf32, #tpu.memory_space<vmem_shared>>
      %dma_start3A_44 = arith.constant 0 : i32
      %dma_start3A_45 = arith.constant 0 : i32
      %dma_start3A_46 = tpu.memref_slice %arg6[%dma_start3A_44, %dma_start3A_45] : memref<128x128xf32, #tpu.memory_space<vmem>> -> memref<128x128xf32, #tpu.memory_space<vmem>>
      %dma_start3A_47 = arith.constant 0 : i32
      %dma_start3A_48 = tpu.memref_slice %arg7[%add3A_30, %dma_start3A_47] : memref<10000x128xf32, #tpu.memory_space<vmem_shared>> -> memref<128x128xf32, #tpu.memory_space<vmem_shared>>
      tpu.enqueue_dma source(%dma_start3A_48 : memref<128x128xf32, #tpu.memory_space<vmem_shared>>) target(%dma_start3A_46 : memref<128x128xf32, #tpu.memory_space<vmem>>) target_semaphore(%run_scoped3A : memref<!tpu.dma_semaphore, #tpu.memory_space<semaphore_mem>>)
      %dma_wait3A = arith.constant 0 : i32
      %dma_wait3A_49 = arith.constant 0 : i32
      %dma_wait3A_50 = tpu.memref_slice %arg6[%dma_wait3A, %dma_wait3A_49] : memref<128x128xf32, #tpu.memory_space<vmem>> -> memref<128x128xf32, #tpu.memory_space<vmem>>
      %dma_wait3A_51 = arith.constant 0 : i32
      %dma_wait3A_52 = tpu.memref_slice %arg7[%add3A_30, %dma_wait3A_51] : memref<10000x128xf32, #tpu.memory_space<vmem_shared>> -> memref<128x128xf32, #tpu.memory_space<vmem_shared>>
      %dma_wait3A_53 = arith.constant 0 : i32
      %dma_wait3A_54 = arith.constant 0 : i32
      %dma_wait3A_55 = tpu.memref_slice %arg6[%dma_wait3A_53, %dma_wait3A_54] : memref<128x128xf32, #tpu.memory_space<vmem>> -> memref<128x128xf32, #tpu.memory_space<vmem>>
      %dma_wait3A_56 = arith.constant 0 : i32
      %dma_wait3A_57 = tpu.memref_slice %arg7[%add3A_30, %dma_wait3A_56] : memref<10000x128xf32, #tpu.memory_space<vmem_shared>> -> memref<128x128xf32, #tpu.memory_space<vmem_shared>>
      tpu.wait_dma2 semaphore(%run_scoped3A : memref<!tpu.dma_semaphore, #tpu.memory_space<semaphore_mem>>) src(%dma_wait3A_57 : memref<128x128xf32, #tpu.memory_space<vmem_shared>>) dst(%dma_wait3A_55 : memref<128x128xf32, #tpu.memory_space<vmem>>)
      tpu.yield
    }) : () -> ()
    "tpu.region"() ({
      %run_scoped3A = tpu.sem_alloc : memref<!tpu.dma_semaphore, #tpu.memory_space<semaphore_mem>>
      %dma_start3A = arith.constant 0 : i32
      %dma_start3A_40 = arith.constant 0 : i32
      %dma_start3A_41 = tpu.memref_slice %arg6[%dma_start3A, %dma_start3A_40] : memref<128x128xf32, #tpu.memory_space<vmem>> -> memref<128x128xf32, #tpu.memory_space<vmem>>
      %dma_start3A_42 = arith.constant 0 : i32
      %dma_start3A_43 = tpu.memref_slice %arg4[%arg0, %add3A_30, %dma_start3A_42] : memref<2x10000x128xf32, #tpu.memory_space<hbm>> -> memref<1x128x128xf32, #tpu.memory_space<hbm>>
      %dma_start3A_44 = tpu.memref_squeeze %dma_start3A_43 : memref<1x128x128xf32, #tpu.memory_space<hbm>> -> memref<128x128xf32, #tpu.memory_space<hbm>>
      %dma_start3A_45 = arith.constant 0 : i32
      %dma_start3A_46 = tpu.memref_slice %arg4[%arg0, %add3A_30, %dma_start3A_45] : memref<2x10000x128xf32, #tpu.memory_space<hbm>> -> memref<1x128x128xf32, #tpu.memory_space<hbm>>
      %dma_start3A_47 = tpu.memref_squeeze %dma_start3A_46 : memref<1x128x128xf32, #tpu.memory_space<hbm>> -> memref<128x128xf32, #tpu.memory_space<hbm>>
      %dma_start3A_48 = arith.constant 0 : i32
      %dma_start3A_49 = arith.constant 0 : i32
      %dma_start3A_50 = tpu.memref_slice %arg6[%dma_start3A_48, %dma_start3A_49] : memref<128x128xf32, #tpu.memory_space<vmem>> -> memref<128x128xf32, #tpu.memory_space<vmem>>
      tpu.enqueue_dma source(%dma_start3A_50 : memref<128x128xf32, #tpu.memory_space<vmem>>) target(%dma_start3A_47 : memref<128x128xf32, #tpu.memory_space<hbm>>) target_semaphore(%run_scoped3A : memref<!tpu.dma_semaphore, #tpu.memory_space<semaphore_mem>>)
      %dma_wait3A = arith.constant 0 : i32
      %dma_wait3A_51 = arith.constant 0 : i32
      %dma_wait3A_52 = tpu.memref_slice %arg6[%dma_wait3A, %dma_wait3A_51] : memref<128x128xf32, #tpu.memory_space<vmem>> -> memref<128x128xf32, #tpu.memory_space<vmem>>
      %dma_wait3A_53 = arith.constant 0 : i32
      %dma_wait3A_54 = tpu.memref_slice %arg4[%arg0, %add3A_30, %dma_wait3A_53] : memref<2x10000x128xf32, #tpu.memory_space<hbm>> -> memref<1x128x128xf32, #tpu.memory_space<hbm>>
      %dma_wait3A_55 = tpu.memref_squeeze %dma_wait3A_54 : memref<1x128x128xf32, #tpu.memory_space<hbm>> -> memref<128x128xf32, #tpu.memory_space<hbm>>
      %dma_wait3A_56 = arith.constant 0 : i32
      %dma_wait3A_57 = tpu.memref_slice %arg4[%arg0, %add3A_30, %dma_wait3A_56] : memref<2x10000x128xf32, #tpu.memory_space<hbm>> -> memref<1x128x128xf32, #tpu.memory_space<hbm>>
      %dma_wait3A_58 = tpu.memref_squeeze %dma_wait3A_57 : memref<1x128x128xf32, #tpu.memory_space<hbm>> -> memref<128x128xf32, #tpu.memory_space<hbm>>
      %dma_wait3A_59 = arith.constant 0 : i32
      %dma_wait3A_60 = arith.constant 0 : i32
      %dma_wait3A_61 = tpu.memref_slice %arg6[%dma_wait3A_59, %dma_wait3A_60] : memref<128x128xf32, #tpu.memory_space<vmem>> -> memref<128x128xf32, #tpu.memory_space<vmem>>
      tpu.wait_dma2 semaphore(%run_scoped3A : memref<!tpu.dma_semaphore, #tpu.memory_space<semaphore_mem>>) src(%dma_wait3A_61 : memref<128x128xf32, #tpu.memory_space<vmem>>) dst(%dma_wait3A_58 : memref<128x128xf32, #tpu.memory_space<hbm>>)
      tpu.yield
    }) : () -> ()
    %add3A_31 = arith.constant 384 : i32
    %add3A_32 = arith.addi %mul3A_6, %add3A_31 : i32
    "tpu.region"() ({
      %run_scoped3A = tpu.sem_alloc : memref<!tpu.dma_semaphore, #tpu.memory_space<semaphore_mem>>
      %dma_start3A = arith.constant 0 : i32
      %dma_start3A_40 = arith.constant 0 : i32
      %dma_start3A_41 = tpu.memref_slice %arg6[%dma_start3A, %dma_start3A_40] : memref<128x128xf32, #tpu.memory_space<vmem>> -> memref<128x128xf32, #tpu.memory_space<vmem>>
      %dma_start3A_42 = arith.constant 0 : i32
      %dma_start3A_43 = tpu.memref_slice %arg7[%add3A_32, %dma_start3A_42] : memref<10000x128xf32, #tpu.memory_space<vmem_shared>> -> memref<128x128xf32, #tpu.memory_space<vmem_shared>>
      %dma_start3A_44 = arith.constant 0 : i32
      %dma_start3A_45 = arith.constant 0 : i32
      %dma_start3A_46 = tpu.memref_slice %arg6[%dma_start3A_44, %dma_start3A_45] : memref<128x128xf32, #tpu.memory_space<vmem>> -> memref<128x128xf32, #tpu.memory_space<vmem>>
      %dma_start3A_47 = arith.constant 0 : i32
      %dma_start3A_48 = tpu.memref_slice %arg7[%add3A_32, %dma_start3A_47] : memref<10000x128xf32, #tpu.memory_space<vmem_shared>> -> memref<128x128xf32, #tpu.memory_space<vmem_shared>>
      tpu.enqueue_dma source(%dma_start3A_48 : memref<128x128xf32, #tpu.memory_space<vmem_shared>>) target(%dma_start3A_46 : memref<128x128xf32, #tpu.memory_space<vmem>>) target_semaphore(%run_scoped3A : memref<!tpu.dma_semaphore, #tpu.memory_space<semaphore_mem>>)
      %dma_wait3A = arith.constant 0 : i32
      %dma_wait3A_49 = arith.constant 0 : i32
      %dma_wait3A_50 = tpu.memref_slice %arg6[%dma_wait3A, %dma_wait3A_49] : memref<128x128xf32, #tpu.memory_space<vmem>> -> memref<128x128xf32, #tpu.memory_space<vmem>>
      %dma_wait3A_51 = arith.constant 0 : i32
      %dma_wait3A_52 = tpu.memref_slice %arg7[%add3A_32, %dma_wait3A_51] : memref<10000x128xf32, #tpu.memory_space<vmem_shared>> -> memref<128x128xf32, #tpu.memory_space<vmem_shared>>
      %dma_wait3A_53 = arith.constant 0 : i32
      %dma_wait3A_54 = arith.constant 0 : i32
      %dma_wait3A_55 = tpu.memref_slice %arg6[%dma_wait3A_53, %dma_wait3A_54] : memref<128x128xf32, #tpu.memory_space<vmem>> -> memref<128x128xf32, #tpu.memory_space<vmem>>
      %dma_wait3A_56 = arith.constant 0 : i32
      %dma_wait3A_57 = tpu.memref_slice %arg7[%add3A_32, %dma_wait3A_56] : memref<10000x128xf32, #tpu.memory_space<vmem_shared>> -> memref<128x128xf32, #tpu.memory_space<vmem_shared>>
      tpu.wait_dma2 semaphore(%run_scoped3A : memref<!tpu.dma_semaphore, #tpu.memory_space<semaphore_mem>>) src(%dma_wait3A_57 : memref<128x128xf32, #tpu.memory_space<vmem_shared>>) dst(%dma_wait3A_55 : memref<128x128xf32, #tpu.memory_space<vmem>>)
      tpu.yield
    }) : () -> ()
    "tpu.region"() ({
      %run_scoped3A = tpu.sem_alloc : memref<!tpu.dma_semaphore, #tpu.memory_space<semaphore_mem>>
      %dma_start3A = arith.constant 0 : i32
      %dma_start3A_40 = arith.constant 0 : i32
      %dma_start3A_41 = tpu.memref_slice %arg6[%dma_start3A, %dma_start3A_40] : memref<128x128xf32, #tpu.memory_space<vmem>> -> memref<128x128xf32, #tpu.memory_space<vmem>>
      %dma_start3A_42 = arith.constant 0 : i32
      %dma_start3A_43 = tpu.memref_slice %arg4[%arg0, %add3A_32, %dma_start3A_42] : memref<2x10000x128xf32, #tpu.memory_space<hbm>> -> memref<1x128x128xf32, #tpu.memory_space<hbm>>
      %dma_start3A_44 = tpu.memref_squeeze %dma_start3A_43 : memref<1x128x128xf32, #tpu.memory_space<hbm>> -> memref<128x128xf32, #tpu.memory_space<hbm>>
      %dma_start3A_45 = arith.constant 0 : i32
      %dma_start3A_46 = tpu.memref_slice %arg4[%arg0, %add3A_32, %dma_start3A_45] : memref<2x10000x128xf32, #tpu.memory_space<hbm>> -> memref<1x128x128xf32, #tpu.memory_space<hbm>>
      %dma_start3A_47 = tpu.memref_squeeze %dma_start3A_46 : memref<1x128x128xf32, #tpu.memory_space<hbm>> -> memref<128x128xf32, #tpu.memory_space<hbm>>
      %dma_start3A_48 = arith.constant 0 : i32
      %dma_start3A_49 = arith.constant 0 : i32
      %dma_start3A_50 = tpu.memref_slice %arg6[%dma_start3A_48, %dma_start3A_49] : memref<128x128xf32, #tpu.memory_space<vmem>> -> memref<128x128xf32, #tpu.memory_space<vmem>>
      tpu.enqueue_dma source(%dma_start3A_50 : memref<128x128xf32, #tpu.memory_space<vmem>>) target(%dma_start3A_47 : memref<128x128xf32, #tpu.memory_space<hbm>>) target_semaphore(%run_scoped3A : memref<!tpu.dma_semaphore, #tpu.memory_space<semaphore_mem>>)
      %dma_wait3A = arith.constant 0 : i32
      %dma_wait3A_51 = arith.constant 0 : i32
      %dma_wait3A_52 = tpu.memref_slice %arg6[%dma_wait3A, %dma_wait3A_51] : memref<128x128xf32, #tpu.memory_space<vmem>> -> memref<128x128xf32, #tpu.memory_space<vmem>>
      %dma_wait3A_53 = arith.constant 0 : i32
      %dma_wait3A_54 = tpu.memref_slice %arg4[%arg0, %add3A_32, %dma_wait3A_53] : memref<2x10000x128xf32, #tpu.memory_space<hbm>> -> memref<1x128x128xf32, #tpu.memory_space<hbm>>
      %dma_wait3A_55 = tpu.memref_squeeze %dma_wait3A_54 : memref<1x128x128xf32, #tpu.memory_space<hbm>> -> memref<128x128xf32, #tpu.memory_space<hbm>>
      %dma_wait3A_56 = arith.constant 0 : i32
      %dma_wait3A_57 = tpu.memref_slice %arg4[%arg0, %add3A_32, %dma_wait3A_56] : memref<2x10000x128xf32, #tpu.memory_space<hbm>> -> memref<1x128x128xf32, #tpu.memory_space<hbm>>
      %dma_wait3A_58 = tpu.memref_squeeze %dma_wait3A_57 : memref<1x128x128xf32, #tpu.memory_space<hbm>> -> memref<128x128xf32, #tpu.memory_space<hbm>>
      %dma_wait3A_59 = arith.constant 0 : i32
      %dma_wait3A_60 = arith.constant 0 : i32
      %dma_wait3A_61 = tpu.memref_slice %arg6[%dma_wait3A_59, %dma_wait3A_60] : memref<128x128xf32, #tpu.memory_space<vmem>> -> memref<128x128xf32, #tpu.memory_space<vmem>>
      tpu.wait_dma2 semaphore(%run_scoped3A : memref<!tpu.dma_semaphore, #tpu.memory_space<semaphore_mem>>) src(%dma_wait3A_61 : memref<128x128xf32, #tpu.memory_space<vmem>>) dst(%dma_wait3A_58 : memref<128x128xf32, #tpu.memory_space<hbm>>)
      tpu.yield
    }) : () -> ()
    %add3A_33 = arith.constant 512 : i32
    %add3A_34 = arith.addi %mul3A_6, %add3A_33 : i32
    "tpu.region"() ({
      %run_scoped3A = tpu.sem_alloc : memref<!tpu.dma_semaphore, #tpu.memory_space<semaphore_mem>>
      %dma_start3A = arith.constant 0 : i32
      %dma_start3A_40 = arith.constant 0 : i32
      %dma_start3A_41 = tpu.memref_slice %arg6[%dma_start3A, %dma_start3A_40] : memref<128x128xf32, #tpu.memory_space<vmem>> -> memref<112x128xf32, #tpu.memory_space<vmem>>
      %dma_start3A_42 = arith.constant 0 : i32
      %dma_start3A_43 = tpu.memref_slice %arg7[%add3A_34, %dma_start3A_42] : memref<10000x128xf32, #tpu.memory_space<vmem_shared>> -> memref<112x128xf32, #tpu.memory_space<vmem_shared>>
      %dma_start3A_44 = arith.constant 0 : i32
      %dma_start3A_45 = arith.constant 0 : i32
      %dma_start3A_46 = tpu.memref_slice %arg6[%dma_start3A_44, %dma_start3A_45] : memref<128x128xf32, #tpu.memory_space<vmem>> -> memref<112x128xf32, #tpu.memory_space<vmem>>
      %dma_start3A_47 = arith.constant 0 : i32
      %dma_start3A_48 = tpu.memref_slice %arg7[%add3A_34, %dma_start3A_47] : memref<10000x128xf32, #tpu.memory_space<vmem_shared>> -> memref<112x128xf32, #tpu.memory_space<vmem_shared>>
      tpu.enqueue_dma source(%dma_start3A_48 : memref<112x128xf32, #tpu.memory_space<vmem_shared>>) target(%dma_start3A_46 : memref<112x128xf32, #tpu.memory_space<vmem>>) target_semaphore(%run_scoped3A : memref<!tpu.dma_semaphore, #tpu.memory_space<semaphore_mem>>)
      %dma_wait3A = arith.constant 0 : i32
      %dma_wait3A_49 = arith.constant 0 : i32
      %dma_wait3A_50 = tpu.memref_slice %arg6[%dma_wait3A, %dma_wait3A_49] : memref<128x128xf32, #tpu.memory_space<vmem>> -> memref<112x128xf32, #tpu.memory_space<vmem>>
      %dma_wait3A_51 = arith.constant 0 : i32
      %dma_wait3A_52 = tpu.memref_slice %arg7[%add3A_34, %dma_wait3A_51] : memref<10000x128xf32, #tpu.memory_space<vmem_shared>> -> memref<112x128xf32, #tpu.memory_space<vmem_shared>>
      %dma_wait3A_53 = arith.constant 0 : i32
      %dma_wait3A_54 = arith.constant 0 : i32
      %dma_wait3A_55 = tpu.memref_slice %arg6[%dma_wait3A_53, %dma_wait3A_54] : memref<128x128xf32, #tpu.memory_space<vmem>> -> memref<112x128xf32, #tpu.memory_space<vmem>>
      %dma_wait3A_56 = arith.constant 0 : i32
      %dma_wait3A_57 = tpu.memref_slice %arg7[%add3A_34, %dma_wait3A_56] : memref<10000x128xf32, #tpu.memory_space<vmem_shared>> -> memref<112x128xf32, #tpu.memory_space<vmem_shared>>
      tpu.wait_dma2 semaphore(%run_scoped3A : memref<!tpu.dma_semaphore, #tpu.memory_space<semaphore_mem>>) src(%dma_wait3A_57 : memref<112x128xf32, #tpu.memory_space<vmem_shared>>) dst(%dma_wait3A_55 : memref<112x128xf32, #tpu.memory_space<vmem>>)
      tpu.yield
    }) : () -> ()
    "tpu.region"() ({
      %run_scoped3A = tpu.sem_alloc : memref<!tpu.dma_semaphore, #tpu.memory_space<semaphore_mem>>
      %dma_start3A = arith.constant 0 : i32
      %dma_start3A_40 = arith.constant 0 : i32
      %dma_start3A_41 = tpu.memref_slice %arg6[%dma_start3A, %dma_start3A_40] : memref<128x128xf32, #tpu.memory_space<vmem>> -> memref<112x128xf32, #tpu.memory_space<vmem>>
      %dma_start3A_42 = arith.constant 0 : i32
      %dma_start3A_43 = tpu.memref_slice %arg4[%arg0, %add3A_34, %dma_start3A_42] : memref<2x10000x128xf32, #tpu.memory_space<hbm>> -> memref<1x112x128xf32, #tpu.memory_space<hbm>>
      %dma_start3A_44 = tpu.memref_squeeze %dma_start3A_43 : memref<1x112x128xf32, #tpu.memory_space<hbm>> -> memref<112x128xf32, #tpu.memory_space<hbm>>
      %dma_start3A_45 = arith.constant 0 : i32
      %dma_start3A_46 = tpu.memref_slice %arg4[%arg0, %add3A_34, %dma_start3A_45] : memref<2x10000x128xf32, #tpu.memory_space<hbm>> -> memref<1x112x128xf32, #tpu.memory_space<hbm>>
      %dma_start3A_47 = tpu.memref_squeeze %dma_start3A_46 : memref<1x112x128xf32, #tpu.memory_space<hbm>> -> memref<112x128xf32, #tpu.memory_space<hbm>>
      %dma_start3A_48 = arith.constant 0 : i32
      %dma_start3A_49 = arith.constant 0 : i32
      %dma_start3A_50 = tpu.memref_slice %arg6[%dma_start3A_48, %dma_start3A_49] : memref<128x128xf32, #tpu.memory_space<vmem>> -> memref<112x128xf32, #tpu.memory_space<vmem>>
      tpu.enqueue_dma source(%dma_start3A_50 : memref<112x128xf32, #tpu.memory_space<vmem>>) target(%dma_start3A_47 : memref<112x128xf32, #tpu.memory_space<hbm>>) target_semaphore(%run_scoped3A : memref<!tpu.dma_semaphore, #tpu.memory_space<semaphore_mem>>)
      %dma_wait3A = arith.constant 0 : i32
      %dma_wait3A_51 = arith.constant 0 : i32
      %dma_wait3A_52 = tpu.memref_slice %arg6[%dma_wait3A, %dma_wait3A_51] : memref<128x128xf32, #tpu.memory_space<vmem>> -> memref<112x128xf32, #tpu.memory_space<vmem>>
      %dma_wait3A_53 = arith.constant 0 : i32
      %dma_wait3A_54 = tpu.memref_slice %arg4[%arg0, %add3A_34, %dma_wait3A_53] : memref<2x10000x128xf32, #tpu.memory_space<hbm>> -> memref<1x112x128xf32, #tpu.memory_space<hbm>>
      %dma_wait3A_55 = tpu.memref_squeeze %dma_wait3A_54 : memref<1x112x128xf32, #tpu.memory_space<hbm>> -> memref<112x128xf32, #tpu.memory_space<hbm>>
      %dma_wait3A_56 = arith.constant 0 : i32
      %dma_wait3A_57 = tpu.memref_slice %arg4[%arg0, %add3A_34, %dma_wait3A_56] : memref<2x10000x128xf32, #tpu.memory_space<hbm>> -> memref<1x112x128xf32, #tpu.memory_space<hbm>>
      %dma_wait3A_58 = tpu.memref_squeeze %dma_wait3A_57 : memref<1x112x128xf32, #tpu.memory_space<hbm>> -> memref<112x128xf32, #tpu.memory_space<hbm>>
      %dma_wait3A_59 = arith.constant 0 : i32
      %dma_wait3A_60 = arith.constant 0 : i32
      %dma_wait3A_61 = tpu.memref_slice %arg6[%dma_wait3A_59, %dma_wait3A_60] : memref<128x128xf32, #tpu.memory_space<vmem>> -> memref<112x128xf32, #tpu.memory_space<vmem>>
      tpu.wait_dma2 semaphore(%run_scoped3A : memref<!tpu.dma_semaphore, #tpu.memory_space<semaphore_mem>>) src(%dma_wait3A_61 : memref<112x128xf32, #tpu.memory_space<vmem>>) dst(%dma_wait3A_58 : memref<112x128xf32, #tpu.memory_space<hbm>>)
      tpu.yield
    }) : () -> ()
    %eq3A_35 = arith.constant 15 : i32
    %eq3A_36 = arith.cmpi eq, %arg1, %eq3A_35 : i32
    %convert_element_type3A_37 = arith.extui %eq3A_36 : i1 to i32
    %cond3A_38 = arith.constant 0 : i32
    %cond3A_39 = arith.cmpi ne, %convert_element_type3A_37, %cond3A_38 : i32
    scf.if %cond3A_39 {
      "tpu.region"() ({
        %run_scoped3A = tpu.sem_alloc : memref<!tpu.dma_semaphore, #tpu.memory_space<semaphore_mem>>
        %dma_start3A = arith.constant 0 : i32
        %dma_start3A_40 = arith.constant 0 : i32
        %dma_start3A_41 = tpu.memref_slice %arg6[%dma_start3A, %dma_start3A_40] : memref<128x128xf32, #tpu.memory_space<vmem>> -> memref<16x128xf32, #tpu.memory_space<vmem>>
        %dma_start3A_42 = arith.constant 9984 : i32
        %dma_start3A_43 = arith.constant 0 : i32
        %dma_start3A_44 = tpu.memref_slice %arg7[%dma_start3A_42, %dma_start3A_43] : memref<10000x128xf32, #tpu.memory_space<vmem_shared>> -> memref<16x128xf32, #tpu.memory_space<vmem_shared>>
        %dma_start3A_45 = arith.constant 0 : i32
        %dma_start3A_46 = arith.constant 0 : i32
        %dma_start3A_47 = tpu.memref_slice %arg6[%dma_start3A_45, %dma_start3A_46] : memref<128x128xf32, #tpu.memory_space<vmem>> -> memref<16x128xf32, #tpu.memory_space<vmem>>
        %dma_start3A_48 = arith.constant 9984 : i32
        %dma_start3A_49 = arith.constant 0 : i32
        %dma_start3A_50 = tpu.memref_slice %arg7[%dma_start3A_48, %dma_start3A_49] : memref<10000x128xf32, #tpu.memory_space<vmem_shared>> -> memref<16x128xf32, #tpu.memory_space<vmem_shared>>
        tpu.enqueue_dma source(%dma_start3A_50 : memref<16x128xf32, #tpu.memory_space<vmem_shared>>) target(%dma_start3A_47 : memref<16x128xf32, #tpu.memory_space<vmem>>) target_semaphore(%run_scoped3A : memref<!tpu.dma_semaphore, #tpu.memory_space<semaphore_mem>>)
        %dma_wait3A = arith.constant 0 : i32
        %dma_wait3A_51 = arith.constant 0 : i32
        %dma_wait3A_52 = tpu.memref_slice %arg6[%dma_wait3A, %dma_wait3A_51] : memref<128x128xf32, #tpu.memory_space<vmem>> -> memref<16x128xf32, #tpu.memory_space<vmem>>
        %dma_wait3A_53 = arith.constant 9984 : i32
        %dma_wait3A_54 = arith.constant 0 : i32
        %dma_wait3A_55 = tpu.memref_slice %arg7[%dma_wait3A_53, %dma_wait3A_54] : memref<10000x128xf32, #tpu.memory_space<vmem_shared>> -> memref<16x128xf32, #tpu.memory_space<vmem_shared>>
        %dma_wait3A_56 = arith.constant 0 : i32
        %dma_wait3A_57 = arith.constant 0 : i32
        %dma_wait3A_58 = tpu.memref_slice %arg6[%dma_wait3A_56, %dma_wait3A_57] : memref<128x128xf32, #tpu.memory_space<vmem>> -> memref<16x128xf32, #tpu.memory_space<vmem>>
        %dma_wait3A_59 = arith.constant 9984 : i32
        %dma_wait3A_60 = arith.constant 0 : i32
        %dma_wait3A_61 = tpu.memref_slice %arg7[%dma_wait3A_59, %dma_wait3A_60] : memref<10000x128xf32, #tpu.memory_space<vmem_shared>> -> memref<16x128xf32, #tpu.memory_space<vmem_shared>>
        tpu.wait_dma2 semaphore(%run_scoped3A : memref<!tpu.dma_semaphore, #tpu.memory_space<semaphore_mem>>) src(%dma_wait3A_61 : memref<16x128xf32, #tpu.memory_space<vmem_shared>>) dst(%dma_wait3A_58 : memref<16x128xf32, #tpu.memory_space<vmem>>)
        tpu.yield
      }) : () -> ()
      "tpu.region"() ({
        %run_scoped3A = tpu.sem_alloc : memref<!tpu.dma_semaphore, #tpu.memory_space<semaphore_mem>>
        %dma_start3A = arith.constant 0 : i32
        %dma_start3A_40 = arith.constant 0 : i32
        %dma_start3A_41 = tpu.memref_slice %arg6[%dma_start3A, %dma_start3A_40] : memref<128x128xf32, #tpu.memory_space<vmem>> -> memref<16x128xf32, #tpu.memory_space<vmem>>
        %dma_start3A_42 = arith.constant 9984 : i32
        %dma_start3A_43 = arith.constant 0 : i32
        %dma_start3A_44 = tpu.memref_slice %arg4[%arg0, %dma_start3A_42, %dma_start3A_43] : memref<2x10000x128xf32, #tpu.memory_space<hbm>> -> memref<1x16x128xf32, #tpu.memory_space<hbm>>
        %dma_start3A_45 = tpu.memref_squeeze %dma_start3A_44 : memref<1x16x128xf32, #tpu.memory_space<hbm>> -> memref<16x128xf32, #tpu.memory_space<hbm>>
        %dma_start3A_46 = arith.constant 9984 : i32
        %dma_start3A_47 = arith.constant 0 : i32
        %dma_start3A_48 = tpu.memref_slice %arg4[%arg0, %dma_start3A_46, %dma_start3A_47] : memref<2x10000x128xf32, #tpu.memory_space<hbm>> -> memref<1x16x128xf32, #tpu.memory_space<hbm>>
        %dma_start3A_49 = tpu.memref_squeeze %dma_start3A_48 : memref<1x16x128xf32, #tpu.memory_space<hbm>> -> memref<16x128xf32, #tpu.memory_space<hbm>>
        %dma_start3A_50 = arith.constant 0 : i32
        %dma_start3A_51 = arith.constant 0 : i32
        %dma_start3A_52 = tpu.memref_slice %arg6[%dma_start3A_50, %dma_start3A_51] : memref<128x128xf32, #tpu.memory_space<vmem>> -> memref<16x128xf32, #tpu.memory_space<vmem>>
        tpu.enqueue_dma source(%dma_start3A_52 : memref<16x128xf32, #tpu.memory_space<vmem>>) target(%dma_start3A_49 : memref<16x128xf32, #tpu.memory_space<hbm>>) target_semaphore(%run_scoped3A : memref<!tpu.dma_semaphore, #tpu.memory_space<semaphore_mem>>)
        %dma_wait3A = arith.constant 0 : i32
        %dma_wait3A_53 = arith.constant 0 : i32
        %dma_wait3A_54 = tpu.memref_slice %arg6[%dma_wait3A, %dma_wait3A_53] : memref<128x128xf32, #tpu.memory_space<vmem>> -> memref<16x128xf32, #tpu.memory_space<vmem>>
        %dma_wait3A_55 = arith.constant 9984 : i32
        %dma_wait3A_56 = arith.constant 0 : i32
        %dma_wait3A_57 = tpu.memref_slice %arg4[%arg0, %dma_wait3A_55, %dma_wait3A_56] : memref<2x10000x128xf32, #tpu.memory_space<hbm>> -> memref<1x16x128xf32, #tpu.memory_space<hbm>>
        %dma_wait3A_58 = tpu.memref_squeeze %dma_wait3A_57 : memref<1x16x128xf32, #tpu.memory_space<hbm>> -> memref<16x128xf32, #tpu.memory_space<hbm>>
        %dma_wait3A_59 = arith.constant 9984 : i32
        %dma_wait3A_60 = arith.constant 0 : i32
        %dma_wait3A_61 = tpu.memref_slice %arg4[%arg0, %dma_wait3A_59, %dma_wait3A_60] : memref<2x10000x128xf32, #tpu.memory_space<hbm>> -> memref<1x16x128xf32, #tpu.memory_space<hbm>>
        %dma_wait3A_62 = tpu.memref_squeeze %dma_wait3A_61 : memref<1x16x128xf32, #tpu.memory_space<hbm>> -> memref<16x128xf32, #tpu.memory_space<hbm>>
        %dma_wait3A_63 = arith.constant 0 : i32
        %dma_wait3A_64 = arith.constant 0 : i32
        %dma_wait3A_65 = tpu.memref_slice %arg6[%dma_wait3A_63, %dma_wait3A_64] : memref<128x128xf32, #tpu.memory_space<vmem>> -> memref<16x128xf32, #tpu.memory_space<vmem>>
        tpu.wait_dma2 semaphore(%run_scoped3A : memref<!tpu.dma_semaphore, #tpu.memory_space<semaphore_mem>>) src(%dma_wait3A_65 : memref<16x128xf32, #tpu.memory_space<vmem>>) dst(%dma_wait3A_62 : memref<16x128xf32, #tpu.memory_space<hbm>>)
        tpu.yield
      }) : () -> ()
    } else {
    }
    return
  }
}

module attributes {stable_mosaic.version = 14 : i64} {
  func.func @_qkv_body(%arg0: i32, %arg1: memref<2000x256xf32, #tpu.memory_space<vmem>>, %arg2: memref<256x768xf32, #tpu.memory_space<vmem>>, %arg3: memref<1x768xf32, #tpu.memory_space<vmem>>, %arg4: memref<2000x256xf32, #tpu.memory_space<vmem>>, %arg5: memref<2000x256xf32, #tpu.memory_space<vmem>>, %arg6: memref<2000x256xf32, #tpu.memory_space<vmem>>) attributes {dimension_semantics = [#tpu.dimension_semantics<arbitrary>], iteration_bounds = array<i64: 5>, scalar_prefetch = 0 : i64, scratch_operands = 0 : i64, tpu.core_type = #tpu.core_type<tc>, window_params = [{transform_indices = @transform_0, window_bounds = array<i64: 2000, 256>}, {pipeline_mode = #tpu.pipeline_mode<synchronous>, transform_indices = @transform_1, window_bounds = array<i64: 256, 768>}, {pipeline_mode = #tpu.pipeline_mode<synchronous>, transform_indices = @transform_2, window_bounds = array<i64: 1, 768>}, {transform_indices = @transform_3, window_bounds = array<i64: 2000, 256>}, {transform_indices = @transform_4, window_bounds = array<i64: 2000, 256>}, {transform_indices = @transform_5, window_bounds = array<i64: 2000, 256>}]} {
    %get3A = arith.constant 0 : index
    %get3A_0 = arith.constant 0 : index
    %get3A_1 = vector.load %arg1[%get3A, %get3A_0] : memref<2000x256xf32, #tpu.memory_space<vmem>>, vector<2000x256xf32>
    %get3A_2 = arith.constant 0 : index
    %get3A_3 = arith.constant 0 : index
    %get3A_4 = vector.load %arg2[%get3A_2, %get3A_3] : memref<256x768xf32, #tpu.memory_space<vmem>>, vector<256x768xf32>
    %dot_general3A = arith.constant dense<0.000000e+00> : vector<2000x768xf32>
    %dot_general3A_5 = tpu.matmul %get3A_1, %get3A_4, %dot_general3A {dimension_numbers = #tpu.dot_dimension_numbers<[1], [0], [0], [1], [0, 0, 1, 1], [], []>, transpose_lhs_hint = false} : vector<2000x256xf32>, vector<256x768xf32>, vector<2000x768xf32> -> vector<2000x768xf32>
    %get3A_6 = arith.constant 0 : index
    %get3A_7 = arith.constant 0 : index
    %get3A_8 = vector.load %arg3[%get3A_6, %get3A_7] : memref<1x768xf32, #tpu.memory_space<vmem>>, vector<1x768xf32>
    %add3A = vector.broadcast %get3A_8 : vector<1x768xf32> to vector<2000x768xf32>
    %add3A_9 = arith.addf %dot_general3A_5, %add3A : vector<2000x768xf32>
    %slice3A = vector.extract_strided_slice %add3A_9 {offsets = [0, 0], sizes = [2000, 256], strides = [1, 1]} : vector<2000x768xf32> to vector<2000x256xf32>
    %swap3A = arith.constant 0 : index
    %swap3A_10 = arith.constant 0 : index
    %swap3A_11 = vector.load %arg4[%swap3A, %swap3A_10] : memref<2000x256xf32, #tpu.memory_space<vmem>>, vector<2000x256xf32>
    tpu.vector_store %arg4[%swap3A, %swap3A_10], %slice3A {strides = array<i32>} : memref<2000x256xf32, #tpu.memory_space<vmem>>, vector<2000x256xf32>,
    %slice3A_12 = vector.extract_strided_slice %add3A_9 {offsets = [0, 256], sizes = [2000, 256], strides = [1, 1]} : vector<2000x768xf32> to vector<2000x256xf32>
    %swap3A_13 = arith.constant 0 : index
    %swap3A_14 = arith.constant 0 : index
    %swap3A_15 = vector.load %arg5[%swap3A_13, %swap3A_14] : memref<2000x256xf32, #tpu.memory_space<vmem>>, vector<2000x256xf32>
    tpu.vector_store %arg5[%swap3A_13, %swap3A_14], %slice3A_12 {strides = array<i32>} : memref<2000x256xf32, #tpu.memory_space<vmem>>, vector<2000x256xf32>,
    %slice3A_16 = vector.extract_strided_slice %add3A_9 {offsets = [0, 512], sizes = [2000, 256], strides = [1, 1]} : vector<2000x768xf32> to vector<2000x256xf32>
    %swap3A_17 = arith.constant 0 : index
    %swap3A_18 = arith.constant 0 : index
    %swap3A_19 = vector.load %arg6[%swap3A_17, %swap3A_18] : memref<2000x256xf32, #tpu.memory_space<vmem>>, vector<2000x256xf32>
    tpu.vector_store %arg6[%swap3A_17, %swap3A_18], %slice3A_16 {strides = array<i32>} : memref<2000x256xf32, #tpu.memory_space<vmem>>, vector<2000x256xf32>,
    return
  }
  func.func @transform_0(%arg0: i32) -> (i32, i32) {
    %c0_i32 = arith.constant 0 : i32
    %c0_i32_0 = arith.constant 0 : i32
    return %arg0, %c0_i32 : i32, i32
  }
  func.func @transform_1(%arg0: i32) -> (i32, i32) {
    %c0_i32 = arith.constant 0 : i32
    %c0_i32_0 = arith.constant 0 : i32
    %c0_i32_1 = arith.constant 0 : i32
    return %c0_i32, %c0_i32_0 : i32, i32
  }
  func.func @transform_2(%arg0: i32) -> (i32, i32) {
    %c0_i32 = arith.constant 0 : i32
    %c0_i32_0 = arith.constant 0 : i32
    %c0_i32_1 = arith.constant 0 : i32
    return %c0_i32, %c0_i32_0 : i32, i32
  }
  func.func @transform_3(%arg0: i32) -> (i32, i32) {
    %c0_i32 = arith.constant 0 : i32
    %c0_i32_0 = arith.constant 0 : i32
    return %arg0, %c0_i32 : i32, i32
  }
  func.func @transform_4(%arg0: i32) -> (i32, i32) {
    %c0_i32 = arith.constant 0 : i32
    %c0_i32_0 = arith.constant 0 : i32
    return %arg0, %c0_i32 : i32, i32
  }
  func.func @transform_5(%arg0: i32) -> (i32, i32) {
    %c0_i32 = arith.constant 0 : i32
    %c0_i32_0 = arith.constant 0 : i32
    return %arg0, %c0_i32 : i32, i32
  }
}

module attributes {stable_mosaic.version = 14 : i64} {
  func.func @_edge_body(%arg0: i32, %arg1: memref<640x256xf32, #tpu.memory_space<vmem>>, %arg2: memref<640x256xf32, #tpu.memory_space<vmem>>, %arg3: memref<640x256xf32, #tpu.memory_space<vmem>>, %arg4: memref<640x256xf32, #tpu.memory_space<vmem>>, %arg5: memref<256x768xf32, #tpu.memory_space<vmem>>, %arg6: memref<1x768xf32, #tpu.memory_space<vmem>>, %arg7: memref<256x16xf32, #tpu.memory_space<vmem>>, %arg8: memref<1x16xf32, #tpu.memory_space<vmem>>, %arg9: memref<16x256xf32, #tpu.memory_space<vmem>>, %arg10: memref<2x640x128xf32, #tpu.memory_space<vmem>>, %arg11: memref<640x128xf32, #tpu.memory_space<vmem>>) attributes {dimension_semantics = [#tpu.dimension_semantics<arbitrary>], iteration_bounds = array<i64: 125>, scalar_prefetch = 0 : i64, scratch_operands = 0 : i64, tpu.core_type = #tpu.core_type<tc>, window_params = [{transform_indices = @transform_0, window_bounds = array<i64: 640, 256>}, {transform_indices = @transform_1, window_bounds = array<i64: 640, 256>}, {transform_indices = @transform_2, window_bounds = array<i64: 640, 256>}, {transform_indices = @transform_3, window_bounds = array<i64: 640, 256>}, {pipeline_mode = #tpu.pipeline_mode<synchronous>, transform_indices = @transform_4, window_bounds = array<i64: 256, 768>}, {pipeline_mode = #tpu.pipeline_mode<synchronous>, transform_indices = @transform_5, window_bounds = array<i64: 1, 768>}, {pipeline_mode = #tpu.pipeline_mode<synchronous>, transform_indices = @transform_6, window_bounds = array<i64: 256, 16>}, {pipeline_mode = #tpu.pipeline_mode<synchronous>, transform_indices = @transform_7, window_bounds = array<i64: 1, 16>}, {pipeline_mode = #tpu.pipeline_mode<synchronous>, transform_indices = @transform_8, window_bounds = array<i64: 16, 256>}, {transform_indices = @transform_9, window_bounds = array<i64: 2, 640, 128>}, {transform_indices = @transform_10, window_bounds = array<i64: 640, 128>}]} {
    %get3A = arith.constant 0 : index
    %get3A_0 = arith.constant 0 : index
    %get3A_1 = vector.load %arg1[%get3A, %get3A_0] : memref<640x256xf32, #tpu.memory_space<vmem>>, vector<640x256xf32>
    %get3A_2 = arith.constant 0 : index
    %get3A_3 = arith.constant 0 : index
    %get3A_4 = vector.load %arg5[%get3A_2, %get3A_3] : memref<256x768xf32, #tpu.memory_space<vmem>>, vector<256x768xf32>
    %dot_general3A = arith.constant dense<0.000000e+00> : vector<640x768xf32>
    %dot_general3A_5 = tpu.matmul %get3A_1, %get3A_4, %dot_general3A {dimension_numbers = #tpu.dot_dimension_numbers<[1], [0], [0], [1], [0, 0, 1, 1], [], []>, transpose_lhs_hint = false} : vector<640x256xf32>, vector<256x768xf32>, vector<640x768xf32> -> vector<640x768xf32>
    %get3A_6 = arith.constant 0 : index
    %get3A_7 = arith.constant 0 : index
    %get3A_8 = vector.load %arg6[%get3A_6, %get3A_7] : memref<1x768xf32, #tpu.memory_space<vmem>>, vector<1x768xf32>
    %add3A = vector.broadcast %get3A_8 : vector<1x768xf32> to vector<640x768xf32>
    %add3A_9 = arith.addf %dot_general3A_5, %add3A : vector<640x768xf32>
    %slice3A = vector.extract_strided_slice %add3A_9 {offsets = [0, 0], sizes = [640, 256], strides = [1, 1]} : vector<640x768xf32> to vector<640x256xf32>
    %slice3A_10 = vector.extract_strided_slice %add3A_9 {offsets = [0, 256], sizes = [640, 256], strides = [1, 1]} : vector<640x768xf32> to vector<640x256xf32>
    %slice3A_11 = vector.extract_strided_slice %add3A_9 {offsets = [0, 512], sizes = [640, 256], strides = [1, 1]} : vector<640x768xf32> to vector<640x256xf32>
    %get3A_12 = arith.constant 0 : index
    %get3A_13 = arith.constant 0 : index
    %get3A_14 = vector.load %arg2[%get3A_12, %get3A_13] : memref<640x256xf32, #tpu.memory_space<vmem>>, vector<640x256xf32>
    %get3A_15 = arith.constant 0 : index
    %get3A_16 = arith.constant 0 : index
    %get3A_17 = vector.load %arg3[%get3A_15, %get3A_16] : memref<640x256xf32, #tpu.memory_space<vmem>>, vector<640x256xf32>
    %add3A_18 = arith.addf %get3A_14, %get3A_17 : vector<640x256xf32>
    %mul3A = arith.mulf %add3A_18, %slice3A : vector<640x256xf32>
    %sign3A = tpu.bitcast %mul3A : vector<640x256xf32> -> vector<640x256xi32>
    %sign3A_19 = arith.constant -2147483648 : i32
    %sign3A_20 = vector.broadcast %sign3A_19 : i32 to vector<640x256xi32>
    %sign3A_21 = arith.andi %sign3A, %sign3A_20 : vector<640x256xi32>
    %sign3A_22 = arith.constant 1065353216 : i32
    %sign3A_23 = vector.broadcast %sign3A_22 : i32 to vector<640x256xi32>
    %sign3A_24 = arith.ori %sign3A_23, %sign3A_21 : vector<640x256xi32>
    %sign3A_25 = tpu.bitcast %sign3A_24 : vector<640x256xi32> -> vector<640x256xf32>
    %sign3A_26 = math.absf %mul3A : vector<640x256xf32>
    %sign3A_27 = arith.constant 0.000000e+00 : f32
    %sign3A_28 = vector.broadcast %sign3A_27 : f32 to vector<640x256xf32>
    %sign3A_29 = arith.cmpf ogt, %sign3A_26, %sign3A_28 : vector<640x256xf32>
    %sign3A_30 = arith.select %sign3A_29, %sign3A_25, %mul3A : vector<640x256xi1>, vector<640x256xf32>
    %abs3A = math.absf %mul3A : vector<640x256xf32>
    %add3A_31 = arith.constant 9.99999993E-9 : f32
    %add3A_32 = vector.broadcast %add3A_31 : f32 to vector<640x256xf32>
    %add3A_33 = arith.addf %abs3A, %add3A_32 : vector<640x256xf32>
    %sqrt3A = math.sqrt %add3A_33 : vector<640x256xf32>
    %mul3A_34 = arith.mulf %sign3A_30, %sqrt3A : vector<640x256xf32>
    %add3A_35 = arith.addf %mul3A_34, %slice3A_10 : vector<640x256xf32>
    %max3A = arith.constant 0.000000e+00 : f32
    %max3A_36 = vector.broadcast %max3A : f32 to vector<640x256xf32>
    %max3A_37 = arith.maximumf %add3A_35, %max3A_36 : vector<640x256xf32>
    %get3A_38 = arith.constant 0 : index
    %get3A_39 = arith.constant 0 : index
    %get3A_40 = vector.load %arg7[%get3A_38, %get3A_39] : memref<256x16xf32, #tpu.memory_space<vmem>>, vector<256x16xf32>
    %dot_general3A_41 = arith.constant dense<0.000000e+00> : vector<640x16xf32>
    %dot_general3A_42 = tpu.matmul %max3A_37, %get3A_40, %dot_general3A_41 {dimension_numbers = #tpu.dot_dimension_numbers<[1], [0], [0], [1], [0, 0, 1, 1], [], []>, transpose_lhs_hint = false} : vector<640x256xf32>, vector<256x16xf32>, vector<640x16xf32> -> vector<640x16xf32>
    %get3A_43 = arith.constant 0 : index
    %get3A_44 = arith.constant 0 : index
    %get3A_45 = vector.load %arg8[%get3A_43, %get3A_44] : memref<1x16xf32, #tpu.memory_space<vmem>>, vector<1x16xf32>
    %add3A_46 = vector.broadcast %get3A_45 : vector<1x16xf32> to vector<640x16xf32>
    %add3A_47 = arith.addf %dot_general3A_42, %add3A_46 : vector<640x16xf32>
    %exp3A = math.exp %add3A_47 : vector<640x16xf32>
    %get3A_48 = arith.constant 0 : index
    %get3A_49 = arith.constant 0 : index
    %get3A_50 = vector.load %arg9[%get3A_48, %get3A_49] : memref<16x256xf32, #tpu.memory_space<vmem>>, vector<16x256xf32>
    %dot_general3A_51 = arith.constant dense<0.000000e+00> : vector<640x256xf32>
    %dot_general3A_52 = tpu.matmul %exp3A, %get3A_50, %dot_general3A_51 {dimension_numbers = #tpu.dot_dimension_numbers<[1], [0], [0], [1], [0, 0, 1, 1], [], []>, transpose_lhs_hint = false} : vector<640x16xf32>, vector<16x256xf32>, vector<640x256xf32> -> vector<640x256xf32>
    %get3A_53 = arith.constant 0 : index
    %get3A_54 = arith.constant 0 : index
    %get3A_55 = vector.load %arg4[%get3A_53, %get3A_54] : memref<640x256xf32, #tpu.memory_space<vmem>>, vector<640x256xf32>
    %add3A_56 = arith.addf %get3A_55, %slice3A_11 : vector<640x256xf32>
    %mul3A_57 = arith.mulf %add3A_56, %dot_general3A_52 : vector<640x256xf32>
    %slice3A_58 = vector.extract_strided_slice %mul3A_57 {offsets = [0, 0], sizes = [640, 128], strides = [1, 1]} : vector<640x256xf32> to vector<640x128xf32>
    %swap3A = arith.constant 0 : index
    %swap3A_59 = arith.constant 0 : index
    %swap3A_60 = arith.constant 0 : index
    %swap3A_61 = vector.load %arg10[%swap3A, %swap3A_59, %swap3A_60] : memref<2x640x128xf32, #tpu.memory_space<vmem>>, vector<1x640x128xf32>
    %swap3A_62 = vector.shape_cast %swap3A_61 : vector<1x640x128xf32> to vector<640x128xf32>
    %swap3A_63 = vector.shape_cast %slice3A_58 : vector<640x128xf32> to vector<1x640x128xf32>
    tpu.vector_store %arg10[%swap3A, %swap3A_59, %swap3A_60], %swap3A_63 {strides = array<i32>} : memref<2x640x128xf32, #tpu.memory_space<vmem>>, vector<1x640x128xf32>,
    %slice3A_64 = vector.extract_strided_slice %mul3A_57 {offsets = [0, 128], sizes = [640, 128], strides = [1, 1]} : vector<640x256xf32> to vector<640x128xf32>
    %swap3A_65 = arith.constant 1 : index
    %swap3A_66 = arith.constant 0 : index
    %swap3A_67 = arith.constant 0 : index
    %swap3A_68 = vector.load %arg10[%swap3A_65, %swap3A_66, %swap3A_67] : memref<2x640x128xf32, #tpu.memory_space<vmem>>, vector<1x640x128xf32>
    %swap3A_69 = vector.shape_cast %swap3A_68 : vector<1x640x128xf32> to vector<640x128xf32>
    %swap3A_70 = vector.shape_cast %slice3A_64 : vector<640x128xf32> to vector<1x640x128xf32>
    tpu.vector_store %arg10[%swap3A_65, %swap3A_66, %swap3A_67], %swap3A_70 {strides = array<i32>} : memref<2x640x128xf32, #tpu.memory_space<vmem>>, vector<1x640x128xf32>,
    %broadcast_in_dim3A = arith.constant 0.000000e+00 : f32
    %broadcast_in_dim3A_71 = vector.broadcast %broadcast_in_dim3A : f32 to vector<640x112xf32>
    %concatenate3A = tpu.concatenate %exp3A, %broadcast_in_dim3A_71 in 1 : vector<640x16xf32>, vector<640x112xf32> -> vector<640x128xf32>
    %swap3A_72 = arith.constant 0 : index
    %swap3A_73 = arith.constant 0 : index
    %swap3A_74 = vector.load %arg11[%swap3A_72, %swap3A_73] : memref<640x128xf32, #tpu.memory_space<vmem>>, vector<640x128xf32>
    tpu.vector_store %arg11[%swap3A_72, %swap3A_73], %concatenate3A {strides = array<i32>} : memref<640x128xf32, #tpu.memory_space<vmem>>, vector<640x128xf32>,
    return
  }
  func.func @transform_0(%arg0: i32) -> (i32, i32) {
    %add3A = arith.constant 125 : i32
    %add3A_0 = arith.addi %arg0, %add3A : i32
    %c0_i32 = arith.constant 0 : i32
    %c0_i32_1 = arith.constant 0 : i32
    return %add3A_0, %c0_i32 : i32, i32
  }
  func.func @transform_1(%arg0: i32) -> (i32, i32) {
    %c0_i32 = arith.constant 0 : i32
    %c0_i32_0 = arith.constant 0 : i32
    return %arg0, %c0_i32 : i32, i32
  }
  func.func @transform_2(%arg0: i32) -> (i32, i32) {
    %c0_i32 = arith.constant 0 : i32
    %c0_i32_0 = arith.constant 0 : i32
    return %arg0, %c0_i32 : i32, i32
  }
  func.func @transform_3(%arg0: i32) -> (i32, i32) {
    %c0_i32 = arith.constant 0 : i32
    %c0_i32_0 = arith.constant 0 : i32
    return %arg0, %c0_i32 : i32, i32
  }
  func.func @transform_4(%arg0: i32) -> (i32, i32) {
    %c0_i32 = arith.constant 0 : i32
    %c0_i32_0 = arith.constant 0 : i32
    %c0_i32_1 = arith.constant 0 : i32
    return %c0_i32, %c0_i32_0 : i32, i32
  }
  func.func @transform_5(%arg0: i32) -> (i32, i32) {
    %c0_i32 = arith.constant 0 : i32
    %c0_i32_0 = arith.constant 0 : i32
    %c0_i32_1 = arith.constant 0 : i32
    return %c0_i32, %c0_i32_0 : i32, i32
  }
  func.func @transform_6(%arg0: i32) -> (i32, i32) {
    %c0_i32 = arith.constant 0 : i32
    %c0_i32_0 = arith.constant 0 : i32
    %c0_i32_1 = arith.constant 0 : i32
    return %c0_i32, %c0_i32_0 : i32, i32
  }
  func.func @transform_7(%arg0: i32) -> (i32, i32) {
    %c0_i32 = arith.constant 0 : i32
    %c0_i32_0 = arith.constant 0 : i32
    %c0_i32_1 = arith.constant 0 : i32
    return %c0_i32, %c0_i32_0 : i32, i32
  }
  func.func @transform_8(%arg0: i32) -> (i32, i32) {
    %c0_i32 = arith.constant 0 : i32
    %c0_i32_0 = arith.constant 0 : i32
    %c0_i32_1 = arith.constant 0 : i32
    return %c0_i32, %c0_i32_0 : i32, i32
  }
  func.func @transform_9(%arg0: i32) -> (i32, i32, i32) {
    %c0_i32 = arith.constant 0 : i32
    %c0_i32_0 = arith.constant 0 : i32
    %c0_i32_1 = arith.constant 0 : i32
    return %c0_i32, %arg0, %c0_i32_0 : i32, i32, i32
  }
  func.func @transform_10(%arg0: i32) -> (i32, i32) {
    %c0_i32 = arith.constant 0 : i32
    %c0_i32_0 = arith.constant 0 : i32
    return %arg0, %c0_i32 : i32, i32
  }
}

module attributes {stable_mosaic.version = 14 : i64} {
  func.func @_edge_body(%arg0: i32, %arg1: memref<640x256xf32, #tpu.memory_space<vmem>>, %arg2: memref<640x256xf32, #tpu.memory_space<vmem>>, %arg3: memref<640x256xf32, #tpu.memory_space<vmem>>, %arg4: memref<640x256xf32, #tpu.memory_space<vmem>>, %arg5: memref<256x768xf32, #tpu.memory_space<vmem>>, %arg6: memref<1x768xf32, #tpu.memory_space<vmem>>, %arg7: memref<256x16xf32, #tpu.memory_space<vmem>>, %arg8: memref<1x16xf32, #tpu.memory_space<vmem>>, %arg9: memref<16x256xf32, #tpu.memory_space<vmem>>, %arg10: memref<2x640x128xf32, #tpu.memory_space<vmem>>, %arg11: memref<640x128xf32, #tpu.memory_space<vmem>>) attributes {dimension_semantics = [#tpu.dimension_semantics<arbitrary>], iteration_bounds = array<i64: 125>, scalar_prefetch = 0 : i64, scratch_operands = 0 : i64, tpu.core_type = #tpu.core_type<tc>, window_params = [{transform_indices = @transform_0, window_bounds = array<i64: 640, 256>}, {transform_indices = @transform_1, window_bounds = array<i64: 640, 256>}, {transform_indices = @transform_2, window_bounds = array<i64: 640, 256>}, {transform_indices = @transform_3, window_bounds = array<i64: 640, 256>}, {pipeline_mode = #tpu.pipeline_mode<synchronous>, transform_indices = @transform_4, window_bounds = array<i64: 256, 768>}, {pipeline_mode = #tpu.pipeline_mode<synchronous>, transform_indices = @transform_5, window_bounds = array<i64: 1, 768>}, {pipeline_mode = #tpu.pipeline_mode<synchronous>, transform_indices = @transform_6, window_bounds = array<i64: 256, 16>}, {pipeline_mode = #tpu.pipeline_mode<synchronous>, transform_indices = @transform_7, window_bounds = array<i64: 1, 16>}, {pipeline_mode = #tpu.pipeline_mode<synchronous>, transform_indices = @transform_8, window_bounds = array<i64: 16, 256>}, {transform_indices = @transform_9, window_bounds = array<i64: 2, 640, 128>}, {transform_indices = @transform_10, window_bounds = array<i64: 640, 128>}]} {
    %get3A = arith.constant 0 : index
    %get3A_0 = arith.constant 0 : index
    %get3A_1 = vector.load %arg1[%get3A, %get3A_0] : memref<640x256xf32, #tpu.memory_space<vmem>>, vector<640x256xf32>
    %get3A_2 = arith.constant 0 : index
    %get3A_3 = arith.constant 0 : index
    %get3A_4 = vector.load %arg5[%get3A_2, %get3A_3] : memref<256x768xf32, #tpu.memory_space<vmem>>, vector<256x768xf32>
    %dot_general3A = arith.constant dense<0.000000e+00> : vector<640x768xf32>
    %dot_general3A_5 = tpu.matmul %get3A_1, %get3A_4, %dot_general3A {dimension_numbers = #tpu.dot_dimension_numbers<[1], [0], [0], [1], [0, 0, 1, 1], [], []>, transpose_lhs_hint = false} : vector<640x256xf32>, vector<256x768xf32>, vector<640x768xf32> -> vector<640x768xf32>
    %get3A_6 = arith.constant 0 : index
    %get3A_7 = arith.constant 0 : index
    %get3A_8 = vector.load %arg6[%get3A_6, %get3A_7] : memref<1x768xf32, #tpu.memory_space<vmem>>, vector<1x768xf32>
    %add3A = vector.broadcast %get3A_8 : vector<1x768xf32> to vector<640x768xf32>
    %add3A_9 = arith.addf %dot_general3A_5, %add3A : vector<640x768xf32>
    %slice3A = vector.extract_strided_slice %add3A_9 {offsets = [0, 0], sizes = [640, 256], strides = [1, 1]} : vector<640x768xf32> to vector<640x256xf32>
    %slice3A_10 = vector.extract_strided_slice %add3A_9 {offsets = [0, 256], sizes = [640, 256], strides = [1, 1]} : vector<640x768xf32> to vector<640x256xf32>
    %slice3A_11 = vector.extract_strided_slice %add3A_9 {offsets = [0, 512], sizes = [640, 256], strides = [1, 1]} : vector<640x768xf32> to vector<640x256xf32>
    %get3A_12 = arith.constant 0 : index
    %get3A_13 = arith.constant 0 : index
    %get3A_14 = vector.load %arg2[%get3A_12, %get3A_13] : memref<640x256xf32, #tpu.memory_space<vmem>>, vector<640x256xf32>
    %get3A_15 = arith.constant 0 : index
    %get3A_16 = arith.constant 0 : index
    %get3A_17 = vector.load %arg3[%get3A_15, %get3A_16] : memref<640x256xf32, #tpu.memory_space<vmem>>, vector<640x256xf32>
    %add3A_18 = arith.addf %get3A_14, %get3A_17 : vector<640x256xf32>
    %mul3A = arith.mulf %add3A_18, %slice3A : vector<640x256xf32>
    %sign3A = tpu.bitcast %mul3A : vector<640x256xf32> -> vector<640x256xi32>
    %sign3A_19 = arith.constant -2147483648 : i32
    %sign3A_20 = vector.broadcast %sign3A_19 : i32 to vector<640x256xi32>
    %sign3A_21 = arith.andi %sign3A, %sign3A_20 : vector<640x256xi32>
    %sign3A_22 = arith.constant 1065353216 : i32
    %sign3A_23 = vector.broadcast %sign3A_22 : i32 to vector<640x256xi32>
    %sign3A_24 = arith.ori %sign3A_23, %sign3A_21 : vector<640x256xi32>
    %sign3A_25 = tpu.bitcast %sign3A_24 : vector<640x256xi32> -> vector<640x256xf32>
    %sign3A_26 = math.absf %mul3A : vector<640x256xf32>
    %sign3A_27 = arith.constant 0.000000e+00 : f32
    %sign3A_28 = vector.broadcast %sign3A_27 : f32 to vector<640x256xf32>
    %sign3A_29 = arith.cmpf ogt, %sign3A_26, %sign3A_28 : vector<640x256xf32>
    %sign3A_30 = arith.select %sign3A_29, %sign3A_25, %mul3A : vector<640x256xi1>, vector<640x256xf32>
    %abs3A = math.absf %mul3A : vector<640x256xf32>
    %add3A_31 = arith.constant 9.99999993E-9 : f32
    %add3A_32 = vector.broadcast %add3A_31 : f32 to vector<640x256xf32>
    %add3A_33 = arith.addf %abs3A, %add3A_32 : vector<640x256xf32>
    %sqrt3A = math.sqrt %add3A_33 : vector<640x256xf32>
    %mul3A_34 = arith.mulf %sign3A_30, %sqrt3A : vector<640x256xf32>
    %add3A_35 = arith.addf %mul3A_34, %slice3A_10 : vector<640x256xf32>
    %max3A = arith.constant 0.000000e+00 : f32
    %max3A_36 = vector.broadcast %max3A : f32 to vector<640x256xf32>
    %max3A_37 = arith.maximumf %add3A_35, %max3A_36 : vector<640x256xf32>
    %get3A_38 = arith.constant 0 : index
    %get3A_39 = arith.constant 0 : index
    %get3A_40 = vector.load %arg7[%get3A_38, %get3A_39] : memref<256x16xf32, #tpu.memory_space<vmem>>, vector<256x16xf32>
    %dot_general3A_41 = arith.constant dense<0.000000e+00> : vector<640x16xf32>
    %dot_general3A_42 = tpu.matmul %max3A_37, %get3A_40, %dot_general3A_41 {dimension_numbers = #tpu.dot_dimension_numbers<[1], [0], [0], [1], [0, 0, 1, 1], [], []>, transpose_lhs_hint = false} : vector<640x256xf32>, vector<256x16xf32>, vector<640x16xf32> -> vector<640x16xf32>
    %get3A_43 = arith.constant 0 : index
    %get3A_44 = arith.constant 0 : index
    %get3A_45 = vector.load %arg8[%get3A_43, %get3A_44] : memref<1x16xf32, #tpu.memory_space<vmem>>, vector<1x16xf32>
    %add3A_46 = vector.broadcast %get3A_45 : vector<1x16xf32> to vector<640x16xf32>
    %add3A_47 = arith.addf %dot_general3A_42, %add3A_46 : vector<640x16xf32>
    %exp3A = math.exp %add3A_47 : vector<640x16xf32>
    %get3A_48 = arith.constant 0 : index
    %get3A_49 = arith.constant 0 : index
    %get3A_50 = vector.load %arg9[%get3A_48, %get3A_49] : memref<16x256xf32, #tpu.memory_space<vmem>>, vector<16x256xf32>
    %dot_general3A_51 = arith.constant dense<0.000000e+00> : vector<640x256xf32>
    %dot_general3A_52 = tpu.matmul %exp3A, %get3A_50, %dot_general3A_51 {dimension_numbers = #tpu.dot_dimension_numbers<[1], [0], [0], [1], [0, 0, 1, 1], [], []>, transpose_lhs_hint = false} : vector<640x16xf32>, vector<16x256xf32>, vector<640x256xf32> -> vector<640x256xf32>
    %get3A_53 = arith.constant 0 : index
    %get3A_54 = arith.constant 0 : index
    %get3A_55 = vector.load %arg4[%get3A_53, %get3A_54] : memref<640x256xf32, #tpu.memory_space<vmem>>, vector<640x256xf32>
    %add3A_56 = arith.addf %get3A_55, %slice3A_11 : vector<640x256xf32>
    %mul3A_57 = arith.mulf %add3A_56, %dot_general3A_52 : vector<640x256xf32>
    %slice3A_58 = vector.extract_strided_slice %mul3A_57 {offsets = [0, 0], sizes = [640, 128], strides = [1, 1]} : vector<640x256xf32> to vector<640x128xf32>
    %swap3A = arith.constant 0 : index
    %swap3A_59 = arith.constant 0 : index
    %swap3A_60 = arith.constant 0 : index
    %swap3A_61 = vector.load %arg10[%swap3A, %swap3A_59, %swap3A_60] : memref<2x640x128xf32, #tpu.memory_space<vmem>>, vector<1x640x128xf32>
    %swap3A_62 = vector.shape_cast %swap3A_61 : vector<1x640x128xf32> to vector<640x128xf32>
    %swap3A_63 = vector.shape_cast %slice3A_58 : vector<640x128xf32> to vector<1x640x128xf32>
    tpu.vector_store %arg10[%swap3A, %swap3A_59, %swap3A_60], %swap3A_63 {strides = array<i32>} : memref<2x640x128xf32, #tpu.memory_space<vmem>>, vector<1x640x128xf32>,
    %slice3A_64 = vector.extract_strided_slice %mul3A_57 {offsets = [0, 128], sizes = [640, 128], strides = [1, 1]} : vector<640x256xf32> to vector<640x128xf32>
    %swap3A_65 = arith.constant 1 : index
    %swap3A_66 = arith.constant 0 : index
    %swap3A_67 = arith.constant 0 : index
    %swap3A_68 = vector.load %arg10[%swap3A_65, %swap3A_66, %swap3A_67] : memref<2x640x128xf32, #tpu.memory_space<vmem>>, vector<1x640x128xf32>
    %swap3A_69 = vector.shape_cast %swap3A_68 : vector<1x640x128xf32> to vector<640x128xf32>
    %swap3A_70 = vector.shape_cast %slice3A_64 : vector<640x128xf32> to vector<1x640x128xf32>
    tpu.vector_store %arg10[%swap3A_65, %swap3A_66, %swap3A_67], %swap3A_70 {strides = array<i32>} : memref<2x640x128xf32, #tpu.memory_space<vmem>>, vector<1x640x128xf32>,
    %broadcast_in_dim3A = arith.constant 0.000000e+00 : f32
    %broadcast_in_dim3A_71 = vector.broadcast %broadcast_in_dim3A : f32 to vector<640x112xf32>
    %concatenate3A = tpu.concatenate %exp3A, %broadcast_in_dim3A_71 in 1 : vector<640x16xf32>, vector<640x112xf32> -> vector<640x128xf32>
    %swap3A_72 = arith.constant 0 : index
    %swap3A_73 = arith.constant 0 : index
    %swap3A_74 = vector.load %arg11[%swap3A_72, %swap3A_73] : memref<640x128xf32, #tpu.memory_space<vmem>>, vector<640x128xf32>
    tpu.vector_store %arg11[%swap3A_72, %swap3A_73], %concatenate3A {strides = array<i32>} : memref<640x128xf32, #tpu.memory_space<vmem>>, vector<640x128xf32>,
    return
  }
  func.func @transform_0(%arg0: i32) -> (i32, i32) {
    %add3A = arith.constant 0 : i32
    %add3A_0 = arith.addi %arg0, %add3A : i32
    %c0_i32 = arith.constant 0 : i32
    %c0_i32_1 = arith.constant 0 : i32
    return %add3A_0, %c0_i32 : i32, i32
  }
  func.func @transform_1(%arg0: i32) -> (i32, i32) {
    %c0_i32 = arith.constant 0 : i32
    %c0_i32_0 = arith.constant 0 : i32
    return %arg0, %c0_i32 : i32, i32
  }
  func.func @transform_2(%arg0: i32) -> (i32, i32) {
    %c0_i32 = arith.constant 0 : i32
    %c0_i32_0 = arith.constant 0 : i32
    return %arg0, %c0_i32 : i32, i32
  }
  func.func @transform_3(%arg0: i32) -> (i32, i32) {
    %c0_i32 = arith.constant 0 : i32
    %c0_i32_0 = arith.constant 0 : i32
    return %arg0, %c0_i32 : i32, i32
  }
  func.func @transform_4(%arg0: i32) -> (i32, i32) {
    %c0_i32 = arith.constant 0 : i32
    %c0_i32_0 = arith.constant 0 : i32
    %c0_i32_1 = arith.constant 0 : i32
    return %c0_i32, %c0_i32_0 : i32, i32
  }
  func.func @transform_5(%arg0: i32) -> (i32, i32) {
    %c0_i32 = arith.constant 0 : i32
    %c0_i32_0 = arith.constant 0 : i32
    %c0_i32_1 = arith.constant 0 : i32
    return %c0_i32, %c0_i32_0 : i32, i32
  }
  func.func @transform_6(%arg0: i32) -> (i32, i32) {
    %c0_i32 = arith.constant 0 : i32
    %c0_i32_0 = arith.constant 0 : i32
    %c0_i32_1 = arith.constant 0 : i32
    return %c0_i32, %c0_i32_0 : i32, i32
  }
  func.func @transform_7(%arg0: i32) -> (i32, i32) {
    %c0_i32 = arith.constant 0 : i32
    %c0_i32_0 = arith.constant 0 : i32
    %c0_i32_1 = arith.constant 0 : i32
    return %c0_i32, %c0_i32_0 : i32, i32
  }
  func.func @transform_8(%arg0: i32) -> (i32, i32) {
    %c0_i32 = arith.constant 0 : i32
    %c0_i32_0 = arith.constant 0 : i32
    %c0_i32_1 = arith.constant 0 : i32
    return %c0_i32, %c0_i32_0 : i32, i32
  }
  func.func @transform_9(%arg0: i32) -> (i32, i32, i32) {
    %c0_i32 = arith.constant 0 : i32
    %c0_i32_0 = arith.constant 0 : i32
    %c0_i32_1 = arith.constant 0 : i32
    return %c0_i32, %arg0, %c0_i32_0 : i32, i32, i32
  }
  func.func @transform_10(%arg0: i32) -> (i32, i32) {
    %c0_i32 = arith.constant 0 : i32
    %c0_i32_0 = arith.constant 0 : i32
    return %arg0, %c0_i32 : i32, i32
  }
}

module attributes {stable_mosaic.version = 14 : i64} {
  func.func @_out_body(%arg0: i32, %arg1: memref<2x2000x128xf32, #tpu.memory_space<vmem>>, %arg2: memref<2x2000x128xf32, #tpu.memory_space<vmem>>, %arg3: memref<2x2000x128xf32, #tpu.memory_space<vmem>>, %arg4: memref<2x2000x128xf32, #tpu.memory_space<vmem>>, %arg5: memref<16x256xf32, #tpu.memory_space<vmem>>, %arg6: memref<256x256xf32, #tpu.memory_space<vmem>>, %arg7: memref<1x256xf32, #tpu.memory_space<vmem>>, %arg8: memref<2000x256xf32, #tpu.memory_space<vmem>>) attributes {dimension_semantics = [#tpu.dimension_semantics<arbitrary>], iteration_bounds = array<i64: 5>, scalar_prefetch = 0 : i64, scratch_operands = 0 : i64, tpu.core_type = #tpu.core_type<tc>, window_params = [{transform_indices = @transform_0, window_bounds = array<i64: 2, 2000, 128>}, {transform_indices = @transform_1, window_bounds = array<i64: 2, 2000, 128>}, {transform_indices = @transform_2, window_bounds = array<i64: 2, 2000, 128>}, {transform_indices = @transform_3, window_bounds = array<i64: 2, 2000, 128>}, {pipeline_mode = #tpu.pipeline_mode<synchronous>, transform_indices = @transform_4, window_bounds = array<i64: 16, 256>}, {pipeline_mode = #tpu.pipeline_mode<synchronous>, transform_indices = @transform_5, window_bounds = array<i64: 256, 256>}, {pipeline_mode = #tpu.pipeline_mode<synchronous>, transform_indices = @transform_6, window_bounds = array<i64: 1, 256>}, {transform_indices = @transform_7, window_bounds = array<i64: 2000, 256>}]} {
    %get3A = arith.constant 0 : index
    %get3A_0 = arith.constant 0 : index
    %get3A_1 = arith.constant 0 : index
    %get3A_2 = vector.load %arg1[%get3A, %get3A_0, %get3A_1] : memref<2x2000x128xf32, #tpu.memory_space<vmem>>, vector<1x2000x128xf32>
    %get3A_3 = vector.shape_cast %get3A_2 : vector<1x2000x128xf32> to vector<2000x128xf32>
    %get3A_4 = arith.constant 0 : index
    %get3A_5 = arith.constant 0 : index
    %get3A_6 = arith.constant 0 : index
    %get3A_7 = vector.load %arg2[%get3A_4, %get3A_5, %get3A_6] : memref<2x2000x128xf32, #tpu.memory_space<vmem>>, vector<1x2000x128xf32>
    %get3A_8 = vector.shape_cast %get3A_7 : vector<1x2000x128xf32> to vector<2000x128xf32>
    %add3A = arith.addf %get3A_3, %get3A_8 : vector<2000x128xf32>
    %get3A_9 = arith.constant 1 : index
    %get3A_10 = arith.constant 0 : index
    %get3A_11 = arith.constant 0 : index
    %get3A_12 = vector.load %arg1[%get3A_9, %get3A_10, %get3A_11] : memref<2x2000x128xf32, #tpu.memory_space<vmem>>, vector<1x2000x128xf32>
    %get3A_13 = vector.shape_cast %get3A_12 : vector<1x2000x128xf32> to vector<2000x128xf32>
    %get3A_14 = arith.constant 1 : index
    %get3A_15 = arith.constant 0 : index
    %get3A_16 = arith.constant 0 : index
    %get3A_17 = vector.load %arg2[%get3A_14, %get3A_15, %get3A_16] : memref<2x2000x128xf32, #tpu.memory_space<vmem>>, vector<1x2000x128xf32>
    %get3A_18 = vector.shape_cast %get3A_17 : vector<1x2000x128xf32> to vector<2000x128xf32>
    %add3A_19 = arith.addf %get3A_13, %get3A_18 : vector<2000x128xf32>
    %concatenate3A = tpu.concatenate %add3A, %add3A_19 in 1 : vector<2000x128xf32>, vector<2000x128xf32> -> vector<2000x256xf32>
    %get3A_20 = arith.constant 0 : index
    %get3A_21 = arith.constant 0 : index
    %get3A_22 = arith.constant 0 : index
    %get3A_23 = vector.load %arg3[%get3A_20, %get3A_21, %get3A_22] : memref<2x2000x128xf32, #tpu.memory_space<vmem>>, vector<1x2000x16xf32>
    %get3A_24 = vector.shape_cast %get3A_23 : vector<1x2000x16xf32> to vector<2000x16xf32>
    %get3A_25 = arith.constant 1 : index
    %get3A_26 = arith.constant 0 : index
    %get3A_27 = arith.constant 0 : index
    %get3A_28 = vector.load %arg3[%get3A_25, %get3A_26, %get3A_27] : memref<2x2000x128xf32, #tpu.memory_space<vmem>>, vector<1x2000x16xf32>
    %get3A_29 = vector.shape_cast %get3A_28 : vector<1x2000x16xf32> to vector<2000x16xf32>
    %add3A_30 = arith.addf %get3A_24, %get3A_29 : vector<2000x16xf32>
    %get3A_31 = arith.constant 0 : index
    %get3A_32 = arith.constant 0 : index
    %get3A_33 = arith.constant 0 : index
    %get3A_34 = vector.load %arg4[%get3A_31, %get3A_32, %get3A_33] : memref<2x2000x128xf32, #tpu.memory_space<vmem>>, vector<1x2000x16xf32>
    %get3A_35 = vector.shape_cast %get3A_34 : vector<1x2000x16xf32> to vector<2000x16xf32>
    %add3A_36 = arith.addf %add3A_30, %get3A_35 : vector<2000x16xf32>
    %get3A_37 = arith.constant 1 : index
    %get3A_38 = arith.constant 0 : index
    %get3A_39 = arith.constant 0 : index
    %get3A_40 = vector.load %arg4[%get3A_37, %get3A_38, %get3A_39] : memref<2x2000x128xf32, #tpu.memory_space<vmem>>, vector<1x2000x16xf32>
    %get3A_41 = vector.shape_cast %get3A_40 : vector<1x2000x16xf32> to vector<2000x16xf32>
    %add3A_42 = arith.addf %add3A_36, %get3A_41 : vector<2000x16xf32>
    %get3A_43 = arith.constant 0 : index
    %get3A_44 = arith.constant 0 : index
    %get3A_45 = vector.load %arg5[%get3A_43, %get3A_44] : memref<16x256xf32, #tpu.memory_space<vmem>>, vector<16x256xf32>
    %dot_general3A = arith.constant dense<0.000000e+00> : vector<2000x256xf32>
    %dot_general3A_46 = tpu.matmul %add3A_42, %get3A_45, %dot_general3A {dimension_numbers = #tpu.dot_dimension_numbers<[1], [0], [0], [1], [0, 0, 1, 1], [], []>, transpose_lhs_hint = false} : vector<2000x16xf32>, vector<16x256xf32>, vector<2000x256xf32> -> vector<2000x256xf32>
    %add3A_47 = arith.constant 1.000000e-16 : f32
    %add3A_48 = vector.broadcast %add3A_47 : f32 to vector<2000x256xf32>
    %add3A_49 = arith.addf %dot_general3A_46, %add3A_48 : vector<2000x256xf32>
    %div3A = arith.divf %concatenate3A, %add3A_49 : vector<2000x256xf32>
    %get3A_50 = arith.constant 0 : index
    %get3A_51 = arith.constant 0 : index
    %get3A_52 = vector.load %arg6[%get3A_50, %get3A_51] : memref<256x256xf32, #tpu.memory_space<vmem>>, vector<256x256xf32>
    %dot_general3A_53 = arith.constant dense<0.000000e+00> : vector<2000x256xf32>
    %dot_general3A_54 = tpu.matmul %div3A, %get3A_52, %dot_general3A_53 {dimension_numbers = #tpu.dot_dimension_numbers<[1], [0], [0], [1], [0, 0, 1, 1], [], []>, transpose_lhs_hint = false} : vector<2000x256xf32>, vector<256x256xf32>, vector<2000x256xf32> -> vector<2000x256xf32>
    %get3A_55 = arith.constant 0 : index
    %get3A_56 = arith.constant 0 : index
    %get3A_57 = vector.load %arg7[%get3A_55, %get3A_56] : memref<1x256xf32, #tpu.memory_space<vmem>>, vector<1x256xf32>
    %add3A_58 = vector.broadcast %get3A_57 : vector<1x256xf32> to vector<2000x256xf32>
    %add3A_59 = arith.addf %dot_general3A_54, %add3A_58 : vector<2000x256xf32>
    %swap3A = arith.constant 0 : index
    %swap3A_60 = arith.constant 0 : index
    %swap3A_61 = vector.load %arg8[%swap3A, %swap3A_60] : memref<2000x256xf32, #tpu.memory_space<vmem>>, vector<2000x256xf32>
    tpu.vector_store %arg8[%swap3A, %swap3A_60], %add3A_59 {strides = array<i32>} : memref<2000x256xf32, #tpu.memory_space<vmem>>, vector<2000x256xf32>,
    return
  }
  func.func @transform_0(%arg0: i32) -> (i32, i32, i32) {
    %c0_i32 = arith.constant 0 : i32
    %c0_i32_0 = arith.constant 0 : i32
    %c0_i32_1 = arith.constant 0 : i32
    return %c0_i32, %arg0, %c0_i32_0 : i32, i32, i32
  }
  func.func @transform_1(%arg0: i32) -> (i32, i32, i32) {
    %c0_i32 = arith.constant 0 : i32
    %c0_i32_0 = arith.constant 0 : i32
    %c0_i32_1 = arith.constant 0 : i32
    return %c0_i32, %arg0, %c0_i32_0 : i32, i32, i32
  }
  func.func @transform_2(%arg0: i32) -> (i32, i32, i32) {
    %c0_i32 = arith.constant 0 : i32
    %c0_i32_0 = arith.constant 0 : i32
    %c0_i32_1 = arith.constant 0 : i32
    return %c0_i32, %arg0, %c0_i32_0 : i32, i32, i32
  }
  func.func @transform_3(%arg0: i32) -> (i32, i32, i32) {
    %c0_i32 = arith.constant 0 : i32
    %c0_i32_0 = arith.constant 0 : i32
    %c0_i32_1 = arith.constant 0 : i32
    return %c0_i32, %arg0, %c0_i32_0 : i32, i32, i32
  }
  func.func @transform_4(%arg0: i32) -> (i32, i32) {
    %c0_i32 = arith.constant 0 : i32
    %c0_i32_0 = arith.constant 0 : i32
    %c0_i32_1 = arith.constant 0 : i32
    return %c0_i32, %c0_i32_0 : i32, i32
  }
  func.func @transform_5(%arg0: i32) -> (i32, i32) {
    %c0_i32 = arith.constant 0 : i32
    %c0_i32_0 = arith.constant 0 : i32
    %c0_i32_1 = arith.constant 0 : i32
    return %c0_i32, %c0_i32_0 : i32, i32
  }
  func.func @transform_6(%arg0: i32) -> (i32, i32) {
    %c0_i32 = arith.constant 0 : i32
    %c0_i32_0 = arith.constant 0 : i32
    %c0_i32_1 = arith.constant 0 : i32
    return %c0_i32, %c0_i32_0 : i32, i32
  }
  func.func @transform_7(%arg0: i32) -> (i32, i32) {
    %c0_i32 = arith.constant 0 : i32
    %c0_i32_0 = arith.constant 0 : i32
    return %arg0, %c0_i32 : i32, i32
  }
}

</mosaic_0001>

<sc_bundles>
// kernel: kernel.12.cloned.1.call-start
scs
__scs_entry_jumppad:
0x0: {  	(pc) =	sbr.rel $0x88, $3  }
0x1: {  	(tag) =	ssettag $0x0;
	lr =	simm.s32 $0x1  }
0x2: {  	[smem:$0x3F8E] =	sst lr;
	_ =	strace $0xD0000000  }
0x3: {  	_ = 	snop  }
0x4: {  	_ = 	snop  }
0x5: {  	_ = 	snop  }
0x6: {  	_ = 	snop  }
0x7: {  	_ = 	snop  }
__scs_overlays_trampoline_lowered:
0x8: {  	[smem:$0x3F9D] =	sst s0  }
0x9: {  	[smem:$0x3F9E] =	sst s1  }
0xa: {  	[smem:$0x3F9F] =	sst s2  }
0xb: {  	[smem:$0x3FA0] =	sst s3  }
0xc: {  	[smem:$0x3FA1] =	sst s4  }
0xd: {  	[smem:$0x3FA2] =	sst s5  }
0xe: {  	[smem:$0x3FA3] =	sst s6  }
0xf: {  	[smem:$0x3FA4] =	sst s7  }
0x10: {  	[smem:$0x3FA5] =	sst s8  }
0x11: {  	[smem:$0x3FA6] =	sst s9;
	s0 =	simm.s32 @!p0 $0x0  }
0x12: {  	s1 =	sld [smem:$0x3F8C];
	s0 =	simm.s32 @p0 $0x1  }
0x13: {  	[smem:$0x3FA7] =	sst s0;
	s0 =	simm.s32 @!p1 $0x0  }
0x14: {  	s2 =	sld [smem:$0x3F8B];
	s0 =	simm.s32 @p1 $0x1  }
0x15: {  	[smem:$0x3FA8] =	sst s0;
	s0 =	simm.s32 @!p2 $0x0  }
0x16: {  	s3 =	sld [smem:$0x3FDB];
	s0 =	simm.s32 @p2 $0x1  }
0x17: {  	s4 =	simm.s32 $0x1BF5;
	[smem:$0x3FAA] =	sst s0  }
0x18: {  	s0 =	sld [smem:$0x3F8D];
	_ =	swait.ge [sflag:s4], $0x0  }
0x19: {  	s7 =	sld [smem:$0x3F8E]  }
0x1a: {  	s8 =	sadd.s32 $0xFFFFE003, lr  }
0x1b: {  	s9 =	sadd.s32 $0xFFFFFEF7, lr;
	s5 =	simm.s32 $0xFFFFFFFF;
	p2 =	slt.u32 s8, $0xFFFFF086  }
0x1c: {  	p1 =	slt.u32 s9, $0xF7A;
	s5 =	simm.s32 @!p2 $0x0  }
0x1d: {  	s5 =	simm.s32 @p1 $0x1;
	p0 =	seq.s32 s7, s2  }
0x1e: {  	s7 =	smul.u32 @!p0 $0xF7A, s2;
	p2 =	seq.s32 @!p0 s5, $0x0  }
0x1f: {  	s9 =	smul.u32 $0xF7A, s1;
	s8 =	simm.s32 @!p0 $0x1BF5;
	p2 =	por !p2, p0  }
0x20: {  	[sflag:s8] =	ssyncset.s32 @!p0 $0xFFFFF086;
	s6 =	sadd.s32 @!p0 s3, s7;
	s7 =	simm.s32 @!p0 $0x108  }
0x21: {  	s3 =	sadd.s32 s3, s9;
	s6 =	sadd.s32 @!p0 $0x88, s6;
	s7 =	simm.s32 @p2 $0x1082  }
0x22: {  	[simem:s7], [sflag:s8] =	dma.local @!p0 [hbm:s6], $0xF7A  }
0x23: {  	s9 =	sor.u32 $0xD0000000, s2;
	s6 =	simm.s32 $0x108;
	_ =	swait.ge @!p0 [sflag:s8], $0x0  }
0x24: {  	s3 =	sadd.s32 $0x88, s3;
	s6 =	simm.s32 @!p1 $0x1082;
	[sflag:s4] =	ssyncset.s32 $0xFFFFF086  }
0x25: {  	[simem:s6], [sflag:s4] =	dma.local [hbm:s3], $0xF7A  }
0x26: {  	[smem:$0x3F8E] =	sst s1;
	(tag) =	ssettag s2;
	_ =	strace s9  }
0x27: {  	s1 =	sld [smem:$0x3F9E]  }
0x28: {  	s2 =	sld [smem:$0x3F9F]  }
0x29: {  	s4 =	sld [smem:$0x3FA1]  }
0x2a: {  	p0 =	seq.s32 s5, $0x0;
	s5 =	sld [smem:$0x3FA2]  }
0x2b: {  	s6 =	sld [smem:$0x3FA3]  }
0x2c: {  	s7 =	sld [smem:$0x3FA4]  }
0x2d: {  	s3 =	simm.s32 $0x108;
	s8 =	sld [smem:$0x3FA5]  }
0x2e: {  	s3 =	simm.s32 @!p0 $0x1082;
	s9 =	sld [smem:$0x3FA6]  }
0x2f: {  	lr =	sadd.s32 s0, s3;
	s0 =	sld [smem:$0x3F9D]  }
0x30: {  	s3 =	sld [smem:$0x3FA0]  }
0x31: {  	[smem:$0x3FA9] =	sst s10  }
0x32: {  	s10 =	sld [smem:$0x3FA7];
	_ =	sdelay $0x3  }
0x33: {  	p0 =	seq.s32 s10, $0x1;
	s10 =	sld [smem:$0x3FA9];
	_ =	sdelay $0x3  }
0x34: {  	[smem:$0x3FA9] =	sst s10  }
0x35: {  	s10 =	sld [smem:$0x3FA8];
	_ =	sdelay $0x3  }
0x36: {  	p1 =	seq.s32 s10, $0x1;
	s10 =	sld [smem:$0x3FA9];
	_ =	sdelay $0x3  }
0x37: {  	[smem:$0x3FA9] =	sst s10  }
0x38: {  	s10 =	sld [smem:$0x3FAA]  }
0x39: {  	_ = 	snop;
	(pc) =	sbr.ind lr, $3  }
0x3a: {  	_ = 	snop  }
0x3b: {  	_ = 	snop  }
0x3c: {  	p2 =	seq.s32 s10, $0x1;
	s10 =	sld [smem:$0x3FA9]  }
0x3d: {  	_ =	shalt  }
0x3e: {  	_ =	shalt  }
0x3f: {  	_ =	shalt  }
0x40: {  	_ =	shalt  }
0x41: {  	_ =	shalt  }
0x42: {  	_ =	shalt  }
0x43: {  	_ =	shalt  }
0x44: {  	_ =	shalt  }
0x45: {  	_ =	shalt  }
0x46: {  	_ =	shalt  }
0x47: {  	_ =	shalt  }
0x48: {  	_ =	shalt  }
0x49: {  	_ =	shalt  }
0x4a: {  	_ =	shalt  }
0x4b: {  	_ =	shalt  }
0x4c: {  	_ =	shalt  }
0x4d: {  	_ =	shalt  }
0x4e: {  	_ =	shalt  }
0x4f: {  	_ =	shalt  }
0x50: {  	_ =	shalt  }
0x51: {  	_ =	shalt  }
0x52: {  	_ =	shalt  }
0x53: {  	_ =	shalt  }
0x54: {  	_ =	shalt  }
0x55: {  	_ =	shalt  }
0x56: {  	_ =	shalt  }
0x57: {  	_ =	shalt  }
0x58: {  	_ =	shalt  }
0x59: {  	_ =	shalt  }
0x5a: {  	_ =	shalt  }
0x5b: {  	_ =	shalt  }
0x5c: {  	_ =	shalt  }
0x5d: {  	_ =	shalt  }
0x5e: {  	_ =	shalt  }
0x5f: {  	_ =	shalt  }
0x60: {  	_ =	shalt  }
0x61: {  	_ =	shalt  }
0x62: {  	_ =	shalt  }
0x63: {  	_ =	shalt  }
0x64: {  	_ =	shalt  }
0x65: {  	_ =	shalt  }
0x66: {  	_ =	shalt  }
0x67: {  	_ =	shalt  }
0x68: {  	_ =	shalt  }
0x69: {  	_ =	shalt  }
0x6a: {  	_ =	shalt  }
0x6b: {  	_ =	shalt  }
0x6c: {  	_ =	shalt  }
0x6d: {  	_ =	shalt  }
0x6e: {  	_ =	shalt  }
0x6f: {  	_ =	shalt  }
0x70: {  	_ =	shalt  }
0x71: {  	_ =	shalt  }
0x72: {  	_ =	shalt  }
0x73: {  	_ =	shalt  }
0x74: {  	_ =	shalt  }
0x75: {  	_ =	shalt  }
0x76: {  	_ =	shalt  }
0x77: {  	_ =	shalt  }
0x78: {  	_ =	shalt  }
0x79: {  	_ =	shalt  }
0x7a: {  	_ =	shalt  }
0x7b: {  	_ =	shalt  }
0x7c: {  	_ =	shalt  }
0x7d: {  	_ =	shalt  }
0x7e: {  	_ =	shalt  }
0x7f: {  	_ =	shalt  }
0x80: {  	_ =	shalt  }
0x81: {  	_ =	shalt  }
0x82: {  	_ =	shalt  }
0x83: {  	_ =	shalt  }
0x84: {  	_ =	shalt  }
0x85: {  	_ =	shalt  }
0x86: {  	_ =	shalt  }
0x87: {  	_ =	shalt  }
.Lfunc_end0:
.L_simem_size_0:
called_computation_lowered:
.L_overlay_start_0:
0x88: {  	s2 =	sld [smem:$0x3FD9]  }
0x89: {  	s3 =	sld [smem:$0x3FFE];
	_ =	sdelay $0x1  }
0x8a: {  	s1 =	srdreg.scid  }
0x8b: {  	s0 =	sand.u32 $0x1, s1  }
0x8c: {  	s17 =	sshll.u32 s0, $0xA;
	s2 =	sadd.s32 s3, s2  }
0x8d: {  	s2 =	sadd.s32 s2, s17  }
0x8e: {  	[smem:$0x3FB5] =	sst s2  }
0x8f: {  	_ = 	snop  }
0x90: {  	s18 =	sld [smem:$0x3FD0];
	(tm) =	ssettm $0x1  }
0x91: {  	s19 =	sld [smem:$0x3FFB];
	_ =	sdelay $0x3  }
0x92: {  	_ =	strace s19  }
0x93: {  	s2 =	sld [smem:$0x3FFC];
	_ =	sdelay $0x3  }
0x94: {  	_ =	strace s2  }
0x95: {  	s2 =	sld [smem:$0x3FFD];
	_ =	sdelay $0x3  }
0x96: {  	_ =	strace s2  }
0x97: {  	_ =	strace $0x8FFFFFFF  }
0x98: {  	s20 =	sld [smem:$0x3FDB];
	_ =	sdelay $0x1  }
0x99: {  	s4 =	simm.s32 $_scs_section_size  }
0x9a: {  	s5 =	simm.s32 $_size__tile_overlayer_lowered;
	s6 =	simm.s32 $_tile_overlayer_lowered  }
0x9b: {  	s7 =	simm.s32 $0x1BFF;
	s21 =	sshll.u32 s6, $0x1;
	s4 =	sadd.s32 s4, s20  }
0x9c: {  	s22 =	simm.s32 $0x0;
	s5 =	sshll.u32 s5, $0x1;
	s6 =	sadd.s32 s21, s4  }
0x9d: {  	[timem:s22], [sflag:s7] =	dma.local [hbm:s6], s5  }
0x9e: {  	_ =	swait.ge [sflag:s7], s5  }
0x9f: {  	s5 =	ssub.s32 $0x0, s5;
	[sflag:s7] =	ssyncset.done $0x0  }
0xa0: {  	[sflag:s7] =	ssyncadd.s32 s5;
	_ =	sdelay $0x1  }
0xa1: {  	s23 =	simm.s32 $0x1B8B  }
0xa2: {  	_ =	swait.ge [sflag:s23], $0x1  }
0xa3: {  	[sflag:s23] =	ssyncset.done $0x0  }
0xa4: {  	[sflag:s23] =	ssyncadd.s32 $0xFFFFFFFF  }
0xa5: {  	s5 =	sld [smem:$0x0]  }
0xa6: {  	s6 =	sand.u32 $0xFFFFFFFE, s1  }
0xa7: {  	p0 =	sne.s32 s1, s6  }
0xa8: {  	s6 =	sshll.u32 @p0 s6, $0xE  }
0xa9: {  	s6 =	sadd.s32 @p0 $0x11B8D, s6;
	s7 =	sshll.u32 @p0 s5, $0x11  }
0xaa: {  	s6 =	sor.u32 @p0 s7, s6  }
0xab: {  	[sflag:s6] =	ssyncadd.remote.s32 @p0 $0x1;
	_ =	sdelay $0x1  }
0xac: {  	s6 =	simm.s32 @p0 $0x1B8D  }
0xad: {  	_ =	swait.eq @p0 [sflag:s6], $0x1  }
0xae: {  	[sflag:s6] =	ssyncadd.s32 @p0 $0xFFFFFFFF  }
0xaf: {  	s7 =	sshll.u32 @!p0 s1, $0xE  }
0xb0: {  	s7 =	sor.u32 @!p0 $0x4000, s7;
	s6 =	simm.s32 @!p0 $0x1B8D  }
0xb1: {  	s5 =	sshll.u32 @!p0 s5, $0x11;
	s7 =	sadd.s32 @!p0 $0x11B8D, s7;
	_ =	swait.eq @!p0 [sflag:s6], $0x1  }
0xb2: {  	s5 =	sor.u32 @!p0 s5, s7;
	[sflag:s6] =	ssyncadd.s32 @!p0 $0xFFFFFFFF  }
0xb3: {  	s25 =	simm.s32 $0x1B8E;
	s24 =	sld [smem:$0x3FFE];
	[sflag:s5] =	ssyncadd.remote.s32 @!p0 $0x1  }
0xb4: {  	s26 =	simm.s32 $execute0_lowered;
	[smem:$0x3FD2] =	sst s25  }
0xb5: {  	s6 =	sshll.u32 s26, $0x1;
	_ =	strace $0x80000049;
	[dreg:$0x1] =	wrdreg $0xFFFFFFFF  }
0xb6: {  	s28 =	simm.s32 $_size_execute0_lowered;
	s4 =	sadd.s32 s4, s6;
	[dreg:$0x0] =	wrdreg $0x0  }
0xb7: {  	s6 =	sshll.u32 s28, $0x1;
	[dreg:$0x2] =	wrdreg s4  }
0xb8: {  	[dreg:$0x3] =	wrdreg s6  }
0xb9: {  	[dreg:$0x4] =	wrdreg $0xC0  }
0xba: {  	_ =	task [dreg:s22], $0x5FFFF  }
0xbb: {  	[dreg:$0x1] =	wrdreg $0xFFFFFFFF  }
0xbc: {  	[dreg:$0x0] =	wrdreg $0x60  }
0xbd: {  	[dreg:$0x2] =	wrdreg s24  }
0xbe: {  	[dreg:$0x3] =	wrdreg s18  }
0xbf: {  	[dreg:$0x4] =	wrdreg $0xB  }
0xc0: {  	_ =	task.clear_ibuf [dreg:s22], $0x5FFFF;
	_ =	strace $0x90000049  }
0xc1: {  	s29 =	simm.s32 $0xB;
	_ =	strace $0x8000004B  }
0xc2: {  	_ =	swait.ge [sflag:s29], $0x1  }
0xc3: {  	[sflag:s29] =	ssyncadd.s32 $0xFFFFFFFF  }
0xc4: {  	_ =	strace $0x9000004B  }
0xc5: {  	_ =	sfence  }
0xc6: {  	s30 =	sld [smem:$0x0];
	_ =	sdelay $0x2  }
0xc7: {  	s31 =	sshll.u32 s1, $0xD;
	s1 =	sshrl.u32 s1, $0x2  }
0xc8: {  	s4 =	sand.u32 $0x4000, s31;
	s1 =	sadd.s32 s1, s30  }
0xc9: {  	s0 =	sor.u32 s4, s0;
	s1 =	sshll.u32 s1, $0x11  }
0xca: {  	s0 =	sor.u32 s1, s0  }
0xcb: {  	s0 =	sadd.s32 $0x8F2B, s0  }
0xcc: {  	[sflag:s0] =	ssyncadd.remote.s32 $0x1  }
0xcd: {  	_ =	sfence.sel $0xFFFF  }
0xce: {  	[dreg:$0x0] =	wrdreg $0xFFFFFFFF;
	(pc) =	sbr.abs _section_cstart, $3  }
0xcf: {  	[dreg:$0x1] =	wrdreg $0xFFFFFFFF  }
0xd0: {  	_ =	task.clear_ibuf [dreg:s22], $0x2FFFF;
	_ =	strace $0x9FFFFFFF  }
0xd1: {  	(tm) =	ssettm $0x7FFFFFFF  }
tec
execute0_lowered:
.L_overlay_start_1:
0x0: {  	(tag) =	ssettag $0x1  }
0x1: {  	s0 =	rddreg [dreg:$0x0]  }
0x2: {  	s2 =	rddreg [dreg:$0x1];
	s3 =	simm.s32 $0x0  }
0x3: {  	s10 =	stileid.u32;
	s4 =	srdreg.scid;
	s13 =	simm.s32 $0x3  }
0x4: {  	s15 =	simm.s32 $0x100;
	s28 =	simm.s32 $0x11100;
	s29 =	simm.s32 $0x11900  }
0x5: {  	s30 =	simm.s32 $0x12100;
	s31 =	simm.s32 $0x12900;
	s14 =	simm.s32 $0x15900  }
0x6: {  	s16 =	simm.s32 $0x16100;
	s17 =	simm.s32 $0x16900;
	s18 =	simm.s32 $0x17100  }
0x7: {  	s19 =	simm.s32 $0x17900;
	s20 =	simm.s32 $0x1;
	[smem:$0x7FF] =	sst s3  }
0x8: {  	s1 =	sshll.u32 s10, $0x5;
	s6 =	sand.u32 $0x1, s4;
	s4 =	sadd.s32 $0xDA00, s0  }
0x9: {  	s7 =	sshll.u32 s10, $0xD;
	s5 =	sadd.s32 $0x5BC00, s0;
	s12 =	sshll.u32 s10, $0x1  }
0xa: {  	_ =	strace $0x8000004A;
	s1 =	sadd.s32 s1, s0;
	s8 =	ssub.s32 $0x2, s6  }
0xb: {  	s0 =	sadd.s32 s7, s0;
	s24 =	sshll.u32 s6, $0x4;
	s9 =	sshll.u32 s6, $0xC  }
0xc: {  	s26 =	sor.u32 s6, s12;
	s6 =	simm.s32 $0x14100;
	s12 =	simm.s32 $0x15100  }
0xd: {  	s23 =	sshrl.u32 s8, $0x1;
	s1 =	sadd.s32 s24, s1;
	s0 =	sadd.s32 s9, s0  }
0xe: {  	[dreg:$0x6] =	wrdreg s26;
	s9 =	simm.s32 $0x13900;
	s7 =	ssub.s32 s8, s23  }
.Ltmp0:
0xf: {  	s8 =	sadd.s32 $0x8A00, s1;
	s1 =	sadd.s32 $0x3A00, s1;
	(pc) =	sbr.rel .LBB2_1-.Ltmp0, $4  }
0x10: {  	s10 =	sadd.s32 $0xA6DE00, s0;
	s11 =	sadd.s32 $0x7FCE00, s0;
	[dreg:$0x3] =	wrdreg s8  }
0x11: {  	v2 =	vlaneseq.u32;
	s23 =	simm.s32 $0x0;
	[dreg:$0x4] =	wrdreg s1;
	s8 =	sadd.s32 $0xCDEE00, s0  }
0x12: {  	vm0 =	vmmov $0xffff;
	v1 =	vshrl.u32 v2, $0x3;
	s25 =	smax.u32 s7, $0x1;
	s0 =	simm.s32 $0x8100;
	s1 =	simm.s32 $0x13100  }
0x13: {  	v0 =	vand.u32 $0x7, v2;
	v2 =	vor.u32 $0x8, v2;
	v1 =	vmul.u32 $0x8, v1;
	s7 =	simm.s32 $0x14900;
	[dreg:$0x5] =	wrdreg s25;
	s25 =	simm.s32 $0x10100  }
.LBB2_5:
0x14: {  	s22 =	simm.s32 $0x2  }
0x15: {  	_ =	swait.ge [sflag:s22], $0x8000  }
0x16: {  	[sflag:s22] =	ssyncset.done $0x0  }
0x17: {  	[sflag:s22] =	ssyncadd.s32 $0xFFFF8000  }
0x18: {  	_ =	swait.ge [sflag:s22], $0x8000  }
0x19: {  	[sflag:s22] =	ssyncset.done $0x0  }
0x1a: {  	[sflag:s22] =	ssyncadd.s32 $0xFFFF8000  }
0x1b: {  	_ =	swait.ge [sflag:s22], $0x8000  }
0x1c: {  	s23 =	rddreg [dreg:$0x7]  }
0x1d: {  	s21 =	rddreg [dreg:$0x5];
	s23 =	sadd.s32 $0x1, s23  }
0x1e: {  	p0 =	sne.s32 s23, s21  }
.Ltmp1:
0x1f: {  	_ = 	snop;
	(pc) =	sbr.rel @!p0 .LBB2_6-.Ltmp1, $3  }
0x20: {  	_ =	sdelay $0x1  }
0x21: {  	[sflag:s22] =	ssyncset.done $0x0  }
0x22: {  	[sflag:s22] =	ssyncadd.s32 $0xFFFF8000  }
.LBB2_1:
.Ltmp2:
0x23: {  	(pc) =	sbr.rel .LBB2_2-.Ltmp2, $4  }
0x24: {  	[dreg:$0x7] =	wrdreg s23  }
0x25: {  	s21 =	rddreg [dreg:$0x6]  }
0x26: {  	s22 =	rddreg [dreg:$0x4]  }
0x27: {  	s23 =	rddreg [dreg:$0x3];
	s24 =	simm.s32 $0x0  }
.LBB2_4:
0x28: {  	s24 =	sadd.s32 $0x20000, s24  }
0x29: {  	p0 =	sne.s32 s24, $0x280000  }
.Ltmp3:
0x2a: {  	_ = 	snop;
	(pc) =	sbr.rel @!p0 .LBB2_5-.Ltmp3, $2  }
0x2b: {  	_ =	sdelay $0x2  }
0x2c: {  	s23 =	sadd.s32 $0x200, s23;
	s22 =	sadd.s32 $0x200, s22;
	s21 =	sadd.s32 $0x20, s21  }
.LBB2_2:
0x2d: {  	p0 =	sgt.u32 s21, $0x270  }
.Ltmp4:
0x2e: {  	_ = 	snop;
	(pc) =	sbr.rel @p0 .LBB2_4-.Ltmp4, $1  }
0x2f: {  	_ =	sdelay $0x3  }
0x30: {  	p0 =	seq.s32 s24, $0x0  }
0x31: {  	s26 =	simm.s32 @!p0 $0x2  }
0x32: {  	_ =	swait.ge @!p0 [sflag:s26], $0x8000  }
0x33: {  	[sflag:s26] =	ssyncset.done @!p0 $0x0  }
0x34: {  	[sflag:s26] =	ssyncadd.s32 @!p0 $0xFFFF8000  }
0x35: {  	_ =	swait.ge @!p0 [sflag:s26], $0x8000  }
0x36: {  	[sflag:s26] =	ssyncset.done @!p0 $0x0  }
0x37: {  	[sflag:s26] =	ssyncadd.s32 @!p0 $0xFFFF8000  }
0x38: {  	_ =	swait.ge @!p0 [sflag:s26], $0x8000  }
0x39: {  	[sflag:s26] =	ssyncset.done @!p0 $0x0  }
0x3a: {  	[sflag:s26] =	ssyncadd.s32 @!p0 $0xFFFF8000  }
0x3b: {  	[tilespmem:s3], [sflag:$0x3] =	stream.linear.gather [hbm4b:s22+s3], $0x80, $0x38;
	[tilespmem:$0x18100] =	vst v63  }
0x3c: {  	_ =	swait.ge [sflag:s13], $0x80  }
0x3d: {  	[sflag:s13] =	ssyncset.done $0x0  }
0x3e: {  	s26 =	simm.s32 $0x80;
	[sflag:s13] =	ssyncadd.s32 $0xFFFFFF80  }
0x3f: {  	[tilespmem:s26], [sflag:$0x3] =	stream.linear.gather [hbm4b:s23+s3], $0x80, $0x38;
	[tilespmem:$0x18100] =	vst v63  }
0x40: {  	_ =	swait.ge [sflag:s13], $0x80  }
0x41: {  	[sflag:s13] =	ssyncset.done $0x0  }
0x42: {  	[sflag:s13] =	ssyncadd.s32 $0xFFFFFF80  }
0x43: {  	v3 =	vld [tilespmem:$0x0];
	_ =	sdelay $0x4  }
0x44: {  	v4 =	vshll.u32 v3, $0x1  }
0x45: {  	v3 =	vand.u32 $0x7, v3;
	v4 =	vand.u32 $0xFFFFFFF0, v4  }
0x46: {  	v3 =	vor.u32 v3, v4  }
0x47: {  	v4 =	vperm.xlane v3, v0;
	_ =	sdelay $0x1  }
0x48: {  	v3 =	vperm.xlane v3, v2;
	v4 =	vadd.s32 v1, v4;
	_ =	sdelay $0x1  }
0x49: {  	v3 =	vadd.s32 v1, v3;
	_ =	sdelay $0x2  }
0x4a: {  	[tilespmem:s15], [sflag:$0x1] =	stream.indirect_vreg.gather [hbm4b:s4+s3], $0x80, v4, vm0, $0xb8;
	[tilespmem:$0x18100] =	vst v63  }
0x4b: {  	s26 =	simm.s32 $0x900  }
0x4c: {  	[tilespmem:s26], [sflag:$0x1] =	stream.indirect_vreg.gather [hbm4b:s4+s3], $0x80, v3, vm0, $0xb8;
	[tilespmem:$0x18100] =	vst v63  }
0x4d: {  	v3 =	vld [tilespmem:$0x10];
	_ =	sdelay $0x4  }
0x4e: {  	v41 =	vshll.u32 v3, $0x1  }
0x4f: {  	v3 =	vand.u32 $0x7, v3;
	v4 =	vand.u32 $0xFFFFFFF0, v41  }
0x50: {  	v3 =	vor.u32 v3, v4  }
0x51: {  	v4 =	vperm.xlane v3, v0;
	_ =	sdelay $0x1  }
0x52: {  	v3 =	vperm.xlane v3, v2;
	v4 =	vadd.s32 v1, v4;
	_ =	sdelay $0x1  }
0x53: {  	v3 =	vadd.s32 v1, v3;
	_ =	sdelay $0x1  }
0x54: {  	s26 =	simm.s32 $0x1100  }
0x55: {  	[tilespmem:s26], [sflag:$0x1] =	stream.indirect_vreg.gather [hbm4b:s4+s3], $0x80, v4, vm0, $0xb8;
	[tilespmem:$0x18100] =	vst v63  }
0x56: {  	s26 =	simm.s32 $0x1900  }
0x57: {  	[tilespmem:s26], [sflag:$0x1] =	stream.indirect_vreg.gather [hbm4b:s4+s3], $0x80, v3, vm0, $0xb8;
	[tilespmem:$0x18100] =	vst v63  }
0x58: {  	v3 =	vld [tilespmem:$0x20];
	_ =	sdelay $0x4  }
0x59: {  	v42 =	vshll.u32 v3, $0x1  }
0x5a: {  	v3 =	vand.u32 $0x7, v3;
	v4 =	vand.u32 $0xFFFFFFF0, v42  }
0x5b: {  	v3 =	vor.u32 v3, v4  }
0x5c: {  	v4 =	vperm.xlane v3, v0;
	_ =	sdelay $0x1  }
0x5d: {  	v3 =	vperm.xlane v3, v2;
	v4 =	vadd.s32 v1, v4;
	_ =	sdelay $0x1  }
0x5e: {  	v3 =	vadd.s32 v1, v3;
	_ =	sdelay $0x1  }
0x5f: {  	s26 =	simm.s32 $0x2100  }
0x60: {  	[tilespmem:s26], [sflag:$0x1] =	stream.indirect_vreg.gather [hbm4b:s4+s3], $0x80, v4, vm0, $0xb8;
	[tilespmem:$0x18100] =	vst v63  }
0x61: {  	s26 =	simm.s32 $0x2900  }
0x62: {  	[tilespmem:s26], [sflag:$0x1] =	stream.indirect_vreg.gather [hbm4b:s4+s3], $0x80, v3, vm0, $0xb8;
	[tilespmem:$0x18100] =	vst v63  }
0x63: {  	v3 =	vld [tilespmem:$0x30];
	_ =	sdelay $0x4  }
0x64: {  	v43 =	vshll.u32 v3, $0x1  }
0x65: {  	v3 =	vand.u32 $0x7, v3;
	v4 =	vand.u32 $0xFFFFFFF0, v43  }
0x66: {  	v3 =	vor.u32 v3, v4  }
0x67: {  	v4 =	vperm.xlane v3, v0;
	_ =	sdelay $0x1  }
0x68: {  	v3 =	vperm.xlane v3, v2;
	v4 =	vadd.s32 v1, v4;
	_ =	sdelay $0x1  }
0x69: {  	v3 =	vadd.s32 v1, v3;
	_ =	sdelay $0x1  }
0x6a: {  	s26 =	simm.s32 $0x3100  }
0x6b: {  	[tilespmem:s26], [sflag:$0x1] =	stream.indirect_vreg.gather [hbm4b:s4+s3], $0x80, v4, vm0, $0xb8;
	[tilespmem:$0x18100] =	vst v63  }
0x6c: {  	s26 =	simm.s32 $0x3900  }
0x6d: {  	[tilespmem:s26], [sflag:$0x1] =	stream.indirect_vreg.gather [hbm4b:s4+s3], $0x80, v3, vm0, $0xb8;
	[tilespmem:$0x18100] =	vst v63  }
0x6e: {  	v3 =	vld [tilespmem:$0x40];
	_ =	sdelay $0x4  }
0x6f: {  	v44 =	vshll.u32 v3, $0x1  }
0x70: {  	v3 =	vand.u32 $0x7, v3;
	v4 =	vand.u32 $0xFFFFFFF0, v44  }
0x71: {  	v3 =	vor.u32 v3, v4  }
0x72: {  	v4 =	vperm.xlane v3, v0;
	_ =	sdelay $0x1  }
0x73: {  	v3 =	vperm.xlane v3, v2;
	v4 =	vadd.s32 v1, v4;
	_ =	sdelay $0x1  }
0x74: {  	v3 =	vadd.s32 v1, v3;
	_ =	sdelay $0x1  }
0x75: {  	s26 =	simm.s32 $0x4100  }
0x76: {  	[tilespmem:s26], [sflag:$0x1] =	stream.indirect_vreg.gather [hbm4b:s4+s3], $0x80, v4, vm0, $0xb8;
	[tilespmem:$0x18100] =	vst v63  }
0x77: {  	s26 =	simm.s32 $0x4900  }
0x78: {  	[tilespmem:s26], [sflag:$0x1] =	stream.indirect_vreg.gather [hbm4b:s4+s3], $0x80, v3, vm0, $0xb8;
	[tilespmem:$0x18100] =	vst v63  }
0x79: {  	v3 =	vld [tilespmem:$0x50];
	_ =	sdelay $0x4  }
0x7a: {  	v45 =	vshll.u32 v3, $0x1  }
0x7b: {  	v3 =	vand.u32 $0x7, v3;
	v4 =	vand.u32 $0xFFFFFFF0, v45  }
0x7c: {  	v3 =	vor.u32 v3, v4  }
0x7d: {  	v4 =	vperm.xlane v3, v0;
	_ =	sdelay $0x1  }
0x7e: {  	v3 =	vperm.xlane v3, v2;
	v4 =	vadd.s32 v1, v4;
	_ =	sdelay $0x1  }
0x7f: {  	v3 =	vadd.s32 v1, v3;
	_ =	sdelay $0x1  }
0x80: {  	s26 =	simm.s32 $0x5100  }
0x81: {  	[tilespmem:s26], [sflag:$0x1] =	stream.indirect_vreg.gather [hbm4b:s4+s3], $0x80, v4, vm0, $0xb8;
	[tilespmem:$0x18100] =	vst v63  }
0x82: {  	s26 =	simm.s32 $0x5900  }
0x83: {  	[tilespmem:s26], [sflag:$0x1] =	stream.indirect_vreg.gather [hbm4b:s4+s3], $0x80, v3, vm0, $0xb8;
	[tilespmem:$0x18100] =	vst v63  }
0x84: {  	v3 =	vld [tilespmem:$0x60];
	_ =	sdelay $0x4  }
0x85: {  	v46 =	vshll.u32 v3, $0x1  }
0x86: {  	v3 =	vand.u32 $0x7, v3;
	v4 =	vand.u32 $0xFFFFFFF0, v46  }
0x87: {  	v3 =	vor.u32 v3, v4  }
0x88: {  	v4 =	vperm.xlane v3, v0;
	_ =	sdelay $0x1  }
0x89: {  	v3 =	vperm.xlane v3, v2;
	v4 =	vadd.s32 v1, v4;
	_ =	sdelay $0x1  }
0x8a: {  	v3 =	vadd.s32 v1, v3;
	_ =	sdelay $0x1  }
0x8b: {  	s26 =	simm.s32 $0x6100  }
0x8c: {  	[tilespmem:s26], [sflag:$0x1] =	stream.indirect_vreg.gather [hbm4b:s4+s3], $0x80, v4, vm0, $0xb8;
	[tilespmem:$0x18100] =	vst v63  }
0x8d: {  	s26 =	simm.s32 $0x6900  }
0x8e: {  	[tilespmem:s26], [sflag:$0x1] =	stream.indirect_vreg.gather [hbm4b:s4+s3], $0x80, v3, vm0, $0xb8;
	[tilespmem:$0x18100] =	vst v63  }
0x8f: {  	v3 =	vld [tilespmem:$0x70];
	_ =	sdelay $0x4  }
0x90: {  	v47 =	vshll.u32 v3, $0x1  }
0x91: {  	v3 =	vand.u32 $0x7, v3;
	v4 =	vand.u32 $0xFFFFFFF0, v47  }
0x92: {  	v3 =	vor.u32 v3, v4  }
0x93: {  	v4 =	vperm.xlane v3, v0;
	_ =	sdelay $0x1  }
0x94: {  	v3 =	vperm.xlane v3, v2;
	v4 =	vadd.s32 v1, v4;
	_ =	sdelay $0x1  }
0x95: {  	v3 =	vadd.s32 v1, v3;
	_ =	sdelay $0x1  }
0x96: {  	s26 =	simm.s32 $0x7100  }
0x97: {  	[tilespmem:s26], [sflag:$0x1] =	stream.indirect_vreg.gather [hbm4b:s4+s3], $0x80, v4, vm0, $0xb8;
	[tilespmem:$0x18100] =	vst v63  }
0x98: {  	s26 =	simm.s32 $0x7900  }
0x99: {  	[tilespmem:s26], [sflag:$0x1] =	stream.indirect_vreg.gather [hbm4b:s4+s3], $0x80, v3, vm0, $0xb8;
	[tilespmem:$0x18100] =	vst v63  }
0x9a: {  	v3 =	vld [tilespmem:$0x80];
	_ =	sdelay $0x4  }
0x9b: {  	v48 =	vshll.u32 v3, $0x1  }
0x9c: {  	v3 =	vand.u32 $0x7, v3;
	v4 =	vand.u32 $0xFFFFFFF0, v48  }
0x9d: {  	v3 =	vor.u32 v3, v4  }
0x9e: {  	v4 =	vperm.xlane v3, v0;
	_ =	sdelay $0x1  }
0x9f: {  	v3 =	vperm.xlane v3, v2;
	v4 =	vadd.s32 v1, v4;
	_ =	sdelay $0x1  }
0xa0: {  	v3 =	vadd.s32 v1, v3;
	_ =	sdelay $0x2  }
0xa1: {  	[tilespmem:s0], [sflag:$0x1] =	stream.indirect_vreg.gather [hbm4b:s5+s3], $0x80, v4, vm0, $0xb8;
	[tilespmem:$0x18100] =	vst v63  }
0xa2: {  	s26 =	simm.s32 $0x8900  }
0xa3: {  	[tilespmem:s26], [sflag:$0x1] =	stream.indirect_vreg.gather [hbm4b:s5+s3], $0x80, v3, vm0, $0xb8;
	[tilespmem:$0x18100] =	vst v63  }
0xa4: {  	v3 =	vld [tilespmem:$0x90];
	_ =	sdelay $0x4  }
0xa5: {  	v49 =	vshll.u32 v3, $0x1  }
0xa6: {  	v3 =	vand.u32 $0x7, v3;
	v4 =	vand.u32 $0xFFFFFFF0, v49  }
0xa7: {  	v3 =	vor.u32 v3, v4  }
0xa8: {  	v4 =	vperm.xlane v3, v0;
	_ =	sdelay $0x1  }
0xa9: {  	v3 =	vperm.xlane v3, v2;
	v4 =	vadd.s32 v1, v4;
	_ =	sdelay $0x1  }
0xaa: {  	v3 =	vadd.s32 v1, v3;
	_ =	sdelay $0x1  }
0xab: {  	s26 =	simm.s32 $0x9100  }
0xac: {  	[tilespmem:s26], [sflag:$0x1] =	stream.indirect_vreg.gather [hbm4b:s5+s3], $0x80, v4, vm0, $0xb8;
	[tilespmem:$0x18100] =	vst v63  }
0xad: {  	s26 =	simm.s32 $0x9900  }
0xae: {  	[tilespmem:s26], [sflag:$0x1] =	stream.indirect_vreg.gather [hbm4b:s5+s3], $0x80, v3, vm0, $0xb8;
	[tilespmem:$0x18100] =	vst v63  }
0xaf: {  	v3 =	vld [tilespmem:$0xA0];
	_ =	sdelay $0x4  }
0xb0: {  	v50 =	vshll.u32 v3, $0x1  }
0xb1: {  	v3 =	vand.u32 $0x7, v3;
	v4 =	vand.u32 $0xFFFFFFF0, v50  }
0xb2: {  	v3 =	vor.u32 v3, v4  }
0xb3: {  	v4 =	vperm.xlane v3, v0;
	_ =	sdelay $0x1  }
0xb4: {  	v3 =	vperm.xlane v3, v2;
	v4 =	vadd.s32 v1, v4;
	_ =	sdelay $0x1  }
0xb5: {  	v3 =	vadd.s32 v1, v3;
	_ =	sdelay $0x1  }
0xb6: {  	s26 =	simm.s32 $0xA100  }
0xb7: {  	[tilespmem:s26], [sflag:$0x1] =	stream.indirect_vreg.gather [hbm4b:s5+s3], $0x80, v4, vm0, $0xb8;
	[tilespmem:$0x18100] =	vst v63  }
0xb8: {  	s26 =	simm.s32 $0xA900  }
0xb9: {  	[tilespmem:s26], [sflag:$0x1] =	stream.indirect_vreg.gather [hbm4b:s5+s3], $0x80, v3, vm0, $0xb8;
	[tilespmem:$0x18100] =	vst v63  }
0xba: {  	v3 =	vld [tilespmem:$0xB0];
	_ =	sdelay $0x4  }
0xbb: {  	v51 =	vshll.u32 v3, $0x1  }
0xbc: {  	v3 =	vand.u32 $0x7, v3;
	v4 =	vand.u32 $0xFFFFFFF0, v51  }
0xbd: {  	v3 =	vor.u32 v3, v4  }
0xbe: {  	v4 =	vperm.xlane v3, v0;
	_ =	sdelay $0x1  }
0xbf: {  	v3 =	vperm.xlane v3, v2;
	v4 =	vadd.s32 v1, v4;
	_ =	sdelay $0x1  }
0xc0: {  	v3 =	vadd.s32 v1, v3;
	_ =	sdelay $0x1  }
0xc1: {  	s26 =	simm.s32 $0xB100  }
0xc2: {  	[tilespmem:s26], [sflag:$0x1] =	stream.indirect_vreg.gather [hbm4b:s5+s3], $0x80, v4, vm0, $0xb8;
	[tilespmem:$0x18100] =	vst v63  }
0xc3: {  	s26 =	simm.s32 $0xB900  }
0xc4: {  	[tilespmem:s26], [sflag:$0x1] =	stream.indirect_vreg.gather [hbm4b:s5+s3], $0x80, v3, vm0, $0xb8;
	[tilespmem:$0x18100] =	vst v63  }
0xc5: {  	v3 =	vld [tilespmem:$0xC0];
	_ =	sdelay $0x4  }
0xc6: {  	v52 =	vshll.u32 v3, $0x1  }
0xc7: {  	v3 =	vand.u32 $0x7, v3;
	v4 =	vand.u32 $0xFFFFFFF0, v52  }
0xc8: {  	v3 =	vor.u32 v3, v4  }
0xc9: {  	v4 =	vperm.xlane v3, v0;
	_ =	sdelay $0x1  }
0xca: {  	v3 =	vperm.xlane v3, v2;
	v4 =	vadd.s32 v1, v4;
	_ =	sdelay $0x1  }
0xcb: {  	v3 =	vadd.s32 v1, v3;
	_ =	sdelay $0x1  }
0xcc: {  	s26 =	simm.s32 $0xC100  }
0xcd: {  	[tilespmem:s26], [sflag:$0x1] =	stream.indirect_vreg.gather [hbm4b:s5+s3], $0x80, v4, vm0, $0xb8;
	[tilespmem:$0x18100] =	vst v63  }
0xce: {  	s26 =	simm.s32 $0xC900  }
0xcf: {  	[tilespmem:s26], [sflag:$0x1] =	stream.indirect_vreg.gather [hbm4b:s5+s3], $0x80, v3, vm0, $0xb8;
	[tilespmem:$0x18100] =	vst v63  }
0xd0: {  	v3 =	vld [tilespmem:$0xD0];
	_ =	sdelay $0x4  }
0xd1: {  	v53 =	vshll.u32 v3, $0x1  }
0xd2: {  	v3 =	vand.u32 $0x7, v3;
	v4 =	vand.u32 $0xFFFFFFF0, v53  }
0xd3: {  	v3 =	vor.u32 v3, v4  }
0xd4: {  	v4 =	vperm.xlane v3, v0;
	_ =	sdelay $0x1  }
0xd5: {  	v3 =	vperm.xlane v3, v2;
	v4 =	vadd.s32 v1, v4;
	_ =	sdelay $0x1  }
0xd6: {  	v3 =	vadd.s32 v1, v3;
	_ =	sdelay $0x1  }
0xd7: {  	s26 =	simm.s32 $0xD100  }
0xd8: {  	[tilespmem:s26], [sflag:$0x1] =	stream.indirect_vreg.gather [hbm4b:s5+s3], $0x80, v4, vm0, $0xb8;
	[tilespmem:$0x18100] =	vst v63  }
0xd9: {  	s26 =	simm.s32 $0xD900  }
0xda: {  	[tilespmem:s26], [sflag:$0x1] =	stream.indirect_vreg.gather [hbm4b:s5+s3], $0x80, v3, vm0, $0xb8;
	[tilespmem:$0x18100] =	vst v63  }
0xdb: {  	v3 =	vld [tilespmem:$0xE0];
	_ =	sdelay $0x4  }
0xdc: {  	v54 =	vshll.u32 v3, $0x1  }
0xdd: {  	v3 =	vand.u32 $0x7, v3;
	v4 =	vand.u32 $0xFFFFFFF0, v54  }
0xde: {  	v3 =	vor.u32 v3, v4  }
0xdf: {  	v4 =	vperm.xlane v3, v0;
	_ =	sdelay $0x1  }
0xe0: {  	v3 =	vperm.xlane v3, v2;
	v4 =	vadd.s32 v1, v4;
	_ =	sdelay $0x1  }
0xe1: {  	v3 =	vadd.s32 v1, v3;
	_ =	sdelay $0x1  }
0xe2: {  	s26 =	simm.s32 $0xE100  }
0xe3: {  	[tilespmem:s26], [sflag:$0x1] =	stream.indirect_vreg.gather [hbm4b:s5+s3], $0x80, v4, vm0, $0xb8;
	[tilespmem:$0x18100] =	vst v63  }
0xe4: {  	s26 =	simm.s32 $0xE900  }
0xe5: {  	[tilespmem:s26], [sflag:$0x1] =	stream.indirect_vreg.gather [hbm4b:s5+s3], $0x80, v3, vm0, $0xb8;
	[tilespmem:$0x18100] =	vst v63  }
0xe6: {  	v3 =	vld [tilespmem:$0xF0];
	_ =	sdelay $0x4  }
0xe7: {  	v55 =	vshll.u32 v3, $0x1  }
0xe8: {  	v3 =	vand.u32 $0x7, v3;
	v4 =	vand.u32 $0xFFFFFFF0, v55  }
0xe9: {  	v3 =	vor.u32 v3, v4  }
0xea: {  	v4 =	vperm.xlane v3, v0;
	_ =	sdelay $0x1  }
0xeb: {  	v3 =	vperm.xlane v3, v2;
	v4 =	vadd.s32 v1, v4;
	_ =	sdelay $0x1  }
0xec: {  	v3 =	vadd.s32 v1, v3;
	_ =	sdelay $0x1  }
0xed: {  	s26 =	simm.s32 $0xF100  }
0xee: {  	[tilespmem:s26], [sflag:$0x1] =	stream.indirect_vreg.gather [hbm4b:s5+s3], $0x80, v4, vm0, $0xb8;
	[tilespmem:$0x18100] =	vst v63  }
0xef: {  	s26 =	simm.s32 $0xF900  }
0xf0: {  	[tilespmem:s26], [sflag:$0x1] =	stream.indirect_vreg.gather [hbm4b:s5+s3], $0x80, v3, vm0, $0xb8;
	[tilespmem:$0x18100] =	vst v63  }
0xf1: {  	v3 =	vld [tilespmem:$0x0];
	_ =	sdelay $0x4  }
0xf2: {  	v56 =	vshll.u32 v3, $0x1  }
0xf3: {  	v3 =	vand.u32 $0x7, v3;
	v4 =	vand.u32 $0xFFFFFFF0, v56  }
0xf4: {  	v3 =	vor.u32 v3, v4  }
0xf5: {  	v4 =	vperm.xlane v3, v0;
	_ =	sdelay $0x1  }
0xf6: {  	v3 =	vperm.xlane v3, v2;
	v4 =	vadd.s32 v1, v4;
	_ =	sdelay $0x1  }
0xf7: {  	v3 =	vadd.s32 v1, v3;
	_ =	sdelay $0x2  }
0xf8: {  	[tilespmem:s25], [sflag:$0x1] =	stream.indirect_vreg.gather [hbm4b:s2+s3], $0x80, v4, vm0, $0xb8;
	[tilespmem:$0x18100] =	vst v63  }
0xf9: {  	s26 =	simm.s32 $0x10900  }
0xfa: {  	[tilespmem:s26], [sflag:$0x1] =	stream.indirect_vreg.gather [hbm4b:s2+s3], $0x80, v3, vm0, $0xb8;
	[tilespmem:$0x18100] =	vst v63  }
0xfb: {  	v3 =	vld [tilespmem:$0x10];
	_ =	sdelay $0x4  }
0xfc: {  	v57 =	vshll.u32 v3, $0x1  }
0xfd: {  	v3 =	vand.u32 $0x7, v3;
	v4 =	vand.u32 $0xFFFFFFF0, v57  }
0xfe: {  	v3 =	vor.u32 v3, v4  }
0xff: {  	v4 =	vperm.xlane v3, v0;
	_ =	sdelay $0x1  }
0x100: {  	v3 =	vperm.xlane v3, v2;
	v4 =	vadd.s32 v1, v4;
	_ =	sdelay $0x1  }
0x101: {  	v3 =	vadd.s32 v1, v3;
	_ =	sdelay $0x2  }
0x102: {  	[tilespmem:s28], [sflag:$0x1] =	stream.indirect_vreg.gather [hbm4b:s2+s3], $0x80, v4, vm0, $0xb8;
	[tilespmem:$0x18100] =	vst v63  }
0x103: {  	_ = 	snop  }
0x104: {  	[tilespmem:s29], [sflag:$0x1] =	stream.indirect_vreg.gather [hbm4b:s2+s3], $0x80, v3, vm0, $0xb8;
	[tilespmem:$0x18100] =	vst v63  }
0x105: {  	v3 =	vld [tilespmem:$0x20];
	_ =	sdelay $0x4  }
0x106: {  	v58 =	vshll.u32 v3, $0x1  }
0x107: {  	v3 =	vand.u32 $0x7, v3;
	v4 =	vand.u32 $0xFFFFFFF0, v58  }
0x108: {  	v3 =	vor.u32 v3, v4  }
0x109: {  	v4 =	vperm.xlane v3, v0;
	_ =	sdelay $0x1  }
0x10a: {  	v3 =	vperm.xlane v3, v2;
	v4 =	vadd.s32 v1, v4;
	_ =	sdelay $0x1  }
0x10b: {  	v3 =	vadd.s32 v1, v3;
	_ =	sdelay $0x2  }
0x10c: {  	[tilespmem:s30], [sflag:$0x1] =	stream.indirect_vreg.gather [hbm4b:s2+s3], $0x80, v4, vm0, $0xb8;
	[tilespmem:$0x18100] =	vst v63  }
0x10d: {  	_ = 	snop  }
0x10e: {  	[tilespmem:s31], [sflag:$0x1] =	stream.indirect_vreg.gather [hbm4b:s2+s3], $0x80, v3, vm0, $0xb8;
	[tilespmem:$0x18100] =	vst v63  }
0x10f: {  	v3 =	vld [tilespmem:$0x30];
	_ =	sdelay $0x4  }
0x110: {  	v59 =	vshll.u32 v3, $0x1  }
0x111: {  	v3 =	vand.u32 $0x7, v3;
	v4 =	vand.u32 $0xFFFFFFF0, v59  }
0x112: {  	v3 =	vor.u32 v3, v4  }
0x113: {  	v4 =	vperm.xlane v3, v0;
	_ =	sdelay $0x1  }
0x114: {  	v3 =	vperm.xlane v3, v2;
	v4 =	vadd.s32 v1, v4;
	_ =	sdelay $0x1  }
0x115: {  	v3 =	vadd.s32 v1, v3;
	_ =	sdelay $0x2  }
0x116: {  	[tilespmem:s1], [sflag:$0x1] =	stream.indirect_vreg.gather [hbm4b:s2+s3], $0x80, v4, vm0, $0xb8;
	[tilespmem:$0x18100] =	vst v63  }
0x117: {  	_ = 	snop  }
0x118: {  	[tilespmem:s9], [sflag:$0x1] =	stream.indirect_vreg.gather [hbm4b:s2+s3], $0x80, v3, vm0, $0xb8;
	[tilespmem:$0x18100] =	vst v63  }
0x119: {  	v3 =	vld [tilespmem:$0x40];
	_ =	sdelay $0x4  }
0x11a: {  	v60 =	vshll.u32 v3, $0x1  }
0x11b: {  	v3 =	vand.u32 $0x7, v3;
	v4 =	vand.u32 $0xFFFFFFF0, v60  }
0x11c: {  	v3 =	vor.u32 v3, v4  }
0x11d: {  	v4 =	vperm.xlane v3, v0;
	_ =	sdelay $0x1  }
0x11e: {  	v3 =	vperm.xlane v3, v2;
	v4 =	vadd.s32 v1, v4;
	_ =	sdelay $0x1  }
0x11f: {  	v3 =	vadd.s32 v1, v3;
	_ =	sdelay $0x2  }
0x120: {  	[tilespmem:s6], [sflag:$0x1] =	stream.indirect_vreg.gather [hbm4b:s2+s3], $0x80, v4, vm0, $0xb8;
	[tilespmem:$0x18100] =	vst v63  }
0x121: {  	_ = 	snop  }
0x122: {  	[tilespmem:s7], [sflag:$0x1] =	stream.indirect_vreg.gather [hbm4b:s2+s3], $0x80, v3, vm0, $0xb8;
	[tilespmem:$0x18100] =	vst v63  }
0x123: {  	v3 =	vld [tilespmem:$0x50];
	_ =	sdelay $0x4  }
0x124: {  	v61 =	vshll.u32 v3, $0x1  }
0x125: {  	v3 =	vand.u32 $0x7, v3;
	v4 =	vand.u32 $0xFFFFFFF0, v61  }
0x126: {  	v3 =	vor.u32 v3, v4  }
0x127: {  	v4 =	vperm.xlane v3, v0;
	_ =	sdelay $0x1  }
0x128: {  	v3 =	vperm.xlane v3, v2;
	v4 =	vadd.s32 v1, v4;
	_ =	sdelay $0x1  }
0x129: {  	v3 =	vadd.s32 v1, v3;
	_ =	sdelay $0x2  }
0x12a: {  	[tilespmem:s12], [sflag:$0x1] =	stream.indirect_vreg.gather [hbm4b:s2+s3], $0x80, v4, vm0, $0xb8;
	[tilespmem:$0x18100] =	vst v63  }
0x12b: {  	_ = 	snop  }
0x12c: {  	[tilespmem:s14], [sflag:$0x1] =	stream.indirect_vreg.gather [hbm4b:s2+s3], $0x80, v3, vm0, $0xb8;
	[tilespmem:$0x18100] =	vst v63  }
0x12d: {  	v3 =	vld [tilespmem:$0x60];
	_ =	sdelay $0x4  }
0x12e: {  	v62 =	vshll.u32 v3, $0x1  }
0x12f: {  	v3 =	vand.u32 $0x7, v3;
	v4 =	vand.u32 $0xFFFFFFF0, v62  }
0x130: {  	v3 =	vor.u32 v3, v4  }
0x131: {  	v4 =	vperm.xlane v3, v0;
	_ =	sdelay $0x1  }
0x132: {  	v3 =	vperm.xlane v3, v2;
	v4 =	vadd.s32 v1, v4;
	_ =	sdelay $0x1  }
0x133: {  	v3 =	vadd.s32 v1, v3;
	_ =	sdelay $0x2  }
0x134: {  	[tilespmem:s16], [sflag:$0x1] =	stream.indirect_vreg.gather [hbm4b:s2+s3], $0x80, v4, vm0, $0xb8;
	[tilespmem:$0x18100] =	vst v63  }
0x135: {  	_ = 	snop  }
0x136: {  	[tilespmem:s17], [sflag:$0x1] =	stream.indirect_vreg.gather [hbm4b:s2+s3], $0x80, v3, vm0, $0xb8;
	[tilespmem:$0x18100] =	vst v63  }
0x137: {  	v3 =	vld [tilespmem:$0x70];
	_ =	sdelay $0x4  }
0x138: {  	v63 =	vshll.u32 v3, $0x1  }
0x139: {  	v3 =	vand.u32 $0x7, v3;
	v4 =	vand.u32 $0xFFFFFFF0, v63  }
0x13a: {  	v3 =	vor.u32 v3, v4  }
0x13b: {  	v4 =	vperm.xlane v3, v0;
	_ =	sdelay $0x1  }
0x13c: {  	v3 =	vperm.xlane v3, v2;
	v4 =	vadd.s32 v1, v4;
	_ =	sdelay $0x1  }
0x13d: {  	v3 =	vadd.s32 v1, v3;
	_ =	sdelay $0x2  }
0x13e: {  	[tilespmem:s18], [sflag:$0x1] =	stream.indirect_vreg.gather [hbm4b:s2+s3], $0x80, v4, vm0, $0xb8;
	[tilespmem:$0x18100] =	vst v63  }
0x13f: {  	_ = 	snop  }
0x140: {  	[tilespmem:s19], [sflag:$0x1] =	stream.indirect_vreg.gather [hbm4b:s2+s3], $0x80, v3, vm0, $0xb8;
	[tilespmem:$0x18100] =	vst v63  }
0x141: {  	_ =	swait.ge [sflag:s20], $0x8000  }
0x142: {  	[sflag:s20] =	ssyncset.done $0x0  }
0x143: {  	s26 =	sadd.s32 s24, s11;
	[sflag:s20] =	ssyncadd.s32 $0xFFFF8000  }
0x144: {  	[hbm4b:s26+s3] =	stream.linear.scatter [tilespmem:s15], [sflag:$0x2], $0x8000, $0x38;
	[tilespmem:$0x18100] =	vst v63  }
0x145: {  	_ =	swait.ge [sflag:s20], $0x8000  }
0x146: {  	[sflag:s20] =	ssyncset.done $0x0  }
0x147: {  	s26 =	sadd.s32 s24, s10;
	[sflag:s20] =	ssyncadd.s32 $0xFFFF8000  }
0x148: {  	[hbm4b:s26+s3] =	stream.linear.scatter [tilespmem:s0], [sflag:$0x2], $0x8000, $0x38;
	[tilespmem:$0x18100] =	vst v63  }
.Ltmp5:
0x149: {  	_ = 	snop;
	(pc) =	sbr.rel .LBB2_4-.Ltmp5, $4  }
0x14a: {  	_ =	swait.ge [sflag:s20], $0x8000  }
0x14b: {  	[sflag:s20] =	ssyncset.done $0x0  }
0x14c: {  	s26 =	sadd.s32 s24, s8;
	[sflag:s20] =	ssyncadd.s32 $0xFFFF8000  }
0x14d: {  	[hbm4b:s26+s3] =	stream.linear.scatter [tilespmem:s25], [sflag:$0x2], $0x8000, $0x38;
	[tilespmem:$0x18100] =	vst v63  }
.LBB2_6:
0x14e: {  	_ =	sfence.sel $0x180000  }
0x14f: {  	[bflag:$0x0] =	sbarrier.arrive $0xFFFF  }
0x150: {  	_ =	strace $0x9000004A  }
0x151: {  	s0 =	stileid.u32;
	[bflag:$0x2] =	sbarrier.arrive $0xFFFF  }
0x152: {  	p0 =	sne.s32 s0, $0x0;
	s0 =	rddreg [dreg:$0x2]  }
0x153: {  	s0 =	sadd.s32 @!p0 $0x100000, s0  }
0x154: {  	[sflag:s0] =	ssyncadd.tile.s32 @!p0 $0x1;
	_ =	shalt  }
.Lfunc_end2:
_tile_overlayer_lowered:
.L_overlay_start_2:
0x155: {  	(tag) =	ssettag $0x2  }
0x156: {  	s0 =	rddreg [dreg:$0x0];
	s2 =	stileid.u32  }
0x157: {  	s1 =	rddreg [dreg:$0x1];
	p0 =	sne.s32 s2, $0x0  }
0x158: {  	s3 =	rddreg [dreg:$0x2];
	[bflag:$0x3] =	sbarrier.arrive $0xFFFF;
	s2 =	simm.s32 @!p0 $0x1C03  }
0x159: {  	[timem:s3], [sflag:s2] =	dma.local @!p0 [hbm:s0], s1  }
0x15a: {  	s0 =	simm.s32 @!p0 $0x3  }
0x15b: {  	_ =	swait.ge @!p0 [sflag:s0], s1  }
0x15c: {  	s1 =	ssub.s32 @!p0 $0x0, s1;
	[sflag:s0] =	ssyncset.done @!p0 $0x0  }
0x15d: {  	[sflag:s0] =	ssyncadd.s32 @!p0 s1  }
0x15e: {  	[bflag:$0x3] =	sbarrier.arrive $0xFFFF  }
0x15f: {  	_ =	shalt  }

// kernel: kernel.15.cloned.1.call-start
scs
__scs_entry_jumppad:
0x0: {  	(pc) =	sbr.rel $0x88, $3  }
0x1: {  	(tag) =	ssettag $0x0;
	lr =	simm.s32 $0x1  }
0x2: {  	[smem:$0x3F8E] =	sst lr;
	_ =	strace $0xD0000000  }
0x3: {  	_ = 	snop  }
0x4: {  	_ = 	snop  }
0x5: {  	_ = 	snop  }
0x6: {  	_ = 	snop  }
0x7: {  	_ = 	snop  }
__scs_overlays_trampoline_lowered:
0x8: {  	[smem:$0x3F9D] =	sst s0  }
0x9: {  	[smem:$0x3F9E] =	sst s1  }
0xa: {  	[smem:$0x3F9F] =	sst s2  }
0xb: {  	[smem:$0x3FA0] =	sst s3  }
0xc: {  	[smem:$0x3FA1] =	sst s4  }
0xd: {  	[smem:$0x3FA2] =	sst s5  }
0xe: {  	[smem:$0x3FA3] =	sst s6  }
0xf: {  	[smem:$0x3FA4] =	sst s7  }
0x10: {  	[smem:$0x3FA5] =	sst s8  }
0x11: {  	[smem:$0x3FA6] =	sst s9;
	s0 =	simm.s32 @!p0 $0x0  }
0x12: {  	s1 =	sld [smem:$0x3F8C];
	s0 =	simm.s32 @p0 $0x1  }
0x13: {  	[smem:$0x3FA7] =	sst s0;
	s0 =	simm.s32 @!p1 $0x0  }
0x14: {  	s2 =	sld [smem:$0x3F8B];
	s0 =	simm.s32 @p1 $0x1  }
0x15: {  	[smem:$0x3FA8] =	sst s0;
	s0 =	simm.s32 @!p2 $0x0  }
0x16: {  	s3 =	sld [smem:$0x3FDB];
	s0 =	simm.s32 @p2 $0x1  }
0x17: {  	s4 =	simm.s32 $0x1BF5;
	[smem:$0x3FAA] =	sst s0  }
0x18: {  	s0 =	sld [smem:$0x3F8D];
	_ =	swait.ge [sflag:s4], $0x0  }
0x19: {  	s7 =	sld [smem:$0x3F8E]  }
0x1a: {  	s8 =	sadd.s32 $0xFFFFE003, lr  }
0x1b: {  	s9 =	sadd.s32 $0xFFFFFEF7, lr;
	s5 =	simm.s32 $0xFFFFFFFF;
	p2 =	slt.u32 s8, $0xFFFFF086  }
0x1c: {  	p1 =	slt.u32 s9, $0xF7A;
	s5 =	simm.s32 @!p2 $0x0  }
0x1d: {  	s5 =	simm.s32 @p1 $0x1;
	p0 =	seq.s32 s7, s2  }
0x1e: {  	s7 =	smul.u32 @!p0 $0xF7A, s2;
	p2 =	seq.s32 @!p0 s5, $0x0  }
0x1f: {  	s9 =	smul.u32 $0xF7A, s1;
	s8 =	simm.s32 @!p0 $0x1BF5;
	p2 =	por !p2, p0  }
0x20: {  	[sflag:s8] =	ssyncset.s32 @!p0 $0xFFFFF086;
	s6 =	sadd.s32 @!p0 s3, s7;
	s7 =	simm.s32 @!p0 $0x108  }
0x21: {  	s3 =	sadd.s32 s3, s9;
	s6 =	sadd.s32 @!p0 $0x88, s6;
	s7 =	simm.s32 @p2 $0x1082  }
0x22: {  	[simem:s7], [sflag:s8] =	dma.local @!p0 [hbm:s6], $0xF7A  }
0x23: {  	s9 =	sor.u32 $0xD0000000, s2;
	s6 =	simm.s32 $0x108;
	_ =	swait.ge @!p0 [sflag:s8], $0x0  }
0x24: {  	s3 =	sadd.s32 $0x88, s3;
	s6 =	simm.s32 @!p1 $0x1082;
	[sflag:s4] =	ssyncset.s32 $0xFFFFF086  }
0x25: {  	[simem:s6], [sflag:s4] =	dma.local [hbm:s3], $0xF7A  }
0x26: {  	[smem:$0x3F8E] =	sst s1;
	(tag) =	ssettag s2;
	_ =	strace s9  }
0x27: {  	s1 =	sld [smem:$0x3F9E]  }
0x28: {  	s2 =	sld [smem:$0x3F9F]  }
0x29: {  	s4 =	sld [smem:$0x3FA1]  }
0x2a: {  	p0 =	seq.s32 s5, $0x0;
	s5 =	sld [smem:$0x3FA2]  }
0x2b: {  	s6 =	sld [smem:$0x3FA3]  }
0x2c: {  	s7 =	sld [smem:$0x3FA4]  }
0x2d: {  	s3 =	simm.s32 $0x108;
	s8 =	sld [smem:$0x3FA5]  }
0x2e: {  	s3 =	simm.s32 @!p0 $0x1082;
	s9 =	sld [smem:$0x3FA6]  }
0x2f: {  	lr =	sadd.s32 s0, s3;
	s0 =	sld [smem:$0x3F9D]  }
0x30: {  	s3 =	sld [smem:$0x3FA0]  }
0x31: {  	[smem:$0x3FA9] =	sst s10  }
0x32: {  	s10 =	sld [smem:$0x3FA7];
	_ =	sdelay $0x3  }
0x33: {  	p0 =	seq.s32 s10, $0x1;
	s10 =	sld [smem:$0x3FA9];
	_ =	sdelay $0x3  }
0x34: {  	[smem:$0x3FA9] =	sst s10  }
0x35: {  	s10 =	sld [smem:$0x3FA8];
	_ =	sdelay $0x3  }
0x36: {  	p1 =	seq.s32 s10, $0x1;
	s10 =	sld [smem:$0x3FA9];
	_ =	sdelay $0x3  }
0x37: {  	[smem:$0x3FA9] =	sst s10  }
0x38: {  	s10 =	sld [smem:$0x3FAA]  }
0x39: {  	_ = 	snop;
	(pc) =	sbr.ind lr, $3  }
0x3a: {  	_ = 	snop  }
0x3b: {  	_ = 	snop  }
0x3c: {  	p2 =	seq.s32 s10, $0x1;
	s10 =	sld [smem:$0x3FA9]  }
0x3d: {  	_ =	shalt  }
0x3e: {  	_ =	shalt  }
0x3f: {  	_ =	shalt  }
0x40: {  	_ =	shalt  }
0x41: {  	_ =	shalt  }
0x42: {  	_ =	shalt  }
0x43: {  	_ =	shalt  }
0x44: {  	_ =	shalt  }
0x45: {  	_ =	shalt  }
0x46: {  	_ =	shalt  }
0x47: {  	_ =	shalt  }
0x48: {  	_ =	shalt  }
0x49: {  	_ =	shalt  }
0x4a: {  	_ =	shalt  }
0x4b: {  	_ =	shalt  }
0x4c: {  	_ =	shalt  }
0x4d: {  	_ =	shalt  }
0x4e: {  	_ =	shalt  }
0x4f: {  	_ =	shalt  }
0x50: {  	_ =	shalt  }
0x51: {  	_ =	shalt  }
0x52: {  	_ =	shalt  }
0x53: {  	_ =	shalt  }
0x54: {  	_ =	shalt  }
0x55: {  	_ =	shalt  }
0x56: {  	_ =	shalt  }
0x57: {  	_ =	shalt  }
0x58: {  	_ =	shalt  }
0x59: {  	_ =	shalt  }
0x5a: {  	_ =	shalt  }
0x5b: {  	_ =	shalt  }
0x5c: {  	_ =	shalt  }
0x5d: {  	_ =	shalt  }
0x5e: {  	_ =	shalt  }
0x5f: {  	_ =	shalt  }
0x60: {  	_ =	shalt  }
0x61: {  	_ =	shalt  }
0x62: {  	_ =	shalt  }
0x63: {  	_ =	shalt  }
0x64: {  	_ =	shalt  }
0x65: {  	_ =	shalt  }
0x66: {  	_ =	shalt  }
0x67: {  	_ =	shalt  }
0x68: {  	_ =	shalt  }
0x69: {  	_ =	shalt  }
0x6a: {  	_ =	shalt  }
0x6b: {  	_ =	shalt  }
0x6c: {  	_ =	shalt  }
0x6d: {  	_ =	shalt  }
0x6e: {  	_ =	shalt  }
0x6f: {  	_ =	shalt  }
0x70: {  	_ =	shalt  }
0x71: {  	_ =	shalt  }
0x72: {  	_ =	shalt  }
0x73: {  	_ =	shalt  }
0x74: {  	_ =	shalt  }
0x75: {  	_ =	shalt  }
0x76: {  	_ =	shalt  }
0x77: {  	_ =	shalt  }
0x78: {  	_ =	shalt  }
0x79: {  	_ =	shalt  }
0x7a: {  	_ =	shalt  }
0x7b: {  	_ =	shalt  }
0x7c: {  	_ =	shalt  }
0x7d: {  	_ =	shalt  }
0x7e: {  	_ =	shalt  }
0x7f: {  	_ =	shalt  }
0x80: {  	_ =	shalt  }
0x81: {  	_ =	shalt  }
0x82: {  	_ =	shalt  }
0x83: {  	_ =	shalt  }
0x84: {  	_ =	shalt  }
0x85: {  	_ =	shalt  }
0x86: {  	_ =	shalt  }
0x87: {  	_ =	shalt  }
.Lfunc_end0:
.L_simem_size_0:
called_computation.1_lowered:
.L_overlay_start_0:
0x88: {  	s2 =	sld [smem:$0x3FD9]  }
0x89: {  	s3 =	sld [smem:$0x3FFE];
	_ =	sdelay $0x1  }
0x8a: {  	s1 =	srdreg.scid  }
0x8b: {  	s0 =	sand.u32 $0x1, s1  }
0x8c: {  	s17 =	sshll.u32 s0, $0xA;
	s2 =	sadd.s32 s3, s2  }
0x8d: {  	s2 =	sadd.s32 s2, s17  }
0x8e: {  	[smem:$0x3FB5] =	sst s2  }
0x8f: {  	_ = 	snop  }
0x90: {  	s2 =	sld [smem:$0x3FD0];
	(tm) =	ssettm $0x1  }
0x91: {  	s18 =	sld [smem:$0x3FFB];
	_ =	sdelay $0x3  }
0x92: {  	_ =	strace s18  }
0x93: {  	s3 =	sld [smem:$0x3FFC];
	_ =	sdelay $0x3  }
0x94: {  	_ =	strace s3  }
0x95: {  	s3 =	sld [smem:$0x3FFD];
	_ =	sdelay $0x3  }
0x96: {  	_ =	strace s3  }
0x97: {  	_ =	strace $0x8FFFFFFF  }
0x98: {  	s19 =	sld [smem:$0x3FDB];
	_ =	sdelay $0x1  }
0x99: {  	s4 =	simm.s32 $_scs_section_size  }
0x9a: {  	s5 =	simm.s32 $_size__tile_overlayer_lowered;
	s6 =	simm.s32 $_tile_overlayer_lowered  }
0x9b: {  	s22 =	simm.s32 $0x1BFF;
	s21 =	sshll.u32 s6, $0x1;
	s3 =	sadd.s32 s4, s19  }
0x9c: {  	s7 =	simm.s32 $0x0;
	s20 =	sshll.u32 s5, $0x1;
	s5 =	sadd.s32 s21, s3  }
0x9d: {  	[timem:s7], [sflag:s22] =	dma.local [hbm:s5], s20  }
0x9e: {  	_ =	swait.ge [sflag:s22], s20  }
0x9f: {  	s4 =	ssub.s32 $0x0, s20;
	[sflag:s22] =	ssyncset.done $0x0  }
0xa0: {  	[sflag:s22] =	ssyncadd.s32 s4;
	_ =	sdelay $0x1  }
0xa1: {  	s23 =	simm.s32 $0x1B8B  }
0xa2: {  	_ =	swait.ge [sflag:s23], $0x1  }
0xa3: {  	[sflag:s23] =	ssyncset.done $0x0  }
0xa4: {  	s25 =	simm.s32 $0x1B8E;
	s24 =	sld [smem:$0x3FFE];
	[sflag:s23] =	ssyncadd.s32 $0xFFFFFFFF  }
0xa5: {  	s26 =	simm.s32 $execute0_lowered;
	[smem:$0x3FD2] =	sst s25  }
0xa6: {  	s5 =	sshll.u32 s26, $0x1;
	_ =	strace $0x80000046;
	[dreg:$0x1] =	wrdreg $0xFFFFFFFF  }
0xa7: {  	s28 =	simm.s32 $_size_execute0_lowered;
	s3 =	sadd.s32 s3, s5;
	[dreg:$0x0] =	wrdreg $0x0  }
0xa8: {  	s5 =	sshll.u32 s28, $0x1;
	[dreg:$0x2] =	wrdreg s3  }
0xa9: {  	[dreg:$0x3] =	wrdreg s5  }
0xaa: {  	[dreg:$0x4] =	wrdreg $0xC0  }
0xab: {  	_ =	task [dreg:s7], $0x5FFFF  }
0xac: {  	[dreg:$0x1] =	wrdreg $0xFFFFFFFF  }
0xad: {  	[dreg:$0x0] =	wrdreg $0x60  }
0xae: {  	[dreg:$0x2] =	wrdreg s24  }
0xaf: {  	[dreg:$0x3] =	wrdreg s2  }
0xb0: {  	[dreg:$0x4] =	wrdreg $0x9  }
0xb1: {  	_ =	task.clear_ibuf [dreg:s7], $0x5FFFF;
	_ =	strace $0x90000046  }
0xb2: {  	s29 =	simm.s32 $0x9;
	_ =	strace $0x80000048  }
0xb3: {  	_ =	swait.ge [sflag:s29], $0x1  }
0xb4: {  	[sflag:s29] =	ssyncadd.s32 $0xFFFFFFFF  }
0xb5: {  	_ =	strace $0x90000048  }
0xb6: {  	_ =	sfence  }
0xb7: {  	s30 =	sld [smem:$0x0];
	_ =	sdelay $0x2  }
0xb8: {  	s31 =	sshll.u32 s1, $0xD;
	s1 =	sshrl.u32 s1, $0x2  }
0xb9: {  	s3 =	sand.u32 $0x4000, s31;
	s1 =	sadd.s32 s1, s30  }
0xba: {  	s0 =	sor.u32 s3, s0;
	s1 =	sshll.u32 s1, $0x11  }
0xbb: {  	s0 =	sor.u32 s1, s0  }
0xbc: {  	s0 =	sadd.s32 $0x8F2B, s0  }
0xbd: {  	[sflag:s0] =	ssyncadd.remote.s32 $0x1  }
0xbe: {  	_ =	sfence.sel $0xFFFF  }
0xbf: {  	[dreg:$0x0] =	wrdreg $0xFFFFFFFF;
	(pc) =	sbr.abs _section_cstart, $3  }
0xc0: {  	[dreg:$0x1] =	wrdreg $0xFFFFFFFF  }
0xc1: {  	_ =	task.clear_ibuf [dreg:s7], $0x2FFFF;
	_ =	strace $0x9FFFFFFF  }
0xc2: {  	(tm) =	ssettm $0x7FFFFFFF  }
0xc3: {  	_ =	shalt  }
tec
execute0_lowered:
.L_overlay_start_1:
0x0: {  	(tag) =	ssettag $0x1  }
0x1: {  	s0 =	rddreg [dreg:$0x0]  }
0x2: {  	s2 =	rddreg [dreg:$0x1];
	s3 =	simm.s32 $0x0  }
0x3: {  	s10 =	stileid.u32;
	s4 =	srdreg.scid;
	s13 =	simm.s32 $0x3  }
0x4: {  	s15 =	simm.s32 $0x100;
	s28 =	simm.s32 $0x11100;
	s29 =	simm.s32 $0x11900  }
0x5: {  	s30 =	simm.s32 $0x12100;
	s31 =	simm.s32 $0x12900;
	s14 =	simm.s32 $0x15900  }
0x6: {  	s16 =	simm.s32 $0x16100;
	s17 =	simm.s32 $0x16900;
	s18 =	simm.s32 $0x17100  }
0x7: {  	s19 =	simm.s32 $0x17900;
	s20 =	simm.s32 $0x1;
	[smem:$0x7FF] =	sst s3  }
0x8: {  	s1 =	sshll.u32 s10, $0x5;
	s6 =	sand.u32 $0x1, s4;
	s4 =	sadd.s32 $0xDA00, s0  }
0x9: {  	s7 =	sshll.u32 s10, $0xD;
	s5 =	sadd.s32 $0x5BC00, s0;
	s12 =	sshll.u32 s10, $0x1  }
0xa: {  	_ =	strace $0x80000047;
	s1 =	sadd.s32 s1, s0;
	s8 =	ssub.s32 $0x2, s6  }
0xb: {  	s0 =	sadd.s32 s7, s0;
	s24 =	sshll.u32 s6, $0x4;
	s9 =	sshll.u32 s6, $0xC  }
0xc: {  	s26 =	sor.u32 s6, s12;
	s6 =	simm.s32 $0x13900;
	s12 =	simm.s32 $0x15100  }
0xd: {  	s23 =	sshrl.u32 s8, $0x1;
	s1 =	sadd.s32 s24, s1;
	s0 =	sadd.s32 s9, s0  }
0xe: {  	[dreg:$0x6] =	wrdreg s26;
	s9 =	simm.s32 $0x14900;
	s7 =	ssub.s32 s8, s23  }
.Ltmp0:
0xf: {  	s25 =	sadd.s32 $0x6110, s1;
	s8 =	sadd.s32 $0x58BE00, s0;
	(pc) =	sbr.rel .LBB2_1-.Ltmp0, $4  }
0x10: {  	s1 =	sadd.s32 $0xB110, s1;
	s10 =	sadd.s32 $0x31AE00, s0;
	s11 =	sadd.s32 $0xA9E00, s0  }
0x11: {  	v2 =	vlaneseq.u32;
	s0 =	simm.s32 $0x8100;
	s23 =	simm.s32 $0x0;
	[dreg:$0x4] =	wrdreg s25  }
0x12: {  	vm0 =	vmmov $0xffff;
	v1 =	vshrl.u32 v2, $0x3;
	s7 =	smax.u32 s7, $0x1;
	[dreg:$0x5] =	wrdreg s1;
	s25 =	simm.s32 $0x10100  }
0x13: {  	v0 =	vand.u32 $0x7, v2;
	v2 =	vor.u32 $0x8, v2;
	v1 =	vmul.u32 $0x8, v1;
	s1 =	simm.s32 $0x13100;
	[dreg:$0x3] =	wrdreg s7;
	s7 =	simm.s32 $0x14100  }
.LBB2_5:
0x14: {  	s22 =	simm.s32 $0x2  }
0x15: {  	_ =	swait.ge [sflag:s22], $0x8000  }
0x16: {  	[sflag:s22] =	ssyncset.done $0x0  }
0x17: {  	[sflag:s22] =	ssyncadd.s32 $0xFFFF8000  }
0x18: {  	_ =	swait.ge [sflag:s22], $0x8000  }
0x19: {  	[sflag:s22] =	ssyncset.done $0x0  }
0x1a: {  	[sflag:s22] =	ssyncadd.s32 $0xFFFF8000  }
0x1b: {  	_ =	swait.ge [sflag:s22], $0x8000  }
0x1c: {  	s23 =	rddreg [dreg:$0x7]  }
0x1d: {  	s21 =	rddreg [dreg:$0x3];
	s23 =	sadd.s32 $0x1, s23  }
0x1e: {  	p0 =	sne.s32 s23, s21  }
.Ltmp1:
0x1f: {  	_ = 	snop;
	(pc) =	sbr.rel @!p0 .LBB2_6-.Ltmp1, $3  }
0x20: {  	_ =	sdelay $0x1  }
0x21: {  	[sflag:s22] =	ssyncset.done $0x0  }
0x22: {  	[sflag:s22] =	ssyncadd.s32 $0xFFFF8000  }
.LBB2_1:
.Ltmp2:
0x23: {  	(pc) =	sbr.rel .LBB2_2-.Ltmp2, $4  }
0x24: {  	[dreg:$0x7] =	wrdreg s23  }
0x25: {  	s21 =	rddreg [dreg:$0x6]  }
0x26: {  	s22 =	rddreg [dreg:$0x5]  }
0x27: {  	s23 =	rddreg [dreg:$0x4];
	s24 =	simm.s32 $0x0  }
.LBB2_4:
0x28: {  	s24 =	sadd.s32 $0x20000, s24  }
0x29: {  	p0 =	sne.s32 s24, $0x280000  }
.Ltmp3:
0x2a: {  	_ = 	snop;
	(pc) =	sbr.rel @!p0 .LBB2_5-.Ltmp3, $2  }
0x2b: {  	_ =	sdelay $0x2  }
0x2c: {  	s23 =	sadd.s32 $0x200, s23;
	s22 =	sadd.s32 $0x200, s22;
	s21 =	sadd.s32 $0x20, s21  }
.LBB2_2:
0x2d: {  	p0 =	sgt.u32 s21, $0x270  }
.Ltmp4:
0x2e: {  	_ = 	snop;
	(pc) =	sbr.rel @p0 .LBB2_4-.Ltmp4, $1  }
0x2f: {  	_ =	sdelay $0x3  }
0x30: {  	p0 =	seq.s32 s24, $0x0  }
0x31: {  	s26 =	simm.s32 @!p0 $0x2  }
0x32: {  	_ =	swait.ge @!p0 [sflag:s26], $0x8000  }
0x33: {  	[sflag:s26] =	ssyncset.done @!p0 $0x0  }
0x34: {  	[sflag:s26] =	ssyncadd.s32 @!p0 $0xFFFF8000  }
0x35: {  	_ =	swait.ge @!p0 [sflag:s26], $0x8000  }
0x36: {  	[sflag:s26] =	ssyncset.done @!p0 $0x0  }
0x37: {  	[sflag:s26] =	ssyncadd.s32 @!p0 $0xFFFF8000  }
0x38: {  	_ =	swait.ge @!p0 [sflag:s26], $0x8000  }
0x39: {  	[sflag:s26] =	ssyncset.done @!p0 $0x0  }
0x3a: {  	[sflag:s26] =	ssyncadd.s32 @!p0 $0xFFFF8000  }
0x3b: {  	[tilespmem:s3], [sflag:$0x3] =	stream.linear.gather [hbm4b:s23+s3], $0x80, $0x38;
	[tilespmem:$0x18100] =	vst v63  }
0x3c: {  	_ =	swait.ge [sflag:s13], $0x80  }
0x3d: {  	[sflag:s13] =	ssyncset.done $0x0  }
0x3e: {  	s26 =	simm.s32 $0x80;
	[sflag:s13] =	ssyncadd.s32 $0xFFFFFF80  }
0x3f: {  	[tilespmem:s26], [sflag:$0x3] =	stream.linear.gather [hbm4b:s22+s3], $0x80, $0x38;
	[tilespmem:$0x18100] =	vst v63  }
0x40: {  	_ =	swait.ge [sflag:s13], $0x80  }
0x41: {  	[sflag:s13] =	ssyncset.done $0x0  }
0x42: {  	[sflag:s13] =	ssyncadd.s32 $0xFFFFFF80  }
0x43: {  	v3 =	vld [tilespmem:$0x0];
	_ =	sdelay $0x4  }
0x44: {  	v4 =	vshll.u32 v3, $0x1  }
0x45: {  	v3 =	vand.u32 $0x7, v3;
	v4 =	vand.u32 $0xFFFFFFF0, v4  }
0x46: {  	v3 =	vor.u32 v3, v4  }
0x47: {  	v4 =	vperm.xlane v3, v0;
	_ =	sdelay $0x1  }
0x48: {  	v3 =	vperm.xlane v3, v2;
	v4 =	vadd.s32 v1, v4;
	_ =	sdelay $0x1  }
0x49: {  	v3 =	vadd.s32 v1, v3;
	_ =	sdelay $0x2  }
0x4a: {  	[tilespmem:s15], [sflag:$0x1] =	stream.indirect_vreg.gather [hbm4b:s4+s3], $0x80, v4, vm0, $0xb8;
	[tilespmem:$0x18100] =	vst v63  }
0x4b: {  	s26 =	simm.s32 $0x900  }
0x4c: {  	[tilespmem:s26], [sflag:$0x1] =	stream.indirect_vreg.gather [hbm4b:s4+s3], $0x80, v3, vm0, $0xb8;
	[tilespmem:$0x18100] =	vst v63  }
0x4d: {  	v3 =	vld [tilespmem:$0x10];
	_ =	sdelay $0x4  }
0x4e: {  	v41 =	vshll.u32 v3, $0x1  }
0x4f: {  	v3 =	vand.u32 $0x7, v3;
	v4 =	vand.u32 $0xFFFFFFF0, v41  }
0x50: {  	v3 =	vor.u32 v3, v4  }
0x51: {  	v4 =	vperm.xlane v3, v0;
	_ =	sdelay $0x1  }
0x52: {  	v3 =	vperm.xlane v3, v2;
	v4 =	vadd.s32 v1, v4;
	_ =	sdelay $0x1  }
0x53: {  	v3 =	vadd.s32 v1, v3;
	_ =	sdelay $0x1  }
0x54: {  	s26 =	simm.s32 $0x1100  }
0x55: {  	[tilespmem:s26], [sflag:$0x1] =	stream.indirect_vreg.gather [hbm4b:s4+s3], $0x80, v4, vm0, $0xb8;
	[tilespmem:$0x18100] =	vst v63  }
0x56: {  	s26 =	simm.s32 $0x1900  }
0x57: {  	[tilespmem:s26], [sflag:$0x1] =	stream.indirect_vreg.gather [hbm4b:s4+s3], $0x80, v3, vm0, $0xb8;
	[tilespmem:$0x18100] =	vst v63  }
0x58: {  	v3 =	vld [tilespmem:$0x20];
	_ =	sdelay $0x4  }
0x59: {  	v42 =	vshll.u32 v3, $0x1  }
0x5a: {  	v3 =	vand.u32 $0x7, v3;
	v4 =	vand.u32 $0xFFFFFFF0, v42  }
0x5b: {  	v3 =	vor.u32 v3, v4  }
0x5c: {  	v4 =	vperm.xlane v3, v0;
	_ =	sdelay $0x1  }
0x5d: {  	v3 =	vperm.xlane v3, v2;
	v4 =	vadd.s32 v1, v4;
	_ =	sdelay $0x1  }
0x5e: {  	v3 =	vadd.s32 v1, v3;
	_ =	sdelay $0x1  }
0x5f: {  	s26 =	simm.s32 $0x2100  }
0x60: {  	[tilespmem:s26], [sflag:$0x1] =	stream.indirect_vreg.gather [hbm4b:s4+s3], $0x80, v4, vm0, $0xb8;
	[tilespmem:$0x18100] =	vst v63  }
0x61: {  	s26 =	simm.s32 $0x2900  }
0x62: {  	[tilespmem:s26], [sflag:$0x1] =	stream.indirect_vreg.gather [hbm4b:s4+s3], $0x80, v3, vm0, $0xb8;
	[tilespmem:$0x18100] =	vst v63  }
0x63: {  	v3 =	vld [tilespmem:$0x30];
	_ =	sdelay $0x4  }
0x64: {  	v43 =	vshll.u32 v3, $0x1  }
0x65: {  	v3 =	vand.u32 $0x7, v3;
	v4 =	vand.u32 $0xFFFFFFF0, v43  }
0x66: {  	v3 =	vor.u32 v3, v4  }
0x67: {  	v4 =	vperm.xlane v3, v0;
	_ =	sdelay $0x1  }
0x68: {  	v3 =	vperm.xlane v3, v2;
	v4 =	vadd.s32 v1, v4;
	_ =	sdelay $0x1  }
0x69: {  	v3 =	vadd.s32 v1, v3;
	_ =	sdelay $0x1  }
0x6a: {  	s26 =	simm.s32 $0x3100  }
0x6b: {  	[tilespmem:s26], [sflag:$0x1] =	stream.indirect_vreg.gather [hbm4b:s4+s3], $0x80, v4, vm0, $0xb8;
	[tilespmem:$0x18100] =	vst v63  }
0x6c: {  	s26 =	simm.s32 $0x3900  }
0x6d: {  	[tilespmem:s26], [sflag:$0x1] =	stream.indirect_vreg.gather [hbm4b:s4+s3], $0x80, v3, vm0, $0xb8;
	[tilespmem:$0x18100] =	vst v63  }
0x6e: {  	v3 =	vld [tilespmem:$0x40];
	_ =	sdelay $0x4  }
0x6f: {  	v44 =	vshll.u32 v3, $0x1  }
0x70: {  	v3 =	vand.u32 $0x7, v3;
	v4 =	vand.u32 $0xFFFFFFF0, v44  }
0x71: {  	v3 =	vor.u32 v3, v4  }
0x72: {  	v4 =	vperm.xlane v3, v0;
	_ =	sdelay $0x1  }
0x73: {  	v3 =	vperm.xlane v3, v2;
	v4 =	vadd.s32 v1, v4;
	_ =	sdelay $0x1  }
0x74: {  	v3 =	vadd.s32 v1, v3;
	_ =	sdelay $0x1  }
0x75: {  	s26 =	simm.s32 $0x4100  }
0x76: {  	[tilespmem:s26], [sflag:$0x1] =	stream.indirect_vreg.gather [hbm4b:s4+s3], $0x80, v4, vm0, $0xb8;
	[tilespmem:$0x18100] =	vst v63  }
0x77: {  	s26 =	simm.s32 $0x4900  }
0x78: {  	[tilespmem:s26], [sflag:$0x1] =	stream.indirect_vreg.gather [hbm4b:s4+s3], $0x80, v3, vm0, $0xb8;
	[tilespmem:$0x18100] =	vst v63  }
0x79: {  	v3 =	vld [tilespmem:$0x50];
	_ =	sdelay $0x4  }
0x7a: {  	v45 =	vshll.u32 v3, $0x1  }
0x7b: {  	v3 =	vand.u32 $0x7, v3;
	v4 =	vand.u32 $0xFFFFFFF0, v45  }
0x7c: {  	v3 =	vor.u32 v3, v4  }
0x7d: {  	v4 =	vperm.xlane v3, v0;
	_ =	sdelay $0x1  }
0x7e: {  	v3 =	vperm.xlane v3, v2;
	v4 =	vadd.s32 v1, v4;
	_ =	sdelay $0x1  }
0x7f: {  	v3 =	vadd.s32 v1, v3;
	_ =	sdelay $0x1  }
0x80: {  	s26 =	simm.s32 $0x5100  }
0x81: {  	[tilespmem:s26], [sflag:$0x1] =	stream.indirect_vreg.gather [hbm4b:s4+s3], $0x80, v4, vm0, $0xb8;
	[tilespmem:$0x18100] =	vst v63  }
0x82: {  	s26 =	simm.s32 $0x5900  }
0x83: {  	[tilespmem:s26], [sflag:$0x1] =	stream.indirect_vreg.gather [hbm4b:s4+s3], $0x80, v3, vm0, $0xb8;
	[tilespmem:$0x18100] =	vst v63  }
0x84: {  	v3 =	vld [tilespmem:$0x60];
	_ =	sdelay $0x4  }
0x85: {  	v46 =	vshll.u32 v3, $0x1  }
0x86: {  	v3 =	vand.u32 $0x7, v3;
	v4 =	vand.u32 $0xFFFFFFF0, v46  }
0x87: {  	v3 =	vor.u32 v3, v4  }
0x88: {  	v4 =	vperm.xlane v3, v0;
	_ =	sdelay $0x1  }
0x89: {  	v3 =	vperm.xlane v3, v2;
	v4 =	vadd.s32 v1, v4;
	_ =	sdelay $0x1  }
0x8a: {  	v3 =	vadd.s32 v1, v3;
	_ =	sdelay $0x1  }
0x8b: {  	s26 =	simm.s32 $0x6100  }
0x8c: {  	[tilespmem:s26], [sflag:$0x1] =	stream.indirect_vreg.gather [hbm4b:s4+s3], $0x80, v4, vm0, $0xb8;
	[tilespmem:$0x18100] =	vst v63  }
0x8d: {  	s26 =	simm.s32 $0x6900  }
0x8e: {  	[tilespmem:s26], [sflag:$0x1] =	stream.indirect_vreg.gather [hbm4b:s4+s3], $0x80, v3, vm0, $0xb8;
	[tilespmem:$0x18100] =	vst v63  }
0x8f: {  	v3 =	vld [tilespmem:$0x70];
	_ =	sdelay $0x4  }
0x90: {  	v47 =	vshll.u32 v3, $0x1  }
0x91: {  	v3 =	vand.u32 $0x7, v3;
	v4 =	vand.u32 $0xFFFFFFF0, v47  }
0x92: {  	v3 =	vor.u32 v3, v4  }
0x93: {  	v4 =	vperm.xlane v3, v0;
	_ =	sdelay $0x1  }
0x94: {  	v3 =	vperm.xlane v3, v2;
	v4 =	vadd.s32 v1, v4;
	_ =	sdelay $0x1  }
0x95: {  	v3 =	vadd.s32 v1, v3;
	_ =	sdelay $0x1  }
0x96: {  	s26 =	simm.s32 $0x7100  }
0x97: {  	[tilespmem:s26], [sflag:$0x1] =	stream.indirect_vreg.gather [hbm4b:s4+s3], $0x80, v4, vm0, $0xb8;
	[tilespmem:$0x18100] =	vst v63  }
0x98: {  	s26 =	simm.s32 $0x7900  }
0x99: {  	[tilespmem:s26], [sflag:$0x1] =	stream.indirect_vreg.gather [hbm4b:s4+s3], $0x80, v3, vm0, $0xb8;
	[tilespmem:$0x18100] =	vst v63  }
0x9a: {  	v3 =	vld [tilespmem:$0x80];
	_ =	sdelay $0x4  }
0x9b: {  	v48 =	vshll.u32 v3, $0x1  }
0x9c: {  	v3 =	vand.u32 $0x7, v3;
	v4 =	vand.u32 $0xFFFFFFF0, v48  }
0x9d: {  	v3 =	vor.u32 v3, v4  }
0x9e: {  	v4 =	vperm.xlane v3, v0;
	_ =	sdelay $0x1  }
0x9f: {  	v3 =	vperm.xlane v3, v2;
	v4 =	vadd.s32 v1, v4;
	_ =	sdelay $0x1  }
0xa0: {  	v3 =	vadd.s32 v1, v3;
	_ =	sdelay $0x2  }
0xa1: {  	[tilespmem:s0], [sflag:$0x1] =	stream.indirect_vreg.gather [hbm4b:s5+s3], $0x80, v4, vm0, $0xb8;
	[tilespmem:$0x18100] =	vst v63  }
0xa2: {  	s26 =	simm.s32 $0x8900  }
0xa3: {  	[tilespmem:s26], [sflag:$0x1] =	stream.indirect_vreg.gather [hbm4b:s5+s3], $0x80, v3, vm0, $0xb8;
	[tilespmem:$0x18100] =	vst v63  }
0xa4: {  	v3 =	vld [tilespmem:$0x90];
	_ =	sdelay $0x4  }
0xa5: {  	v49 =	vshll.u32 v3, $0x1  }
0xa6: {  	v3 =	vand.u32 $0x7, v3;
	v4 =	vand.u32 $0xFFFFFFF0, v49  }
0xa7: {  	v3 =	vor.u32 v3, v4  }
0xa8: {  	v4 =	vperm.xlane v3, v0;
	_ =	sdelay $0x1  }
0xa9: {  	v3 =	vperm.xlane v3, v2;
	v4 =	vadd.s32 v1, v4;
	_ =	sdelay $0x1  }
0xaa: {  	v3 =	vadd.s32 v1, v3;
	_ =	sdelay $0x1  }
0xab: {  	s26 =	simm.s32 $0x9100  }
0xac: {  	[tilespmem:s26], [sflag:$0x1] =	stream.indirect_vreg.gather [hbm4b:s5+s3], $0x80, v4, vm0, $0xb8;
	[tilespmem:$0x18100] =	vst v63  }
0xad: {  	s26 =	simm.s32 $0x9900  }
0xae: {  	[tilespmem:s26], [sflag:$0x1] =	stream.indirect_vreg.gather [hbm4b:s5+s3], $0x80, v3, vm0, $0xb8;
	[tilespmem:$0x18100] =	vst v63  }
0xaf: {  	v3 =	vld [tilespmem:$0xA0];
	_ =	sdelay $0x4  }
0xb0: {  	v50 =	vshll.u32 v3, $0x1  }
0xb1: {  	v3 =	vand.u32 $0x7, v3;
	v4 =	vand.u32 $0xFFFFFFF0, v50  }
0xb2: {  	v3 =	vor.u32 v3, v4  }
0xb3: {  	v4 =	vperm.xlane v3, v0;
	_ =	sdelay $0x1  }
0xb4: {  	v3 =	vperm.xlane v3, v2;
	v4 =	vadd.s32 v1, v4;
	_ =	sdelay $0x1  }
0xb5: {  	v3 =	vadd.s32 v1, v3;
	_ =	sdelay $0x1  }
0xb6: {  	s26 =	simm.s32 $0xA100  }
0xb7: {  	[tilespmem:s26], [sflag:$0x1] =	stream.indirect_vreg.gather [hbm4b:s5+s3], $0x80, v4, vm0, $0xb8;
	[tilespmem:$0x18100] =	vst v63  }
0xb8: {  	s26 =	simm.s32 $0xA900  }
0xb9: {  	[tilespmem:s26], [sflag:$0x1] =	stream.indirect_vreg.gather [hbm4b:s5+s3], $0x80, v3, vm0, $0xb8;
	[tilespmem:$0x18100] =	vst v63  }
0xba: {  	v3 =	vld [tilespmem:$0xB0];
	_ =	sdelay $0x4  }
0xbb: {  	v51 =	vshll.u32 v3, $0x1  }
0xbc: {  	v3 =	vand.u32 $0x7, v3;
	v4 =	vand.u32 $0xFFFFFFF0, v51  }
0xbd: {  	v3 =	vor.u32 v3, v4  }
0xbe: {  	v4 =	vperm.xlane v3, v0;
	_ =	sdelay $0x1  }
0xbf: {  	v3 =	vperm.xlane v3, v2;
	v4 =	vadd.s32 v1, v4;
	_ =	sdelay $0x1  }
0xc0: {  	v3 =	vadd.s32 v1, v3;
	_ =	sdelay $0x1  }
0xc1: {  	s26 =	simm.s32 $0xB100  }
0xc2: {  	[tilespmem:s26], [sflag:$0x1] =	stream.indirect_vreg.gather [hbm4b:s5+s3], $0x80, v4, vm0, $0xb8;
	[tilespmem:$0x18100] =	vst v63  }
0xc3: {  	s26 =	simm.s32 $0xB900  }
0xc4: {  	[tilespmem:s26], [sflag:$0x1] =	stream.indirect_vreg.gather [hbm4b:s5+s3], $0x80, v3, vm0, $0xb8;
	[tilespmem:$0x18100] =	vst v63  }
0xc5: {  	v3 =	vld [tilespmem:$0xC0];
	_ =	sdelay $0x4  }
0xc6: {  	v52 =	vshll.u32 v3, $0x1  }
0xc7: {  	v3 =	vand.u32 $0x7, v3;
	v4 =	vand.u32 $0xFFFFFFF0, v52  }
0xc8: {  	v3 =	vor.u32 v3, v4  }
0xc9: {  	v4 =	vperm.xlane v3, v0;
	_ =	sdelay $0x1  }
0xca: {  	v3 =	vperm.xlane v3, v2;
	v4 =	vadd.s32 v1, v4;
	_ =	sdelay $0x1  }
0xcb: {  	v3 =	vadd.s32 v1, v3;
	_ =	sdelay $0x1  }
0xcc: {  	s26 =	simm.s32 $0xC100  }
0xcd: {  	[tilespmem:s26], [sflag:$0x1] =	stream.indirect_vreg.gather [hbm4b:s5+s3], $0x80, v4, vm0, $0xb8;
	[tilespmem:$0x18100] =	vst v63  }
0xce: {  	s26 =	simm.s32 $0xC900  }
0xcf: {  	[tilespmem:s26], [sflag:$0x1] =	stream.indirect_vreg.gather [hbm4b:s5+s3], $0x80, v3, vm0, $0xb8;
	[tilespmem:$0x18100] =	vst v63  }
0xd0: {  	v3 =	vld [tilespmem:$0xD0];
	_ =	sdelay $0x4  }
0xd1: {  	v53 =	vshll.u32 v3, $0x1  }
0xd2: {  	v3 =	vand.u32 $0x7, v3;
	v4 =	vand.u32 $0xFFFFFFF0, v53  }
0xd3: {  	v3 =	vor.u32 v3, v4  }
0xd4: {  	v4 =	vperm.xlane v3, v0;
	_ =	sdelay $0x1  }
0xd5: {  	v3 =	vperm.xlane v3, v2;
	v4 =	vadd.s32 v1, v4;
	_ =	sdelay $0x1  }
0xd6: {  	v3 =	vadd.s32 v1, v3;
	_ =	sdelay $0x1  }
0xd7: {  	s26 =	simm.s32 $0xD100  }
0xd8: {  	[tilespmem:s26], [sflag:$0x1] =	stream.indirect_vreg.gather [hbm4b:s5+s3], $0x80, v4, vm0, $0xb8;
	[tilespmem:$0x18100] =	vst v63  }
0xd9: {  	s26 =	simm.s32 $0xD900  }
0xda: {  	[tilespmem:s26], [sflag:$0x1] =	stream.indirect_vreg.gather [hbm4b:s5+s3], $0x80, v3, vm0, $0xb8;
	[tilespmem:$0x18100] =	vst v63  }
0xdb: {  	v3 =	vld [tilespmem:$0xE0];
	_ =	sdelay $0x4  }
0xdc: {  	v54 =	vshll.u32 v3, $0x1  }
0xdd: {  	v3 =	vand.u32 $0x7, v3;
	v4 =	vand.u32 $0xFFFFFFF0, v54  }
0xde: {  	v3 =	vor.u32 v3, v4  }
0xdf: {  	v4 =	vperm.xlane v3, v0;
	_ =	sdelay $0x1  }
0xe0: {  	v3 =	vperm.xlane v3, v2;
	v4 =	vadd.s32 v1, v4;
	_ =	sdelay $0x1  }
0xe1: {  	v3 =	vadd.s32 v1, v3;
	_ =	sdelay $0x1  }
0xe2: {  	s26 =	simm.s32 $0xE100  }
0xe3: {  	[tilespmem:s26], [sflag:$0x1] =	stream.indirect_vreg.gather [hbm4b:s5+s3], $0x80, v4, vm0, $0xb8;
	[tilespmem:$0x18100] =	vst v63  }
0xe4: {  	s26 =	simm.s32 $0xE900  }
0xe5: {  	[tilespmem:s26], [sflag:$0x1] =	stream.indirect_vreg.gather [hbm4b:s5+s3], $0x80, v3, vm0, $0xb8;
	[tilespmem:$0x18100] =	vst v63  }
0xe6: {  	v3 =	vld [tilespmem:$0xF0];
	_ =	sdelay $0x4  }
0xe7: {  	v55 =	vshll.u32 v3, $0x1  }
0xe8: {  	v3 =	vand.u32 $0x7, v3;
	v4 =	vand.u32 $0xFFFFFFF0, v55  }
0xe9: {  	v3 =	vor.u32 v3, v4  }
0xea: {  	v4 =	vperm.xlane v3, v0;
	_ =	sdelay $0x1  }
0xeb: {  	v3 =	vperm.xlane v3, v2;
	v4 =	vadd.s32 v1, v4;
	_ =	sdelay $0x1  }
0xec: {  	v3 =	vadd.s32 v1, v3;
	_ =	sdelay $0x1  }
0xed: {  	s26 =	simm.s32 $0xF100  }
0xee: {  	[tilespmem:s26], [sflag:$0x1] =	stream.indirect_vreg.gather [hbm4b:s5+s3], $0x80, v4, vm0, $0xb8;
	[tilespmem:$0x18100] =	vst v63  }
0xef: {  	s26 =	simm.s32 $0xF900  }
0xf0: {  	[tilespmem:s26], [sflag:$0x1] =	stream.indirect_vreg.gather [hbm4b:s5+s3], $0x80, v3, vm0, $0xb8;
	[tilespmem:$0x18100] =	vst v63  }
0xf1: {  	v3 =	vld [tilespmem:$0x0];
	_ =	sdelay $0x4  }
0xf2: {  	v56 =	vshll.u32 v3, $0x1  }
0xf3: {  	v3 =	vand.u32 $0x7, v3;
	v4 =	vand.u32 $0xFFFFFFF0, v56  }
0xf4: {  	v3 =	vor.u32 v3, v4  }
0xf5: {  	v4 =	vperm.xlane v3, v0;
	_ =	sdelay $0x1  }
0xf6: {  	v3 =	vperm.xlane v3, v2;
	v4 =	vadd.s32 v1, v4;
	_ =	sdelay $0x1  }
0xf7: {  	v3 =	vadd.s32 v1, v3;
	_ =	sdelay $0x2  }
0xf8: {  	[tilespmem:s25], [sflag:$0x1] =	stream.indirect_vreg.gather [hbm4b:s2+s3], $0x80, v4, vm0, $0xb8;
	[tilespmem:$0x18100] =	vst v63  }
0xf9: {  	s26 =	simm.s32 $0x10900  }
0xfa: {  	[tilespmem:s26], [sflag:$0x1] =	stream.indirect_vreg.gather [hbm4b:s2+s3], $0x80, v3, vm0, $0xb8;
	[tilespmem:$0x18100] =	vst v63  }
0xfb: {  	v3 =	vld [tilespmem:$0x10];
	_ =	sdelay $0x4  }
0xfc: {  	v57 =	vshll.u32 v3, $0x1  }
0xfd: {  	v3 =	vand.u32 $0x7, v3;
	v4 =	vand.u32 $0xFFFFFFF0, v57  }
0xfe: {  	v3 =	vor.u32 v3, v4  }
0xff: {  	v4 =	vperm.xlane v3, v0;
	_ =	sdelay $0x1  }
0x100: {  	v3 =	vperm.xlane v3, v2;
	v4 =	vadd.s32 v1, v4;
	_ =	sdelay $0x1  }
0x101: {  	v3 =	vadd.s32 v1, v3;
	_ =	sdelay $0x2  }
0x102: {  	[tilespmem:s28], [sflag:$0x1] =	stream.indirect_vreg.gather [hbm4b:s2+s3], $0x80, v4, vm0, $0xb8;
	[tilespmem:$0x18100] =	vst v63  }
0x103: {  	_ = 	snop  }
0x104: {  	[tilespmem:s29], [sflag:$0x1] =	stream.indirect_vreg.gather [hbm4b:s2+s3], $0x80, v3, vm0, $0xb8;
	[tilespmem:$0x18100] =	vst v63  }
0x105: {  	v3 =	vld [tilespmem:$0x20];
	_ =	sdelay $0x4  }
0x106: {  	v58 =	vshll.u32 v3, $0x1  }
0x107: {  	v3 =	vand.u32 $0x7, v3;
	v4 =	vand.u32 $0xFFFFFFF0, v58  }
0x108: {  	v3 =	vor.u32 v3, v4  }
0x109: {  	v4 =	vperm.xlane v3, v0;
	_ =	sdelay $0x1  }
0x10a: {  	v3 =	vperm.xlane v3, v2;
	v4 =	vadd.s32 v1, v4;
	_ =	sdelay $0x1  }
0x10b: {  	v3 =	vadd.s32 v1, v3;
	_ =	sdelay $0x2  }
0x10c: {  	[tilespmem:s30], [sflag:$0x1] =	stream.indirect_vreg.gather [hbm4b:s2+s3], $0x80, v4, vm0, $0xb8;
	[tilespmem:$0x18100] =	vst v63  }
0x10d: {  	_ = 	snop  }
0x10e: {  	[tilespmem:s31], [sflag:$0x1] =	stream.indirect_vreg.gather [hbm4b:s2+s3], $0x80, v3, vm0, $0xb8;
	[tilespmem:$0x18100] =	vst v63  }
0x10f: {  	v3 =	vld [tilespmem:$0x30];
	_ =	sdelay $0x4  }
0x110: {  	v59 =	vshll.u32 v3, $0x1  }
0x111: {  	v3 =	vand.u32 $0x7, v3;
	v4 =	vand.u32 $0xFFFFFFF0, v59  }
0x112: {  	v3 =	vor.u32 v3, v4  }
0x113: {  	v4 =	vperm.xlane v3, v0;
	_ =	sdelay $0x1  }
0x114: {  	v3 =	vperm.xlane v3, v2;
	v4 =	vadd.s32 v1, v4;
	_ =	sdelay $0x1  }
0x115: {  	v3 =	vadd.s32 v1, v3;
	_ =	sdelay $0x2  }
0x116: {  	[tilespmem:s1], [sflag:$0x1] =	stream.indirect_vreg.gather [hbm4b:s2+s3], $0x80, v4, vm0, $0xb8;
	[tilespmem:$0x18100] =	vst v63  }
0x117: {  	_ = 	snop  }
0x118: {  	[tilespmem:s6], [sflag:$0x1] =	stream.indirect_vreg.gather [hbm4b:s2+s3], $0x80, v3, vm0, $0xb8;
	[tilespmem:$0x18100] =	vst v63  }
0x119: {  	v3 =	vld [tilespmem:$0x40];
	_ =	sdelay $0x4  }
0x11a: {  	v60 =	vshll.u32 v3, $0x1  }
0x11b: {  	v3 =	vand.u32 $0x7, v3;
	v4 =	vand.u32 $0xFFFFFFF0, v60  }
0x11c: {  	v3 =	vor.u32 v3, v4  }
0x11d: {  	v4 =	vperm.xlane v3, v0;
	_ =	sdelay $0x1  }
0x11e: {  	v3 =	vperm.xlane v3, v2;
	v4 =	vadd.s32 v1, v4;
	_ =	sdelay $0x1  }
0x11f: {  	v3 =	vadd.s32 v1, v3;
	_ =	sdelay $0x2  }
0x120: {  	[tilespmem:s7], [sflag:$0x1] =	stream.indirect_vreg.gather [hbm4b:s2+s3], $0x80, v4, vm0, $0xb8;
	[tilespmem:$0x18100] =	vst v63  }
0x121: {  	_ = 	snop  }
0x122: {  	[tilespmem:s9], [sflag:$0x1] =	stream.indirect_vreg.gather [hbm4b:s2+s3], $0x80, v3, vm0, $0xb8;
	[tilespmem:$0x18100] =	vst v63  }
0x123: {  	v3 =	vld [tilespmem:$0x50];
	_ =	sdelay $0x4  }
0x124: {  	v61 =	vshll.u32 v3, $0x1  }
0x125: {  	v3 =	vand.u32 $0x7, v3;
	v4 =	vand.u32 $0xFFFFFFF0, v61  }
0x126: {  	v3 =	vor.u32 v3, v4  }
0x127: {  	v4 =	vperm.xlane v3, v0;
	_ =	sdelay $0x1  }
0x128: {  	v3 =	vperm.xlane v3, v2;
	v4 =	vadd.s32 v1, v4;
	_ =	sdelay $0x1  }
0x129: {  	v3 =	vadd.s32 v1, v3;
	_ =	sdelay $0x2  }
0x12a: {  	[tilespmem:s12], [sflag:$0x1] =	stream.indirect_vreg.gather [hbm4b:s2+s3], $0x80, v4, vm0, $0xb8;
	[tilespmem:$0x18100] =	vst v63  }
0x12b: {  	_ = 	snop  }
0x12c: {  	[tilespmem:s14], [sflag:$0x1] =	stream.indirect_vreg.gather [hbm4b:s2+s3], $0x80, v3, vm0, $0xb8;
	[tilespmem:$0x18100] =	vst v63  }
0x12d: {  	v3 =	vld [tilespmem:$0x60];
	_ =	sdelay $0x4  }
0x12e: {  	v62 =	vshll.u32 v3, $0x1  }
0x12f: {  	v3 =	vand.u32 $0x7, v3;
	v4 =	vand.u32 $0xFFFFFFF0, v62  }
0x130: {  	v3 =	vor.u32 v3, v4  }
0x131: {  	v4 =	vperm.xlane v3, v0;
	_ =	sdelay $0x1  }
0x132: {  	v3 =	vperm.xlane v3, v2;
	v4 =	vadd.s32 v1, v4;
	_ =	sdelay $0x1  }
0x133: {  	v3 =	vadd.s32 v1, v3;
	_ =	sdelay $0x2  }
0x134: {  	[tilespmem:s16], [sflag:$0x1] =	stream.indirect_vreg.gather [hbm4b:s2+s3], $0x80, v4, vm0, $0xb8;
	[tilespmem:$0x18100] =	vst v63  }
0x135: {  	_ = 	snop  }
0x136: {  	[tilespmem:s17], [sflag:$0x1] =	stream.indirect_vreg.gather [hbm4b:s2+s3], $0x80, v3, vm0, $0xb8;
	[tilespmem:$0x18100] =	vst v63  }
0x137: {  	v3 =	vld [tilespmem:$0x70];
	_ =	sdelay $0x4  }
0x138: {  	v63 =	vshll.u32 v3, $0x1  }
0x139: {  	v3 =	vand.u32 $0x7, v3;
	v4 =	vand.u32 $0xFFFFFFF0, v63  }
0x13a: {  	v3 =	vor.u32 v3, v4  }
0x13b: {  	v4 =	vperm.xlane v3, v0;
	_ =	sdelay $0x1  }
0x13c: {  	v3 =	vperm.xlane v3, v2;
	v4 =	vadd.s32 v1, v4;
	_ =	sdelay $0x1  }
0x13d: {  	v3 =	vadd.s32 v1, v3;
	_ =	sdelay $0x2  }
0x13e: {  	[tilespmem:s18], [sflag:$0x1] =	stream.indirect_vreg.gather [hbm4b:s2+s3], $0x80, v4, vm0, $0xb8;
	[tilespmem:$0x18100] =	vst v63  }
0x13f: {  	_ = 	snop  }
0x140: {  	[tilespmem:s19], [sflag:$0x1] =	stream.indirect_vreg.gather [hbm4b:s2+s3], $0x80, v3, vm0, $0xb8;
	[tilespmem:$0x18100] =	vst v63  }
0x141: {  	_ =	swait.ge [sflag:s20], $0x8000  }
0x142: {  	[sflag:s20] =	ssyncset.done $0x0  }
0x143: {  	s26 =	sadd.s32 s24, s11;
	[sflag:s20] =	ssyncadd.s32 $0xFFFF8000  }
0x144: {  	[hbm4b:s26+s3] =	stream.linear.scatter [tilespmem:s15], [sflag:$0x2], $0x8000, $0x38;
	[tilespmem:$0x18100] =	vst v63  }
0x145: {  	_ =	swait.ge [sflag:s20], $0x8000  }
0x146: {  	[sflag:s20] =	ssyncset.done $0x0  }
0x147: {  	s26 =	sadd.s32 s24, s10;
	[sflag:s20] =	ssyncadd.s32 $0xFFFF8000  }
0x148: {  	[hbm4b:s26+s3] =	stream.linear.scatter [tilespmem:s0], [sflag:$0x2], $0x8000, $0x38;
	[tilespmem:$0x18100] =	vst v63  }
.Ltmp5:
0x149: {  	_ = 	snop;
	(pc) =	sbr.rel .LBB2_4-.Ltmp5, $4  }
0x14a: {  	_ =	swait.ge [sflag:s20], $0x8000  }
0x14b: {  	[sflag:s20] =	ssyncset.done $0x0  }
0x14c: {  	s26 =	sadd.s32 s24, s8;
	[sflag:s20] =	ssyncadd.s32 $0xFFFF8000  }
0x14d: {  	[hbm4b:s26+s3] =	stream.linear.scatter [tilespmem:s25], [sflag:$0x2], $0x8000, $0x38;
	[tilespmem:$0x18100] =	vst v63  }
.LBB2_6:
0x14e: {  	_ =	sfence.sel $0x180000  }
0x14f: {  	[bflag:$0x0] =	sbarrier.arrive $0xFFFF  }
0x150: {  	_ =	strace $0x90000047  }
0x151: {  	s0 =	stileid.u32;
	[bflag:$0x2] =	sbarrier.arrive $0xFFFF  }
0x152: {  	p0 =	sne.s32 s0, $0x0;
	s0 =	rddreg [dreg:$0x2]  }
0x153: {  	s0 =	sadd.s32 @!p0 $0x100000, s0  }
0x154: {  	[sflag:s0] =	ssyncadd.tile.s32 @!p0 $0x1;
	_ =	shalt  }
.Lfunc_end2:
_tile_overlayer_lowered:
.L_overlay_start_2:
0x155: {  	(tag) =	ssettag $0x2  }
0x156: {  	s0 =	rddreg [dreg:$0x0];
	s2 =	stileid.u32  }
0x157: {  	s1 =	rddreg [dreg:$0x1];
	p0 =	sne.s32 s2, $0x0  }
0x158: {  	s3 =	rddreg [dreg:$0x2];
	[bflag:$0x3] =	sbarrier.arrive $0xFFFF;
	s2 =	simm.s32 @!p0 $0x1C03  }
0x159: {  	[timem:s3], [sflag:s2] =	dma.local @!p0 [hbm:s0], s1  }
0x15a: {  	s0 =	simm.s32 @!p0 $0x3  }
0x15b: {  	_ =	swait.ge @!p0 [sflag:s0], s1  }
0x15c: {  	s1 =	ssub.s32 @!p0 $0x0, s1;
	[sflag:s0] =	ssyncset.done @!p0 $0x0  }
0x15d: {  	[sflag:s0] =	ssyncadd.s32 @!p0 s1  }
0x15e: {  	[bflag:$0x3] =	sbarrier.arrive $0xFFFF  }
0x15f: {  	_ =	shalt  }

// kernel: kernel.18.cloned.1.call-start
scs
__scs_entry_jumppad:
0x0: {  	(pc) =	sbr.rel $0x88, $3  }
0x1: {  	(tag) =	ssettag $0x0;
	lr =	simm.s32 $0x1  }
0x2: {  	[smem:$0x3F8E] =	sst lr;
	_ =	strace $0xD0000000  }
0x3: {  	_ = 	snop  }
0x4: {  	_ = 	snop  }
0x5: {  	_ = 	snop  }
0x6: {  	_ = 	snop  }
0x7: {  	_ = 	snop  }
__scs_overlays_trampoline_lowered:
0x8: {  	[smem:$0x3F9D] =	sst s0  }
0x9: {  	[smem:$0x3F9E] =	sst s1  }
0xa: {  	[smem:$0x3F9F] =	sst s2  }
0xb: {  	[smem:$0x3FA0] =	sst s3  }
0xc: {  	[smem:$0x3FA1] =	sst s4  }
0xd: {  	[smem:$0x3FA2] =	sst s5  }
0xe: {  	[smem:$0x3FA3] =	sst s6  }
0xf: {  	[smem:$0x3FA4] =	sst s7  }
0x10: {  	[smem:$0x3FA5] =	sst s8  }
0x11: {  	[smem:$0x3FA6] =	sst s9;
	s0 =	simm.s32 @!p0 $0x0  }
0x12: {  	s1 =	sld [smem:$0x3F8C];
	s0 =	simm.s32 @p0 $0x1  }
0x13: {  	[smem:$0x3FA7] =	sst s0;
	s0 =	simm.s32 @!p1 $0x0  }
0x14: {  	s2 =	sld [smem:$0x3F8B];
	s0 =	simm.s32 @p1 $0x1  }
0x15: {  	[smem:$0x3FA8] =	sst s0;
	s0 =	simm.s32 @!p2 $0x0  }
0x16: {  	s3 =	sld [smem:$0x3FDB];
	s0 =	simm.s32 @p2 $0x1  }
0x17: {  	s4 =	simm.s32 $0x1BF5;
	[smem:$0x3FAA] =	sst s0  }
0x18: {  	s0 =	sld [smem:$0x3F8D];
	_ =	swait.ge [sflag:s4], $0x0  }
0x19: {  	s7 =	sld [smem:$0x3F8E]  }
0x1a: {  	s8 =	sadd.s32 $0xFFFFE003, lr  }
0x1b: {  	s9 =	sadd.s32 $0xFFFFFEF7, lr;
	s5 =	simm.s32 $0xFFFFFFFF;
	p2 =	slt.u32 s8, $0xFFFFF086  }
0x1c: {  	p1 =	slt.u32 s9, $0xF7A;
	s5 =	simm.s32 @!p2 $0x0  }
0x1d: {  	s5 =	simm.s32 @p1 $0x1;
	p0 =	seq.s32 s7, s2  }
0x1e: {  	s7 =	smul.u32 @!p0 $0xF7A, s2;
	p2 =	seq.s32 @!p0 s5, $0x0  }
0x1f: {  	s9 =	smul.u32 $0xF7A, s1;
	s8 =	simm.s32 @!p0 $0x1BF5;
	p2 =	por !p2, p0  }
0x20: {  	[sflag:s8] =	ssyncset.s32 @!p0 $0xFFFFF086;
	s6 =	sadd.s32 @!p0 s3, s7;
	s7 =	simm.s32 @!p0 $0x108  }
0x21: {  	s3 =	sadd.s32 s3, s9;
	s6 =	sadd.s32 @!p0 $0x88, s6;
	s7 =	simm.s32 @p2 $0x1082  }
0x22: {  	[simem:s7], [sflag:s8] =	dma.local @!p0 [hbm:s6], $0xF7A  }
0x23: {  	s9 =	sor.u32 $0xD0000000, s2;
	s6 =	simm.s32 $0x108;
	_ =	swait.ge @!p0 [sflag:s8], $0x0  }
0x24: {  	s3 =	sadd.s32 $0x88, s3;
	s6 =	simm.s32 @!p1 $0x1082;
	[sflag:s4] =	ssyncset.s32 $0xFFFFF086  }
0x25: {  	[simem:s6], [sflag:s4] =	dma.local [hbm:s3], $0xF7A  }
0x26: {  	[smem:$0x3F8E] =	sst s1;
	(tag) =	ssettag s2;
	_ =	strace s9  }
0x27: {  	s1 =	sld [smem:$0x3F9E]  }
0x28: {  	s2 =	sld [smem:$0x3F9F]  }
0x29: {  	s4 =	sld [smem:$0x3FA1]  }
0x2a: {  	p0 =	seq.s32 s5, $0x0;
	s5 =	sld [smem:$0x3FA2]  }
0x2b: {  	s6 =	sld [smem:$0x3FA3]  }
0x2c: {  	s7 =	sld [smem:$0x3FA4]  }
0x2d: {  	s3 =	simm.s32 $0x108;
	s8 =	sld [smem:$0x3FA5]  }
0x2e: {  	s3 =	simm.s32 @!p0 $0x1082;
	s9 =	sld [smem:$0x3FA6]  }
0x2f: {  	lr =	sadd.s32 s0, s3;
	s0 =	sld [smem:$0x3F9D]  }
0x30: {  	s3 =	sld [smem:$0x3FA0]  }
0x31: {  	[smem:$0x3FA9] =	sst s10  }
0x32: {  	s10 =	sld [smem:$0x3FA7];
	_ =	sdelay $0x3  }
0x33: {  	p0 =	seq.s32 s10, $0x1;
	s10 =	sld [smem:$0x3FA9];
	_ =	sdelay $0x3  }
0x34: {  	[smem:$0x3FA9] =	sst s10  }
0x35: {  	s10 =	sld [smem:$0x3FA8];
	_ =	sdelay $0x3  }
0x36: {  	p1 =	seq.s32 s10, $0x1;
	s10 =	sld [smem:$0x3FA9];
	_ =	sdelay $0x3  }
0x37: {  	[smem:$0x3FA9] =	sst s10  }
0x38: {  	s10 =	sld [smem:$0x3FAA]  }
0x39: {  	_ = 	snop;
	(pc) =	sbr.ind lr, $3  }
0x3a: {  	_ = 	snop  }
0x3b: {  	_ = 	snop  }
0x3c: {  	p2 =	seq.s32 s10, $0x1;
	s10 =	sld [smem:$0x3FA9]  }
0x3d: {  	_ =	shalt  }
0x3e: {  	_ =	shalt  }
0x3f: {  	_ =	shalt  }
0x40: {  	_ =	shalt  }
0x41: {  	_ =	shalt  }
0x42: {  	_ =	shalt  }
0x43: {  	_ =	shalt  }
0x44: {  	_ =	shalt  }
0x45: {  	_ =	shalt  }
0x46: {  	_ =	shalt  }
0x47: {  	_ =	shalt  }
0x48: {  	_ =	shalt  }
0x49: {  	_ =	shalt  }
0x4a: {  	_ =	shalt  }
0x4b: {  	_ =	shalt  }
0x4c: {  	_ =	shalt  }
0x4d: {  	_ =	shalt  }
0x4e: {  	_ =	shalt  }
0x4f: {  	_ =	shalt  }
0x50: {  	_ =	shalt  }
0x51: {  	_ =	shalt  }
0x52: {  	_ =	shalt  }
0x53: {  	_ =	shalt  }
0x54: {  	_ =	shalt  }
0x55: {  	_ =	shalt  }
0x56: {  	_ =	shalt  }
0x57: {  	_ =	shalt  }
0x58: {  	_ =	shalt  }
0x59: {  	_ =	shalt  }
0x5a: {  	_ =	shalt  }
0x5b: {  	_ =	shalt  }
0x5c: {  	_ =	shalt  }
0x5d: {  	_ =	shalt  }
0x5e: {  	_ =	shalt  }
0x5f: {  	_ =	shalt  }
0x60: {  	_ =	shalt  }
0x61: {  	_ =	shalt  }
0x62: {  	_ =	shalt  }
0x63: {  	_ =	shalt  }
0x64: {  	_ =	shalt  }
0x65: {  	_ =	shalt  }
0x66: {  	_ =	shalt  }
0x67: {  	_ =	shalt  }
0x68: {  	_ =	shalt  }
0x69: {  	_ =	shalt  }
0x6a: {  	_ =	shalt  }
0x6b: {  	_ =	shalt  }
0x6c: {  	_ =	shalt  }
0x6d: {  	_ =	shalt  }
0x6e: {  	_ =	shalt  }
0x6f: {  	_ =	shalt  }
0x70: {  	_ =	shalt  }
0x71: {  	_ =	shalt  }
0x72: {  	_ =	shalt  }
0x73: {  	_ =	shalt  }
0x74: {  	_ =	shalt  }
0x75: {  	_ =	shalt  }
0x76: {  	_ =	shalt  }
0x77: {  	_ =	shalt  }
0x78: {  	_ =	shalt  }
0x79: {  	_ =	shalt  }
0x7a: {  	_ =	shalt  }
0x7b: {  	_ =	shalt  }
0x7c: {  	_ =	shalt  }
0x7d: {  	_ =	shalt  }
0x7e: {  	_ =	shalt  }
0x7f: {  	_ =	shalt  }
0x80: {  	_ =	shalt  }
0x81: {  	_ =	shalt  }
0x82: {  	_ =	shalt  }
0x83: {  	_ =	shalt  }
0x84: {  	_ =	shalt  }
0x85: {  	_ =	shalt  }
0x86: {  	_ =	shalt  }
0x87: {  	_ =	shalt  }
.Lfunc_end0:
.L_simem_size_0:
called_computation.2_lowered:
.L_overlay_start_0:
0x88: {  	s2 =	sld [smem:$0x3FD9]  }
0x89: {  	s3 =	sld [smem:$0x3FFE];
	_ =	sdelay $0x1  }
0x8a: {  	s1 =	srdreg.scid  }
0x8b: {  	s0 =	sand.u32 $0x1, s1  }
0x8c: {  	s17 =	sshll.u32 s0, $0xA;
	s2 =	sadd.s32 s3, s2  }
0x8d: {  	s2 =	sadd.s32 s2, s17  }
0x8e: {  	[smem:$0x3FB5] =	sst s2  }
0x8f: {  	_ = 	snop  }
0x90: {  	s18 =	sld [smem:$0x3FD0];
	(tm) =	ssettm $0x1  }
0x91: {  	s19 =	sld [smem:$0x3FFB];
	_ =	sdelay $0x3  }
0x92: {  	_ =	strace s19  }
0x93: {  	s2 =	sld [smem:$0x3FFC];
	_ =	sdelay $0x3  }
0x94: {  	_ =	strace s2  }
0x95: {  	s2 =	sld [smem:$0x3FFD];
	_ =	sdelay $0x3  }
0x96: {  	_ =	strace s2  }
0x97: {  	_ =	strace $0x8FFFFFFF  }
0x98: {  	s20 =	sld [smem:$0x3FDB];
	_ =	sdelay $0x1  }
0x99: {  	s4 =	simm.s32 $_scs_section_size  }
0x9a: {  	s5 =	simm.s32 $_size__tile_overlayer_lowered;
	s6 =	simm.s32 $_tile_overlayer_lowered  }
0x9b: {  	s7 =	simm.s32 $0x1BFF;
	s21 =	sshll.u32 s6, $0x1;
	s4 =	sadd.s32 s4, s20  }
0x9c: {  	s22 =	simm.s32 $0x0;
	s5 =	sshll.u32 s5, $0x1;
	s6 =	sadd.s32 s21, s4  }
0x9d: {  	[timem:s22], [sflag:s7] =	dma.local [hbm:s6], s5  }
0x9e: {  	_ =	swait.ge [sflag:s7], s5  }
0x9f: {  	s5 =	ssub.s32 $0x0, s5;
	[sflag:s7] =	ssyncset.done $0x0  }
0xa0: {  	[sflag:s7] =	ssyncadd.s32 s5;
	_ =	sdelay $0x1  }
0xa1: {  	s23 =	simm.s32 $0x1B8B  }
0xa2: {  	_ =	swait.ge [sflag:s23], $0x1  }
0xa3: {  	[sflag:s23] =	ssyncset.done $0x0  }
0xa4: {  	[sflag:s23] =	ssyncadd.s32 $0xFFFFFFFF  }
0xa5: {  	s5 =	sld [smem:$0x0]  }
0xa6: {  	s6 =	sand.u32 $0xFFFFFFFE, s1  }
0xa7: {  	p0 =	sne.s32 s1, s6  }
0xa8: {  	s6 =	sshll.u32 @p0 s6, $0xE  }
0xa9: {  	s6 =	sadd.s32 @p0 $0x11B8D, s6;
	s7 =	sshll.u32 @p0 s5, $0x11  }
0xaa: {  	s6 =	sor.u32 @p0 s7, s6  }
0xab: {  	[sflag:s6] =	ssyncadd.remote.s32 @p0 $0x1;
	_ =	sdelay $0x1  }
0xac: {  	s6 =	simm.s32 @p0 $0x1B8D  }
0xad: {  	_ =	swait.eq @p0 [sflag:s6], $0x1  }
0xae: {  	[sflag:s6] =	ssyncadd.s32 @p0 $0xFFFFFFFF  }
0xaf: {  	s7 =	sshll.u32 @!p0 s1, $0xE  }
0xb0: {  	s7 =	sor.u32 @!p0 $0x4000, s7;
	s6 =	simm.s32 @!p0 $0x1B8D  }
0xb1: {  	s5 =	sshll.u32 @!p0 s5, $0x11;
	s7 =	sadd.s32 @!p0 $0x11B8D, s7;
	_ =	swait.eq @!p0 [sflag:s6], $0x1  }
0xb2: {  	s5 =	sor.u32 @!p0 s5, s7;
	[sflag:s6] =	ssyncadd.s32 @!p0 $0xFFFFFFFF  }
0xb3: {  	s25 =	simm.s32 $0x1B8E;
	s24 =	sld [smem:$0x3FFE];
	[sflag:s5] =	ssyncadd.remote.s32 @!p0 $0x1  }
0xb4: {  	s26 =	simm.s32 $execute0_lowered;
	[smem:$0x3FD2] =	sst s25  }
0xb5: {  	s6 =	sshll.u32 s26, $0x1;
	_ =	strace $0x80000055;
	[dreg:$0x1] =	wrdreg $0xFFFFFFFF  }
0xb6: {  	s28 =	simm.s32 $_size_execute0_lowered;
	s4 =	sadd.s32 s4, s6;
	[dreg:$0x0] =	wrdreg $0x0  }
0xb7: {  	s6 =	sshll.u32 s28, $0x1;
	[dreg:$0x2] =	wrdreg s4  }
0xb8: {  	[dreg:$0x3] =	wrdreg s6  }
0xb9: {  	[dreg:$0x4] =	wrdreg $0xC0  }
0xba: {  	_ =	task [dreg:s22], $0x5FFFF  }
0xbb: {  	[dreg:$0x1] =	wrdreg $0xFFFFFFFF  }
0xbc: {  	[dreg:$0x0] =	wrdreg $0x60  }
0xbd: {  	[dreg:$0x2] =	wrdreg s24  }
0xbe: {  	[dreg:$0x3] =	wrdreg s18  }
0xbf: {  	[dreg:$0x4] =	wrdreg $0x40800  }
0xc0: {  	[dreg:$0x5] =	wrdreg $0xB  }
0xc1: {  	_ =	task.clear_ibuf [dreg:s22], $0x6FFFF;
	_ =	strace $0x90000055  }
0xc2: {  	s29 =	simm.s32 $0xB;
	_ =	strace $0x80000057  }
0xc3: {  	_ =	swait.ge [sflag:s29], $0x1  }
0xc4: {  	[sflag:s29] =	ssyncadd.s32 $0xFFFFFFFF  }
0xc5: {  	_ =	strace $0x90000057  }
0xc6: {  	_ =	sfence  }
0xc7: {  	s30 =	sld [smem:$0x0];
	_ =	sdelay $0x2  }
0xc8: {  	s31 =	sshll.u32 s1, $0xD;
	s1 =	sshrl.u32 s1, $0x2  }
0xc9: {  	s4 =	sand.u32 $0x4000, s31;
	s1 =	sadd.s32 s1, s30  }
0xca: {  	s0 =	sor.u32 s4, s0;
	s1 =	sshll.u32 s1, $0x11  }
0xcb: {  	s0 =	sor.u32 s1, s0  }
0xcc: {  	s0 =	sadd.s32 $0x8F2B, s0  }
0xcd: {  	[sflag:s0] =	ssyncadd.remote.s32 $0x1  }
0xce: {  	_ =	sfence.sel $0xFFFF  }
0xcf: {  	[dreg:$0x0] =	wrdreg $0xFFFFFFFF;
	(pc) =	sbr.abs _section_cstart, $3  }
0xd0: {  	[dreg:$0x1] =	wrdreg $0xFFFFFFFF  }
0xd1: {  	_ =	task.clear_ibuf [dreg:s22], $0x2FFFF;
	_ =	strace $0x9FFFFFFF  }
0xd2: {  	(tm) =	ssettm $0x7FFFFFFF  }
0xd3: {  	_ =	shalt  }
tec
execute0_lowered:
.L_overlay_start_1:
0x0: {  	(tag) =	ssettag $0x1  }
0x1: {  	s4 =	rddreg [dreg:$0x0]  }
0x2: {  	s14 =	rddreg [dreg:$0x1]  }
0x3: {  	s1 =	rddreg [dreg:$0x2]  }
0x4: {  	s2 =	srdreg.scid;
	s0 =	rddreg [dreg:$0x3]  }
0x5: {  	s3 =	simm.s32 $0x0;
	s20 =	simm.s32 $0x1;
	s6 =	sand.u32 $0x1, s2  }
0x6: {  	s21 =	simm.s32 $0x0;
	s2 =	stileid.u32;
	s5 =	smul.u32 $0x9C4000, s6  }
0x7: {  	[smem:$0x7FF] =	sst s3;
	s9 =	sadd.s32 $0x138000, s1;
	s29 =	smul.u32 $0x4E000, s2  }
0x8: {  	s7 =	sshll.u32 s2, $0xE;
	_ =	strace $0x80000056;
	s10 =	smul.u32 $0x13800, s2  }
0x9: {  	s8 =	sshll.u32 s2, $0x4;
	s30 =	ssub.s32 $0x2, s6;
	s15 =	smul.u32 $0x138800, s6  }
0xa: {  	p0 =	sne.s32 s2, $0xF;
	s17 =	sadd.s32 s8, s4;
	s31 =	sshrl.u32 s30, $0x1  }
0xb: {  	s5 =	sadd.s32 s7, s5;
	s7 =	sshrl.u32 s29, $0x2;
	s11 =	sadd.s32 $0x4000, s10  }
0xc: {  	s16 =	ssub.s32 s30, s31;
	s12 =	sadd.s32 $0x8000, s10;
	s13 =	sadd.s32 $0xC000, s10  }
0xd: {  	s19 =	sadd.s32 $0x10000, s10;
	s10 =	sadd.s32 s10, s15;
	s17 =	sadd.s32 $0x8A00, s17  }
0xe: {  	s5 =	sshrl.u32 s5, $0x3;
	s6 =	sadd.s32 s12, s1;
	s8 =	sadd.s32 s19, s1  }
0xf: {  	s10 =	sshrl.u32 s10, $0x3;
	s12 =	sadd.s32 s15, s12;
	s19 =	sadd.s32 s15, s19  }
0x10: {  	s16 =	smax.u32 s16, $0x1;
	s18 =	sadd.s32 s5, s4;
	s4 =	sadd.s32 s7, s1  }
0x11: {  	s5 =	sadd.s32 s11, s1;
	s7 =	sadd.s32 s13, s1;
	s11 =	sadd.s32 s15, s11  }
0x12: {  	s10 =	sadd.s32 s14, s10;
	s12 =	sshrl.u32 s12, $0x3;
	s13 =	sadd.s32 s15, s13  }
0x13: {  	s15 =	sshrl.u32 s15, $0x3;
	s19 =	sshrl.u32 s19, $0x3;
	s11 =	sshrl.u32 s11, $0x3  }
0x14: {  	s12 =	sadd.s32 s14, s12;
	s13 =	sshrl.u32 s13, $0x3;
	s15 =	sadd.s32 s14, s15  }
0x15: {  	s18 =	sadd.s32 $0x27EA00, s18;
	s11 =	sadd.s32 s14, s11;
	s13 =	sadd.s32 s14, s13  }
0x16: {  	v0 =	vimm.f32 $0.0e+00;
	s14 =	sadd.s32 s14, s19;
	s15 =	sadd.s32 $0x27000, s15;
	s19 =	simm.s32 $0x80  }
.LBB2_1:
0x17: {  	s22 =	sand.u32 $0xFE00, s3  }
0x18: {  	s23 =	sand.u32 $0x70, s3;
	s24 =	sshrl.u32 s22, $0x2  }
0x19: {  	s22 =	simm.s32 $0x40;
	s24 =	sor.u32 s23, s24;
	s23 =	simm.s32 $0x0  }
.LBB2_2:
0x1a: {  	p1 =	sne.s32 s22, $0xFFC0  }
0x1b: {  	[tilespmem:s24+$0x80] =	vst v0;
	s23 =	sadd.s32 $0x10, s23;
	s24 =	smov.u32 s22;
	s22 =	sadd.s32 $0x40, s22  }
.Ltmp0:
0x1c: {  	(pc) =	sbr.rel @p1 .LBB2_2-.Ltmp0, $4  }
0x1d: {  	_ = 	snop  }
0x1e: {  	s24 =	sand.u32 $0xFE00, s24  }
0x1f: {  	s25 =	sand.u32 $0x70, s23;
	s24 =	sshrl.u32 s24, $0x2  }
0x20: {  	s24 =	sor.u32 s25, s24  }
0x21: {  	[tilespmem:s24+$0x80] =	vst v0  }
0x22: {  	[spmem:s4] =	stream.linear.scatter [tilespmem:s19], [sflag:$0x1], $0x4000, $0x38;
	[tilespmem:$0x17900] =	vst v63  }
0x23: {  	_ =	swait.ge [sflag:s20], $0x4000  }
0x24: {  	[sflag:s20] =	ssyncset.done $0x0  }
0x25: {  	[sflag:s20] =	ssyncadd.s32 $0xFFFFC000  }
0x26: {  	[spmem:s5] =	stream.linear.scatter [tilespmem:s19], [sflag:$0x1], $0x4000, $0x38;
	[tilespmem:$0x17900] =	vst v63  }
0x27: {  	_ =	swait.ge [sflag:s20], $0x4000  }
0x28: {  	[sflag:s20] =	ssyncset.done $0x0  }
0x29: {  	[sflag:s20] =	ssyncadd.s32 $0xFFFFC000  }
0x2a: {  	[spmem:s6] =	stream.linear.scatter [tilespmem:s19], [sflag:$0x1], $0x4000, $0x38;
	[tilespmem:$0x17900] =	vst v63  }
0x2b: {  	_ =	swait.ge [sflag:s20], $0x4000  }
0x2c: {  	[sflag:s20] =	ssyncset.done $0x0  }
0x2d: {  	[sflag:s20] =	ssyncadd.s32 $0xFFFFC000  }
0x2e: {  	[spmem:s7] =	stream.linear.scatter [tilespmem:s19], [sflag:$0x1], $0x4000, $0x38;
	[tilespmem:$0x17900] =	vst v63  }
0x2f: {  	_ =	swait.ge [sflag:s20], $0x4000  }
0x30: {  	[sflag:s20] =	ssyncset.done $0x0  }
0x31: {  	[sflag:s20] =	ssyncadd.s32 $0xFFFFC000  }
0x32: {  	[spmem:s8] =	stream.linear.scatter [tilespmem:s19], [sflag:$0x1], $0x3800, $0x38;
	[tilespmem:$0x17900] =	vst v63  }
0x33: {  	_ =	swait.ge [sflag:s20], $0x3800  }
0x34: {  	[sflag:s20] =	ssyncset.done $0x0  }
0x35: {  	s22 =	simm.s32 @!p0 $0x80;
	[sflag:s20] =	ssyncadd.s32 $0xFFFFC800  }
0x36: {  	[spmem:s9] =	stream.linear.scatter @!p0 [tilespmem:s22], [sflag:$0x1], $0x800, $0x38;
	[tilespmem:$0x17900] =	vst v63  }
0x37: {  	s22 =	simm.s32 @!p0 $0x1  }
0x38: {  	_ =	swait.ge @!p0 [sflag:s22], $0x800  }
0x39: {  	s23 =	sadd.s32 $0x0, s2;
	[sflag:s22] =	ssyncset.done @!p0 $0x0  }
0x3a: {  	p1 =	sgt.u32 s23, $0x270;
	[sflag:s22] =	ssyncadd.s32 @!p0 $0xFFFFF800  }
0x3b: {  	s24 =	simm.s32 @!p1 $0x2;
	s22 =	simm.s32 @!p1 $0x0;
	[bflag:$0x0] =	sbarrier.arrive $0xFFFF  }
0x3c: {  	[tilespmem:s22], [sflag:$0x2] =	stream.linear.gather @!p1 [hbm4b:s17+s22], $0x80, $0x38;
	[tilespmem:$0x17900] =	vst v63  }
0x3d: {  	_ =	swait.ge @!p1 [sflag:s24], $0x80  }
0x3e: {  	[sflag:s24] =	ssyncset.done @!p1 $0x0;
	p1 =	por p1, p1  }
0x3f: {  	[sflag:s24] =	ssyncadd.s32 @!p1 $0xFFFFFF80;
	s26 =	simm.s32 @!p1 $0x80  }
0x40: {  	[tilespmem:s26], [sflag:$0x2] =	stream.linear.gather @!p1 [hbm4b:s18+s22], $0x4000, $0x38;
	[tilespmem:$0x17900] =	vst v63  }
0x41: {  	_ =	swait.ge @!p1 [sflag:s24], $0x4000  }
0x42: {  	[sflag:s24] =	ssyncset.done @!p1 $0x0  }
0x43: {  	s31 =	sadd.s32 $0x10, s2;
	s25 =	simm.s32 @!p1 $0x1;
	[sflag:s24] =	ssyncadd.s32 @!p1 $0xFFFFC000  }
0x44: {  	[spmem:s1] =	stream.indirect.scatter.add.f32 @!p1 [tilespmem:s26], [sflag:$0x1], $0x80, s22, s26, $0xb8;
	[tilespmem:$0x17900] =	vst v63  }
0x45: {  	s23 =	simm.s32 $0x20;
	p2 =	sgt.u32 s31, $0x270;
	_ =	swait.ge @!p1 [sflag:s25], $0x4000  }
0x46: {  	s24 =	sadd.s32 $0x100, s17;
	s22 =	sadd.s32 $0x8000, s18;
	[sflag:s25] =	ssyncset.done @!p1 $0x0  }
.LBB2_4:
0x47: {  	s26 =	simm.s32 @!p2 $0x0;
	s28 =	simm.s32 @!p2 $0x2;
	[sflag:s25] =	ssyncadd.s32 @!p1 $0xFFFFC000  }
0x48: {  	[tilespmem:s26], [sflag:$0x2] =	stream.linear.gather @!p2 [hbm4b:s24+s26], $0x80, $0x38;
	[tilespmem:$0x17900] =	vst v63  }
0x49: {  	s29 =	smov.u32 s23;
	s23 =	sadd.s32 $0x10, s23;
	_ =	swait.ge @!p2 [sflag:s28], $0x80  }
0x4a: {  	p1 =	por p2, p2;
	p3 =	sne.s32 s23, $0x280;
	[sflag:s28] =	ssyncset.done @!p2 $0x0  }
0x4b: {  	s30 =	simm.s32 @!p1 $0x80;
	[sflag:s28] =	ssyncadd.s32 @!p1 $0xFFFFFF80  }
0x4c: {  	[tilespmem:s30], [sflag:$0x2] =	stream.linear.gather @!p1 [hbm4b:s22+s26], $0x4000, $0x38;
	[tilespmem:$0x17900] =	vst v63  }
0x4d: {  	_ =	swait.ge @!p1 [sflag:s28], $0x4000  }
.Ltmp1:
0x4e: {  	[sflag:s28] =	ssyncset.done @!p1 $0x0;
	(pc) =	sbr.rel @p3 .LBB2_4-.Ltmp1, $4  }
0x4f: {  	s25 =	simm.s32 @!p1 $0x1;
	[sflag:s28] =	ssyncadd.s32 @!p1 $0xFFFFC000  }
0x50: {  	[spmem:s1] =	stream.indirect.scatter.add.f32 @!p1 [tilespmem:s30], [sflag:$0x1], $0x80, s26, s30, $0xb8;
	[tilespmem:$0x17900] =	vst v63  }
0x51: {  	s22 =	sadd.s32 $0x8000, s22;
	s26 =	sadd.s32 s29, s2;
	_ =	swait.ge @!p1 [sflag:s25], $0x4000  }
0x52: {  	s24 =	sadd.s32 $0x100, s24;
	p2 =	sgt.u32 s26, $0x270;
	[sflag:s25] =	ssyncset.done @!p1 $0x0  }
0x53: {  	s23 =	simm.s32 @!p2 $0x0;
	s26 =	simm.s32 @!p2 $0x2;
	[sflag:s25] =	ssyncadd.s32 @!p1 $0xFFFFC000  }
0x54: {  	[tilespmem:s23], [sflag:$0x2] =	stream.linear.gather @!p2 [hbm4b:s24+s23], $0x80, $0x38;
	[tilespmem:$0x17900] =	vst v63  }
0x55: {  	_ =	swait.ge @!p2 [sflag:s26], $0x80  }
0x56: {  	p1 =	por p2, p2;
	[sflag:s26] =	ssyncset.done @!p2 $0x0  }
0x57: {  	s24 =	simm.s32 @!p1 $0x80;
	[sflag:s26] =	ssyncadd.s32 @!p1 $0xFFFFFF80  }
0x58: {  	[tilespmem:s24], [sflag:$0x2] =	stream.linear.gather @!p1 [hbm4b:s22+s23], $0x4000, $0x38;
	[tilespmem:$0x17900] =	vst v63  }
0x59: {  	_ =	swait.ge @!p1 [sflag:s26], $0x4000  }
0x5a: {  	[sflag:s26] =	ssyncset.done @!p1 $0x0  }
0x5b: {  	s22 =	simm.s32 @!p1 $0x1;
	[sflag:s26] =	ssyncadd.s32 @!p1 $0xFFFFC000  }
0x5c: {  	[spmem:s1] =	stream.indirect.scatter.add.f32 @!p1 [tilespmem:s24], [sflag:$0x1], $0x80, s23, s24, $0xb8;
	[tilespmem:$0x17900] =	vst v63  }
0x5d: {  	_ =	swait.ge @!p1 [sflag:s22], $0x4000  }
0x5e: {  	[sflag:s22] =	ssyncset.done @!p1 $0x0  }
0x5f: {  	[sflag:s22] =	ssyncadd.s32 @!p1 $0xFFFFC000  }
0x60: {  	[bflag:$0x0] =	sbarrier.arrive $0xFFFF  }
0x61: {  	[tilespmem:s19], [sflag:$0x1] =	stream.linear.gather [spmem:s4], $0x4000, $0x38;
	[tilespmem:$0x17900] =	vst v63  }
0x62: {  	_ =	swait.ge [sflag:s20], $0x4000  }
0x63: {  	[sflag:s20] =	ssyncset.done $0x0  }
0x64: {  	[sflag:s20] =	ssyncadd.s32 $0xFFFFC000  }
0x65: {  	[hbm4b:s10+s3] =	stream.linear.scatter [tilespmem:s19], [sflag:$0x1], $0x4000, $0x38;
	[tilespmem:$0x17900] =	vst v63  }
0x66: {  	_ =	swait.ge [sflag:s20], $0x4000  }
0x67: {  	[sflag:s20] =	ssyncset.done $0x0  }
0x68: {  	[sflag:s20] =	ssyncadd.s32 $0xFFFFC000  }
0x69: {  	[tilespmem:s19], [sflag:$0x1] =	stream.linear.gather [spmem:s5], $0x4000, $0x38;
	[tilespmem:$0x17900] =	vst v63  }
0x6a: {  	_ =	swait.ge [sflag:s20], $0x4000  }
0x6b: {  	[sflag:s20] =	ssyncset.done $0x0  }
0x6c: {  	[sflag:s20] =	ssyncadd.s32 $0xFFFFC000  }
0x6d: {  	[hbm4b:s11+s3] =	stream.linear.scatter [tilespmem:s19], [sflag:$0x1], $0x4000, $0x38;
	[tilespmem:$0x17900] =	vst v63  }
0x6e: {  	_ =	swait.ge [sflag:s20], $0x4000  }
0x6f: {  	[sflag:s20] =	ssyncset.done $0x0  }
0x70: {  	[sflag:s20] =	ssyncadd.s32 $0xFFFFC000  }
0x71: {  	[tilespmem:s19], [sflag:$0x1] =	stream.linear.gather [spmem:s6], $0x4000, $0x38;
	[tilespmem:$0x17900] =	vst v63  }
0x72: {  	_ =	swait.ge [sflag:s20], $0x4000  }
0x73: {  	[sflag:s20] =	ssyncset.done $0x0  }
0x74: {  	[sflag:s20] =	ssyncadd.s32 $0xFFFFC000  }
0x75: {  	[hbm4b:s12+s3] =	stream.linear.scatter [tilespmem:s19], [sflag:$0x1], $0x4000, $0x38;
	[tilespmem:$0x17900] =	vst v63  }
0x76: {  	_ =	swait.ge [sflag:s20], $0x4000  }
0x77: {  	[sflag:s20] =	ssyncset.done $0x0  }
0x78: {  	[sflag:s20] =	ssyncadd.s32 $0xFFFFC000  }
0x79: {  	[tilespmem:s19], [sflag:$0x1] =	stream.linear.gather [spmem:s7], $0x4000, $0x38;
	[tilespmem:$0x17900] =	vst v63  }
0x7a: {  	_ =	swait.ge [sflag:s20], $0x4000  }
0x7b: {  	[sflag:s20] =	ssyncset.done $0x0  }
0x7c: {  	[sflag:s20] =	ssyncadd.s32 $0xFFFFC000  }
0x7d: {  	[hbm4b:s13+s3] =	stream.linear.scatter [tilespmem:s19], [sflag:$0x1], $0x4000, $0x38;
	[tilespmem:$0x17900] =	vst v63  }
0x7e: {  	_ =	swait.ge [sflag:s20], $0x4000  }
0x7f: {  	[sflag:s20] =	ssyncset.done $0x0  }
0x80: {  	[sflag:s20] =	ssyncadd.s32 $0xFFFFC000  }
0x81: {  	[tilespmem:s19], [sflag:$0x1] =	stream.linear.gather [spmem:s8], $0x3800, $0x38;
	[tilespmem:$0x17900] =	vst v63  }
0x82: {  	_ =	swait.ge [sflag:s20], $0x3800  }
0x83: {  	[sflag:s20] =	ssyncset.done $0x0  }
0x84: {  	[sflag:s20] =	ssyncadd.s32 $0xFFFFC800  }
0x85: {  	[hbm4b:s14+s3] =	stream.linear.scatter [tilespmem:s19], [sflag:$0x1], $0x3800, $0x38;
	[tilespmem:$0x17900] =	vst v63  }
0x86: {  	_ =	swait.ge [sflag:s20], $0x3800  }
0x87: {  	[sflag:s20] =	ssyncset.done $0x0  }
0x88: {  	s23 =	simm.s32 @!p0 $0x1;
	s22 =	simm.s32 @!p0 $0x80;
	[sflag:s20] =	ssyncadd.s32 $0xFFFFC800  }
0x89: {  	[tilespmem:s22], [sflag:$0x1] =	stream.linear.gather @!p0 [spmem:s9], $0x800, $0x38;
	[tilespmem:$0x17900] =	vst v63  }
0x8a: {  	s21 =	sadd.s32 $0x1, s21;
	_ =	swait.ge @!p0 [sflag:s23], $0x800  }
0x8b: {  	p1 =	sne.s32 s21, s16;
	[sflag:s23] =	ssyncset.done @!p0 $0x0  }
.Ltmp2:
0x8c: {  	s24 =	simm.s32 @!p0 $0x0;
	[sflag:s23] =	ssyncadd.s32 @!p0 $0xFFFFF800;
	(pc) =	sbr.rel @p1 .LBB2_1-.Ltmp2, $4  }
0x8d: {  	[hbm4b:s15+s24] =	stream.linear.scatter @!p0 [tilespmem:s22], [sflag:$0x1], $0x800, $0x38;
	[tilespmem:$0x17900] =	vst v63  }
0x8e: {  	_ =	swait.ge @!p0 [sflag:s23], $0x800  }
0x8f: {  	[sflag:s23] =	ssyncset.done @!p0 $0x0  }
0x90: {  	[sflag:s23] =	ssyncadd.s32 @!p0 $0xFFFFF800  }
0x91: {  	_ =	sfence.sel $0x180000  }
0x92: {  	[bflag:$0x0] =	sbarrier.arrive $0xFFFF  }
0x93: {  	p0 =	sne.s32 s2, $0x0;
	_ =	strace $0x90000056  }
0x94: {  	s0 =	sadd.s32 @!p0 $0x100000, s0;
	[bflag:$0x2] =	sbarrier.arrive $0xFFFF  }
0x95: {  	[sflag:s0] =	ssyncadd.tile.s32 @!p0 $0x1;
	_ =	shalt  }
.Lfunc_end2:
_tile_overlayer_lowered:
.L_overlay_start_2:
0x96: {  	(tag) =	ssettag $0x2  }
0x97: {  	s0 =	rddreg [dreg:$0x0];
	s2 =	stileid.u32  }
0x98: {  	s1 =	rddreg [dreg:$0x1];
	p0 =	sne.s32 s2, $0x0  }
0x99: {  	s3 =	rddreg [dreg:$0x2];
	[bflag:$0x3] =	sbarrier.arrive $0xFFFF;
	s2 =	simm.s32 @!p0 $0x1C01  }
0x9a: {  	[timem:s3], [sflag:s2] =	dma.local @!p0 [hbm:s0], s1  }
0x9b: {  	s0 =	simm.s32 @!p0 $0x1  }
0x9c: {  	_ =	swait.ge @!p0 [sflag:s0], s1  }
0x9d: {  	s1 =	ssub.s32 @!p0 $0x0, s1;
	[sflag:s0] =	ssyncset.done @!p0 $0x0  }
0x9e: {  	[sflag:s0] =	ssyncadd.s32 @!p0 s1  }
0x9f: {  	[bflag:$0x3] =	sbarrier.arrive $0xFFFF  }
0xa0: {  	_ =	shalt  }

// kernel: kernel.21.cloned.1.call-start
scs
__scs_entry_jumppad:
0x0: {  	(pc) =	sbr.rel $0x88, $3  }
0x1: {  	(tag) =	ssettag $0x0;
	lr =	simm.s32 $0x1  }
0x2: {  	[smem:$0x3F8E] =	sst lr;
	_ =	strace $0xD0000000  }
0x3: {  	_ = 	snop  }
0x4: {  	_ = 	snop  }
0x5: {  	_ = 	snop  }
0x6: {  	_ = 	snop  }
0x7: {  	_ = 	snop  }
__scs_overlays_trampoline_lowered:
0x8: {  	[smem:$0x3F9D] =	sst s0  }
0x9: {  	[smem:$0x3F9E] =	sst s1  }
0xa: {  	[smem:$0x3F9F] =	sst s2  }
0xb: {  	[smem:$0x3FA0] =	sst s3  }
0xc: {  	[smem:$0x3FA1] =	sst s4  }
0xd: {  	[smem:$0x3FA2] =	sst s5  }
0xe: {  	[smem:$0x3FA3] =	sst s6  }
0xf: {  	[smem:$0x3FA4] =	sst s7  }
0x10: {  	[smem:$0x3FA5] =	sst s8  }
0x11: {  	[smem:$0x3FA6] =	sst s9;
	s0 =	simm.s32 @!p0 $0x0  }
0x12: {  	s1 =	sld [smem:$0x3F8C];
	s0 =	simm.s32 @p0 $0x1  }
0x13: {  	[smem:$0x3FA7] =	sst s0;
	s0 =	simm.s32 @!p1 $0x0  }
0x14: {  	s2 =	sld [smem:$0x3F8B];
	s0 =	simm.s32 @p1 $0x1  }
0x15: {  	[smem:$0x3FA8] =	sst s0;
	s0 =	simm.s32 @!p2 $0x0  }
0x16: {  	s3 =	sld [smem:$0x3FDB];
	s0 =	simm.s32 @p2 $0x1  }
0x17: {  	s4 =	simm.s32 $0x1BF5;
	[smem:$0x3FAA] =	sst s0  }
0x18: {  	s0 =	sld [smem:$0x3F8D];
	_ =	swait.ge [sflag:s4], $0x0  }
0x19: {  	s7 =	sld [smem:$0x3F8E]  }
0x1a: {  	s8 =	sadd.s32 $0xFFFFE003, lr  }
0x1b: {  	s9 =	sadd.s32 $0xFFFFFEF7, lr;
	s5 =	simm.s32 $0xFFFFFFFF;
	p2 =	slt.u32 s8, $0xFFFFF086  }
0x1c: {  	p1 =	slt.u32 s9, $0xF7A;
	s5 =	simm.s32 @!p2 $0x0  }
0x1d: {  	s5 =	simm.s32 @p1 $0x1;
	p0 =	seq.s32 s7, s2  }
0x1e: {  	s7 =	smul.u32 @!p0 $0xF7A, s2;
	p2 =	seq.s32 @!p0 s5, $0x0  }
0x1f: {  	s9 =	smul.u32 $0xF7A, s1;
	s8 =	simm.s32 @!p0 $0x1BF5;
	p2 =	por !p2, p0  }
0x20: {  	[sflag:s8] =	ssyncset.s32 @!p0 $0xFFFFF086;
	s6 =	sadd.s32 @!p0 s3, s7;
	s7 =	simm.s32 @!p0 $0x108  }
0x21: {  	s3 =	sadd.s32 s3, s9;
	s6 =	sadd.s32 @!p0 $0x88, s6;
	s7 =	simm.s32 @p2 $0x1082  }
0x22: {  	[simem:s7], [sflag:s8] =	dma.local @!p0 [hbm:s6], $0xF7A  }
0x23: {  	s9 =	sor.u32 $0xD0000000, s2;
	s6 =	simm.s32 $0x108;
	_ =	swait.ge @!p0 [sflag:s8], $0x0  }
0x24: {  	s3 =	sadd.s32 $0x88, s3;
	s6 =	simm.s32 @!p1 $0x1082;
	[sflag:s4] =	ssyncset.s32 $0xFFFFF086  }
0x25: {  	[simem:s6], [sflag:s4] =	dma.local [hbm:s3], $0xF7A  }
0x26: {  	[smem:$0x3F8E] =	sst s1;
	(tag) =	ssettag s2;
	_ =	strace s9  }
0x27: {  	s1 =	sld [smem:$0x3F9E]  }
0x28: {  	s2 =	sld [smem:$0x3F9F]  }
0x29: {  	s4 =	sld [smem:$0x3FA1]  }
0x2a: {  	p0 =	seq.s32 s5, $0x0;
	s5 =	sld [smem:$0x3FA2]  }
0x2b: {  	s6 =	sld [smem:$0x3FA3]  }
0x2c: {  	s7 =	sld [smem:$0x3FA4]  }
0x2d: {  	s3 =	simm.s32 $0x108;
	s8 =	sld [smem:$0x3FA5]  }
0x2e: {  	s3 =	simm.s32 @!p0 $0x1082;
	s9 =	sld [smem:$0x3FA6]  }
0x2f: {  	lr =	sadd.s32 s0, s3;
	s0 =	sld [smem:$0x3F9D]  }
0x30: {  	s3 =	sld [smem:$0x3FA0]  }
0x31: {  	[smem:$0x3FA9] =	sst s10  }
0x32: {  	s10 =	sld [smem:$0x3FA7];
	_ =	sdelay $0x3  }
0x33: {  	p0 =	seq.s32 s10, $0x1;
	s10 =	sld [smem:$0x3FA9];
	_ =	sdelay $0x3  }
0x34: {  	[smem:$0x3FA9] =	sst s10  }
0x35: {  	s10 =	sld [smem:$0x3FA8];
	_ =	sdelay $0x3  }
0x36: {  	p1 =	seq.s32 s10, $0x1;
	s10 =	sld [smem:$0x3FA9];
	_ =	sdelay $0x3  }
0x37: {  	[smem:$0x3FA9] =	sst s10  }
0x38: {  	s10 =	sld [smem:$0x3FAA]  }
0x39: {  	_ = 	snop;
	(pc) =	sbr.ind lr, $3  }
0x3a: {  	_ = 	snop  }
0x3b: {  	_ = 	snop  }
0x3c: {  	p2 =	seq.s32 s10, $0x1;
	s10 =	sld [smem:$0x3FA9]  }
0x3d: {  	_ =	shalt  }
0x3e: {  	_ =	shalt  }
0x3f: {  	_ =	shalt  }
0x40: {  	_ =	shalt  }
0x41: {  	_ =	shalt  }
0x42: {  	_ =	shalt  }
0x43: {  	_ =	shalt  }
0x44: {  	_ =	shalt  }
0x45: {  	_ =	shalt  }
0x46: {  	_ =	shalt  }
0x47: {  	_ =	shalt  }
0x48: {  	_ =	shalt  }
0x49: {  	_ =	shalt  }
0x4a: {  	_ =	shalt  }
0x4b: {  	_ =	shalt  }
0x4c: {  	_ =	shalt  }
0x4d: {  	_ =	shalt  }
0x4e: {  	_ =	shalt  }
0x4f: {  	_ =	shalt  }
0x50: {  	_ =	shalt  }
0x51: {  	_ =	shalt  }
0x52: {  	_ =	shalt  }
0x53: {  	_ =	shalt  }
0x54: {  	_ =	shalt  }
0x55: {  	_ =	shalt  }
0x56: {  	_ =	shalt  }
0x57: {  	_ =	shalt  }
0x58: {  	_ =	shalt  }
0x59: {  	_ =	shalt  }
0x5a: {  	_ =	shalt  }
0x5b: {  	_ =	shalt  }
0x5c: {  	_ =	shalt  }
0x5d: {  	_ =	shalt  }
0x5e: {  	_ =	shalt  }
0x5f: {  	_ =	shalt  }
0x60: {  	_ =	shalt  }
0x61: {  	_ =	shalt  }
0x62: {  	_ =	shalt  }
0x63: {  	_ =	shalt  }
0x64: {  	_ =	shalt  }
0x65: {  	_ =	shalt  }
0x66: {  	_ =	shalt  }
0x67: {  	_ =	shalt  }
0x68: {  	_ =	shalt  }
0x69: {  	_ =	shalt  }
0x6a: {  	_ =	shalt  }
0x6b: {  	_ =	shalt  }
0x6c: {  	_ =	shalt  }
0x6d: {  	_ =	shalt  }
0x6e: {  	_ =	shalt  }
0x6f: {  	_ =	shalt  }
0x70: {  	_ =	shalt  }
0x71: {  	_ =	shalt  }
0x72: {  	_ =	shalt  }
0x73: {  	_ =	shalt  }
0x74: {  	_ =	shalt  }
0x75: {  	_ =	shalt  }
0x76: {  	_ =	shalt  }
0x77: {  	_ =	shalt  }
0x78: {  	_ =	shalt  }
0x79: {  	_ =	shalt  }
0x7a: {  	_ =	shalt  }
0x7b: {  	_ =	shalt  }
0x7c: {  	_ =	shalt  }
0x7d: {  	_ =	shalt  }
0x7e: {  	_ =	shalt  }
0x7f: {  	_ =	shalt  }
0x80: {  	_ =	shalt  }
0x81: {  	_ =	shalt  }
0x82: {  	_ =	shalt  }
0x83: {  	_ =	shalt  }
0x84: {  	_ =	shalt  }
0x85: {  	_ =	shalt  }
0x86: {  	_ =	shalt  }
0x87: {  	_ =	shalt  }
.Lfunc_end0:
.L_simem_size_0:
called_computation.3_lowered:
.L_overlay_start_0:
0x88: {  	s2 =	sld [smem:$0x3FD9]  }
0x89: {  	s3 =	sld [smem:$0x3FFE];
	_ =	sdelay $0x1  }
0x8a: {  	s1 =	srdreg.scid  }
0x8b: {  	s0 =	sand.u32 $0x1, s1  }
0x8c: {  	s17 =	sshll.u32 s0, $0xA;
	s2 =	sadd.s32 s3, s2  }
0x8d: {  	s2 =	sadd.s32 s2, s17  }
0x8e: {  	[smem:$0x3FB5] =	sst s2  }
0x8f: {  	_ = 	snop  }
0x90: {  	(tm) =	ssettm $0x1  }
0x91: {  	s18 =	sld [smem:$0x3FFB];
	_ =	sdelay $0x3  }
0x92: {  	_ =	strace s18  }
0x93: {  	s2 =	sld [smem:$0x3FFC];
	_ =	sdelay $0x3  }
0x94: {  	_ =	strace s2  }
0x95: {  	s2 =	sld [smem:$0x3FFD];
	_ =	sdelay $0x3  }
0x96: {  	_ =	strace s2  }
0x97: {  	_ =	strace $0x8FFFFFFF  }
0x98: {  	s19 =	sld [smem:$0x3FDB];
	_ =	sdelay $0x1  }
0x99: {  	s20 =	simm.s32 $_scs_section_size  }
0x9a: {  	s4 =	simm.s32 $_size__tile_overlayer_lowered;
	s5 =	simm.s32 $_tile_overlayer_lowered  }
0x9b: {  	s6 =	simm.s32 $0x1BFF;
	s21 =	sshll.u32 s5, $0x1;
	s3 =	sadd.s32 s20, s19  }
0x9c: {  	s22 =	simm.s32 $0x0;
	s4 =	sshll.u32 s4, $0x1;
	s5 =	sadd.s32 s21, s3  }
0x9d: {  	[timem:s22], [sflag:s6] =	dma.local [hbm:s5], s4  }
0x9e: {  	_ =	swait.ge [sflag:s6], s4  }
0x9f: {  	s4 =	ssub.s32 $0x0, s4;
	[sflag:s6] =	ssyncset.done $0x0  }
0xa0: {  	[sflag:s6] =	ssyncadd.s32 s4;
	_ =	sdelay $0x1  }
0xa1: {  	s23 =	simm.s32 $0x1B8B  }
0xa2: {  	_ =	swait.ge [sflag:s23], $0x1  }
0xa3: {  	[sflag:s23] =	ssyncset.done $0x0  }
0xa4: {  	[sflag:s23] =	ssyncadd.s32 $0xFFFFFFFF  }
0xa5: {  	s4 =	sld [smem:$0x0]  }
0xa6: {  	s5 =	sand.u32 $0xFFFFFFFE, s1  }
0xa7: {  	p0 =	sne.s32 s1, s5  }
0xa8: {  	s5 =	sshll.u32 @p0 s5, $0xE  }
0xa9: {  	s5 =	sadd.s32 @p0 $0x11B8D, s5;
	s6 =	sshll.u32 @p0 s4, $0x11  }
0xaa: {  	s5 =	sor.u32 @p0 s6, s5  }
0xab: {  	[sflag:s5] =	ssyncadd.remote.s32 @p0 $0x1;
	_ =	sdelay $0x1  }
0xac: {  	s5 =	simm.s32 @p0 $0x1B8D  }
0xad: {  	_ =	swait.eq @p0 [sflag:s5], $0x1  }
0xae: {  	[sflag:s5] =	ssyncadd.s32 @p0 $0xFFFFFFFF  }
0xaf: {  	s6 =	sshll.u32 @!p0 s1, $0xE  }
0xb0: {  	s6 =	sor.u32 @!p0 $0x4000, s6;
	s5 =	simm.s32 @!p0 $0x1B8D  }
0xb1: {  	s4 =	sshll.u32 @!p0 s4, $0x11;
	s6 =	sadd.s32 @!p0 $0x11B8D, s6;
	_ =	swait.eq @!p0 [sflag:s5], $0x1  }
0xb2: {  	s4 =	sor.u32 @!p0 s4, s6;
	[sflag:s5] =	ssyncadd.s32 @!p0 $0xFFFFFFFF  }
0xb3: {  	s25 =	simm.s32 $0x1B8E;
	s24 =	sld [smem:$0x3FFE];
	[sflag:s4] =	ssyncadd.remote.s32 @!p0 $0x1  }
0xb4: {  	s26 =	simm.s32 $execute0_lowered;
	[smem:$0x3FD2] =	sst s25  }
0xb5: {  	s5 =	sshll.u32 s26, $0x1;
	_ =	strace $0x80000052;
	[dreg:$0x1] =	wrdreg $0xFFFFFFFF  }
0xb6: {  	s28 =	simm.s32 $_size_execute0_lowered;
	s3 =	sadd.s32 s3, s5;
	[dreg:$0x0] =	wrdreg $0x0  }
0xb7: {  	s5 =	sshll.u32 s28, $0x1;
	[dreg:$0x2] =	wrdreg s3  }
0xb8: {  	[dreg:$0x3] =	wrdreg s5  }
0xb9: {  	[dreg:$0x4] =	wrdreg $0xC0  }
0xba: {  	_ =	task [dreg:s22], $0x5FFFF  }
0xbb: {  	[dreg:$0x1] =	wrdreg $0xFFFFFFFF  }
0xbc: {  	[dreg:$0x0] =	wrdreg $0x60  }
0xbd: {  	[dreg:$0x2] =	wrdreg s24  }
0xbe: {  	[dreg:$0x3] =	wrdreg $0x40800  }
0xbf: {  	[dreg:$0x4] =	wrdreg $0xC  }
0xc0: {  	_ =	task.clear_ibuf [dreg:s22], $0x5FFFF;
	_ =	strace $0x90000052  }
0xc1: {  	s29 =	simm.s32 $0xC;
	_ =	strace $0x80000054  }
0xc2: {  	_ =	swait.ge [sflag:s29], $0x1  }
0xc3: {  	[sflag:s29] =	ssyncadd.s32 $0xFFFFFFFF  }
0xc4: {  	_ =	strace $0x90000054  }
0xc5: {  	_ =	sfence  }
0xc6: {  	s30 =	sld [smem:$0x0];
	_ =	sdelay $0x2  }
0xc7: {  	s31 =	sshll.u32 s1, $0xD;
	s1 =	sshrl.u32 s1, $0x2  }
0xc8: {  	s4 =	sand.u32 $0x4000, s31;
	s1 =	sadd.s32 s1, s30  }
0xc9: {  	s0 =	sor.u32 s4, s0;
	s1 =	sshll.u32 s1, $0x11  }
0xca: {  	s0 =	sor.u32 s1, s0  }
0xcb: {  	s0 =	sadd.s32 $0x8F2B, s0  }
0xcc: {  	[sflag:s0] =	ssyncadd.remote.s32 $0x1  }
0xcd: {  	_ =	sfence.sel $0xFFFF  }
0xce: {  	[dreg:$0x0] =	wrdreg $0xFFFFFFFF;
	(pc) =	sbr.abs _section_cstart, $3  }
0xcf: {  	[dreg:$0x1] =	wrdreg $0xFFFFFFFF  }
0xd0: {  	_ =	task.clear_ibuf [dreg:s22], $0x2FFFF;
	_ =	strace $0x9FFFFFFF  }
0xd1: {  	(tm) =	ssettm $0x7FFFFFFF  }
tec
execute0_lowered:
.L_overlay_start_1:
0x0: {  	(tag) =	ssettag $0x1  }
0x1: {  	s4 =	rddreg [dreg:$0x0]  }
0x2: {  	s2 =	rddreg [dreg:$0x1]  }
0x3: {  	s0 =	rddreg [dreg:$0x2];
	s3 =	simm.s32 $0x0;
	s1 =	stileid.u32  }
0x4: {  	s6 =	srdreg.scid;
	[smem:$0x7FF] =	sst s3;
	s5 =	sshll.u32 s1, $0x5  }
0x5: {  	s19 =	sand.u32 $0x1, s6;
	s26 =	sshll.u32 s1, $0xC;
	s7 =	smul.u32 $0x4E000, s1  }
0x6: {  	s9 =	smul.u32 $0x13800, s1;
	s15 =	sadd.s32 $0xDA00, s4;
	s20 =	sshll.u32 s1, $0x1  }
0x7: {  	p0 =	sne.s32 s1, $0xF;
	_ =	strace $0x80000053;
	s16 =	sadd.s32 s5, s4  }
0x8: {  	s6 =	ssub.s32 $0x2, s19;
	s18 =	sadd.s32 s26, s4;
	s14 =	smul.u32 $0x138800, s19  }
0x9: {  	s28 =	sshrl.u32 s6, $0x1;
	s29 =	sshrl.u32 s7, $0x2;
	s10 =	sadd.s32 $0x4000, s9  }
0xa: {  	s11 =	sadd.s32 $0x8000, s9;
	s12 =	sadd.s32 $0xC000, s9;
	s13 =	sadd.s32 $0x10000, s9  }
0xb: {  	s17 =	ssub.s32 s6, s28;
	s4 =	sadd.s32 s29, s2;
	s5 =	sadd.s32 s10, s2  }
0xc: {  	s6 =	sadd.s32 s11, s2;
	s7 =	sadd.s32 s12, s2;
	s8 =	sadd.s32 s13, s2  }
0xd: {  	s21 =	sadd.s32 s9, s14;
	s9 =	sadd.s32 $0x138000, s2;
	s22 =	sadd.s32 s14, s10  }
0xe: {  	s31 =	sadd.s32 s14, s11;
	s24 =	sadd.s32 s14, s12;
	s26 =	sadd.s32 s14, s13  }
0xf: {  	s29 =	sshrl.u32 s14, $0x3;
	s21 =	sshrl.u32 s21, $0x3;
	s30 =	sshrl.u32 s22, $0x3  }
0x10: {  	s23 =	sshrl.u32 s31, $0x3;
	s25 =	sshrl.u32 s24, $0x3;
	s28 =	sshrl.u32 s26, $0x3  }
0x11: {  	s31 =	sshll.u32 s19, $0xB;
	s22 =	simm.s32 $0x0;
	s10 =	sadd.s32 s15, s21  }
0x12: {  	s11 =	sadd.s32 s15, s30;
	s12 =	sadd.s32 s15, s23;
	s13 =	sadd.s32 s15, s25  }
0x13: {  	s14 =	sadd.s32 s15, s28;
	s15 =	sadd.s32 s15, s29;
	s30 =	sshll.u32 s19, $0x4  }
0x14: {  	s18 =	sadd.s32 s31, s18;
	s19 =	sor.u32 s19, s20;
	s20 =	simm.s32 $0x80  }
0x15: {  	s15 =	sadd.s32 $0x27000, s15;
	s21 =	sadd.s32 s30, s16;
	s16 =	smax.u32 s17, $0x1  }
0x16: {  	v0 =	vimm.f32 $0.0e+00;
	s18 =	sadd.s32 $0x146200, s18;
	s17 =	sadd.s32 $0x8A00, s21;
	s21 =	simm.s32 $0x1  }
.LBB2_1:
0x17: {  	s23 =	sand.u32 $0xFE00, s3  }
0x18: {  	s24 =	sand.u32 $0x70, s3;
	s25 =	sshrl.u32 s23, $0x2  }
0x19: {  	s23 =	simm.s32 $0x40;
	s25 =	sor.u32 s24, s25;
	s24 =	simm.s32 $0x0  }
.LBB2_2:
0x1a: {  	p1 =	sne.s32 s23, $0xFFC0  }
0x1b: {  	[tilespmem:s25+$0x80] =	vst v0;
	s24 =	sadd.s32 $0x10, s24;
	s25 =	smov.u32 s23;
	s23 =	sadd.s32 $0x40, s23  }
.Ltmp0:
0x1c: {  	(pc) =	sbr.rel @p1 .LBB2_2-.Ltmp0, $4  }
0x1d: {  	_ = 	snop  }
0x1e: {  	s25 =	sand.u32 $0xFE00, s25  }
0x1f: {  	s26 =	sand.u32 $0x70, s24;
	s25 =	sshrl.u32 s25, $0x2  }
0x20: {  	s25 =	sor.u32 s26, s25  }
0x21: {  	[tilespmem:s25+$0x80] =	vst v0  }
0x22: {  	[spmem:s4] =	stream.linear.scatter [tilespmem:s20], [sflag:$0x1], $0x4000, $0x38;
	[tilespmem:$0x17900] =	vst v63  }
0x23: {  	_ =	swait.ge [sflag:s21], $0x4000  }
0x24: {  	[sflag:s21] =	ssyncset.done $0x0  }
0x25: {  	[sflag:s21] =	ssyncadd.s32 $0xFFFFC000  }
0x26: {  	[spmem:s5] =	stream.linear.scatter [tilespmem:s20], [sflag:$0x1], $0x4000, $0x38;
	[tilespmem:$0x17900] =	vst v63  }
0x27: {  	_ =	swait.ge [sflag:s21], $0x4000  }
0x28: {  	[sflag:s21] =	ssyncset.done $0x0  }
0x29: {  	[sflag:s21] =	ssyncadd.s32 $0xFFFFC000  }
0x2a: {  	[spmem:s6] =	stream.linear.scatter [tilespmem:s20], [sflag:$0x1], $0x4000, $0x38;
	[tilespmem:$0x17900] =	vst v63  }
0x2b: {  	_ =	swait.ge [sflag:s21], $0x4000  }
0x2c: {  	[sflag:s21] =	ssyncset.done $0x0  }
0x2d: {  	[sflag:s21] =	ssyncadd.s32 $0xFFFFC000  }
0x2e: {  	[spmem:s7] =	stream.linear.scatter [tilespmem:s20], [sflag:$0x1], $0x4000, $0x38;
	[tilespmem:$0x17900] =	vst v63  }
0x2f: {  	_ =	swait.ge [sflag:s21], $0x4000  }
0x30: {  	[sflag:s21] =	ssyncset.done $0x0  }
0x31: {  	[sflag:s21] =	ssyncadd.s32 $0xFFFFC000  }
0x32: {  	[spmem:s8] =	stream.linear.scatter [tilespmem:s20], [sflag:$0x1], $0x3800, $0x38;
	[tilespmem:$0x17900] =	vst v63  }
0x33: {  	_ =	swait.ge [sflag:s21], $0x3800  }
0x34: {  	[sflag:s21] =	ssyncset.done $0x0  }
0x35: {  	s23 =	simm.s32 @!p0 $0x80;
	[sflag:s21] =	ssyncadd.s32 $0xFFFFC800  }
0x36: {  	[spmem:s9] =	stream.linear.scatter @!p0 [tilespmem:s23], [sflag:$0x1], $0x800, $0x38;
	[tilespmem:$0x17900] =	vst v63  }
0x37: {  	s23 =	simm.s32 @!p0 $0x1  }
0x38: {  	_ =	swait.ge @!p0 [sflag:s23], $0x800  }
0x39: {  	s24 =	sadd.s32 $0x0, s19;
	[sflag:s23] =	ssyncset.done @!p0 $0x0  }
0x3a: {  	p1 =	sgt.u32 s24, $0x270;
	[sflag:s23] =	ssyncadd.s32 @!p0 $0xFFFFF800  }
0x3b: {  	s25 =	simm.s32 @!p1 $0x2;
	s23 =	simm.s32 @!p1 $0x0;
	[bflag:$0x0] =	sbarrier.arrive $0xFFFF  }
0x3c: {  	[tilespmem:s23], [sflag:$0x2] =	stream.linear.gather @!p1 [hbm4b:s17+s23], $0x80, $0x38;
	[tilespmem:$0x17900] =	vst v63  }
0x3d: {  	_ =	swait.ge @!p1 [sflag:s25], $0x80  }
0x3e: {  	[sflag:s25] =	ssyncset.done @!p1 $0x0;
	p1 =	por p1, p1  }
0x3f: {  	[sflag:s25] =	ssyncadd.s32 @!p1 $0xFFFFFF80;
	s28 =	simm.s32 @!p1 $0x80  }
0x40: {  	[tilespmem:s28], [sflag:$0x2] =	stream.linear.gather @!p1 [hbm4b:s18+s23], $0x4000, $0x38;
	[tilespmem:$0x17900] =	vst v63  }
0x41: {  	_ =	swait.ge @!p1 [sflag:s25], $0x4000  }
0x42: {  	[sflag:s25] =	ssyncset.done @!p1 $0x0  }
0x43: {  	s31 =	sadd.s32 $0x20, s19;
	s26 =	simm.s32 @!p1 $0x1;
	[sflag:s25] =	ssyncadd.s32 @!p1 $0xFFFFC000  }
0x44: {  	[spmem:s2] =	stream.indirect.scatter.add.f32 @!p1 [tilespmem:s28], [sflag:$0x1], $0x80, s23, s28, $0xb8;
	[tilespmem:$0x17900] =	vst v63  }
0x45: {  	s24 =	simm.s32 $0x40;
	p2 =	sgt.u32 s31, $0x270;
	_ =	swait.ge @!p1 [sflag:s26], $0x4000  }
0x46: {  	s25 =	sadd.s32 $0x200, s17;
	s23 =	sadd.s32 $0x10000, s18;
	[sflag:s26] =	ssyncset.done @!p1 $0x0  }
.LBB2_4:
0x47: {  	s28 =	simm.s32 @!p2 $0x0;
	s29 =	simm.s32 @!p2 $0x2;
	[sflag:s26] =	ssyncadd.s32 @!p1 $0xFFFFC000  }
0x48: {  	[tilespmem:s28], [sflag:$0x2] =	stream.linear.gather @!p2 [hbm4b:s25+s28], $0x80, $0x38;
	[tilespmem:$0x17900] =	vst v63  }
0x49: {  	s30 =	smov.u32 s24;
	s24 =	sadd.s32 $0x20, s24;
	_ =	swait.ge @!p2 [sflag:s29], $0x80  }
0x4a: {  	p1 =	por p2, p2;
	p3 =	sne.s32 s24, $0x280;
	[sflag:s29] =	ssyncset.done @!p2 $0x0  }
0x4b: {  	s31 =	simm.s32 @!p1 $0x80;
	[sflag:s29] =	ssyncadd.s32 @!p1 $0xFFFFFF80  }
0x4c: {  	[tilespmem:s31], [sflag:$0x2] =	stream.linear.gather @!p1 [hbm4b:s23+s28], $0x4000, $0x38;
	[tilespmem:$0x17900] =	vst v63  }
0x4d: {  	_ =	swait.ge @!p1 [sflag:s29], $0x4000  }
.Ltmp1:
0x4e: {  	[sflag:s29] =	ssyncset.done @!p1 $0x0;
	(pc) =	sbr.rel @p3 .LBB2_4-.Ltmp1, $4  }
0x4f: {  	s26 =	simm.s32 @!p1 $0x1;
	[sflag:s29] =	ssyncadd.s32 @!p1 $0xFFFFC000  }
0x50: {  	[spmem:s2] =	stream.indirect.scatter.add.f32 @!p1 [tilespmem:s31], [sflag:$0x1], $0x80, s28, s31, $0xb8;
	[tilespmem:$0x17900] =	vst v63  }
0x51: {  	s23 =	sadd.s32 $0x10000, s23;
	s28 =	sadd.s32 s30, s19;
	_ =	swait.ge @!p1 [sflag:s26], $0x4000  }
0x52: {  	s25 =	sadd.s32 $0x200, s25;
	p2 =	sgt.u32 s28, $0x270;
	[sflag:s26] =	ssyncset.done @!p1 $0x0  }
0x53: {  	s24 =	simm.s32 @!p2 $0x0;
	s28 =	simm.s32 @!p2 $0x2;
	[sflag:s26] =	ssyncadd.s32 @!p1 $0xFFFFC000  }
0x54: {  	[tilespmem:s24], [sflag:$0x2] =	stream.linear.gather @!p2 [hbm4b:s25+s24], $0x80, $0x38;
	[tilespmem:$0x17900] =	vst v63  }
0x55: {  	_ =	swait.ge @!p2 [sflag:s28], $0x80  }
0x56: {  	p1 =	por p2, p2;
	[sflag:s28] =	ssyncset.done @!p2 $0x0  }
0x57: {  	s25 =	simm.s32 @!p1 $0x80;
	[sflag:s28] =	ssyncadd.s32 @!p1 $0xFFFFFF80  }
0x58: {  	[tilespmem:s25], [sflag:$0x2] =	stream.linear.gather @!p1 [hbm4b:s23+s24], $0x4000, $0x38;
	[tilespmem:$0x17900] =	vst v63  }
0x59: {  	_ =	swait.ge @!p1 [sflag:s28], $0x4000  }
0x5a: {  	[sflag:s28] =	ssyncset.done @!p1 $0x0  }
0x5b: {  	s23 =	simm.s32 @!p1 $0x1;
	[sflag:s28] =	ssyncadd.s32 @!p1 $0xFFFFC000  }
0x5c: {  	[spmem:s2] =	stream.indirect.scatter.add.f32 @!p1 [tilespmem:s25], [sflag:$0x1], $0x80, s24, s25, $0xb8;
	[tilespmem:$0x17900] =	vst v63  }
0x5d: {  	_ =	swait.ge @!p1 [sflag:s23], $0x4000  }
0x5e: {  	[sflag:s23] =	ssyncset.done @!p1 $0x0  }
0x5f: {  	[sflag:s23] =	ssyncadd.s32 @!p1 $0xFFFFC000  }
0x60: {  	[bflag:$0x0] =	sbarrier.arrive $0xFFFF  }
0x61: {  	[tilespmem:s20], [sflag:$0x1] =	stream.linear.gather [spmem:s4], $0x4000, $0x38;
	[tilespmem:$0x17900] =	vst v63  }
0x62: {  	_ =	swait.ge [sflag:s21], $0x4000  }
0x63: {  	[sflag:s21] =	ssyncset.done $0x0  }
0x64: {  	[sflag:s21] =	ssyncadd.s32 $0xFFFFC000  }
0x65: {  	[hbm4b:s10+s3] =	stream.linear.scatter [tilespmem:s20], [sflag:$0x1], $0x4000, $0x38;
	[tilespmem:$0x17900] =	vst v63  }
0x66: {  	_ =	swait.ge [sflag:s21], $0x4000  }
0x67: {  	[sflag:s21] =	ssyncset.done $0x0  }
0x68: {  	[sflag:s21] =	ssyncadd.s32 $0xFFFFC000  }
0x69: {  	[tilespmem:s20], [sflag:$0x1] =	stream.linear.gather [spmem:s5], $0x4000, $0x38;
	[tilespmem:$0x17900] =	vst v63  }
0x6a: {  	_ =	swait.ge [sflag:s21], $0x4000  }
0x6b: {  	[sflag:s21] =	ssyncset.done $0x0  }
0x6c: {  	[sflag:s21] =	ssyncadd.s32 $0xFFFFC000  }
0x6d: {  	[hbm4b:s11+s3] =	stream.linear.scatter [tilespmem:s20], [sflag:$0x1], $0x4000, $0x38;
	[tilespmem:$0x17900] =	vst v63  }
0x6e: {  	_ =	swait.ge [sflag:s21], $0x4000  }
0x6f: {  	[sflag:s21] =	ssyncset.done $0x0  }
0x70: {  	[sflag:s21] =	ssyncadd.s32 $0xFFFFC000  }
0x71: {  	[tilespmem:s20], [sflag:$0x1] =	stream.linear.gather [spmem:s6], $0x4000, $0x38;
	[tilespmem:$0x17900] =	vst v63  }
0x72: {  	_ =	swait.ge [sflag:s21], $0x4000  }
0x73: {  	[sflag:s21] =	ssyncset.done $0x0  }
0x74: {  	[sflag:s21] =	ssyncadd.s32 $0xFFFFC000  }
0x75: {  	[hbm4b:s12+s3] =	stream.linear.scatter [tilespmem:s20], [sflag:$0x1], $0x4000, $0x38;
	[tilespmem:$0x17900] =	vst v63  }
0x76: {  	_ =	swait.ge [sflag:s21], $0x4000  }
0x77: {  	[sflag:s21] =	ssyncset.done $0x0  }
0x78: {  	[sflag:s21] =	ssyncadd.s32 $0xFFFFC000  }
0x79: {  	[tilespmem:s20], [sflag:$0x1] =	stream.linear.gather [spmem:s7], $0x4000, $0x38;
	[tilespmem:$0x17900] =	vst v63  }
0x7a: {  	_ =	swait.ge [sflag:s21], $0x4000  }
0x7b: {  	[sflag:s21] =	ssyncset.done $0x0  }
0x7c: {  	[sflag:s21] =	ssyncadd.s32 $0xFFFFC000  }
0x7d: {  	[hbm4b:s13+s3] =	stream.linear.scatter [tilespmem:s20], [sflag:$0x1], $0x4000, $0x38;
	[tilespmem:$0x17900] =	vst v63  }
0x7e: {  	_ =	swait.ge [sflag:s21], $0x4000  }
0x7f: {  	[sflag:s21] =	ssyncset.done $0x0  }
0x80: {  	[sflag:s21] =	ssyncadd.s32 $0xFFFFC000  }
0x81: {  	[tilespmem:s20], [sflag:$0x1] =	stream.linear.gather [spmem:s8], $0x3800, $0x38;
	[tilespmem:$0x17900] =	vst v63  }
0x82: {  	_ =	swait.ge [sflag:s21], $0x3800  }
0x83: {  	[sflag:s21] =	ssyncset.done $0x0  }
0x84: {  	[sflag:s21] =	ssyncadd.s32 $0xFFFFC800  }
0x85: {  	[hbm4b:s14+s3] =	stream.linear.scatter [tilespmem:s20], [sflag:$0x1], $0x3800, $0x38;
	[tilespmem:$0x17900] =	vst v63  }
0x86: {  	_ =	swait.ge [sflag:s21], $0x3800  }
0x87: {  	[sflag:s21] =	ssyncset.done $0x0  }
0x88: {  	s24 =	simm.s32 @!p0 $0x1;
	s23 =	simm.s32 @!p0 $0x80;
	[sflag:s21] =	ssyncadd.s32 $0xFFFFC800  }
0x89: {  	[tilespmem:s23], [sflag:$0x1] =	stream.linear.gather @!p0 [spmem:s9], $0x800, $0x38;
	[tilespmem:$0x17900] =	vst v63  }
0x8a: {  	s22 =	sadd.s32 $0x1, s22;
	_ =	swait.ge @!p0 [sflag:s24], $0x800  }
0x8b: {  	p1 =	sne.s32 s22, s16;
	[sflag:s24] =	ssyncset.done @!p0 $0x0  }
.Ltmp2:
0x8c: {  	s25 =	simm.s32 @!p0 $0x0;
	[sflag:s24] =	ssyncadd.s32 @!p0 $0xFFFFF800;
	(pc) =	sbr.rel @p1 .LBB2_1-.Ltmp2, $4  }
0x8d: {  	[hbm4b:s15+s25] =	stream.linear.scatter @!p0 [tilespmem:s23], [sflag:$0x1], $0x800, $0x38;
	[tilespmem:$0x17900] =	vst v63  }
0x8e: {  	_ =	swait.ge @!p0 [sflag:s24], $0x800  }
0x8f: {  	[sflag:s24] =	ssyncset.done @!p0 $0x0  }
0x90: {  	[sflag:s24] =	ssyncadd.s32 @!p0 $0xFFFFF800  }
0x91: {  	_ =	sfence.sel $0x180000  }
0x92: {  	[bflag:$0x0] =	sbarrier.arrive $0xFFFF  }
0x93: {  	p0 =	sne.s32 s1, $0x0;
	_ =	strace $0x90000053  }
0x94: {  	s0 =	sadd.s32 @!p0 $0x100000, s0;
	[bflag:$0x2] =	sbarrier.arrive $0xFFFF  }
0x95: {  	[sflag:s0] =	ssyncadd.tile.s32 @!p0 $0x1;
	_ =	shalt  }
.Lfunc_end2:
_tile_overlayer_lowered:
.L_overlay_start_2:
0x96: {  	(tag) =	ssettag $0x2  }
0x97: {  	s0 =	rddreg [dreg:$0x0];
	s2 =	stileid.u32  }
0x98: {  	s1 =	rddreg [dreg:$0x1];
	p0 =	sne.s32 s2, $0x0  }
0x99: {  	s3 =	rddreg [dreg:$0x2];
	[bflag:$0x3] =	sbarrier.arrive $0xFFFF;
	s2 =	simm.s32 @!p0 $0x1C01  }
0x9a: {  	[timem:s3], [sflag:s2] =	dma.local @!p0 [hbm:s0], s1  }
0x9b: {  	s0 =	simm.s32 @!p0 $0x1  }
0x9c: {  	_ =	swait.ge @!p0 [sflag:s0], s1  }
0x9d: {  	s1 =	ssub.s32 @!p0 $0x0, s1;
	[sflag:s0] =	ssyncset.done @!p0 $0x0  }
0x9e: {  	[sflag:s0] =	ssyncadd.s32 @!p0 s1  }
0x9f: {  	[bflag:$0x3] =	sbarrier.arrive $0xFFFF  }
0xa0: {  	_ =	shalt  }

// kernel: kernel.24.cloned.1.call-start
scs
__scs_entry_jumppad:
0x0: {  	(pc) =	sbr.rel $0x88, $3  }
0x1: {  	(tag) =	ssettag $0x0;
	lr =	simm.s32 $0x1  }
0x2: {  	[smem:$0x3F8E] =	sst lr;
	_ =	strace $0xD0000000  }
0x3: {  	_ = 	snop  }
0x4: {  	_ = 	snop  }
0x5: {  	_ = 	snop  }
0x6: {  	_ = 	snop  }
0x7: {  	_ = 	snop  }
__scs_overlays_trampoline_lowered:
0x8: {  	[smem:$0x3F9D] =	sst s0  }
0x9: {  	[smem:$0x3F9E] =	sst s1  }
0xa: {  	[smem:$0x3F9F] =	sst s2  }
0xb: {  	[smem:$0x3FA0] =	sst s3  }
0xc: {  	[smem:$0x3FA1] =	sst s4  }
0xd: {  	[smem:$0x3FA2] =	sst s5  }
0xe: {  	[smem:$0x3FA3] =	sst s6  }
0xf: {  	[smem:$0x3FA4] =	sst s7  }
0x10: {  	[smem:$0x3FA5] =	sst s8  }
0x11: {  	[smem:$0x3FA6] =	sst s9;
	s0 =	simm.s32 @!p0 $0x0  }
0x12: {  	s1 =	sld [smem:$0x3F8C];
	s0 =	simm.s32 @p0 $0x1  }
0x13: {  	[smem:$0x3FA7] =	sst s0;
	s0 =	simm.s32 @!p1 $0x0  }
0x14: {  	s2 =	sld [smem:$0x3F8B];
	s0 =	simm.s32 @p1 $0x1  }
0x15: {  	[smem:$0x3FA8] =	sst s0;
	s0 =	simm.s32 @!p2 $0x0  }
0x16: {  	s3 =	sld [smem:$0x3FDB];
	s0 =	simm.s32 @p2 $0x1  }
0x17: {  	s4 =	simm.s32 $0x1BF5;
	[smem:$0x3FAA] =	sst s0  }
0x18: {  	s0 =	sld [smem:$0x3F8D];
	_ =	swait.ge [sflag:s4], $0x0  }
0x19: {  	s7 =	sld [smem:$0x3F8E]  }
0x1a: {  	s8 =	sadd.s32 $0xFFFFE003, lr  }
0x1b: {  	s9 =	sadd.s32 $0xFFFFFEF7, lr;
	s5 =	simm.s32 $0xFFFFFFFF;
	p2 =	slt.u32 s8, $0xFFFFF086  }
0x1c: {  	p1 =	slt.u32 s9, $0xF7A;
	s5 =	simm.s32 @!p2 $0x0  }
0x1d: {  	s5 =	simm.s32 @p1 $0x1;
	p0 =	seq.s32 s7, s2  }
0x1e: {  	s7 =	smul.u32 @!p0 $0xF7A, s2;
	p2 =	seq.s32 @!p0 s5, $0x0  }
0x1f: {  	s9 =	smul.u32 $0xF7A, s1;
	s8 =	simm.s32 @!p0 $0x1BF5;
	p2 =	por !p2, p0  }
0x20: {  	[sflag:s8] =	ssyncset.s32 @!p0 $0xFFFFF086;
	s6 =	sadd.s32 @!p0 s3, s7;
	s7 =	simm.s32 @!p0 $0x108  }
0x21: {  	s3 =	sadd.s32 s3, s9;
	s6 =	sadd.s32 @!p0 $0x88, s6;
	s7 =	simm.s32 @p2 $0x1082  }
0x22: {  	[simem:s7], [sflag:s8] =	dma.local @!p0 [hbm:s6], $0xF7A  }
0x23: {  	s9 =	sor.u32 $0xD0000000, s2;
	s6 =	simm.s32 $0x108;
	_ =	swait.ge @!p0 [sflag:s8], $0x0  }
0x24: {  	s3 =	sadd.s32 $0x88, s3;
	s6 =	simm.s32 @!p1 $0x1082;
	[sflag:s4] =	ssyncset.s32 $0xFFFFF086  }
0x25: {  	[simem:s6], [sflag:s4] =	dma.local [hbm:s3], $0xF7A  }
0x26: {  	[smem:$0x3F8E] =	sst s1;
	(tag) =	ssettag s2;
	_ =	strace s9  }
0x27: {  	s1 =	sld [smem:$0x3F9E]  }
0x28: {  	s2 =	sld [smem:$0x3F9F]  }
0x29: {  	s4 =	sld [smem:$0x3FA1]  }
0x2a: {  	p0 =	seq.s32 s5, $0x0;
	s5 =	sld [smem:$0x3FA2]  }
0x2b: {  	s6 =	sld [smem:$0x3FA3]  }
0x2c: {  	s7 =	sld [smem:$0x3FA4]  }
0x2d: {  	s3 =	simm.s32 $0x108;
	s8 =	sld [smem:$0x3FA5]  }
0x2e: {  	s3 =	simm.s32 @!p0 $0x1082;
	s9 =	sld [smem:$0x3FA6]  }
0x2f: {  	lr =	sadd.s32 s0, s3;
	s0 =	sld [smem:$0x3F9D]  }
0x30: {  	s3 =	sld [smem:$0x3FA0]  }
0x31: {  	[smem:$0x3FA9] =	sst s10  }
0x32: {  	s10 =	sld [smem:$0x3FA7];
	_ =	sdelay $0x3  }
0x33: {  	p0 =	seq.s32 s10, $0x1;
	s10 =	sld [smem:$0x3FA9];
	_ =	sdelay $0x3  }
0x34: {  	[smem:$0x3FA9] =	sst s10  }
0x35: {  	s10 =	sld [smem:$0x3FA8];
	_ =	sdelay $0x3  }
0x36: {  	p1 =	seq.s32 s10, $0x1;
	s10 =	sld [smem:$0x3FA9];
	_ =	sdelay $0x3  }
0x37: {  	[smem:$0x3FA9] =	sst s10  }
0x38: {  	s10 =	sld [smem:$0x3FAA]  }
0x39: {  	_ = 	snop;
	(pc) =	sbr.ind lr, $3  }
0x3a: {  	_ = 	snop  }
0x3b: {  	_ = 	snop  }
0x3c: {  	p2 =	seq.s32 s10, $0x1;
	s10 =	sld [smem:$0x3FA9]  }
0x3d: {  	_ =	shalt  }
0x3e: {  	_ =	shalt  }
0x3f: {  	_ =	shalt  }
0x40: {  	_ =	shalt  }
0x41: {  	_ =	shalt  }
0x42: {  	_ =	shalt  }
0x43: {  	_ =	shalt  }
0x44: {  	_ =	shalt  }
0x45: {  	_ =	shalt  }
0x46: {  	_ =	shalt  }
0x47: {  	_ =	shalt  }
0x48: {  	_ =	shalt  }
0x49: {  	_ =	shalt  }
0x4a: {  	_ =	shalt  }
0x4b: {  	_ =	shalt  }
0x4c: {  	_ =	shalt  }
0x4d: {  	_ =	shalt  }
0x4e: {  	_ =	shalt  }
0x4f: {  	_ =	shalt  }
0x50: {  	_ =	shalt  }
0x51: {  	_ =	shalt  }
0x52: {  	_ =	shalt  }
0x53: {  	_ =	shalt  }
0x54: {  	_ =	shalt  }
0x55: {  	_ =	shalt  }
0x56: {  	_ =	shalt  }
0x57: {  	_ =	shalt  }
0x58: {  	_ =	shalt  }
0x59: {  	_ =	shalt  }
0x5a: {  	_ =	shalt  }
0x5b: {  	_ =	shalt  }
0x5c: {  	_ =	shalt  }
0x5d: {  	_ =	shalt  }
0x5e: {  	_ =	shalt  }
0x5f: {  	_ =	shalt  }
0x60: {  	_ =	shalt  }
0x61: {  	_ =	shalt  }
0x62: {  	_ =	shalt  }
0x63: {  	_ =	shalt  }
0x64: {  	_ =	shalt  }
0x65: {  	_ =	shalt  }
0x66: {  	_ =	shalt  }
0x67: {  	_ =	shalt  }
0x68: {  	_ =	shalt  }
0x69: {  	_ =	shalt  }
0x6a: {  	_ =	shalt  }
0x6b: {  	_ =	shalt  }
0x6c: {  	_ =	shalt  }
0x6d: {  	_ =	shalt  }
0x6e: {  	_ =	shalt  }
0x6f: {  	_ =	shalt  }
0x70: {  	_ =	shalt  }
0x71: {  	_ =	shalt  }
0x72: {  	_ =	shalt  }
0x73: {  	_ =	shalt  }
0x74: {  	_ =	shalt  }
0x75: {  	_ =	shalt  }
0x76: {  	_ =	shalt  }
0x77: {  	_ =	shalt  }
0x78: {  	_ =	shalt  }
0x79: {  	_ =	shalt  }
0x7a: {  	_ =	shalt  }
0x7b: {  	_ =	shalt  }
0x7c: {  	_ =	shalt  }
0x7d: {  	_ =	shalt  }
0x7e: {  	_ =	shalt  }
0x7f: {  	_ =	shalt  }
0x80: {  	_ =	shalt  }
0x81: {  	_ =	shalt  }
0x82: {  	_ =	shalt  }
0x83: {  	_ =	shalt  }
0x84: {  	_ =	shalt  }
0x85: {  	_ =	shalt  }
0x86: {  	_ =	shalt  }
0x87: {  	_ =	shalt  }
.Lfunc_end0:
.L_simem_size_0:
called_computation.4_lowered:
.L_overlay_start_0:
0x88: {  	s2 =	sld [smem:$0x3FD9]  }
0x89: {  	s3 =	sld [smem:$0x3FFE];
	_ =	sdelay $0x1  }
0x8a: {  	s1 =	srdreg.scid  }
0x8b: {  	s0 =	sand.u32 $0x1, s1  }
0x8c: {  	s17 =	sshll.u32 s0, $0xA;
	s2 =	sadd.s32 s3, s2  }
0x8d: {  	s2 =	sadd.s32 s2, s17  }
0x8e: {  	[smem:$0x3FB5] =	sst s2  }
0x8f: {  	_ = 	snop  }
0x90: {  	(tm) =	ssettm $0x1  }
0x91: {  	s18 =	sld [smem:$0x3FFB];
	_ =	sdelay $0x3  }
0x92: {  	_ =	strace s18  }
0x93: {  	s2 =	sld [smem:$0x3FFC];
	_ =	sdelay $0x3  }
0x94: {  	_ =	strace s2  }
0x95: {  	s2 =	sld [smem:$0x3FFD];
	_ =	sdelay $0x3  }
0x96: {  	_ =	strace s2  }
0x97: {  	_ =	strace $0x8FFFFFFF  }
0x98: {  	s19 =	sld [smem:$0x3FDB];
	_ =	sdelay $0x1  }
0x99: {  	s20 =	simm.s32 $_scs_section_size  }
0x9a: {  	s4 =	simm.s32 $_size__tile_overlayer_lowered;
	s5 =	simm.s32 $_tile_overlayer_lowered  }
0x9b: {  	s6 =	simm.s32 $0x1BFF;
	s21 =	sshll.u32 s5, $0x1;
	s3 =	sadd.s32 s20, s19  }
0x9c: {  	s22 =	simm.s32 $0x0;
	s4 =	sshll.u32 s4, $0x1;
	s5 =	sadd.s32 s21, s3  }
0x9d: {  	[timem:s22], [sflag:s6] =	dma.local [hbm:s5], s4  }
0x9e: {  	_ =	swait.ge [sflag:s6], s4  }
0x9f: {  	s4 =	ssub.s32 $0x0, s4;
	[sflag:s6] =	ssyncset.done $0x0  }
0xa0: {  	[sflag:s6] =	ssyncadd.s32 s4;
	_ =	sdelay $0x1  }
0xa1: {  	s23 =	simm.s32 $0x1B8B  }
0xa2: {  	_ =	swait.ge [sflag:s23], $0x1  }
0xa3: {  	[sflag:s23] =	ssyncset.done $0x0  }
0xa4: {  	[sflag:s23] =	ssyncadd.s32 $0xFFFFFFFF  }
0xa5: {  	s4 =	sld [smem:$0x0]  }
0xa6: {  	s5 =	sand.u32 $0xFFFFFFFE, s1  }
0xa7: {  	p0 =	sne.s32 s1, s5  }
0xa8: {  	s5 =	sshll.u32 @p0 s5, $0xE  }
0xa9: {  	s5 =	sadd.s32 @p0 $0x11B8D, s5;
	s6 =	sshll.u32 @p0 s4, $0x11  }
0xaa: {  	s5 =	sor.u32 @p0 s6, s5  }
0xab: {  	[sflag:s5] =	ssyncadd.remote.s32 @p0 $0x1;
	_ =	sdelay $0x1  }
0xac: {  	s5 =	simm.s32 @p0 $0x1B8D  }
0xad: {  	_ =	swait.eq @p0 [sflag:s5], $0x1  }
0xae: {  	[sflag:s5] =	ssyncadd.s32 @p0 $0xFFFFFFFF  }
0xaf: {  	s6 =	sshll.u32 @!p0 s1, $0xE  }
0xb0: {  	s6 =	sor.u32 @!p0 $0x4000, s6;
	s5 =	simm.s32 @!p0 $0x1B8D  }
0xb1: {  	s4 =	sshll.u32 @!p0 s4, $0x11;
	s6 =	sadd.s32 @!p0 $0x11B8D, s6;
	_ =	swait.eq @!p0 [sflag:s5], $0x1  }
0xb2: {  	s4 =	sor.u32 @!p0 s4, s6;
	[sflag:s5] =	ssyncadd.s32 @!p0 $0xFFFFFFFF  }
0xb3: {  	s25 =	simm.s32 $0x1B8E;
	s24 =	sld [smem:$0x3FFE];
	[sflag:s4] =	ssyncadd.remote.s32 @!p0 $0x1  }
0xb4: {  	s26 =	simm.s32 $execute0_lowered;
	[smem:$0x3FD2] =	sst s25  }
0xb5: {  	s5 =	sshll.u32 s26, $0x1;
	_ =	strace $0x8000004F;
	[dreg:$0x1] =	wrdreg $0xFFFFFFFF  }
0xb6: {  	s28 =	simm.s32 $_size_execute0_lowered;
	s3 =	sadd.s32 s3, s5;
	[dreg:$0x0] =	wrdreg $0x0  }
0xb7: {  	s5 =	sshll.u32 s28, $0x1;
	[dreg:$0x2] =	wrdreg s3  }
0xb8: {  	[dreg:$0x3] =	wrdreg s5  }
0xb9: {  	[dreg:$0x4] =	wrdreg $0xC0  }
0xba: {  	_ =	task [dreg:s22], $0x5FFFF  }
0xbb: {  	[dreg:$0x1] =	wrdreg $0xFFFFFFFF  }
0xbc: {  	[dreg:$0x0] =	wrdreg $0x60  }
0xbd: {  	[dreg:$0x2] =	wrdreg s24  }
0xbe: {  	[dreg:$0x3] =	wrdreg $0x40800  }
0xbf: {  	[dreg:$0x4] =	wrdreg $0x9  }
0xc0: {  	_ =	task.clear_ibuf [dreg:s22], $0x5FFFF;
	_ =	strace $0x9000004F  }
0xc1: {  	s29 =	simm.s32 $0x9;
	_ =	strace $0x80000051  }
0xc2: {  	_ =	swait.ge [sflag:s29], $0x1  }
0xc3: {  	[sflag:s29] =	ssyncadd.s32 $0xFFFFFFFF  }
0xc4: {  	_ =	strace $0x90000051  }
0xc5: {  	_ =	sfence  }
0xc6: {  	s30 =	sld [smem:$0x0];
	_ =	sdelay $0x2  }
0xc7: {  	s31 =	sshll.u32 s1, $0xD;
	s1 =	sshrl.u32 s1, $0x2  }
0xc8: {  	s4 =	sand.u32 $0x4000, s31;
	s1 =	sadd.s32 s1, s30  }
0xc9: {  	s0 =	sor.u32 s4, s0;
	s1 =	sshll.u32 s1, $0x11  }
0xca: {  	s0 =	sor.u32 s1, s0  }
0xcb: {  	s0 =	sadd.s32 $0x8F2B, s0  }
0xcc: {  	[sflag:s0] =	ssyncadd.remote.s32 $0x1  }
0xcd: {  	_ =	sfence.sel $0xFFFF  }
0xce: {  	[dreg:$0x0] =	wrdreg $0xFFFFFFFF;
	(pc) =	sbr.abs _section_cstart, $3  }
0xcf: {  	[dreg:$0x1] =	wrdreg $0xFFFFFFFF  }
0xd0: {  	_ =	task.clear_ibuf [dreg:s22], $0x2FFFF;
	_ =	strace $0x9FFFFFFF  }
0xd1: {  	(tm) =	ssettm $0x7FFFFFFF  }
tec
execute0_lowered:
.L_overlay_start_1:
0x0: {  	(tag) =	ssettag $0x1  }
0x1: {  	s4 =	rddreg [dreg:$0x0]  }
0x2: {  	s1 =	rddreg [dreg:$0x1]  }
0x3: {  	s0 =	rddreg [dreg:$0x2];
	s3 =	simm.s32 $0x0;
	s2 =	srdreg.scid  }
0x4: {  	s20 =	simm.s32 $0x1;
	[smem:$0x7FF] =	sst s3;
	s6 =	sand.u32 $0x1, s2  }
0x5: {  	s21 =	simm.s32 $0x0;
	s2 =	stileid.u32;
	s5 =	smul.u32 $0x9C4000, s6  }
0x6: {  	s14 =	sadd.s32 $0xF8000, s4;
	s9 =	sadd.s32 $0x138000, s1;
	s29 =	smul.u32 $0x4E000, s2  }
0x7: {  	_ =	strace $0x80000050;
	s7 =	sshll.u32 s2, $0xE;
	s10 =	smul.u32 $0x13800, s2  }
0x8: {  	s8 =	sshll.u32 s2, $0x4;
	s30 =	ssub.s32 $0x2, s6;
	s15 =	smul.u32 $0x138800, s6  }
0x9: {  	p0 =	sne.s32 s2, $0xF;
	s17 =	sadd.s32 s8, s4;
	s31 =	sshrl.u32 s30, $0x1  }
0xa: {  	s5 =	sadd.s32 s7, s5;
	s7 =	sshrl.u32 s29, $0x2;
	s11 =	sadd.s32 $0x4000, s10  }
0xb: {  	s16 =	ssub.s32 s30, s31;
	s12 =	sadd.s32 $0x8000, s10;
	s13 =	sadd.s32 $0xC000, s10  }
0xc: {  	s19 =	sadd.s32 $0x10000, s10;
	s10 =	sadd.s32 s10, s15;
	s17 =	sadd.s32 $0xB110, s17  }
0xd: {  	s5 =	sshrl.u32 s5, $0x3;
	s6 =	sadd.s32 s12, s1;
	s8 =	sadd.s32 s19, s1  }
0xe: {  	s10 =	sshrl.u32 s10, $0x3;
	s12 =	sadd.s32 s15, s12;
	s19 =	sadd.s32 s15, s19  }
0xf: {  	s16 =	smax.u32 s16, $0x1;
	s18 =	sadd.s32 s5, s4;
	s4 =	sadd.s32 s7, s1  }
0x10: {  	s5 =	sadd.s32 s11, s1;
	s7 =	sadd.s32 s13, s1;
	s11 =	sadd.s32 s15, s11  }
0x11: {  	s10 =	sadd.s32 s14, s10;
	s12 =	sshrl.u32 s12, $0x3;
	s13 =	sadd.s32 s15, s13  }
0x12: {  	s15 =	sshrl.u32 s15, $0x3;
	s19 =	sshrl.u32 s19, $0x3;
	s11 =	sshrl.u32 s11, $0x3  }
0x13: {  	s12 =	sadd.s32 s14, s12;
	s13 =	sshrl.u32 s13, $0x3;
	s15 =	sadd.s32 s14, s15  }
0x14: {  	s18 =	sadd.s32 $0x1088600, s18;
	s11 =	sadd.s32 s14, s11;
	s13 =	sadd.s32 s14, s13  }
0x15: {  	v0 =	vimm.f32 $0.0e+00;
	s14 =	sadd.s32 s14, s19;
	s15 =	sadd.s32 $0x27000, s15;
	s19 =	simm.s32 $0x80  }
.LBB2_1:
0x16: {  	s22 =	sand.u32 $0xFE00, s3  }
0x17: {  	s23 =	sand.u32 $0x70, s3;
	s24 =	sshrl.u32 s22, $0x2  }
0x18: {  	s22 =	simm.s32 $0x40;
	s24 =	sor.u32 s23, s24;
	s23 =	simm.s32 $0x0  }
.LBB2_2:
0x19: {  	p1 =	sne.s32 s22, $0xFFC0  }
0x1a: {  	[tilespmem:s24+$0x80] =	vst v0;
	s23 =	sadd.s32 $0x10, s23;
	s24 =	smov.u32 s22;
	s22 =	sadd.s32 $0x40, s22  }
.Ltmp0:
0x1b: {  	(pc) =	sbr.rel @p1 .LBB2_2-.Ltmp0, $4  }
0x1c: {  	_ = 	snop  }
0x1d: {  	s24 =	sand.u32 $0xFE00, s24  }
0x1e: {  	s25 =	sand.u32 $0x70, s23;
	s24 =	sshrl.u32 s24, $0x2  }
0x1f: {  	s24 =	sor.u32 s25, s24  }
0x20: {  	[tilespmem:s24+$0x80] =	vst v0  }
0x21: {  	[spmem:s4] =	stream.linear.scatter [tilespmem:s19], [sflag:$0x1], $0x4000, $0x38;
	[tilespmem:$0x17900] =	vst v63  }
0x22: {  	_ =	swait.ge [sflag:s20], $0x4000  }
0x23: {  	[sflag:s20] =	ssyncset.done $0x0  }
0x24: {  	[sflag:s20] =	ssyncadd.s32 $0xFFFFC000  }
0x25: {  	[spmem:s5] =	stream.linear.scatter [tilespmem:s19], [sflag:$0x1], $0x4000, $0x38;
	[tilespmem:$0x17900] =	vst v63  }
0x26: {  	_ =	swait.ge [sflag:s20], $0x4000  }
0x27: {  	[sflag:s20] =	ssyncset.done $0x0  }
0x28: {  	[sflag:s20] =	ssyncadd.s32 $0xFFFFC000  }
0x29: {  	[spmem:s6] =	stream.linear.scatter [tilespmem:s19], [sflag:$0x1], $0x4000, $0x38;
	[tilespmem:$0x17900] =	vst v63  }
0x2a: {  	_ =	swait.ge [sflag:s20], $0x4000  }
0x2b: {  	[sflag:s20] =	ssyncset.done $0x0  }
0x2c: {  	[sflag:s20] =	ssyncadd.s32 $0xFFFFC000  }
0x2d: {  	[spmem:s7] =	stream.linear.scatter [tilespmem:s19], [sflag:$0x1], $0x4000, $0x38;
	[tilespmem:$0x17900] =	vst v63  }
0x2e: {  	_ =	swait.ge [sflag:s20], $0x4000  }
0x2f: {  	[sflag:s20] =	ssyncset.done $0x0  }
0x30: {  	[sflag:s20] =	ssyncadd.s32 $0xFFFFC000  }
0x31: {  	[spmem:s8] =	stream.linear.scatter [tilespmem:s19], [sflag:$0x1], $0x3800, $0x38;
	[tilespmem:$0x17900] =	vst v63  }
0x32: {  	_ =	swait.ge [sflag:s20], $0x3800  }
0x33: {  	[sflag:s20] =	ssyncset.done $0x0  }
0x34: {  	s22 =	simm.s32 @!p0 $0x80;
	[sflag:s20] =	ssyncadd.s32 $0xFFFFC800  }
0x35: {  	[spmem:s9] =	stream.linear.scatter @!p0 [tilespmem:s22], [sflag:$0x1], $0x800, $0x38;
	[tilespmem:$0x17900] =	vst v63  }
0x36: {  	s22 =	simm.s32 @!p0 $0x1  }
0x37: {  	_ =	swait.ge @!p0 [sflag:s22], $0x800  }
0x38: {  	s23 =	sadd.s32 $0x0, s2;
	[sflag:s22] =	ssyncset.done @!p0 $0x0  }
0x39: {  	p1 =	sgt.u32 s23, $0x270;
	[sflag:s22] =	ssyncadd.s32 @!p0 $0xFFFFF800  }
0x3a: {  	s24 =	simm.s32 @!p1 $0x2;
	s22 =	simm.s32 @!p1 $0x0;
	[bflag:$0x0] =	sbarrier.arrive $0xFFFF  }
0x3b: {  	[tilespmem:s22], [sflag:$0x2] =	stream.linear.gather @!p1 [hbm4b:s17+s22], $0x80, $0x38;
	[tilespmem:$0x17900] =	vst v63  }
0x3c: {  	_ =	swait.ge @!p1 [sflag:s24], $0x80  }
0x3d: {  	[sflag:s24] =	ssyncset.done @!p1 $0x0;
	p1 =	por p1, p1  }
0x3e: {  	[sflag:s24] =	ssyncadd.s32 @!p1 $0xFFFFFF80;
	s26 =	simm.s32 @!p1 $0x80  }
0x3f: {  	[tilespmem:s26], [sflag:$0x2] =	stream.linear.gather @!p1 [hbm4b:s18+s22], $0x4000, $0x38;
	[tilespmem:$0x17900] =	vst v63  }
0x40: {  	_ =	swait.ge @!p1 [sflag:s24], $0x4000  }
0x41: {  	[sflag:s24] =	ssyncset.done @!p1 $0x0  }
0x42: {  	s31 =	sadd.s32 $0x10, s2;
	s25 =	simm.s32 @!p1 $0x1;
	[sflag:s24] =	ssyncadd.s32 @!p1 $0xFFFFC000  }
0x43: {  	[spmem:s1] =	stream.indirect.scatter.add.f32 @!p1 [tilespmem:s26], [sflag:$0x1], $0x80, s22, s26, $0xb8;
	[tilespmem:$0x17900] =	vst v63  }
0x44: {  	s23 =	simm.s32 $0x20;
	p2 =	sgt.u32 s31, $0x270;
	_ =	swait.ge @!p1 [sflag:s25], $0x4000  }
0x45: {  	s24 =	sadd.s32 $0x100, s17;
	s22 =	sadd.s32 $0x8000, s18;
	[sflag:s25] =	ssyncset.done @!p1 $0x0  }
.LBB2_4:
0x46: {  	s26 =	simm.s32 @!p2 $0x0;
	s28 =	simm.s32 @!p2 $0x2;
	[sflag:s25] =	ssyncadd.s32 @!p1 $0xFFFFC000  }
0x47: {  	[tilespmem:s26], [sflag:$0x2] =	stream.linear.gather @!p2 [hbm4b:s24+s26], $0x80, $0x38;
	[tilespmem:$0x17900] =	vst v63  }
0x48: {  	s29 =	smov.u32 s23;
	s23 =	sadd.s32 $0x10, s23;
	_ =	swait.ge @!p2 [sflag:s28], $0x80  }
0x49: {  	p1 =	por p2, p2;
	p3 =	sne.s32 s23, $0x280;
	[sflag:s28] =	ssyncset.done @!p2 $0x0  }
0x4a: {  	s30 =	simm.s32 @!p1 $0x80;
	[sflag:s28] =	ssyncadd.s32 @!p1 $0xFFFFFF80  }
0x4b: {  	[tilespmem:s30], [sflag:$0x2] =	stream.linear.gather @!p1 [hbm4b:s22+s26], $0x4000, $0x38;
	[tilespmem:$0x17900] =	vst v63  }
0x4c: {  	_ =	swait.ge @!p1 [sflag:s28], $0x4000  }
.Ltmp1:
0x4d: {  	[sflag:s28] =	ssyncset.done @!p1 $0x0;
	(pc) =	sbr.rel @p3 .LBB2_4-.Ltmp1, $4  }
0x4e: {  	s25 =	simm.s32 @!p1 $0x1;
	[sflag:s28] =	ssyncadd.s32 @!p1 $0xFFFFC000  }
0x4f: {  	[spmem:s1] =	stream.indirect.scatter.add.f32 @!p1 [tilespmem:s30], [sflag:$0x1], $0x80, s26, s30, $0xb8;
	[tilespmem:$0x17900] =	vst v63  }
0x50: {  	s22 =	sadd.s32 $0x8000, s22;
	s26 =	sadd.s32 s29, s2;
	_ =	swait.ge @!p1 [sflag:s25], $0x4000  }
0x51: {  	s24 =	sadd.s32 $0x100, s24;
	p2 =	sgt.u32 s26, $0x270;
	[sflag:s25] =	ssyncset.done @!p1 $0x0  }
0x52: {  	s23 =	simm.s32 @!p2 $0x0;
	s26 =	simm.s32 @!p2 $0x2;
	[sflag:s25] =	ssyncadd.s32 @!p1 $0xFFFFC000  }
0x53: {  	[tilespmem:s23], [sflag:$0x2] =	stream.linear.gather @!p2 [hbm4b:s24+s23], $0x80, $0x38;
	[tilespmem:$0x17900] =	vst v63  }
0x54: {  	_ =	swait.ge @!p2 [sflag:s26], $0x80  }
0x55: {  	p1 =	por p2, p2;
	[sflag:s26] =	ssyncset.done @!p2 $0x0  }
0x56: {  	s24 =	simm.s32 @!p1 $0x80;
	[sflag:s26] =	ssyncadd.s32 @!p1 $0xFFFFFF80  }
0x57: {  	[tilespmem:s24], [sflag:$0x2] =	stream.linear.gather @!p1 [hbm4b:s22+s23], $0x4000, $0x38;
	[tilespmem:$0x17900] =	vst v63  }
0x58: {  	_ =	swait.ge @!p1 [sflag:s26], $0x4000  }
0x59: {  	[sflag:s26] =	ssyncset.done @!p1 $0x0  }
0x5a: {  	s22 =	simm.s32 @!p1 $0x1;
	[sflag:s26] =	ssyncadd.s32 @!p1 $0xFFFFC000  }
0x5b: {  	[spmem:s1] =	stream.indirect.scatter.add.f32 @!p1 [tilespmem:s24], [sflag:$0x1], $0x80, s23, s24, $0xb8;
	[tilespmem:$0x17900] =	vst v63  }
0x5c: {  	_ =	swait.ge @!p1 [sflag:s22], $0x4000  }
0x5d: {  	[sflag:s22] =	ssyncset.done @!p1 $0x0  }
0x5e: {  	[sflag:s22] =	ssyncadd.s32 @!p1 $0xFFFFC000  }
0x5f: {  	[bflag:$0x0] =	sbarrier.arrive $0xFFFF  }
0x60: {  	[tilespmem:s19], [sflag:$0x1] =	stream.linear.gather [spmem:s4], $0x4000, $0x38;
	[tilespmem:$0x17900] =	vst v63  }
0x61: {  	_ =	swait.ge [sflag:s20], $0x4000  }
0x62: {  	[sflag:s20] =	ssyncset.done $0x0  }
0x63: {  	[sflag:s20] =	ssyncadd.s32 $0xFFFFC000  }
0x64: {  	[hbm4b:s10+s3] =	stream.linear.scatter [tilespmem:s19], [sflag:$0x1], $0x4000, $0x38;
	[tilespmem:$0x17900] =	vst v63  }
0x65: {  	_ =	swait.ge [sflag:s20], $0x4000  }
0x66: {  	[sflag:s20] =	ssyncset.done $0x0  }
0x67: {  	[sflag:s20] =	ssyncadd.s32 $0xFFFFC000  }
0x68: {  	[tilespmem:s19], [sflag:$0x1] =	stream.linear.gather [spmem:s5], $0x4000, $0x38;
	[tilespmem:$0x17900] =	vst v63  }
0x69: {  	_ =	swait.ge [sflag:s20], $0x4000  }
0x6a: {  	[sflag:s20] =	ssyncset.done $0x0  }
0x6b: {  	[sflag:s20] =	ssyncadd.s32 $0xFFFFC000  }
0x6c: {  	[hbm4b:s11+s3] =	stream.linear.scatter [tilespmem:s19], [sflag:$0x1], $0x4000, $0x38;
	[tilespmem:$0x17900] =	vst v63  }
0x6d: {  	_ =	swait.ge [sflag:s20], $0x4000  }
0x6e: {  	[sflag:s20] =	ssyncset.done $0x0  }
0x6f: {  	[sflag:s20] =	ssyncadd.s32 $0xFFFFC000  }
0x70: {  	[tilespmem:s19], [sflag:$0x1] =	stream.linear.gather [spmem:s6], $0x4000, $0x38;
	[tilespmem:$0x17900] =	vst v63  }
0x71: {  	_ =	swait.ge [sflag:s20], $0x4000  }
0x72: {  	[sflag:s20] =	ssyncset.done $0x0  }
0x73: {  	[sflag:s20] =	ssyncadd.s32 $0xFFFFC000  }
0x74: {  	[hbm4b:s12+s3] =	stream.linear.scatter [tilespmem:s19], [sflag:$0x1], $0x4000, $0x38;
	[tilespmem:$0x17900] =	vst v63  }
0x75: {  	_ =	swait.ge [sflag:s20], $0x4000  }
0x76: {  	[sflag:s20] =	ssyncset.done $0x0  }
0x77: {  	[sflag:s20] =	ssyncadd.s32 $0xFFFFC000  }
0x78: {  	[tilespmem:s19], [sflag:$0x1] =	stream.linear.gather [spmem:s7], $0x4000, $0x38;
	[tilespmem:$0x17900] =	vst v63  }
0x79: {  	_ =	swait.ge [sflag:s20], $0x4000  }
0x7a: {  	[sflag:s20] =	ssyncset.done $0x0  }
0x7b: {  	[sflag:s20] =	ssyncadd.s32 $0xFFFFC000  }
0x7c: {  	[hbm4b:s13+s3] =	stream.linear.scatter [tilespmem:s19], [sflag:$0x1], $0x4000, $0x38;
	[tilespmem:$0x17900] =	vst v63  }
0x7d: {  	_ =	swait.ge [sflag:s20], $0x4000  }
0x7e: {  	[sflag:s20] =	ssyncset.done $0x0  }
0x7f: {  	[sflag:s20] =	ssyncadd.s32 $0xFFFFC000  }
0x80: {  	[tilespmem:s19], [sflag:$0x1] =	stream.linear.gather [spmem:s8], $0x3800, $0x38;
	[tilespmem:$0x17900] =	vst v63  }
0x81: {  	_ =	swait.ge [sflag:s20], $0x3800  }
0x82: {  	[sflag:s20] =	ssyncset.done $0x0  }
0x83: {  	[sflag:s20] =	ssyncadd.s32 $0xFFFFC800  }
0x84: {  	[hbm4b:s14+s3] =	stream.linear.scatter [tilespmem:s19], [sflag:$0x1], $0x3800, $0x38;
	[tilespmem:$0x17900] =	vst v63  }
0x85: {  	_ =	swait.ge [sflag:s20], $0x3800  }
0x86: {  	[sflag:s20] =	ssyncset.done $0x0  }
0x87: {  	s23 =	simm.s32 @!p0 $0x1;
	s22 =	simm.s32 @!p0 $0x80;
	[sflag:s20] =	ssyncadd.s32 $0xFFFFC800  }
0x88: {  	[tilespmem:s22], [sflag:$0x1] =	stream.linear.gather @!p0 [spmem:s9], $0x800, $0x38;
	[tilespmem:$0x17900] =	vst v63  }
0x89: {  	s21 =	sadd.s32 $0x1, s21;
	_ =	swait.ge @!p0 [sflag:s23], $0x800  }
0x8a: {  	p1 =	sne.s32 s21, s16;
	[sflag:s23] =	ssyncset.done @!p0 $0x0  }
.Ltmp2:
0x8b: {  	s24 =	simm.s32 @!p0 $0x0;
	[sflag:s23] =	ssyncadd.s32 @!p0 $0xFFFFF800;
	(pc) =	sbr.rel @p1 .LBB2_1-.Ltmp2, $4  }
0x8c: {  	[hbm4b:s15+s24] =	stream.linear.scatter @!p0 [tilespmem:s22], [sflag:$0x1], $0x800, $0x38;
	[tilespmem:$0x17900] =	vst v63  }
0x8d: {  	_ =	swait.ge @!p0 [sflag:s23], $0x800  }
0x8e: {  	[sflag:s23] =	ssyncset.done @!p0 $0x0  }
0x8f: {  	[sflag:s23] =	ssyncadd.s32 @!p0 $0xFFFFF800  }
0x90: {  	_ =	sfence.sel $0x180000  }
0x91: {  	[bflag:$0x0] =	sbarrier.arrive $0xFFFF  }
0x92: {  	p0 =	sne.s32 s2, $0x0;
	_ =	strace $0x90000050  }
0x93: {  	s0 =	sadd.s32 @!p0 $0x100000, s0;
	[bflag:$0x2] =	sbarrier.arrive $0xFFFF  }
0x94: {  	[sflag:s0] =	ssyncadd.tile.s32 @!p0 $0x1;
	_ =	shalt  }
.Lfunc_end2:
_tile_overlayer_lowered:
.L_overlay_start_2:
0x95: {  	(tag) =	ssettag $0x2  }
0x96: {  	s0 =	rddreg [dreg:$0x0];
	s2 =	stileid.u32  }
0x97: {  	s1 =	rddreg [dreg:$0x1];
	p0 =	sne.s32 s2, $0x0  }
0x98: {  	s3 =	rddreg [dreg:$0x2];
	[bflag:$0x3] =	sbarrier.arrive $0xFFFF;
	s2 =	simm.s32 @!p0 $0x1C01  }
0x99: {  	[timem:s3], [sflag:s2] =	dma.local @!p0 [hbm:s0], s1  }
0x9a: {  	s0 =	simm.s32 @!p0 $0x1  }
0x9b: {  	_ =	swait.ge @!p0 [sflag:s0], s1  }
0x9c: {  	s1 =	ssub.s32 @!p0 $0x0, s1;
	[sflag:s0] =	ssyncset.done @!p0 $0x0  }
0x9d: {  	[sflag:s0] =	ssyncadd.s32 @!p0 s1  }
0x9e: {  	[bflag:$0x3] =	sbarrier.arrive $0xFFFF  }
0x9f: {  	_ =	shalt  }

// kernel: kernel.27.cloned.1.call-start
scs
__scs_entry_jumppad:
0x0: {  	(pc) =	sbr.rel $0x88, $3  }
0x1: {  	(tag) =	ssettag $0x0;
	lr =	simm.s32 $0x1  }
0x2: {  	[smem:$0x3F8E] =	sst lr;
	_ =	strace $0xD0000000  }
0x3: {  	_ = 	snop  }
0x4: {  	_ = 	snop  }
0x5: {  	_ = 	snop  }
0x6: {  	_ = 	snop  }
0x7: {  	_ = 	snop  }
__scs_overlays_trampoline_lowered:
0x8: {  	[smem:$0x3F9D] =	sst s0  }
0x9: {  	[smem:$0x3F9E] =	sst s1  }
0xa: {  	[smem:$0x3F9F] =	sst s2  }
0xb: {  	[smem:$0x3FA0] =	sst s3  }
0xc: {  	[smem:$0x3FA1] =	sst s4  }
0xd: {  	[smem:$0x3FA2] =	sst s5  }
0xe: {  	[smem:$0x3FA3] =	sst s6  }
0xf: {  	[smem:$0x3FA4] =	sst s7  }
0x10: {  	[smem:$0x3FA5] =	sst s8  }
0x11: {  	[smem:$0x3FA6] =	sst s9;
	s0 =	simm.s32 @!p0 $0x0  }
0x12: {  	s1 =	sld [smem:$0x3F8C];
	s0 =	simm.s32 @p0 $0x1  }
0x13: {  	[smem:$0x3FA7] =	sst s0;
	s0 =	simm.s32 @!p1 $0x0  }
0x14: {  	s2 =	sld [smem:$0x3F8B];
	s0 =	simm.s32 @p1 $0x1  }
0x15: {  	[smem:$0x3FA8] =	sst s0;
	s0 =	simm.s32 @!p2 $0x0  }
0x16: {  	s3 =	sld [smem:$0x3FDB];
	s0 =	simm.s32 @p2 $0x1  }
0x17: {  	s4 =	simm.s32 $0x1BF5;
	[smem:$0x3FAA] =	sst s0  }
0x18: {  	s0 =	sld [smem:$0x3F8D];
	_ =	swait.ge [sflag:s4], $0x0  }
0x19: {  	s7 =	sld [smem:$0x3F8E]  }
0x1a: {  	s8 =	sadd.s32 $0xFFFFE003, lr  }
0x1b: {  	s9 =	sadd.s32 $0xFFFFFEF7, lr;
	s5 =	simm.s32 $0xFFFFFFFF;
	p2 =	slt.u32 s8, $0xFFFFF086  }
0x1c: {  	p1 =	slt.u32 s9, $0xF7A;
	s5 =	simm.s32 @!p2 $0x0  }
0x1d: {  	s5 =	simm.s32 @p1 $0x1;
	p0 =	seq.s32 s7, s2  }
0x1e: {  	s7 =	smul.u32 @!p0 $0xF7A, s2;
	p2 =	seq.s32 @!p0 s5, $0x0  }
0x1f: {  	s9 =	smul.u32 $0xF7A, s1;
	s8 =	simm.s32 @!p0 $0x1BF5;
	p2 =	por !p2, p0  }
0x20: {  	[sflag:s8] =	ssyncset.s32 @!p0 $0xFFFFF086;
	s6 =	sadd.s32 @!p0 s3, s7;
	s7 =	simm.s32 @!p0 $0x108  }
0x21: {  	s3 =	sadd.s32 s3, s9;
	s6 =	sadd.s32 @!p0 $0x88, s6;
	s7 =	simm.s32 @p2 $0x1082  }
0x22: {  	[simem:s7], [sflag:s8] =	dma.local @!p0 [hbm:s6], $0xF7A  }
0x23: {  	s9 =	sor.u32 $0xD0000000, s2;
	s6 =	simm.s32 $0x108;
	_ =	swait.ge @!p0 [sflag:s8], $0x0  }
0x24: {  	s3 =	sadd.s32 $0x88, s3;
	s6 =	simm.s32 @!p1 $0x1082;
	[sflag:s4] =	ssyncset.s32 $0xFFFFF086  }
0x25: {  	[simem:s6], [sflag:s4] =	dma.local [hbm:s3], $0xF7A  }
0x26: {  	[smem:$0x3F8E] =	sst s1;
	(tag) =	ssettag s2;
	_ =	strace s9  }
0x27: {  	s1 =	sld [smem:$0x3F9E]  }
0x28: {  	s2 =	sld [smem:$0x3F9F]  }
0x29: {  	s4 =	sld [smem:$0x3FA1]  }
0x2a: {  	p0 =	seq.s32 s5, $0x0;
	s5 =	sld [smem:$0x3FA2]  }
0x2b: {  	s6 =	sld [smem:$0x3FA3]  }
0x2c: {  	s7 =	sld [smem:$0x3FA4]  }
0x2d: {  	s3 =	simm.s32 $0x108;
	s8 =	sld [smem:$0x3FA5]  }
0x2e: {  	s3 =	simm.s32 @!p0 $0x1082;
	s9 =	sld [smem:$0x3FA6]  }
0x2f: {  	lr =	sadd.s32 s0, s3;
	s0 =	sld [smem:$0x3F9D]  }
0x30: {  	s3 =	sld [smem:$0x3FA0]  }
0x31: {  	[smem:$0x3FA9] =	sst s10  }
0x32: {  	s10 =	sld [smem:$0x3FA7];
	_ =	sdelay $0x3  }
0x33: {  	p0 =	seq.s32 s10, $0x1;
	s10 =	sld [smem:$0x3FA9];
	_ =	sdelay $0x3  }
0x34: {  	[smem:$0x3FA9] =	sst s10  }
0x35: {  	s10 =	sld [smem:$0x3FA8];
	_ =	sdelay $0x3  }
0x36: {  	p1 =	seq.s32 s10, $0x1;
	s10 =	sld [smem:$0x3FA9];
	_ =	sdelay $0x3  }
0x37: {  	[smem:$0x3FA9] =	sst s10  }
0x38: {  	s10 =	sld [smem:$0x3FAA]  }
0x39: {  	_ = 	snop;
	(pc) =	sbr.ind lr, $3  }
0x3a: {  	_ = 	snop  }
0x3b: {  	_ = 	snop  }
0x3c: {  	p2 =	seq.s32 s10, $0x1;
	s10 =	sld [smem:$0x3FA9]  }
0x3d: {  	_ =	shalt  }
0x3e: {  	_ =	shalt  }
0x3f: {  	_ =	shalt  }
0x40: {  	_ =	shalt  }
0x41: {  	_ =	shalt  }
0x42: {  	_ =	shalt  }
0x43: {  	_ =	shalt  }
0x44: {  	_ =	shalt  }
0x45: {  	_ =	shalt  }
0x46: {  	_ =	shalt  }
0x47: {  	_ =	shalt  }
0x48: {  	_ =	shalt  }
0x49: {  	_ =	shalt  }
0x4a: {  	_ =	shalt  }
0x4b: {  	_ =	shalt  }
0x4c: {  	_ =	shalt  }
0x4d: {  	_ =	shalt  }
0x4e: {  	_ =	shalt  }
0x4f: {  	_ =	shalt  }
0x50: {  	_ =	shalt  }
0x51: {  	_ =	shalt  }
0x52: {  	_ =	shalt  }
0x53: {  	_ =	shalt  }
0x54: {  	_ =	shalt  }
0x55: {  	_ =	shalt  }
0x56: {  	_ =	shalt  }
0x57: {  	_ =	shalt  }
0x58: {  	_ =	shalt  }
0x59: {  	_ =	shalt  }
0x5a: {  	_ =	shalt  }
0x5b: {  	_ =	shalt  }
0x5c: {  	_ =	shalt  }
0x5d: {  	_ =	shalt  }
0x5e: {  	_ =	shalt  }
0x5f: {  	_ =	shalt  }
0x60: {  	_ =	shalt  }
0x61: {  	_ =	shalt  }
0x62: {  	_ =	shalt  }
0x63: {  	_ =	shalt  }
0x64: {  	_ =	shalt  }
0x65: {  	_ =	shalt  }
0x66: {  	_ =	shalt  }
0x67: {  	_ =	shalt  }
0x68: {  	_ =	shalt  }
0x69: {  	_ =	shalt  }
0x6a: {  	_ =	shalt  }
0x6b: {  	_ =	shalt  }
0x6c: {  	_ =	shalt  }
0x6d: {  	_ =	shalt  }
0x6e: {  	_ =	shalt  }
0x6f: {  	_ =	shalt  }
0x70: {  	_ =	shalt  }
0x71: {  	_ =	shalt  }
0x72: {  	_ =	shalt  }
0x73: {  	_ =	shalt  }
0x74: {  	_ =	shalt  }
0x75: {  	_ =	shalt  }
0x76: {  	_ =	shalt  }
0x77: {  	_ =	shalt  }
0x78: {  	_ =	shalt  }
0x79: {  	_ =	shalt  }
0x7a: {  	_ =	shalt  }
0x7b: {  	_ =	shalt  }
0x7c: {  	_ =	shalt  }
0x7d: {  	_ =	shalt  }
0x7e: {  	_ =	shalt  }
0x7f: {  	_ =	shalt  }
0x80: {  	_ =	shalt  }
0x81: {  	_ =	shalt  }
0x82: {  	_ =	shalt  }
0x83: {  	_ =	shalt  }
0x84: {  	_ =	shalt  }
0x85: {  	_ =	shalt  }
0x86: {  	_ =	shalt  }
0x87: {  	_ =	shalt  }
.Lfunc_end0:
.L_simem_size_0:
called_computation.5_lowered:
.L_overlay_start_0:
0x88: {  	s2 =	sld [smem:$0x3FD9]  }
0x89: {  	s3 =	sld [smem:$0x3FFE];
	_ =	sdelay $0x1  }
0x8a: {  	s1 =	srdreg.scid  }
0x8b: {  	s0 =	sand.u32 $0x1, s1  }
0x8c: {  	s17 =	sshll.u32 s0, $0xA;
	s2 =	sadd.s32 s3, s2  }
0x8d: {  	s2 =	sadd.s32 s2, s17  }
0x8e: {  	[smem:$0x3FB5] =	sst s2  }
0x8f: {  	_ = 	snop  }
0x90: {  	(tm) =	ssettm $0x1  }
0x91: {  	s18 =	sld [smem:$0x3FFB];
	_ =	sdelay $0x3  }
0x92: {  	_ =	strace s18  }
0x93: {  	s2 =	sld [smem:$0x3FFC];
	_ =	sdelay $0x3  }
0x94: {  	_ =	strace s2  }
0x95: {  	s2 =	sld [smem:$0x3FFD];
	_ =	sdelay $0x3  }
0x96: {  	_ =	strace s2  }
0x97: {  	_ =	strace $0x8FFFFFFF  }
0x98: {  	s19 =	sld [smem:$0x3FDB];
	_ =	sdelay $0x1  }
0x99: {  	s20 =	simm.s32 $_scs_section_size  }
0x9a: {  	s4 =	simm.s32 $_size__tile_overlayer_lowered;
	s5 =	simm.s32 $_tile_overlayer_lowered  }
0x9b: {  	s6 =	simm.s32 $0x1BFF;
	s21 =	sshll.u32 s5, $0x1;
	s3 =	sadd.s32 s20, s19  }
0x9c: {  	s22 =	simm.s32 $0x0;
	s4 =	sshll.u32 s4, $0x1;
	s5 =	sadd.s32 s21, s3  }
0x9d: {  	[timem:s22], [sflag:s6] =	dma.local [hbm:s5], s4  }
0x9e: {  	_ =	swait.ge [sflag:s6], s4  }
0x9f: {  	s4 =	ssub.s32 $0x0, s4;
	[sflag:s6] =	ssyncset.done $0x0  }
0xa0: {  	[sflag:s6] =	ssyncadd.s32 s4;
	_ =	sdelay $0x1  }
0xa1: {  	s23 =	simm.s32 $0x1B8B  }
0xa2: {  	_ =	swait.ge [sflag:s23], $0x1  }
0xa3: {  	[sflag:s23] =	ssyncset.done $0x0  }
0xa4: {  	[sflag:s23] =	ssyncadd.s32 $0xFFFFFFFF  }
0xa5: {  	s4 =	sld [smem:$0x0]  }
0xa6: {  	s5 =	sand.u32 $0xFFFFFFFE, s1  }
0xa7: {  	p0 =	sne.s32 s1, s5  }
0xa8: {  	s5 =	sshll.u32 @p0 s5, $0xE  }
0xa9: {  	s5 =	sadd.s32 @p0 $0x11B8D, s5;
	s6 =	sshll.u32 @p0 s4, $0x11  }
0xaa: {  	s5 =	sor.u32 @p0 s6, s5  }
0xab: {  	[sflag:s5] =	ssyncadd.remote.s32 @p0 $0x1;
	_ =	sdelay $0x1  }
0xac: {  	s5 =	simm.s32 @p0 $0x1B8D  }
0xad: {  	_ =	swait.eq @p0 [sflag:s5], $0x1  }
0xae: {  	[sflag:s5] =	ssyncadd.s32 @p0 $0xFFFFFFFF  }
0xaf: {  	s6 =	sshll.u32 @!p0 s1, $0xE  }
0xb0: {  	s6 =	sor.u32 @!p0 $0x4000, s6;
	s5 =	simm.s32 @!p0 $0x1B8D  }
0xb1: {  	s4 =	sshll.u32 @!p0 s4, $0x11;
	s6 =	sadd.s32 @!p0 $0x11B8D, s6;
	_ =	swait.eq @!p0 [sflag:s5], $0x1  }
0xb2: {  	s4 =	sor.u32 @!p0 s4, s6;
	[sflag:s5] =	ssyncadd.s32 @!p0 $0xFFFFFFFF  }
0xb3: {  	s25 =	simm.s32 $0x1B8E;
	s24 =	sld [smem:$0x3FFE];
	[sflag:s4] =	ssyncadd.remote.s32 @!p0 $0x1  }
0xb4: {  	s26 =	simm.s32 $execute0_lowered;
	[smem:$0x3FD2] =	sst s25  }
0xb5: {  	s5 =	sshll.u32 s26, $0x1;
	_ =	strace $0x8000004C;
	[dreg:$0x1] =	wrdreg $0xFFFFFFFF  }
0xb6: {  	s28 =	simm.s32 $_size_execute0_lowered;
	s3 =	sadd.s32 s3, s5;
	[dreg:$0x0] =	wrdreg $0x0  }
0xb7: {  	s5 =	sshll.u32 s28, $0x1;
	[dreg:$0x2] =	wrdreg s3  }
0xb8: {  	[dreg:$0x3] =	wrdreg s5  }
0xb9: {  	[dreg:$0x4] =	wrdreg $0xC0  }
0xba: {  	_ =	task [dreg:s22], $0x5FFFF  }
0xbb: {  	[dreg:$0x1] =	wrdreg $0xFFFFFFFF  }
0xbc: {  	[dreg:$0x0] =	wrdreg $0x60  }
0xbd: {  	[dreg:$0x2] =	wrdreg s24  }
0xbe: {  	[dreg:$0x3] =	wrdreg $0x40800  }
0xbf: {  	[dreg:$0x4] =	wrdreg $0xA  }
0xc0: {  	_ =	task.clear_ibuf [dreg:s22], $0x5FFFF;
	_ =	strace $0x9000004C  }
0xc1: {  	s29 =	simm.s32 $0xA;
	_ =	strace $0x8000004E  }
0xc2: {  	_ =	swait.ge [sflag:s29], $0x1  }
0xc3: {  	[sflag:s29] =	ssyncadd.s32 $0xFFFFFFFF  }
0xc4: {  	_ =	strace $0x9000004E  }
0xc5: {  	_ =	sfence  }
0xc6: {  	s30 =	sld [smem:$0x0];
	_ =	sdelay $0x2  }
0xc7: {  	s31 =	sshll.u32 s1, $0xD;
	s1 =	sshrl.u32 s1, $0x2  }
0xc8: {  	s4 =	sand.u32 $0x4000, s31;
	s1 =	sadd.s32 s1, s30  }
0xc9: {  	s0 =	sor.u32 s4, s0;
	s1 =	sshll.u32 s1, $0x11  }
0xca: {  	s0 =	sor.u32 s1, s0  }
0xcb: {  	s0 =	sadd.s32 $0x8F2B, s0  }
0xcc: {  	[sflag:s0] =	ssyncadd.remote.s32 $0x1  }
0xcd: {  	_ =	sfence.sel $0xFFFF  }
0xce: {  	[dreg:$0x0] =	wrdreg $0xFFFFFFFF;
	(pc) =	sbr.abs _section_cstart, $3  }
0xcf: {  	[dreg:$0x1] =	wrdreg $0xFFFFFFFF  }
0xd0: {  	_ =	task.clear_ibuf [dreg:s22], $0x2FFFF;
	_ =	strace $0x9FFFFFFF  }
0xd1: {  	(tm) =	ssettm $0x7FFFFFFF  }
tec
execute0_lowered:
.L_overlay_start_1:
0x0: {  	(tag) =	ssettag $0x1  }
0x1: {  	s4 =	rddreg [dreg:$0x0]  }
0x2: {  	s2 =	rddreg [dreg:$0x1]  }
0x3: {  	s0 =	rddreg [dreg:$0x2];
	s3 =	simm.s32 $0x0;
	s1 =	stileid.u32  }
0x4: {  	s6 =	srdreg.scid;
	[smem:$0x7FF] =	sst s3;
	s5 =	sshll.u32 s1, $0x5  }
0x5: {  	s19 =	sand.u32 $0x1, s6;
	s26 =	sshll.u32 s1, $0xC;
	s7 =	smul.u32 $0x4E000, s1  }
0x6: {  	s9 =	smul.u32 $0x13800, s1;
	s15 =	sadd.s32 $0xA9E00, s4;
	s20 =	sshll.u32 s1, $0x1  }
0x7: {  	p0 =	sne.s32 s1, $0xF;
	_ =	strace $0x8000004D;
	s16 =	sadd.s32 s5, s4  }
0x8: {  	s6 =	ssub.s32 $0x2, s19;
	s18 =	sadd.s32 s26, s4;
	s14 =	smul.u32 $0x138800, s19  }
0x9: {  	s28 =	sshrl.u32 s6, $0x1;
	s29 =	sshrl.u32 s7, $0x2;
	s10 =	sadd.s32 $0x4000, s9  }
0xa: {  	s11 =	sadd.s32 $0x8000, s9;
	s12 =	sadd.s32 $0xC000, s9;
	s13 =	sadd.s32 $0x10000, s9  }
0xb: {  	s17 =	ssub.s32 s6, s28;
	s4 =	sadd.s32 s29, s2;
	s5 =	sadd.s32 s10, s2  }
0xc: {  	s6 =	sadd.s32 s11, s2;
	s7 =	sadd.s32 s12, s2;
	s8 =	sadd.s32 s13, s2  }
0xd: {  	s21 =	sadd.s32 s9, s14;
	s9 =	sadd.s32 $0x138000, s2;
	s22 =	sadd.s32 s14, s10  }
0xe: {  	s31 =	sadd.s32 s14, s11;
	s24 =	sadd.s32 s14, s12;
	s26 =	sadd.s32 s14, s13  }
0xf: {  	s29 =	sshrl.u32 s14, $0x3;
	s21 =	sshrl.u32 s21, $0x3;
	s30 =	sshrl.u32 s22, $0x3  }
0x10: {  	s23 =	sshrl.u32 s31, $0x3;
	s25 =	sshrl.u32 s24, $0x3;
	s28 =	sshrl.u32 s26, $0x3  }
0x11: {  	s31 =	sshll.u32 s19, $0xB;
	s22 =	simm.s32 $0x0;
	s10 =	sadd.s32 s15, s21  }
0x12: {  	s11 =	sadd.s32 s15, s30;
	s12 =	sadd.s32 s15, s23;
	s13 =	sadd.s32 s15, s25  }
0x13: {  	s14 =	sadd.s32 s15, s28;
	s15 =	sadd.s32 s15, s29;
	s30 =	sshll.u32 s19, $0x4  }
0x14: {  	s18 =	sadd.s32 s31, s18;
	s19 =	sor.u32 s19, s20;
	s20 =	simm.s32 $0x80  }
0x15: {  	s15 =	sadd.s32 $0x27000, s15;
	s21 =	sadd.s32 s30, s16;
	s16 =	smax.u32 s17, $0x1  }
0x16: {  	v0 =	vimm.f32 $0.0e+00;
	s18 =	sadd.s32 $0xF4FE00, s18;
	s17 =	sadd.s32 $0xB110, s21;
	s21 =	simm.s32 $0x1  }
.LBB2_1:
0x17: {  	s23 =	sand.u32 $0xFE00, s3  }
0x18: {  	s24 =	sand.u32 $0x70, s3;
	s25 =	sshrl.u32 s23, $0x2  }
0x19: {  	s23 =	simm.s32 $0x40;
	s25 =	sor.u32 s24, s25;
	s24 =	simm.s32 $0x0  }
.LBB2_2:
0x1a: {  	p1 =	sne.s32 s23, $0xFFC0  }
0x1b: {  	[tilespmem:s25+$0x80] =	vst v0;
	s24 =	sadd.s32 $0x10, s24;
	s25 =	smov.u32 s23;
	s23 =	sadd.s32 $0x40, s23  }
.Ltmp0:
0x1c: {  	(pc) =	sbr.rel @p1 .LBB2_2-.Ltmp0, $4  }
0x1d: {  	_ = 	snop  }
0x1e: {  	s25 =	sand.u32 $0xFE00, s25  }
0x1f: {  	s26 =	sand.u32 $0x70, s24;
	s25 =	sshrl.u32 s25, $0x2  }
0x20: {  	s25 =	sor.u32 s26, s25  }
0x21: {  	[tilespmem:s25+$0x80] =	vst v0  }
0x22: {  	[spmem:s4] =	stream.linear.scatter [tilespmem:s20], [sflag:$0x1], $0x4000, $0x38;
	[tilespmem:$0x17900] =	vst v63  }
0x23: {  	_ =	swait.ge [sflag:s21], $0x4000  }
0x24: {  	[sflag:s21] =	ssyncset.done $0x0  }
0x25: {  	[sflag:s21] =	ssyncadd.s32 $0xFFFFC000  }
0x26: {  	[spmem:s5] =	stream.linear.scatter [tilespmem:s20], [sflag:$0x1], $0x4000, $0x38;
	[tilespmem:$0x17900] =	vst v63  }
0x27: {  	_ =	swait.ge [sflag:s21], $0x4000  }
0x28: {  	[sflag:s21] =	ssyncset.done $0x0  }
0x29: {  	[sflag:s21] =	ssyncadd.s32 $0xFFFFC000  }
0x2a: {  	[spmem:s6] =	stream.linear.scatter [tilespmem:s20], [sflag:$0x1], $0x4000, $0x38;
	[tilespmem:$0x17900] =	vst v63  }
0x2b: {  	_ =	swait.ge [sflag:s21], $0x4000  }
0x2c: {  	[sflag:s21] =	ssyncset.done $0x0  }
0x2d: {  	[sflag:s21] =	ssyncadd.s32 $0xFFFFC000  }
0x2e: {  	[spmem:s7] =	stream.linear.scatter [tilespmem:s20], [sflag:$0x1], $0x4000, $0x38;
	[tilespmem:$0x17900] =	vst v63  }
0x2f: {  	_ =	swait.ge [sflag:s21], $0x4000  }
0x30: {  	[sflag:s21] =	ssyncset.done $0x0  }
0x31: {  	[sflag:s21] =	ssyncadd.s32 $0xFFFFC000  }
0x32: {  	[spmem:s8] =	stream.linear.scatter [tilespmem:s20], [sflag:$0x1], $0x3800, $0x38;
	[tilespmem:$0x17900] =	vst v63  }
0x33: {  	_ =	swait.ge [sflag:s21], $0x3800  }
0x34: {  	[sflag:s21] =	ssyncset.done $0x0  }
0x35: {  	s23 =	simm.s32 @!p0 $0x80;
	[sflag:s21] =	ssyncadd.s32 $0xFFFFC800  }
0x36: {  	[spmem:s9] =	stream.linear.scatter @!p0 [tilespmem:s23], [sflag:$0x1], $0x800, $0x38;
	[tilespmem:$0x17900] =	vst v63  }
0x37: {  	s23 =	simm.s32 @!p0 $0x1  }
0x38: {  	_ =	swait.ge @!p0 [sflag:s23], $0x800  }
0x39: {  	s24 =	sadd.s32 $0x0, s19;
	[sflag:s23] =	ssyncset.done @!p0 $0x0  }
0x3a: {  	p1 =	sgt.u32 s24, $0x270;
	[sflag:s23] =	ssyncadd.s32 @!p0 $0xFFFFF800  }
0x3b: {  	s25 =	simm.s32 @!p1 $0x2;
	s23 =	simm.s32 @!p1 $0x0;
	[bflag:$0x0] =	sbarrier.arrive $0xFFFF  }
0x3c: {  	[tilespmem:s23], [sflag:$0x2] =	stream.linear.gather @!p1 [hbm4b:s17+s23], $0x80, $0x38;
	[tilespmem:$0x17900] =	vst v63  }
0x3d: {  	_ =	swait.ge @!p1 [sflag:s25], $0x80  }
0x3e: {  	[sflag:s25] =	ssyncset.done @!p1 $0x0;
	p1 =	por p1, p1  }
0x3f: {  	[sflag:s25] =	ssyncadd.s32 @!p1 $0xFFFFFF80;
	s28 =	simm.s32 @!p1 $0x80  }
0x40: {  	[tilespmem:s28], [sflag:$0x2] =	stream.linear.gather @!p1 [hbm4b:s18+s23], $0x4000, $0x38;
	[tilespmem:$0x17900] =	vst v63  }
0x41: {  	_ =	swait.ge @!p1 [sflag:s25], $0x4000  }
0x42: {  	[sflag:s25] =	ssyncset.done @!p1 $0x0  }
0x43: {  	s31 =	sadd.s32 $0x20, s19;
	s26 =	simm.s32 @!p1 $0x1;
	[sflag:s25] =	ssyncadd.s32 @!p1 $0xFFFFC000  }
0x44: {  	[spmem:s2] =	stream.indirect.scatter.add.f32 @!p1 [tilespmem:s28], [sflag:$0x1], $0x80, s23, s28, $0xb8;
	[tilespmem:$0x17900] =	vst v63  }
0x45: {  	s24 =	simm.s32 $0x40;
	p2 =	sgt.u32 s31, $0x270;
	_ =	swait.ge @!p1 [sflag:s26], $0x4000  }
0x46: {  	s25 =	sadd.s32 $0x200, s17;
	s23 =	sadd.s32 $0x10000, s18;
	[sflag:s26] =	ssyncset.done @!p1 $0x0  }
.LBB2_4:
0x47: {  	s28 =	simm.s32 @!p2 $0x0;
	s29 =	simm.s32 @!p2 $0x2;
	[sflag:s26] =	ssyncadd.s32 @!p1 $0xFFFFC000  }
0x48: {  	[tilespmem:s28], [sflag:$0x2] =	stream.linear.gather @!p2 [hbm4b:s25+s28], $0x80, $0x38;
	[tilespmem:$0x17900] =	vst v63  }
0x49: {  	s30 =	smov.u32 s24;
	s24 =	sadd.s32 $0x20, s24;
	_ =	swait.ge @!p2 [sflag:s29], $0x80  }
0x4a: {  	p1 =	por p2, p2;
	p3 =	sne.s32 s24, $0x280;
	[sflag:s29] =	ssyncset.done @!p2 $0x0  }
0x4b: {  	s31 =	simm.s32 @!p1 $0x80;
	[sflag:s29] =	ssyncadd.s32 @!p1 $0xFFFFFF80  }
0x4c: {  	[tilespmem:s31], [sflag:$0x2] =	stream.linear.gather @!p1 [hbm4b:s23+s28], $0x4000, $0x38;
	[tilespmem:$0x17900] =	vst v63  }
0x4d: {  	_ =	swait.ge @!p1 [sflag:s29], $0x4000  }
.Ltmp1:
0x4e: {  	[sflag:s29] =	ssyncset.done @!p1 $0x0;
	(pc) =	sbr.rel @p3 .LBB2_4-.Ltmp1, $4  }
0x4f: {  	s26 =	simm.s32 @!p1 $0x1;
	[sflag:s29] =	ssyncadd.s32 @!p1 $0xFFFFC000  }
0x50: {  	[spmem:s2] =	stream.indirect.scatter.add.f32 @!p1 [tilespmem:s31], [sflag:$0x1], $0x80, s28, s31, $0xb8;
	[tilespmem:$0x17900] =	vst v63  }
0x51: {  	s23 =	sadd.s32 $0x10000, s23;
	s28 =	sadd.s32 s30, s19;
	_ =	swait.ge @!p1 [sflag:s26], $0x4000  }
0x52: {  	s25 =	sadd.s32 $0x200, s25;
	p2 =	sgt.u32 s28, $0x270;
	[sflag:s26] =	ssyncset.done @!p1 $0x0  }
0x53: {  	s24 =	simm.s32 @!p2 $0x0;
	s28 =	simm.s32 @!p2 $0x2;
	[sflag:s26] =	ssyncadd.s32 @!p1 $0xFFFFC000  }
0x54: {  	[tilespmem:s24], [sflag:$0x2] =	stream.linear.gather @!p2 [hbm4b:s25+s24], $0x80, $0x38;
	[tilespmem:$0x17900] =	vst v63  }
0x55: {  	_ =	swait.ge @!p2 [sflag:s28], $0x80  }
0x56: {  	p1 =	por p2, p2;
	[sflag:s28] =	ssyncset.done @!p2 $0x0  }
0x57: {  	s25 =	simm.s32 @!p1 $0x80;
	[sflag:s28] =	ssyncadd.s32 @!p1 $0xFFFFFF80  }
0x58: {  	[tilespmem:s25], [sflag:$0x2] =	stream.linear.gather @!p1 [hbm4b:s23+s24], $0x4000, $0x38;
	[tilespmem:$0x17900] =	vst v63  }
0x59: {  	_ =	swait.ge @!p1 [sflag:s28], $0x4000  }
0x5a: {  	[sflag:s28] =	ssyncset.done @!p1 $0x0  }
0x5b: {  	s23 =	simm.s32 @!p1 $0x1;
	[sflag:s28] =	ssyncadd.s32 @!p1 $0xFFFFC000  }
0x5c: {  	[spmem:s2] =	stream.indirect.scatter.add.f32 @!p1 [tilespmem:s25], [sflag:$0x1], $0x80, s24, s25, $0xb8;
	[tilespmem:$0x17900] =	vst v63  }
0x5d: {  	_ =	swait.ge @!p1 [sflag:s23], $0x4000  }
0x5e: {  	[sflag:s23] =	ssyncset.done @!p1 $0x0  }
0x5f: {  	[sflag:s23] =	ssyncadd.s32 @!p1 $0xFFFFC000  }
0x60: {  	[bflag:$0x0] =	sbarrier.arrive $0xFFFF  }
0x61: {  	[tilespmem:s20], [sflag:$0x1] =	stream.linear.gather [spmem:s4], $0x4000, $0x38;
	[tilespmem:$0x17900] =	vst v63  }
0x62: {  	_ =	swait.ge [sflag:s21], $0x4000  }
0x63: {  	[sflag:s21] =	ssyncset.done $0x0  }
0x64: {  	[sflag:s21] =	ssyncadd.s32 $0xFFFFC000  }
0x65: {  	[hbm4b:s10+s3] =	stream.linear.scatter [tilespmem:s20], [sflag:$0x1], $0x4000, $0x38;
	[tilespmem:$0x17900] =	vst v63  }
0x66: {  	_ =	swait.ge [sflag:s21], $0x4000  }
0x67: {  	[sflag:s21] =	ssyncset.done $0x0  }
0x68: {  	[sflag:s21] =	ssyncadd.s32 $0xFFFFC000  }
0x69: {  	[tilespmem:s20], [sflag:$0x1] =	stream.linear.gather [spmem:s5], $0x4000, $0x38;
	[tilespmem:$0x17900] =	vst v63  }
0x6a: {  	_ =	swait.ge [sflag:s21], $0x4000  }
0x6b: {  	[sflag:s21] =	ssyncset.done $0x0  }
0x6c: {  	[sflag:s21] =	ssyncadd.s32 $0xFFFFC000  }
0x6d: {  	[hbm4b:s11+s3] =	stream.linear.scatter [tilespmem:s20], [sflag:$0x1], $0x4000, $0x38;
	[tilespmem:$0x17900] =	vst v63  }
0x6e: {  	_ =	swait.ge [sflag:s21], $0x4000  }
0x6f: {  	[sflag:s21] =	ssyncset.done $0x0  }
0x70: {  	[sflag:s21] =	ssyncadd.s32 $0xFFFFC000  }
0x71: {  	[tilespmem:s20], [sflag:$0x1] =	stream.linear.gather [spmem:s6], $0x4000, $0x38;
	[tilespmem:$0x17900] =	vst v63  }
0x72: {  	_ =	swait.ge [sflag:s21], $0x4000  }
0x73: {  	[sflag:s21] =	ssyncset.done $0x0  }
0x74: {  	[sflag:s21] =	ssyncadd.s32 $0xFFFFC000  }
0x75: {  	[hbm4b:s12+s3] =	stream.linear.scatter [tilespmem:s20], [sflag:$0x1], $0x4000, $0x38;
	[tilespmem:$0x17900] =	vst v63  }
0x76: {  	_ =	swait.ge [sflag:s21], $0x4000  }
0x77: {  	[sflag:s21] =	ssyncset.done $0x0  }
0x78: {  	[sflag:s21] =	ssyncadd.s32 $0xFFFFC000  }
0x79: {  	[tilespmem:s20], [sflag:$0x1] =	stream.linear.gather [spmem:s7], $0x4000, $0x38;
	[tilespmem:$0x17900] =	vst v63  }
0x7a: {  	_ =	swait.ge [sflag:s21], $0x4000  }
0x7b: {  	[sflag:s21] =	ssyncset.done $0x0  }
0x7c: {  	[sflag:s21] =	ssyncadd.s32 $0xFFFFC000  }
0x7d: {  	[hbm4b:s13+s3] =	stream.linear.scatter [tilespmem:s20], [sflag:$0x1], $0x4000, $0x38;
	[tilespmem:$0x17900] =	vst v63  }
0x7e: {  	_ =	swait.ge [sflag:s21], $0x4000  }
0x7f: {  	[sflag:s21] =	ssyncset.done $0x0  }
0x80: {  	[sflag:s21] =	ssyncadd.s32 $0xFFFFC000  }
0x81: {  	[tilespmem:s20], [sflag:$0x1] =	stream.linear.gather [spmem:s8], $0x3800, $0x38;
	[tilespmem:$0x17900] =	vst v63  }
0x82: {  	_ =	swait.ge [sflag:s21], $0x3800  }
0x83: {  	[sflag:s21] =	ssyncset.done $0x0  }
0x84: {  	[sflag:s21] =	ssyncadd.s32 $0xFFFFC800  }
0x85: {  	[hbm4b:s14+s3] =	stream.linear.scatter [tilespmem:s20], [sflag:$0x1], $0x3800, $0x38;
	[tilespmem:$0x17900] =	vst v63  }
0x86: {  	_ =	swait.ge [sflag:s21], $0x3800  }
0x87: {  	[sflag:s21] =	ssyncset.done $0x0  }
0x88: {  	s24 =	simm.s32 @!p0 $0x1;
	s23 =	simm.s32 @!p0 $0x80;
	[sflag:s21] =	ssyncadd.s32 $0xFFFFC800  }
0x89: {  	[tilespmem:s23], [sflag:$0x1] =	stream.linear.gather @!p0 [spmem:s9], $0x800, $0x38;
	[tilespmem:$0x17900] =	vst v63  }
0x8a: {  	s22 =	sadd.s32 $0x1, s22;
	_ =	swait.ge @!p0 [sflag:s24], $0x800  }
0x8b: {  	p1 =	sne.s32 s22, s16;
	[sflag:s24] =	ssyncset.done @!p0 $0x0  }
.Ltmp2:
0x8c: {  	s25 =	simm.s32 @!p0 $0x0;
	[sflag:s24] =	ssyncadd.s32 @!p0 $0xFFFFF800;
	(pc) =	sbr.rel @p1 .LBB2_1-.Ltmp2, $4  }
0x8d: {  	[hbm4b:s15+s25] =	stream.linear.scatter @!p0 [tilespmem:s23], [sflag:$0x1], $0x800, $0x38;
	[tilespmem:$0x17900] =	vst v63  }
0x8e: {  	_ =	swait.ge @!p0 [sflag:s24], $0x800  }
0x8f: {  	[sflag:s24] =	ssyncset.done @!p0 $0x0  }
0x90: {  	[sflag:s24] =	ssyncadd.s32 @!p0 $0xFFFFF800  }
0x91: {  	_ =	sfence.sel $0x180000  }
0x92: {  	[bflag:$0x0] =	sbarrier.arrive $0xFFFF  }
0x93: {  	p0 =	sne.s32 s1, $0x0;
	_ =	strace $0x9000004D  }
0x94: {  	s0 =	sadd.s32 @!p0 $0x100000, s0;
	[bflag:$0x2] =	sbarrier.arrive $0xFFFF  }
0x95: {  	[sflag:s0] =	ssyncadd.tile.s32 @!p0 $0x1;
	_ =	shalt  }
.Lfunc_end2:
_tile_overlayer_lowered:
.L_overlay_start_2:
0x96: {  	(tag) =	ssettag $0x2  }
0x97: {  	s0 =	rddreg [dreg:$0x0];
	s2 =	stileid.u32  }
0x98: {  	s1 =	rddreg [dreg:$0x1];
	p0 =	sne.s32 s2, $0x0  }
0x99: {  	s3 =	rddreg [dreg:$0x2];
	[bflag:$0x3] =	sbarrier.arrive $0xFFFF;
	s2 =	simm.s32 @!p0 $0x1C01  }
0x9a: {  	[timem:s3], [sflag:s2] =	dma.local @!p0 [hbm:s0], s1  }
0x9b: {  	s0 =	simm.s32 @!p0 $0x1  }
0x9c: {  	_ =	swait.ge @!p0 [sflag:s0], s1  }
0x9d: {  	s1 =	ssub.s32 @!p0 $0x0, s1;
	[sflag:s0] =	ssyncset.done @!p0 $0x0  }
0x9e: {  	[sflag:s0] =	ssyncadd.s32 @!p0 s1  }
0x9f: {  	[bflag:$0x3] =	sbarrier.arrive $0xFFFF  }
0xa0: {  	_ =	shalt  }

</sc_bundles>
